<compile_context>
chip_gen: v7x
topology: tpu7x:2x2x1
jax: 0.10.2.dev20260603
libtpu: 0.0.44.dev20260713+nightly
codegen_flags: <defaults>
</compile_context>

<pallas_src>
import functools
import jax
import jax.numpy as jnp
from jax import lax
from jax.experimental import pallas as pl
from jax.experimental.pallas import tpu as pltpu
from jax.experimental.pallas import tpu_sc as plsc

N = 10000
E = 160000
HID = 256
T = 4
RANK = 16
HALF = 128
NS = 16
SROWS = 2 * N + 96
SDUMP = 2 * N
GROWS = 10240
DROWS = 10240
F32 = jnp.float32

_MESH = plsc.VectorSubcoreMesh(core_axis_name="c", subcore_axis_name="s")


def _stats_body(colp, etp, distp, zs, dt_out,
                dt_acc, cbuf0, ebuf0, dbuf0, cbuf1, ebuf1, dbuf1,
                pay, cbuf_t, ebuf_t, dbuf_t, pay_t,
                semi1, semi2, semi3, semt):
    c = lax.axis_index("c")
    s = lax.axis_index("s")
    pltpu.sync_copy(zs.at[pl.ds(0, 640)], dt_acc.at[pl.ds(s * 640, 640)])
    plsc.subcore_barrier()
    base = (c * NS + s) * 5000
    ones16 = jnp.ones((16,), F32)
    iota16 = lax.iota(jnp.int32, 16)
    cbuf = (cbuf0, cbuf1)
    ebuf = (ebuf0, ebuf1)
    dbuf = (dbuf0, dbuf1)

    def load_idx(j, p, sync):
        b = base + j * 128
        if sync:
            pltpu.sync_copy(colp.at[pl.ds(b, 128)], cbuf[p])
            pltpu.sync_copy(etp.at[pl.ds(b, 128)], ebuf[p])
            pltpu.sync_copy(distp.at[pl.ds(b, 128)], dbuf[p])
        else:
            pltpu.async_copy(colp.at[pl.ds(b, 128)], cbuf[p], semi1)
            pltpu.async_copy(etp.at[pl.ds(b, 128)], ebuf[p], semi2)
            pltpu.async_copy(distp.at[pl.ds(b, 128)], dbuf[p], semi3)

    def wait_idx(p):
        pltpu.make_async_copy(colp.at[pl.ds(0, 128)], cbuf[p], semi1).wait()
        pltpu.make_async_copy(etp.at[pl.ds(0, 128)], ebuf[p], semi2).wait()
        pltpu.make_async_copy(distp.at[pl.ds(0, 128)], dbuf[p], semi3).wait()

    def process(p):
        pltpu.sync_copy(zs.at[pl.ds(0, 128)], pay)
        for g in range(8):
            kk = g * 16
            tv = ebuf[p][pl.ds(kk, 16)]
            dv = dbuf[p][pl.ds(kk, 16)]
            rv = iota16 + kk
            plsc.store_scatter(pay, [rv, tv], ones16)
            plsc.store_scatter(pay, [rv, tv + 4], dv)
        pltpu.sync_copy(pay, dt_acc.at[cbuf[p]], add=True)

    load_idx(0, 0, True)
    load_idx(1, 1, False)

    def half(j, p):
        process(p)
        wait_idx(1 - p)
        load_idx(j + 2, p, False)

    def pair(i, carry):
        j = 2 * i
        half(j, 0)
        half(j + 1, 1)
        return carry

    lax.fori_loop(0, 19, pair, 0)
    process(0)
    wait_idx(1)
    b = base + 4992
    pltpu.sync_copy(colp.at[pl.ds(b, 16)], cbuf_t)
    pltpu.sync_copy(etp.at[pl.ds(b, 16)], ebuf_t)
    pltpu.sync_copy(distp.at[pl.ds(b, 16)], dbuf_t)
    pltpu.sync_copy(zs.at[pl.ds(0, 16)], pay_t)
    cv = jnp.where(iota16 < 8, cbuf_t[...], N)
    tv = ebuf_t[...]
    dv = dbuf_t[...]
    plsc.store_scatter(pay_t, [iota16, tv], ones16)
    plsc.store_scatter(pay_t, [iota16, tv + 4], dv)
    pltpu.sync_copy(pay_t, dt_acc.at[cv], add=True)
    plsc.subcore_barrier()
    pltpu.sync_copy(dt_acc.at[pl.ds(s * 640, 640)],
                    dt_out.at[pl.ds(c * DROWS + s * 640, 640)])


_sc_stats = functools.partial(
    pl.kernel, _stats_body,
    out_type=jax.ShapeDtypeStruct((2 * DROWS, 16), F32),
    mesh=_MESH,
    compiler_params=pltpu.CompilerParams(use_tc_tiling_on_sc=False, needs_layout_passes=False),
    scratch_types=[
        pltpu.VMEM_SHARED((DROWS, 16), F32),
        pltpu.VMEM((128,), jnp.int32),
        pltpu.VMEM((128,), jnp.int32),
        pltpu.VMEM((128,), F32),
        pltpu.VMEM((128,), jnp.int32),
        pltpu.VMEM((128,), jnp.int32),
        pltpu.VMEM((128,), F32),
        pltpu.VMEM((128, 16), F32),
        pltpu.VMEM((16,), jnp.int32),
        pltpu.VMEM((16,), jnp.int32),
        pltpu.VMEM((16,), F32),
        pltpu.VMEM((16, 16), F32),
        pltpu.SemaphoreType.DMA,
        pltpu.SemaphoreType.DMA,
        pltpu.SemaphoreType.DMA,
        pltpu.SemaphoreType.DMA,
    ],
)()


def _layer_body(ncat, p4, gr, gs, sg, ss, zg, zs, g_out, s_out,
                g_acc, s_acc,
                gidx0, cidx0, sgidx0, ssidx0, gbuf0, pbuf0,
                gidx1, cidx1, sgidx1, ssidx1, gbuf1, pbuf1,
                gidx_t, cidx_t, sgidx_t, ssidx_t, gbuf_t, pbuf_t,
                semg0, semp0, semg1, semp1, semi1, semi2, semi3, semi4,
                semt):
    c = lax.axis_index("c")
    s = lax.axis_index("s")
    pltpu.sync_copy(zg, g_acc.at[pl.ds(s * 640, 640)])
    pltpu.sync_copy(zs, s_acc.at[pl.ds(s * 1256, 1256)])
    plsc.subcore_barrier()
    base = s * 10000
    cE = c * E
    gidx = (gidx0, gidx1)
    cidx = (cidx0, cidx1)
    sgidx = (sgidx0, sgidx1)
    ssidx = (ssidx0, ssidx1)
    gbuf = (gbuf0, gbuf1)
    pbuf = (pbuf0, pbuf1)
    semg = (semg0, semg1)
    semp = (semp0, semp1)

    def load_idx(j, p, sync):
        b = base + j * 64
        if sync:
            pltpu.sync_copy(gr.at[pl.ds(cE + b, 64)], gidx[p])
            pltpu.sync_copy(gs.at[pl.ds(b, 64)], cidx[p])
            pltpu.sync_copy(sg.at[pl.ds(b, 64)], sgidx[p])
            pltpu.sync_copy(ss.at[pl.ds(cE + b, 64)], ssidx[p])
        else:
            pltpu.async_copy(gr.at[pl.ds(cE + b, 64)], gidx[p], semi1)
            pltpu.async_copy(gs.at[pl.ds(b, 64)], cidx[p], semi2)
            pltpu.async_copy(sg.at[pl.ds(b, 64)], sgidx[p], semi3)
            pltpu.async_copy(ss.at[pl.ds(cE + b, 64)], ssidx[p], semi4)

    def wait_idx(p):
        pltpu.make_async_copy(gr.at[pl.ds(0, 64)], gidx[p], semi1).wait()
        pltpu.make_async_copy(gs.at[pl.ds(0, 64)], cidx[p], semi2).wait()
        pltpu.make_async_copy(sg.at[pl.ds(0, 64)], sgidx[p], semi3).wait()
        pltpu.make_async_copy(ss.at[pl.ds(0, 64)], ssidx[p], semi4).wait()

    def start_gather(p):
        pltpu.async_copy(ncat.at[gidx[p]], gbuf[p], semg[p])
        pltpu.async_copy(p4.at[sgidx[p]], pbuf[p], semp[p])

    def wait_gather(p):
        pltpu.make_async_copy(ncat.at[gidx[p]], gbuf[p], semg[p]).wait()
        pltpu.make_async_copy(p4.at[sgidx[p]], pbuf[p], semp[p]).wait()

    def scatter(p):
        pltpu.sync_copy(gbuf[p], g_acc.at[cidx[p]], add=True)
        pltpu.sync_copy(pbuf[p], s_acc.at[ssidx[p]], add=True)

    load_idx(0, 0, True)
    start_gather(0)
    load_idx(1, 1, False)

    def half(j, p):
        wait_idx(1 - p)
        start_gather(1 - p)
        wait_gather(p)
        scatter(p)
        load_idx(j + 2, p, False)

    def pair(i, carry):
        j = 2 * i
        half(j, 0)
        half(j + 1, 1)
        return carry

    lax.fori_loop(0, 77, pair, 0)
    wait_idx(1)
    start_gather(1)
    wait_gather(0)
    scatter(0)
    wait_gather(1)
    scatter(1)

    b = base + 9984
    pltpu.sync_copy(gr.at[pl.ds(cE + b, 16)], gidx_t)
    pltpu.sync_copy(gs.at[pl.ds(b, 16)], cidx_t)
    pltpu.sync_copy(sg.at[pl.ds(b, 16)], sgidx_t)
    pltpu.sync_copy(ss.at[pl.ds(cE + b, 16)], ssidx_t)
    pltpu.async_copy(ncat.at[gidx_t], gbuf_t, semt).wait()
    pltpu.sync_copy(gbuf_t, g_acc.at[cidx_t], add=True)
    pltpu.async_copy(p4.at[sgidx_t], pbuf_t, semt).wait()
    pltpu.sync_copy(pbuf_t, s_acc.at[ssidx_t], add=True)
    plsc.subcore_barrier()

    pltpu.sync_copy(g_acc.at[pl.ds(s * 640, 640)],
                    g_out.at[pl.ds(c * GROWS + s * 640, 640)])
    pltpu.sync_copy(s_acc.at[pl.ds(s * 1256, 1256)],
                    s_out.at[pl.ds(c * SROWS + s * 1256, 1256)])


_sc_layer = functools.partial(
    pl.kernel, _layer_body,
    out_type=(jax.ShapeDtypeStruct((2 * GROWS, HALF), F32),
              jax.ShapeDtypeStruct((2 * SROWS, 16), F32)),
    mesh=_MESH,
    compiler_params=pltpu.CompilerParams(use_tc_tiling_on_sc=False, needs_layout_passes=False),
    scratch_types=(
        [pltpu.VMEM_SHARED((GROWS, HALF), F32),
         pltpu.VMEM_SHARED((SROWS, 16), F32)]
        + 2 * [pltpu.VMEM((64,), jnp.int32), pltpu.VMEM((64,), jnp.int32),
               pltpu.VMEM((64,), jnp.int32), pltpu.VMEM((64,), jnp.int32),
               pltpu.VMEM((64, HALF), F32), pltpu.VMEM((64, 16), F32)]
        + [pltpu.VMEM((16,), jnp.int32), pltpu.VMEM((16,), jnp.int32),
           pltpu.VMEM((16,), jnp.int32), pltpu.VMEM((16,), jnp.int32),
           pltpu.VMEM((16, HALF), F32), pltpu.VMEM((16, 16), F32)]
        + 9 * [pltpu.SemaphoreType.DMA]
    ),
)()


_TN = 1000
_GRID = N // _TN


def _full(shape):
    return pl.BlockSpec(shape, lambda i: (0, 0))


def _rows(width):
    return pl.BlockSpec((_TN, width), lambda i: (i, 0))


def _tca_body(h, ewT, eb, bsT, node_o, p4_o):
    node = jnp.dot(h[...], ewT[...], preferred_element_type=F32) + eb[...]
    node_o[...] = node
    p4_o[...] = jnp.dot(node, bsT[...], preferred_element_type=F32)


def _tc_a(h, ewT, eb, bsT):
    return pl.pallas_call(
        _tca_body,
        grid=(_GRID,),
        in_specs=[_rows(HID), _full((HID, HID)), _full((1, HID)),
                  _full((HID, 64))],
        out_specs=[_rows(HID), _rows(64)],
        out_shape=[jax.ShapeDtypeStruct((N, HID), F32),
                   jax.ShapeDtypeStruct((N, 64), F32)],
    )(h, ewT, eb, bsT)


def _tcb_body(G, node, S, st0, st1, WsT, WtT, wd, BtT, bd, Acat, R1, R2, R3,
              araw_o, sums_o):
    i = pl.program_id(0)
    st = st0[...] + st1[...]
    cnt = jnp.sum(st[:, 0:4], axis=1, keepdims=True)
    dsum = jnp.sum(st[:, 4:8], axis=1, keepdims=True)
    denom = jnp.maximum(cnt, 1.0)
    nodev = node[...]
    ap = (jnp.dot(G[...], WsT[...], preferred_element_type=F32)
          + cnt * jnp.dot(nodev, WtT[...], preferred_element_type=F32)
          + dsum * wd[...])
    Q4 = jnp.dot(nodev, BtT[...], preferred_element_type=F32)
    Z = (S[...] + jnp.dot(st, R1[...], preferred_element_type=F32) * Q4
         + jnp.dot(st, R2[...], preferred_element_type=F32) * bd[...])
    lr = (jnp.dot(Z, Acat[...], preferred_element_type=F32)
          + jnp.dot(st, R3[...], preferred_element_type=F32))
    araw = (ap + lr) / denom
    araw_o[...] = araw
    s1 = jnp.sum(araw, axis=0, keepdims=True)
    s2 = jnp.sum(araw * araw, axis=0, keepdims=True)
    pad = jnp.concatenate([s1, s2, jnp.zeros((6, HID), F32)], axis=0)

    @pl.when(i == 0)
    def _():
        sums_o[...] = pad

    @pl.when(i > 0)
    def _():
        sums_o[...] = sums_o[...] + pad


def _tc_b(G, node, S, st0, st1, WsT, WtT, wd, BtT, bd, Acat, R1, R2, R3):
    return pl.pallas_call(
        _tcb_body,
        grid=(_GRID,),
        in_specs=[_rows(HID), _rows(HID), _rows(64), _rows(16), _rows(16),
                  _full((HID, HID)), _full((HID, HID)), _full((1, HID)),
                  _full((HID, 64)), _full((1, 64)), _full((64, HID)),
                  _full((16, 64)), _full((16, 64)), _full((16, HID))],
        out_specs=[_rows(HID), pl.BlockSpec((8, HID), lambda i: (0, 0))],
        out_shape=[jax.ShapeDtypeStruct((N, HID), F32),
                   jax.ShapeDtypeStruct((8, HID), F32)],
    )(G, node, S, st0, st1, WsT, WtT, wd, BtT, bd, Acat, R1, R2, R3)


def _tcc_body(araw, sums, node, bng, bnb, resT, unT, uaT, ub, bsnT,
              node_o, p4_o):
    mu = sums[0:1, :] * (1.0 / N)
    var = sums[1:2, :] * (1.0 / N) - mu * mu
    inv = lax.rsqrt(var + 1e-5)
    aggr = (araw[...] - mu) * (inv * bng[...]) + bnb[...]
    nodev = node[...]
    pre = (jnp.dot(nodev, unT[...], preferred_element_type=F32)
           + jnp.dot(aggr, uaT[...], preferred_element_type=F32) + ub[...])
    nn = (jnp.dot(nodev, resT[...], preferred_element_type=F32)
          + jnp.maximum(pre, 0.0))
    node_o[...] = nn
    p4_o[...] = jnp.dot(nn, bsnT[...], preferred_element_type=F32)


def _tc_c(araw, sums, node, bng, bnb, resT, unT, uaT, ub, bsnT):
    return pl.pallas_call(
        _tcc_body,
        grid=(_GRID,),
        in_specs=[_rows(HID), pl.BlockSpec((8, HID), lambda i: (0, 0)),
                  _rows(HID), _full((1, HID)), _full((1, HID)),
                  _full((HID, HID)), _full((HID, HID)), _full((HID, HID)),
                  _full((1, HID)), _full((HID, 64))],
        out_specs=[_rows(HID), _rows(64)],
        out_shape=[jax.ShapeDtypeStruct((N, HID), F32),
                   jax.ShapeDtypeStruct((N, 64), F32)],
    )(araw, sums, node, bng, bnb, resT, unT, uaT, ub, bsnT)


def kernel(x, h, edge_attr, embed_w, embed_b, A_w, A_b, B_w, Ws_w, res_w,
           upd_w, upd_b, bn_g, bn_b, edge_index, batch):
    row = edge_index[0].astype(jnp.int32)
    col = edge_index[1].astype(jnp.int32)
    et = edge_attr[:, 0].astype(jnp.int32)
    dist = edge_attr[:, 1].astype(F32)

    gg = jnp.concatenate([row, row + N])
    sg = row * T + et
    ss0 = jnp.where(et < 2, col * 2 + et, SDUMP)
    ss1 = jnp.where(et >= 2, col * 2 + (et - 2), SDUMP)
    ss = jnp.concatenate([ss0, ss1])
    colp = jnp.concatenate([col, jnp.full((128,), N, jnp.int32)])
    etp = jnp.concatenate([et, jnp.zeros((128,), jnp.int32)])
    distp = jnp.concatenate([dist, jnp.zeros((128,), F32)])
    zg = jnp.zeros((640, HALF), F32)
    zs = jnp.zeros((1256, 16), F32)

    dt = _sc_stats(colp, etp, distp, zs)
    st0 = dt[:N]
    st1 = dt[DROWS:DROWS + N]

    kr = jnp.kron(jnp.eye(4, dtype=F32), jnp.ones((1, RANK), F32))
    R1 = jnp.concatenate([kr, jnp.zeros((12, 64), F32)], axis=0)
    R2 = jnp.concatenate([jnp.zeros((4, 64), F32), kr,
                          jnp.zeros((8, 64), F32)], axis=0)

    bsT = [jnp.reshape(B_w[l][:, :, :HID], (T * RANK, HID)).T
           for l in range(2)]
    node, p4 = _tc_a(h, embed_w.T, embed_b.reshape(1, HID), bsT[0])

    for l in range(2):
        ncat = jnp.concatenate([node[:, :HALF], node[:, HALF:]], axis=0)
        p4r = p4.reshape(N * T, RANK)
        G2, S2 = _sc_layer(ncat, p4r, gg, col, sg, ss, zg, zs)
        G = jnp.concatenate([G2[:N], G2[GROWS:GROWS + N]], axis=1)
        S = jnp.concatenate(
            [S2[:2 * N].reshape(N, 2, RANK),
             S2[SROWS:SROWS + 2 * N].reshape(N, 2, RANK)],
            axis=1).reshape(N, T * RANK)

        WsT = Ws_w[l][:, :HID].T
        WtT = Ws_w[l][:, HID:2 * HID].T
        wd = Ws_w[l][:, 2 * HID].reshape(1, HID)
        BtT = jnp.reshape(B_w[l][:, :, HID:2 * HID], (T * RANK, HID)).T
        bd = B_w[l][:, :, 2 * HID].reshape(1, T * RANK)
        Acat = jnp.reshape(jnp.transpose(A_w[l], (0, 2, 1)), (T * RANK, HID))
        R3 = jnp.concatenate([A_b[l], jnp.zeros((12, HID), F32)], axis=0)

        araw, sums = _tc_b(G, node, S, st0, st1, WsT, WtT, wd, BtT, bd,
                           Acat, R1, R2, R3)
        bsnT = bsT[1] if l == 0 else jnp.zeros((HID, T * RANK), F32)
        node, p4 = _tc_c(araw, sums, node, bn_g[l].reshape(1, HID),
                         bn_b[l].reshape(1, HID), res_w[l].T,
                         upd_w[l][:, :HID].T, upd_w[l][:, HID:].T,
                         upd_b[l].reshape(1, HID), bsnT)
    return node

# --- scband reference (transcript-rebuilt; emitter-appended) ---
"""Pipeline reference for scband-func-gnn-41317585387563 (READ-ONLY COPY).

The authoritative reference and input builder live on the scoring server;
editing this copy changes nothing except your own understanding.
"""

import jax, jax.numpy as jnp
import numpy as np

N = 10000
E = 160000
FEAT = 256
HID = 256
L = 2
T = 4
RANK = 16
MSG = 2 * HID + 1
NGRAPH = 64

def setup_inputs(seed: int = 0):
    key = jax.random.key(seed)
    ks = jax.random.split(key, 16)
    x = jax.random.normal(ks[0], (N, 3), jnp.float32)
    h = jax.random.normal(ks[1], (N, FEAT), jnp.float32)
    edge_index = jax.random.randint(ks[2], (2, E), 0, N, dtype=jnp.int32)
    etype = jax.random.randint(ks[3], (E,), 0, T).astype(jnp.float32)
    dist = jax.random.uniform(ks[4], (E,), minval=0.5, maxval=5.0)
    edge_attr = jnp.stack([etype, dist], axis=1)
    batch = jnp.sort(jax.random.randint(ks[5], (N,), 0, NGRAPH, dtype=jnp.int32))
    s = 0.05
    embed_w = jax.random.normal(ks[6], (HID, FEAT)) * s
    embed_b = jnp.zeros((HID,), jnp.float32)
    A_w = jax.random.normal(ks[7], (L, T, HID, RANK)) * s
    A_b = jnp.zeros((L, T, HID), jnp.float32)
    B_w = jax.random.normal(ks[8], (L, T, RANK, MSG)) * s
    Ws_w = jax.random.normal(ks[9], (L, HID, MSG)) * s
    res_w = jax.random.normal(ks[10], (L, HID, HID)) * s
    upd_w = jax.random.normal(ks[11], (L, HID, 2 * HID)) * s
    upd_b = jnp.zeros((L, HID), jnp.float32)
    bn_g = jnp.ones((L, HID), jnp.float32)
    bn_b = jnp.zeros((L, HID), jnp.float32)
    return {"x": x, "h": h, "edge_attr": edge_attr, "embed_w": embed_w, "embed_b": embed_b, "A_w": A_w, "A_b": A_b, "B_w": B_w, "Ws_w": Ws_w, "res_w": res_w, "upd_w": upd_w, "upd_b": upd_b, "bn_g": bn_g, "bn_b": bn_b, "edge_index": edge_index, "batch": batch}

def reference(x, h, edge_attr, embed_w, embed_b, A_w, A_b, B_w, Ws_w, res_w, upd_w, upd_b, bn_g, bn_b, edge_index, batch):
    row = edge_index[0]
    col = edge_index[1]
    etype = edge_attr[:, 0]
    dist = edge_attr[:, 1]
    # initial node embedding (f_initial_embed)
    node = h @ embed_w.T + embed_b
    ones_e = jnp.ones((edge_attr.shape[0],), node.dtype)
    cnt = jax.ops.segment_sum(ones_e, col, num_segments=N)
    denom = jnp.maximum(cnt, 1.0)[:, None]
    for l in range(L):
        src = node[row]
        tgt = node[col]
        msg = jnp.concatenate([src, tgt, dist[:, None]], axis=1)
        # shared projection applies to every edge; per-type low-rank A_r(B_r(.)) is masked in
        m = msg @ Ws_w[l].T
        for r in range(T):
            mr = (msg @ B_w[l, r].T) @ A_w[l, r].T + A_b[l, r]
            mask = (etype == float(r)).astype(node.dtype)[:, None]
            m = m + mask * mr
        # scatter mean over destination nodes (torch_scatter reduce='mean')
        aggr = jax.ops.segment_sum(m, col, num_segments=N) / denom
        # BatchNorm1d with batch statistics
        mu = jnp.mean(aggr, axis=0)
        var = jnp.var(aggr, axis=0)
        aggr = (aggr - mu) / jnp.sqrt(var + 1e-5) * bn_g[l] + bn_b[l]
        # residual projection + node update MLP (ReLU act); dropout identity (eval)
        upd_in = jnp.concatenate([node, aggr], axis=1)
        node = node @ res_w[l].T + jax.nn.relu(upd_in @ upd_w[l].T + upd_b[l])
    return node

if __name__ == "__main__":
    import jax
    _d = setup_inputs()
    print(jax.jit(kernel)(*tuple(_d.values())))

</pallas_src>

<mosaic_0001>
#map = affine_map<(d0, d1) -> (0, 0)>
#map1 = affine_map<(d0, d1) -> (0)>
module attributes {stable_mosaic.version = 14 : i64} {
  func.func @_layer_body(%arg0: i32, %arg1: i32, %arg2: memref<20000x128xf32, #tpu.memory_space<hbm>>, %arg3: memref<40000x16xf32, #tpu.memory_space<hbm>>, %arg4: memref<320000xi32, #tpu.memory_space<hbm>>, %arg5: memref<160000xi32, #tpu.memory_space<hbm>>, %arg6: memref<160000xi32, #tpu.memory_space<hbm>>, %arg7: memref<320000xi32, #tpu.memory_space<hbm>>, %arg8: memref<640x128xf32, #tpu.memory_space<hbm>>, %arg9: memref<1256x16xf32, #tpu.memory_space<hbm>>, %arg10: memref<20480x128xf32, #tpu.memory_space<hbm>>, %arg11: memref<40192x16xf32, #tpu.memory_space<hbm>>, %arg12: memref<10240x128xf32, #tpu.memory_space<vmem_shared>>, %arg13: memref<20096x16xf32, #tpu.memory_space<vmem_shared>>, %arg14: memref<64xi32, #tpu.memory_space<vmem>>, %arg15: memref<64xi32, #tpu.memory_space<vmem>>, %arg16: memref<64xi32, #tpu.memory_space<vmem>>, %arg17: memref<64xi32, #tpu.memory_space<vmem>>, %arg18: memref<64x128xf32, #tpu.memory_space<vmem>>, %arg19: memref<64x16xf32, #tpu.memory_space<vmem>>, %arg20: memref<64xi32, #tpu.memory_space<vmem>>, %arg21: memref<64xi32, #tpu.memory_space<vmem>>, %arg22: memref<64xi32, #tpu.memory_space<vmem>>, %arg23: memref<64xi32, #tpu.memory_space<vmem>>, %arg24: memref<64x128xf32, #tpu.memory_space<vmem>>, %arg25: memref<64x16xf32, #tpu.memory_space<vmem>>, %arg26: memref<16xi32, #tpu.memory_space<vmem>>, %arg27: memref<16xi32, #tpu.memory_space<vmem>>, %arg28: memref<16xi32, #tpu.memory_space<vmem>>, %arg29: memref<16xi32, #tpu.memory_space<vmem>>, %arg30: memref<16x128xf32, #tpu.memory_space<vmem>>, %arg31: memref<16x16xf32, #tpu.memory_space<vmem>>, %arg32: memref<!tpu.dma_semaphore, #tpu.memory_space<semaphore_mem>>, %arg33: memref<!tpu.dma_semaphore, #tpu.memory_space<semaphore_mem>>, %arg34: memref<!tpu.dma_semaphore, #tpu.memory_space<semaphore_mem>>, %arg35: memref<!tpu.dma_semaphore, #tpu.memory_space<semaphore_mem>>, %arg36: memref<!tpu.dma_semaphore, #tpu.memory_space<semaphore_mem>>, %arg37: memref<!tpu.dma_semaphore, #tpu.memory_space<semaphore_mem>>, %arg38: memref<!tpu.dma_semaphore, #tpu.memory_space<semaphore_mem>>, %arg39: memref<!tpu.dma_semaphore, #tpu.memory_space<semaphore_mem>>, %arg40: memref<!tpu.dma_semaphore, #tpu.memory_space<semaphore_mem>>) attributes {dimension_semantics = [#tpu.dimension_semantics<core_parallel>, #tpu.dimension_semantics<subcore_parallel>], iteration_bounds = array<i64: 2, 16>, scalar_prefetch = 0 : i64, scratch_operands = 29 : i64, tpu.core_type = #tpu.core_type<sc_vector_subcore>, window_params = [{transform_indices = #map}, {transform_indices = #map}, {transform_indices = #map1}, {transform_indices = #map1}, {transform_indices = #map1}, {transform_indices = #map1}, {transform_indices = #map}, {transform_indices = #map}, {transform_indices = #map}, {transform_indices = #map}]} {
    %mul3A = arith.constant 640 : i32
    %mul3A_0 = arith.muli %arg1, %mul3A : i32
    "tpu.region"() ({
      %run_scoped3A = tpu.sem_alloc : memref<!tpu.dma_semaphore, #tpu.memory_space<semaphore_mem>>
      %dma_start3A_96 = arith.constant 0 : i32
      %dma_start3A_97 = tpu.memref_slice %arg12[%mul3A_0, %dma_start3A_96] : memref<10240x128xf32, #tpu.memory_space<vmem_shared>> -> memref<640x128xf32, #tpu.memory_space<vmem_shared>>
      tpu.enqueue_dma source(%arg8 : memref<640x128xf32, #tpu.memory_space<hbm>>) target(%dma_start3A_97 : memref<640x128xf32, #tpu.memory_space<vmem_shared>>) target_semaphore(%run_scoped3A : memref<!tpu.dma_semaphore, #tpu.memory_space<semaphore_mem>>)
      %dma_wait3A_98 = arith.constant 0 : i32
      %dma_wait3A_99 = tpu.memref_slice %arg12[%mul3A_0, %dma_wait3A_98] : memref<10240x128xf32, #tpu.memory_space<vmem_shared>> -> memref<640x128xf32, #tpu.memory_space<vmem_shared>>
      tpu.wait_dma2 semaphore(%run_scoped3A : memref<!tpu.dma_semaphore, #tpu.memory_space<semaphore_mem>>) src(%arg8 : memref<640x128xf32, #tpu.memory_space<hbm>>) dst(%dma_wait3A_99 : memref<640x128xf32, #tpu.memory_space<vmem_shared>>)
      tpu.yield
    }) : () -> ()
    %mul3A_1 = arith.constant 1256 : i32
    %mul3A_2 = arith.muli %arg1, %mul3A_1 : i32
    "tpu.region"() ({
      %run_scoped3A = tpu.sem_alloc : memref<!tpu.dma_semaphore, #tpu.memory_space<semaphore_mem>>
      %dma_start3A_96 = arith.constant 0 : i32
      %dma_start3A_97 = tpu.memref_slice %arg13[%mul3A_2, %dma_start3A_96] : memref<20096x16xf32, #tpu.memory_space<vmem_shared>> -> memref<1256x16xf32, #tpu.memory_space<vmem_shared>>
      tpu.enqueue_dma source(%arg9 : memref<1256x16xf32, #tpu.memory_space<hbm>>) target(%dma_start3A_97 : memref<1256x16xf32, #tpu.memory_space<vmem_shared>>) target_semaphore(%run_scoped3A : memref<!tpu.dma_semaphore, #tpu.memory_space<semaphore_mem>>)
      %dma_wait3A_98 = arith.constant 0 : i32
      %dma_wait3A_99 = tpu.memref_slice %arg13[%mul3A_2, %dma_wait3A_98] : memref<20096x16xf32, #tpu.memory_space<vmem_shared>> -> memref<1256x16xf32, #tpu.memory_space<vmem_shared>>
      tpu.wait_dma2 semaphore(%run_scoped3A : memref<!tpu.dma_semaphore, #tpu.memory_space<semaphore_mem>>) src(%arg9 : memref<1256x16xf32, #tpu.memory_space<hbm>>) dst(%dma_wait3A_99 : memref<1256x16xf32, #tpu.memory_space<vmem_shared>>)
      tpu.yield
    }) : () -> ()
    %barrier3A = arith.constant 0 : index
    tpu.barrier barrier_id(%barrier3A)
    %mul3A_3 = arith.constant 10000 : i32
    %mul3A_4 = arith.muli %arg1, %mul3A_3 : i32
    %mul3A_5 = arith.constant 160000 : i32
    %mul3A_6 = arith.muli %arg0, %mul3A_5 : i32
    %add3A = arith.constant 0 : i32
    %add3A_7 = arith.addi %mul3A_4, %add3A : i32
    %add3A_8 = arith.addi %mul3A_6, %add3A_7 : i32
    "tpu.region"() ({
      %run_scoped3A = tpu.sem_alloc : memref<!tpu.dma_semaphore, #tpu.memory_space<semaphore_mem>>
      %dma_start3A_96 = tpu.memref_slice %arg4[%add3A_8] : memref<320000xi32, #tpu.memory_space<hbm>> -> memref<64xi32, #tpu.memory_space<hbm>>
      %dma_start3A_97 = tpu.memref_slice %arg4[%add3A_8] : memref<320000xi32, #tpu.memory_space<hbm>> -> memref<64xi32, #tpu.memory_space<hbm>>
      tpu.enqueue_dma source(%dma_start3A_97 : memref<64xi32, #tpu.memory_space<hbm>>) target(%arg14 : memref<64xi32, #tpu.memory_space<vmem>>) target_semaphore(%run_scoped3A : memref<!tpu.dma_semaphore, #tpu.memory_space<semaphore_mem>>)
      %dma_wait3A_98 = tpu.memref_slice %arg4[%add3A_8] : memref<320000xi32, #tpu.memory_space<hbm>> -> memref<64xi32, #tpu.memory_space<hbm>>
      %dma_wait3A_99 = tpu.memref_slice %arg4[%add3A_8] : memref<320000xi32, #tpu.memory_space<hbm>> -> memref<64xi32, #tpu.memory_space<hbm>>
      tpu.wait_dma2 semaphore(%run_scoped3A : memref<!tpu.dma_semaphore, #tpu.memory_space<semaphore_mem>>) src(%dma_wait3A_99 : memref<64xi32, #tpu.memory_space<hbm>>) dst(%arg14 : memref<64xi32, #tpu.memory_space<vmem>>)
      tpu.yield
    }) : () -> ()
    "tpu.region"() ({
      %run_scoped3A = tpu.sem_alloc : memref<!tpu.dma_semaphore, #tpu.memory_space<semaphore_mem>>
      %dma_start3A_96 = tpu.memref_slice %arg5[%add3A_7] : memref<160000xi32, #tpu.memory_space<hbm>> -> memref<64xi32, #tpu.memory_space<hbm>>
      %dma_start3A_97 = tpu.memref_slice %arg5[%add3A_7] : memref<160000xi32, #tpu.memory_space<hbm>> -> memref<64xi32, #tpu.memory_space<hbm>>
      tpu.enqueue_dma source(%dma_start3A_97 : memref<64xi32, #tpu.memory_space<hbm>>) target(%arg15 : memref<64xi32, #tpu.memory_space<vmem>>) target_semaphore(%run_scoped3A : memref<!tpu.dma_semaphore, #tpu.memory_space<semaphore_mem>>)
      %dma_wait3A_98 = tpu.memref_slice %arg5[%add3A_7] : memref<160000xi32, #tpu.memory_space<hbm>> -> memref<64xi32, #tpu.memory_space<hbm>>
      %dma_wait3A_99 = tpu.memref_slice %arg5[%add3A_7] : memref<160000xi32, #tpu.memory_space<hbm>> -> memref<64xi32, #tpu.memory_space<hbm>>
      tpu.wait_dma2 semaphore(%run_scoped3A : memref<!tpu.dma_semaphore, #tpu.memory_space<semaphore_mem>>) src(%dma_wait3A_99 : memref<64xi32, #tpu.memory_space<hbm>>) dst(%arg15 : memref<64xi32, #tpu.memory_space<vmem>>)
      tpu.yield
    }) : () -> ()
    "tpu.region"() ({
      %run_scoped3A = tpu.sem_alloc : memref<!tpu.dma_semaphore, #tpu.memory_space<semaphore_mem>>
      %dma_start3A_96 = tpu.memref_slice %arg6[%add3A_7] : memref<160000xi32, #tpu.memory_space<hbm>> -> memref<64xi32, #tpu.memory_space<hbm>>
      %dma_start3A_97 = tpu.memref_slice %arg6[%add3A_7] : memref<160000xi32, #tpu.memory_space<hbm>> -> memref<64xi32, #tpu.memory_space<hbm>>
      tpu.enqueue_dma source(%dma_start3A_97 : memref<64xi32, #tpu.memory_space<hbm>>) target(%arg16 : memref<64xi32, #tpu.memory_space<vmem>>) target_semaphore(%run_scoped3A : memref<!tpu.dma_semaphore, #tpu.memory_space<semaphore_mem>>)
      %dma_wait3A_98 = tpu.memref_slice %arg6[%add3A_7] : memref<160000xi32, #tpu.memory_space<hbm>> -> memref<64xi32, #tpu.memory_space<hbm>>
      %dma_wait3A_99 = tpu.memref_slice %arg6[%add3A_7] : memref<160000xi32, #tpu.memory_space<hbm>> -> memref<64xi32, #tpu.memory_space<hbm>>
      tpu.wait_dma2 semaphore(%run_scoped3A : memref<!tpu.dma_semaphore, #tpu.memory_space<semaphore_mem>>) src(%dma_wait3A_99 : memref<64xi32, #tpu.memory_space<hbm>>) dst(%arg16 : memref<64xi32, #tpu.memory_space<vmem>>)
      tpu.yield
    }) : () -> ()
    %add3A_9 = arith.addi %mul3A_6, %add3A_7 : i32
    "tpu.region"() ({
      %run_scoped3A = tpu.sem_alloc : memref<!tpu.dma_semaphore, #tpu.memory_space<semaphore_mem>>
      %dma_start3A_96 = tpu.memref_slice %arg7[%add3A_9] : memref<320000xi32, #tpu.memory_space<hbm>> -> memref<64xi32, #tpu.memory_space<hbm>>
      %dma_start3A_97 = tpu.memref_slice %arg7[%add3A_9] : memref<320000xi32, #tpu.memory_space<hbm>> -> memref<64xi32, #tpu.memory_space<hbm>>
      tpu.enqueue_dma source(%dma_start3A_97 : memref<64xi32, #tpu.memory_space<hbm>>) target(%arg17 : memref<64xi32, #tpu.memory_space<vmem>>) target_semaphore(%run_scoped3A : memref<!tpu.dma_semaphore, #tpu.memory_space<semaphore_mem>>)
      %dma_wait3A_98 = tpu.memref_slice %arg7[%add3A_9] : memref<320000xi32, #tpu.memory_space<hbm>> -> memref<64xi32, #tpu.memory_space<hbm>>
      %dma_wait3A_99 = tpu.memref_slice %arg7[%add3A_9] : memref<320000xi32, #tpu.memory_space<hbm>> -> memref<64xi32, #tpu.memory_space<hbm>>
      tpu.wait_dma2 semaphore(%run_scoped3A : memref<!tpu.dma_semaphore, #tpu.memory_space<semaphore_mem>>) src(%dma_wait3A_99 : memref<64xi32, #tpu.memory_space<hbm>>) dst(%arg17 : memref<64xi32, #tpu.memory_space<vmem>>)
      tpu.yield
    }) : () -> ()
    %dma_start3A = arith.constant 0 : i32
    %dma_start3A_10 = arith.constant 0 : i32
    %dma_start3A_11 = tpu.memref_slice %arg2[%dma_start3A, %dma_start3A_10] : memref<20000x128xf32, #tpu.memory_space<hbm>> -> memref<20000x128xf32, #tpu.memory_space<hbm>>
    tpu.enqueue_indirect_dma source(%dma_start3A_11 : memref<20000x128xf32, #tpu.memory_space<hbm>>) target(%arg18 : memref<64x128xf32, #tpu.memory_space<vmem>>) offsets(%arg14 : memref<64xi32, #tpu.memory_space<vmem>>) semaphore(%arg32 : memref<!tpu.dma_semaphore, #tpu.memory_space<semaphore_mem>>)
    %dma_start3A_12 = arith.constant 0 : i32
    %dma_start3A_13 = arith.constant 0 : i32
    %dma_start3A_14 = tpu.memref_slice %arg3[%dma_start3A_12, %dma_start3A_13] : memref<40000x16xf32, #tpu.memory_space<hbm>> -> memref<40000x16xf32, #tpu.memory_space<hbm>>
    tpu.enqueue_indirect_dma source(%dma_start3A_14 : memref<40000x16xf32, #tpu.memory_space<hbm>>) target(%arg19 : memref<64x16xf32, #tpu.memory_space<vmem>>) offsets(%arg16 : memref<64xi32, #tpu.memory_space<vmem>>) semaphore(%arg33 : memref<!tpu.dma_semaphore, #tpu.memory_space<semaphore_mem>>)
    %add3A_15 = arith.constant 64 : i32
    %add3A_16 = arith.addi %mul3A_4, %add3A_15 : i32
    %add3A_17 = arith.addi %mul3A_6, %add3A_16 : i32
    %dma_start3A_18 = tpu.memref_slice %arg4[%add3A_17] : memref<320000xi32, #tpu.memory_space<hbm>> -> memref<64xi32, #tpu.memory_space<hbm>>
    %dma_start3A_19 = tpu.memref_slice %arg4[%add3A_17] : memref<320000xi32, #tpu.memory_space<hbm>> -> memref<64xi32, #tpu.memory_space<hbm>>
    tpu.enqueue_dma source(%dma_start3A_19 : memref<64xi32, #tpu.memory_space<hbm>>) target(%arg20 : memref<64xi32, #tpu.memory_space<vmem>>) target_semaphore(%arg36 : memref<!tpu.dma_semaphore, #tpu.memory_space<semaphore_mem>>)
    %dma_start3A_20 = tpu.memref_slice %arg5[%add3A_16] : memref<160000xi32, #tpu.memory_space<hbm>> -> memref<64xi32, #tpu.memory_space<hbm>>
    %dma_start3A_21 = tpu.memref_slice %arg5[%add3A_16] : memref<160000xi32, #tpu.memory_space<hbm>> -> memref<64xi32, #tpu.memory_space<hbm>>
    tpu.enqueue_dma source(%dma_start3A_21 : memref<64xi32, #tpu.memory_space<hbm>>) target(%arg21 : memref<64xi32, #tpu.memory_space<vmem>>) target_semaphore(%arg37 : memref<!tpu.dma_semaphore, #tpu.memory_space<semaphore_mem>>)
    %dma_start3A_22 = tpu.memref_slice %arg6[%add3A_16] : memref<160000xi32, #tpu.memory_space<hbm>> -> memref<64xi32, #tpu.memory_space<hbm>>
    %dma_start3A_23 = tpu.memref_slice %arg6[%add3A_16] : memref<160000xi32, #tpu.memory_space<hbm>> -> memref<64xi32, #tpu.memory_space<hbm>>
    tpu.enqueue_dma source(%dma_start3A_23 : memref<64xi32, #tpu.memory_space<hbm>>) target(%arg22 : memref<64xi32, #tpu.memory_space<vmem>>) target_semaphore(%arg38 : memref<!tpu.dma_semaphore, #tpu.memory_space<semaphore_mem>>)
    %add3A_24 = arith.addi %mul3A_6, %add3A_16 : i32
    %dma_start3A_25 = tpu.memref_slice %arg7[%add3A_24] : memref<320000xi32, #tpu.memory_space<hbm>> -> memref<64xi32, #tpu.memory_space<hbm>>
    %dma_start3A_26 = tpu.memref_slice %arg7[%add3A_24] : memref<320000xi32, #tpu.memory_space<hbm>> -> memref<64xi32, #tpu.memory_space<hbm>>
    tpu.enqueue_dma source(%dma_start3A_26 : memref<64xi32, #tpu.memory_space<hbm>>) target(%arg23 : memref<64xi32, #tpu.memory_space<vmem>>) target_semaphore(%arg39 : memref<!tpu.dma_semaphore, #tpu.memory_space<semaphore_mem>>)
    %scan3A = arith.constant 0 : i32
    %scan3A_27 = arith.constant 0 : i32
    %scan3A_28 = arith.constant 77 : i32
    %scan3A_29 = arith.addi %scan3A_27, %scan3A_28 : i32
    %scan3A_30 = arith.constant 1 : i32
    scf.for %scan3A_96 = %scan3A_27 to %scan3A_29 step %scan3A_30  : i32 {
      %mul3A_97 = arith.constant 2 : i32
      %mul3A_98 = arith.muli %mul3A_97, %scan3A_96 : i32
      %dma_wait3A_99 = arith.constant 0 : i32
      %dma_wait3A_100 = tpu.memref_slice %arg4[%dma_wait3A_99] : memref<320000xi32, #tpu.memory_space<hbm>> -> memref<64xi32, #tpu.memory_space<hbm>>
      %dma_wait3A_101 = arith.constant 0 : i32
      %dma_wait3A_102 = tpu.memref_slice %arg4[%dma_wait3A_101] : memref<320000xi32, #tpu.memory_space<hbm>> -> memref<64xi32, #tpu.memory_space<hbm>>
      tpu.wait_dma2 semaphore(%arg36 : memref<!tpu.dma_semaphore, #tpu.memory_space<semaphore_mem>>) src(%dma_wait3A_102 : memref<64xi32, #tpu.memory_space<hbm>>) dst(%arg20 : memref<64xi32, #tpu.memory_space<vmem>>)
      %dma_wait3A_103 = arith.constant 0 : i32
      %dma_wait3A_104 = tpu.memref_slice %arg5[%dma_wait3A_103] : memref<160000xi32, #tpu.memory_space<hbm>> -> memref<64xi32, #tpu.memory_space<hbm>>
      %dma_wait3A_105 = arith.constant 0 : i32
      %dma_wait3A_106 = tpu.memref_slice %arg5[%dma_wait3A_105] : memref<160000xi32, #tpu.memory_space<hbm>> -> memref<64xi32, #tpu.memory_space<hbm>>
      tpu.wait_dma2 semaphore(%arg37 : memref<!tpu.dma_semaphore, #tpu.memory_space<semaphore_mem>>) src(%dma_wait3A_106 : memref<64xi32, #tpu.memory_space<hbm>>) dst(%arg21 : memref<64xi32, #tpu.memory_space<vmem>>)
      %dma_wait3A_107 = arith.constant 0 : i32
      %dma_wait3A_108 = tpu.memref_slice %arg6[%dma_wait3A_107] : memref<160000xi32, #tpu.memory_space<hbm>> -> memref<64xi32, #tpu.memory_space<hbm>>
      %dma_wait3A_109 = arith.constant 0 : i32
      %dma_wait3A_110 = tpu.memref_slice %arg6[%dma_wait3A_109] : memref<160000xi32, #tpu.memory_space<hbm>> -> memref<64xi32, #tpu.memory_space<hbm>>
      tpu.wait_dma2 semaphore(%arg38 : memref<!tpu.dma_semaphore, #tpu.memory_space<semaphore_mem>>) src(%dma_wait3A_110 : memref<64xi32, #tpu.memory_space<hbm>>) dst(%arg22 : memref<64xi32, #tpu.memory_space<vmem>>)
      %dma_wait3A_111 = arith.constant 0 : i32
      %dma_wait3A_112 = tpu.memref_slice %arg7[%dma_wait3A_111] : memref<320000xi32, #tpu.memory_space<hbm>> -> memref<64xi32, #tpu.memory_space<hbm>>
      %dma_wait3A_113 = arith.constant 0 : i32
      %dma_wait3A_114 = tpu.memref_slice %arg7[%dma_wait3A_113] : memref<320000xi32, #tpu.memory_space<hbm>> -> memref<64xi32, #tpu.memory_space<hbm>>
      tpu.wait_dma2 semaphore(%arg39 : memref<!tpu.dma_semaphore, #tpu.memory_space<semaphore_mem>>) src(%dma_wait3A_114 : memref<64xi32, #tpu.memory_space<hbm>>) dst(%arg23 : memref<64xi32, #tpu.memory_space<vmem>>)
      %dma_start3A_115 = arith.constant 0 : i32
      %dma_start3A_116 = arith.constant 0 : i32
      %dma_start3A_117 = tpu.memref_slice %arg2[%dma_start3A_115, %dma_start3A_116] : memref<20000x128xf32, #tpu.memory_space<hbm>> -> memref<20000x128xf32, #tpu.memory_space<hbm>>
      tpu.enqueue_indirect_dma source(%dma_start3A_117 : memref<20000x128xf32, #tpu.memory_space<hbm>>) target(%arg24 : memref<64x128xf32, #tpu.memory_space<vmem>>) offsets(%arg20 : memref<64xi32, #tpu.memory_space<vmem>>) semaphore(%arg34 : memref<!tpu.dma_semaphore, #tpu.memory_space<semaphore_mem>>)
      %dma_start3A_118 = arith.constant 0 : i32
      %dma_start3A_119 = arith.constant 0 : i32
      %dma_start3A_120 = tpu.memref_slice %arg3[%dma_start3A_118, %dma_start3A_119] : memref<40000x16xf32, #tpu.memory_space<hbm>> -> memref<40000x16xf32, #tpu.memory_space<hbm>>
      tpu.enqueue_indirect_dma source(%dma_start3A_120 : memref<40000x16xf32, #tpu.memory_space<hbm>>) target(%arg25 : memref<64x16xf32, #tpu.memory_space<vmem>>) offsets(%arg22 : memref<64xi32, #tpu.memory_space<vmem>>) semaphore(%arg35 : memref<!tpu.dma_semaphore, #tpu.memory_space<semaphore_mem>>)
      %dma_wait3A_121 = arith.constant 0 : i32
      %dma_wait3A_122 = arith.constant 0 : i32
      %dma_wait3A_123 = tpu.memref_slice %arg2[%dma_wait3A_121, %dma_wait3A_122] : memref<20000x128xf32, #tpu.memory_space<hbm>> -> memref<20000x128xf32, #tpu.memory_space<hbm>>
      tpu.wait_indirect_dma semaphore(%arg32 : memref<!tpu.dma_semaphore, #tpu.memory_space<semaphore_mem>>) src(%dma_wait3A_123 : memref<20000x128xf32, #tpu.memory_space<hbm>>) dst(%arg18 : memref<64x128xf32, #tpu.memory_space<vmem>>)
      %dma_wait3A_124 = arith.constant 0 : i32
      %dma_wait3A_125 = arith.constant 0 : i32
      %dma_wait3A_126 = tpu.memref_slice %arg3[%dma_wait3A_124, %dma_wait3A_125] : memref<40000x16xf32, #tpu.memory_space<hbm>> -> memref<40000x16xf32, #tpu.memory_space<hbm>>
      tpu.wait_indirect_dma semaphore(%arg33 : memref<!tpu.dma_semaphore, #tpu.memory_space<semaphore_mem>>) src(%dma_wait3A_126 : memref<40000x16xf32, #tpu.memory_space<hbm>>) dst(%arg19 : memref<64x16xf32, #tpu.memory_space<vmem>>)
      "tpu.region"() ({
        %run_scoped3A = tpu.sem_alloc : memref<!tpu.dma_semaphore, #tpu.memory_space<semaphore_mem>>
        %dma_start3A_187 = arith.constant 0 : i32
        %dma_start3A_188 = arith.constant 0 : i32
        %dma_start3A_189 = tpu.memref_slice %arg12[%dma_start3A_187, %dma_start3A_188] : memref<10240x128xf32, #tpu.memory_space<vmem_shared>> -> memref<10240x128xf32, #tpu.memory_space<vmem_shared>>
        tpu.enqueue_indirect_dma source(%arg18 : memref<64x128xf32, #tpu.memory_space<vmem>>) target(%dma_start3A_189 : memref<10240x128xf32, #tpu.memory_space<vmem_shared>>) offsets(%arg15 : memref<64xi32, #tpu.memory_space<vmem>>) semaphore(%run_scoped3A : memref<!tpu.dma_semaphore, #tpu.memory_space<semaphore_mem>>) {add = true}
        %dma_wait3A_190 = arith.constant 0 : i32
        %dma_wait3A_191 = arith.constant 0 : i32
        %dma_wait3A_192 = tpu.memref_slice %arg12[%dma_wait3A_190, %dma_wait3A_191] : memref<10240x128xf32, #tpu.memory_space<vmem_shared>> -> memref<10240x128xf32, #tpu.memory_space<vmem_shared>>
        tpu.wait_indirect_dma semaphore(%run_scoped3A : memref<!tpu.dma_semaphore, #tpu.memory_space<semaphore_mem>>) src(%arg18 : memref<64x128xf32, #tpu.memory_space<vmem>>) dst(%dma_wait3A_192 : memref<10240x128xf32, #tpu.memory_space<vmem_shared>>)
        tpu.yield
      }) : () -> ()
      "tpu.region"() ({
        %run_scoped3A = tpu.sem_alloc : memref<!tpu.dma_semaphore, #tpu.memory_space<semaphore_mem>>
        %dma_start3A_187 = arith.constant 0 : i32
        %dma_start3A_188 = arith.constant 0 : i32
        %dma_start3A_189 = tpu.memref_slice %arg13[%dma_start3A_187, %dma_start3A_188] : memref<20096x16xf32, #tpu.memory_space<vmem_shared>> -> memref<20096x16xf32, #tpu.memory_space<vmem_shared>>
        tpu.enqueue_indirect_dma source(%arg19 : memref<64x16xf32, #tpu.memory_space<vmem>>) target(%dma_start3A_189 : memref<20096x16xf32, #tpu.memory_space<vmem_shared>>) offsets(%arg17 : memref<64xi32, #tpu.memory_space<vmem>>) semaphore(%run_scoped3A : memref<!tpu.dma_semaphore, #tpu.memory_space<semaphore_mem>>) {add = true}
        %dma_wait3A_190 = arith.constant 0 : i32
        %dma_wait3A_191 = arith.constant 0 : i32
        %dma_wait3A_192 = tpu.memref_slice %arg13[%dma_wait3A_190, %dma_wait3A_191] : memref<20096x16xf32, #tpu.memory_space<vmem_shared>> -> memref<20096x16xf32, #tpu.memory_space<vmem_shared>>
        tpu.wait_indirect_dma semaphore(%run_scoped3A : memref<!tpu.dma_semaphore, #tpu.memory_space<semaphore_mem>>) src(%arg19 : memref<64x16xf32, #tpu.memory_space<vmem>>) dst(%dma_wait3A_192 : memref<20096x16xf32, #tpu.memory_space<vmem_shared>>)
        tpu.yield
      }) : () -> ()
      %add3A_127 = arith.constant 2 : i32
      %add3A_128 = arith.addi %mul3A_98, %add3A_127 : i32
      %mul3A_129 = arith.constant 64 : i32
      %mul3A_130 = arith.muli %add3A_128, %mul3A_129 : i32
      %add3A_131 = arith.addi %mul3A_4, %mul3A_130 : i32
      %add3A_132 = arith.addi %mul3A_6, %add3A_131 : i32
      %dma_start3A_133 = tpu.memref_slice %arg4[%add3A_132] : memref<320000xi32, #tpu.memory_space<hbm>> -> memref<64xi32, #tpu.memory_space<hbm>>
      %dma_start3A_134 = tpu.memref_slice %arg4[%add3A_132] : memref<320000xi32, #tpu.memory_space<hbm>> -> memref<64xi32, #tpu.memory_space<hbm>>
      tpu.enqueue_dma source(%dma_start3A_134 : memref<64xi32, #tpu.memory_space<hbm>>) target(%arg14 : memref<64xi32, #tpu.memory_space<vmem>>) target_semaphore(%arg36 : memref<!tpu.dma_semaphore, #tpu.memory_space<semaphore_mem>>)
      %dma_start3A_135 = tpu.memref_slice %arg5[%add3A_131] : memref<160000xi32, #tpu.memory_space<hbm>> -> memref<64xi32, #tpu.memory_space<hbm>>
      %dma_start3A_136 = tpu.memref_slice %arg5[%add3A_131] : memref<160000xi32, #tpu.memory_space<hbm>> -> memref<64xi32, #tpu.memory_space<hbm>>
      tpu.enqueue_dma source(%dma_start3A_136 : memref<64xi32, #tpu.memory_space<hbm>>) target(%arg15 : memref<64xi32, #tpu.memory_space<vmem>>) target_semaphore(%arg37 : memref<!tpu.dma_semaphore, #tpu.memory_space<semaphore_mem>>)
      %dma_start3A_137 = tpu.memref_slice %arg6[%add3A_131] : memref<160000xi32, #tpu.memory_space<hbm>> -> memref<64xi32, #tpu.memory_space<hbm>>
      %dma_start3A_138 = tpu.memref_slice %arg6[%add3A_131] : memref<160000xi32, #tpu.memory_space<hbm>> -> memref<64xi32, #tpu.memory_space<hbm>>
      tpu.enqueue_dma source(%dma_start3A_138 : memref<64xi32, #tpu.memory_space<hbm>>) target(%arg16 : memref<64xi32, #tpu.memory_space<vmem>>) target_semaphore(%arg38 : memref<!tpu.dma_semaphore, #tpu.memory_space<semaphore_mem>>)
      %add3A_139 = arith.addi %mul3A_6, %add3A_131 : i32
      %dma_start3A_140 = tpu.memref_slice %arg7[%add3A_139] : memref<320000xi32, #tpu.memory_space<hbm>> -> memref<64xi32, #tpu.memory_space<hbm>>
      %dma_start3A_141 = tpu.memref_slice %arg7[%add3A_139] : memref<320000xi32, #tpu.memory_space<hbm>> -> memref<64xi32, #tpu.memory_space<hbm>>
      tpu.enqueue_dma source(%dma_start3A_141 : memref<64xi32, #tpu.memory_space<hbm>>) target(%arg17 : memref<64xi32, #tpu.memory_space<vmem>>) target_semaphore(%arg39 : memref<!tpu.dma_semaphore, #tpu.memory_space<semaphore_mem>>)
      %add3A_142 = arith.constant 1 : i32
      %add3A_143 = arith.addi %mul3A_98, %add3A_142 : i32
      %dma_wait3A_144 = arith.constant 0 : i32
      %dma_wait3A_145 = tpu.memref_slice %arg4[%dma_wait3A_144] : memref<320000xi32, #tpu.memory_space<hbm>> -> memref<64xi32, #tpu.memory_space<hbm>>
      %dma_wait3A_146 = arith.constant 0 : i32
      %dma_wait3A_147 = tpu.memref_slice %arg4[%dma_wait3A_146] : memref<320000xi32, #tpu.memory_space<hbm>> -> memref<64xi32, #tpu.memory_space<hbm>>
      tpu.wait_dma2 semaphore(%arg36 : memref<!tpu.dma_semaphore, #tpu.memory_space<semaphore_mem>>) src(%dma_wait3A_147 : memref<64xi32, #tpu.memory_space<hbm>>) dst(%arg14 : memref<64xi32, #tpu.memory_space<vmem>>)
      %dma_wait3A_148 = arith.constant 0 : i32
      %dma_wait3A_149 = tpu.memref_slice %arg5[%dma_wait3A_148] : memref<160000xi32, #tpu.memory_space<hbm>> -> memref<64xi32, #tpu.memory_space<hbm>>
      %dma_wait3A_150 = arith.constant 0 : i32
      %dma_wait3A_151 = tpu.memref_slice %arg5[%dma_wait3A_150] : memref<160000xi32, #tpu.memory_space<hbm>> -> memref<64xi32, #tpu.memory_space<hbm>>
      tpu.wait_dma2 semaphore(%arg37 : memref<!tpu.dma_semaphore, #tpu.memory_space<semaphore_mem>>) src(%dma_wait3A_151 : memref<64xi32, #tpu.memory_space<hbm>>) dst(%arg15 : memref<64xi32, #tpu.memory_space<vmem>>)
      %dma_wait3A_152 = arith.constant 0 : i32
      %dma_wait3A_153 = tpu.memref_slice %arg6[%dma_wait3A_152] : memref<160000xi32, #tpu.memory_space<hbm>> -> memref<64xi32, #tpu.memory_space<hbm>>
      %dma_wait3A_154 = arith.constant 0 : i32
      %dma_wait3A_155 = tpu.memref_slice %arg6[%dma_wait3A_154] : memref<160000xi32, #tpu.memory_space<hbm>> -> memref<64xi32, #tpu.memory_space<hbm>>
      tpu.wait_dma2 semaphore(%arg38 : memref<!tpu.dma_semaphore, #tpu.memory_space<semaphore_mem>>) src(%dma_wait3A_155 : memref<64xi32, #tpu.memory_space<hbm>>) dst(%arg16 : memref<64xi32, #tpu.memory_space<vmem>>)
      %dma_wait3A_156 = arith.constant 0 : i32
      %dma_wait3A_157 = tpu.memref_slice %arg7[%dma_wait3A_156] : memref<320000xi32, #tpu.memory_space<hbm>> -> memref<64xi32, #tpu.memory_space<hbm>>
      %dma_wait3A_158 = arith.constant 0 : i32
      %dma_wait3A_159 = tpu.memref_slice %arg7[%dma_wait3A_158] : memref<320000xi32, #tpu.memory_space<hbm>> -> memref<64xi32, #tpu.memory_space<hbm>>
      tpu.wait_dma2 semaphore(%arg39 : memref<!tpu.dma_semaphore, #tpu.memory_space<semaphore_mem>>) src(%dma_wait3A_159 : memref<64xi32, #tpu.memory_space<hbm>>) dst(%arg17 : memref<64xi32, #tpu.memory_space<vmem>>)
      %dma_start3A_160 = arith.constant 0 : i32
      %dma_start3A_161 = arith.constant 0 : i32
      %dma_start3A_162 = tpu.memref_slice %arg2[%dma_start3A_160, %dma_start3A_161] : memref<20000x128xf32, #tpu.memory_space<hbm>> -> memref<20000x128xf32, #tpu.memory_space<hbm>>
      tpu.enqueue_indirect_dma source(%dma_start3A_162 : memref<20000x128xf32, #tpu.memory_space<hbm>>) target(%arg18 : memref<64x128xf32, #tpu.memory_space<vmem>>) offsets(%arg14 : memref<64xi32, #tpu.memory_space<vmem>>) semaphore(%arg32 : memref<!tpu.dma_semaphore, #tpu.memory_space<semaphore_mem>>)
      %dma_start3A_163 = arith.constant 0 : i32
      %dma_start3A_164 = arith.constant 0 : i32
      %dma_start3A_165 = tpu.memref_slice %arg3[%dma_start3A_163, %dma_start3A_164] : memref<40000x16xf32, #tpu.memory_space<hbm>> -> memref<40000x16xf32, #tpu.memory_space<hbm>>
      tpu.enqueue_indirect_dma source(%dma_start3A_165 : memref<40000x16xf32, #tpu.memory_space<hbm>>) target(%arg19 : memref<64x16xf32, #tpu.memory_space<vmem>>) offsets(%arg16 : memref<64xi32, #tpu.memory_space<vmem>>) semaphore(%arg33 : memref<!tpu.dma_semaphore, #tpu.memory_space<semaphore_mem>>)
      %dma_wait3A_166 = arith.constant 0 : i32
      %dma_wait3A_167 = arith.constant 0 : i32
      %dma_wait3A_168 = tpu.memref_slice %arg2[%dma_wait3A_166, %dma_wait3A_167] : memref<20000x128xf32, #tpu.memory_space<hbm>> -> memref<20000x128xf32, #tpu.memory_space<hbm>>
      tpu.wait_indirect_dma semaphore(%arg34 : memref<!tpu.dma_semaphore, #tpu.memory_space<semaphore_mem>>) src(%dma_wait3A_168 : memref<20000x128xf32, #tpu.memory_space<hbm>>) dst(%arg24 : memref<64x128xf32, #tpu.memory_space<vmem>>)
      %dma_wait3A_169 = arith.constant 0 : i32
      %dma_wait3A_170 = arith.constant 0 : i32
      %dma_wait3A_171 = tpu.memref_slice %arg3[%dma_wait3A_169, %dma_wait3A_170] : memref<40000x16xf32, #tpu.memory_space<hbm>> -> memref<40000x16xf32, #tpu.memory_space<hbm>>
      tpu.wait_indirect_dma semaphore(%arg35 : memref<!tpu.dma_semaphore, #tpu.memory_space<semaphore_mem>>) src(%dma_wait3A_171 : memref<40000x16xf32, #tpu.memory_space<hbm>>) dst(%arg25 : memref<64x16xf32, #tpu.memory_space<vmem>>)
      "tpu.region"() ({
        %run_scoped3A = tpu.sem_alloc : memref<!tpu.dma_semaphore, #tpu.memory_space<semaphore_mem>>
        %dma_start3A_187 = arith.constant 0 : i32
        %dma_start3A_188 = arith.constant 0 : i32
        %dma_start3A_189 = tpu.memref_slice %arg12[%dma_start3A_187, %dma_start3A_188] : memref<10240x128xf32, #tpu.memory_space<vmem_shared>> -> memref<10240x128xf32, #tpu.memory_space<vmem_shared>>
        tpu.enqueue_indirect_dma source(%arg24 : memref<64x128xf32, #tpu.memory_space<vmem>>) target(%dma_start3A_189 : memref<10240x128xf32, #tpu.memory_space<vmem_shared>>) offsets(%arg21 : memref<64xi32, #tpu.memory_space<vmem>>) semaphore(%run_scoped3A : memref<!tpu.dma_semaphore, #tpu.memory_space<semaphore_mem>>) {add = true}
        %dma_wait3A_190 = arith.constant 0 : i32
        %dma_wait3A_191 = arith.constant 0 : i32
        %dma_wait3A_192 = tpu.memref_slice %arg12[%dma_wait3A_190, %dma_wait3A_191] : memref<10240x128xf32, #tpu.memory_space<vmem_shared>> -> memref<10240x128xf32, #tpu.memory_space<vmem_shared>>
        tpu.wait_indirect_dma semaphore(%run_scoped3A : memref<!tpu.dma_semaphore, #tpu.memory_space<semaphore_mem>>) src(%arg24 : memref<64x128xf32, #tpu.memory_space<vmem>>) dst(%dma_wait3A_192 : memref<10240x128xf32, #tpu.memory_space<vmem_shared>>)
        tpu.yield
      }) : () -> ()
      "tpu.region"() ({
        %run_scoped3A = tpu.sem_alloc : memref<!tpu.dma_semaphore, #tpu.memory_space<semaphore_mem>>
        %dma_start3A_187 = arith.constant 0 : i32
        %dma_start3A_188 = arith.constant 0 : i32
        %dma_start3A_189 = tpu.memref_slice %arg13[%dma_start3A_187, %dma_start3A_188] : memref<20096x16xf32, #tpu.memory_space<vmem_shared>> -> memref<20096x16xf32, #tpu.memory_space<vmem_shared>>
        tpu.enqueue_indirect_dma source(%arg25 : memref<64x16xf32, #tpu.memory_space<vmem>>) target(%dma_start3A_189 : memref<20096x16xf32, #tpu.memory_space<vmem_shared>>) offsets(%arg23 : memref<64xi32, #tpu.memory_space<vmem>>) semaphore(%run_scoped3A : memref<!tpu.dma_semaphore, #tpu.memory_space<semaphore_mem>>) {add = true}
        %dma_wait3A_190 = arith.constant 0 : i32
        %dma_wait3A_191 = arith.constant 0 : i32
        %dma_wait3A_192 = tpu.memref_slice %arg13[%dma_wait3A_190, %dma_wait3A_191] : memref<20096x16xf32, #tpu.memory_space<vmem_shared>> -> memref<20096x16xf32, #tpu.memory_space<vmem_shared>>
        tpu.wait_indirect_dma semaphore(%run_scoped3A : memref<!tpu.dma_semaphore, #tpu.memory_space<semaphore_mem>>) src(%arg25 : memref<64x16xf32, #tpu.memory_space<vmem>>) dst(%dma_wait3A_192 : memref<20096x16xf32, #tpu.memory_space<vmem_shared>>)
        tpu.yield
      }) : () -> ()
      %add3A_172 = arith.constant 2 : i32
      %add3A_173 = arith.addi %add3A_143, %add3A_172 : i32
      %mul3A_174 = arith.constant 64 : i32
      %mul3A_175 = arith.muli %add3A_173, %mul3A_174 : i32
      %add3A_176 = arith.addi %mul3A_4, %mul3A_175 : i32
      %add3A_177 = arith.addi %mul3A_6, %add3A_176 : i32
      %dma_start3A_178 = tpu.memref_slice %arg4[%add3A_177] : memref<320000xi32, #tpu.memory_space<hbm>> -> memref<64xi32, #tpu.memory_space<hbm>>
      %dma_start3A_179 = tpu.memref_slice %arg4[%add3A_177] : memref<320000xi32, #tpu.memory_space<hbm>> -> memref<64xi32, #tpu.memory_space<hbm>>
      tpu.enqueue_dma source(%dma_start3A_179 : memref<64xi32, #tpu.memory_space<hbm>>) target(%arg20 : memref<64xi32, #tpu.memory_space<vmem>>) target_semaphore(%arg36 : memref<!tpu.dma_semaphore, #tpu.memory_space<semaphore_mem>>)
      %dma_start3A_180 = tpu.memref_slice %arg5[%add3A_176] : memref<160000xi32, #tpu.memory_space<hbm>> -> memref<64xi32, #tpu.memory_space<hbm>>
      %dma_start3A_181 = tpu.memref_slice %arg5[%add3A_176] : memref<160000xi32, #tpu.memory_space<hbm>> -> memref<64xi32, #tpu.memory_space<hbm>>
      tpu.enqueue_dma source(%dma_start3A_181 : memref<64xi32, #tpu.memory_space<hbm>>) target(%arg21 : memref<64xi32, #tpu.memory_space<vmem>>) target_semaphore(%arg37 : memref<!tpu.dma_semaphore, #tpu.memory_space<semaphore_mem>>)
      %dma_start3A_182 = tpu.memref_slice %arg6[%add3A_176] : memref<160000xi32, #tpu.memory_space<hbm>> -> memref<64xi32, #tpu.memory_space<hbm>>
      %dma_start3A_183 = tpu.memref_slice %arg6[%add3A_176] : memref<160000xi32, #tpu.memory_space<hbm>> -> memref<64xi32, #tpu.memory_space<hbm>>
      tpu.enqueue_dma source(%dma_start3A_183 : memref<64xi32, #tpu.memory_space<hbm>>) target(%arg22 : memref<64xi32, #tpu.memory_space<vmem>>) target_semaphore(%arg38 : memref<!tpu.dma_semaphore, #tpu.memory_space<semaphore_mem>>)
      %add3A_184 = arith.addi %mul3A_6, %add3A_176 : i32
      %dma_start3A_185 = tpu.memref_slice %arg7[%add3A_184] : memref<320000xi32, #tpu.memory_space<hbm>> -> memref<64xi32, #tpu.memory_space<hbm>>
      %dma_start3A_186 = tpu.memref_slice %arg7[%add3A_184] : memref<320000xi32, #tpu.memory_space<hbm>> -> memref<64xi32, #tpu.memory_space<hbm>>
      tpu.enqueue_dma source(%dma_start3A_186 : memref<64xi32, #tpu.memory_space<hbm>>) target(%arg23 : memref<64xi32, #tpu.memory_space<vmem>>) target_semaphore(%arg39 : memref<!tpu.dma_semaphore, #tpu.memory_space<semaphore_mem>>)
    }
    %scan3A_31 = arith.constant 77 : i32
    %dma_wait3A = arith.constant 0 : i32
    %dma_wait3A_32 = tpu.memref_slice %arg4[%dma_wait3A] : memref<320000xi32, #tpu.memory_space<hbm>> -> memref<64xi32, #tpu.memory_space<hbm>>
    %dma_wait3A_33 = arith.constant 0 : i32
    %dma_wait3A_34 = tpu.memref_slice %arg4[%dma_wait3A_33] : memref<320000xi32, #tpu.memory_space<hbm>> -> memref<64xi32, #tpu.memory_space<hbm>>
    tpu.wait_dma2 semaphore(%arg36 : memref<!tpu.dma_semaphore, #tpu.memory_space<semaphore_mem>>) src(%dma_wait3A_34 : memref<64xi32, #tpu.memory_space<hbm>>) dst(%arg20 : memref<64xi32, #tpu.memory_space<vmem>>)
    %dma_wait3A_35 = arith.constant 0 : i32
    %dma_wait3A_36 = tpu.memref_slice %arg5[%dma_wait3A_35] : memref<160000xi32, #tpu.memory_space<hbm>> -> memref<64xi32, #tpu.memory_space<hbm>>
    %dma_wait3A_37 = arith.constant 0 : i32
    %dma_wait3A_38 = tpu.memref_slice %arg5[%dma_wait3A_37] : memref<160000xi32, #tpu.memory_space<hbm>> -> memref<64xi32, #tpu.memory_space<hbm>>
    tpu.wait_dma2 semaphore(%arg37 : memref<!tpu.dma_semaphore, #tpu.memory_space<semaphore_mem>>) src(%dma_wait3A_38 : memref<64xi32, #tpu.memory_space<hbm>>) dst(%arg21 : memref<64xi32, #tpu.memory_space<vmem>>)
    %dma_wait3A_39 = arith.constant 0 : i32
    %dma_wait3A_40 = tpu.memref_slice %arg6[%dma_wait3A_39] : memref<160000xi32, #tpu.memory_space<hbm>> -> memref<64xi32, #tpu.memory_space<hbm>>
    %dma_wait3A_41 = arith.constant 0 : i32
    %dma_wait3A_42 = tpu.memref_slice %arg6[%dma_wait3A_41] : memref<160000xi32, #tpu.memory_space<hbm>> -> memref<64xi32, #tpu.memory_space<hbm>>
    tpu.wait_dma2 semaphore(%arg38 : memref<!tpu.dma_semaphore, #tpu.memory_space<semaphore_mem>>) src(%dma_wait3A_42 : memref<64xi32, #tpu.memory_space<hbm>>) dst(%arg22 : memref<64xi32, #tpu.memory_space<vmem>>)
    %dma_wait3A_43 = arith.constant 0 : i32
    %dma_wait3A_44 = tpu.memref_slice %arg7[%dma_wait3A_43] : memref<320000xi32, #tpu.memory_space<hbm>> -> memref<64xi32, #tpu.memory_space<hbm>>
    %dma_wait3A_45 = arith.constant 0 : i32
    %dma_wait3A_46 = tpu.memref_slice %arg7[%dma_wait3A_45] : memref<320000xi32, #tpu.memory_space<hbm>> -> memref<64xi32, #tpu.memory_space<hbm>>
    tpu.wait_dma2 semaphore(%arg39 : memref<!tpu.dma_semaphore, #tpu.memory_space<semaphore_mem>>) src(%dma_wait3A_46 : memref<64xi32, #tpu.memory_space<hbm>>) dst(%arg23 : memref<64xi32, #tpu.memory_space<vmem>>)
    %dma_start3A_47 = arith.constant 0 : i32
    %dma_start3A_48 = arith.constant 0 : i32
    %dma_start3A_49 = tpu.memref_slice %arg2[%dma_start3A_47, %dma_start3A_48] : memref<20000x128xf32, #tpu.memory_space<hbm>> -> memref<20000x128xf32, #tpu.memory_space<hbm>>
    tpu.enqueue_indirect_dma source(%dma_start3A_49 : memref<20000x128xf32, #tpu.memory_space<hbm>>) target(%arg24 : memref<64x128xf32, #tpu.memory_space<vmem>>) offsets(%arg20 : memref<64xi32, #tpu.memory_space<vmem>>) semaphore(%arg34 : memref<!tpu.dma_semaphore, #tpu.memory_space<semaphore_mem>>)
    %dma_start3A_50 = arith.constant 0 : i32
    %dma_start3A_51 = arith.constant 0 : i32
    %dma_start3A_52 = tpu.memref_slice %arg3[%dma_start3A_50, %dma_start3A_51] : memref<40000x16xf32, #tpu.memory_space<hbm>> -> memref<40000x16xf32, #tpu.memory_space<hbm>>
    tpu.enqueue_indirect_dma source(%dma_start3A_52 : memref<40000x16xf32, #tpu.memory_space<hbm>>) target(%arg25 : memref<64x16xf32, #tpu.memory_space<vmem>>) offsets(%arg22 : memref<64xi32, #tpu.memory_space<vmem>>) semaphore(%arg35 : memref<!tpu.dma_semaphore, #tpu.memory_space<semaphore_mem>>)
    %dma_wait3A_53 = arith.constant 0 : i32
    %dma_wait3A_54 = arith.constant 0 : i32
    %dma_wait3A_55 = tpu.memref_slice %arg2[%dma_wait3A_53, %dma_wait3A_54] : memref<20000x128xf32, #tpu.memory_space<hbm>> -> memref<20000x128xf32, #tpu.memory_space<hbm>>
    tpu.wait_indirect_dma semaphore(%arg32 : memref<!tpu.dma_semaphore, #tpu.memory_space<semaphore_mem>>) src(%dma_wait3A_55 : memref<20000x128xf32, #tpu.memory_space<hbm>>) dst(%arg18 : memref<64x128xf32, #tpu.memory_space<vmem>>)
    %dma_wait3A_56 = arith.constant 0 : i32
    %dma_wait3A_57 = arith.constant 0 : i32
    %dma_wait3A_58 = tpu.memref_slice %arg3[%dma_wait3A_56, %dma_wait3A_57] : memref<40000x16xf32, #tpu.memory_space<hbm>> -> memref<40000x16xf32, #tpu.memory_space<hbm>>
    tpu.wait_indirect_dma semaphore(%arg33 : memref<!tpu.dma_semaphore, #tpu.memory_space<semaphore_mem>>) src(%dma_wait3A_58 : memref<40000x16xf32, #tpu.memory_space<hbm>>) dst(%arg19 : memref<64x16xf32, #tpu.memory_space<vmem>>)
    "tpu.region"() ({
      %run_scoped3A = tpu.sem_alloc : memref<!tpu.dma_semaphore, #tpu.memory_space<semaphore_mem>>
      %dma_start3A_96 = arith.constant 0 : i32
      %dma_start3A_97 = arith.constant 0 : i32
      %dma_start3A_98 = tpu.memref_slice %arg12[%dma_start3A_96, %dma_start3A_97] : memref<10240x128xf32, #tpu.memory_space<vmem_shared>> -> memref<10240x128xf32, #tpu.memory_space<vmem_shared>>
      tpu.enqueue_indirect_dma source(%arg18 : memref<64x128xf32, #tpu.memory_space<vmem>>) target(%dma_start3A_98 : memref<10240x128xf32, #tpu.memory_space<vmem_shared>>) offsets(%arg15 : memref<64xi32, #tpu.memory_space<vmem>>) semaphore(%run_scoped3A : memref<!tpu.dma_semaphore, #tpu.memory_space<semaphore_mem>>) {add = true}
      %dma_wait3A_99 = arith.constant 0 : i32
      %dma_wait3A_100 = arith.constant 0 : i32
      %dma_wait3A_101 = tpu.memref_slice %arg12[%dma_wait3A_99, %dma_wait3A_100] : memref<10240x128xf32, #tpu.memory_space<vmem_shared>> -> memref<10240x128xf32, #tpu.memory_space<vmem_shared>>
      tpu.wait_indirect_dma semaphore(%run_scoped3A : memref<!tpu.dma_semaphore, #tpu.memory_space<semaphore_mem>>) src(%arg18 : memref<64x128xf32, #tpu.memory_space<vmem>>) dst(%dma_wait3A_101 : memref<10240x128xf32, #tpu.memory_space<vmem_shared>>)
      tpu.yield
    }) : () -> ()
    "tpu.region"() ({
      %run_scoped3A = tpu.sem_alloc : memref<!tpu.dma_semaphore, #tpu.memory_space<semaphore_mem>>
      %dma_start3A_96 = arith.constant 0 : i32
      %dma_start3A_97 = arith.constant 0 : i32
      %dma_start3A_98 = tpu.memref_slice %arg13[%dma_start3A_96, %dma_start3A_97] : memref<20096x16xf32, #tpu.memory_space<vmem_shared>> -> memref<20096x16xf32, #tpu.memory_space<vmem_shared>>
      tpu.enqueue_indirect_dma source(%arg19 : memref<64x16xf32, #tpu.memory_space<vmem>>) target(%dma_start3A_98 : memref<20096x16xf32, #tpu.memory_space<vmem_shared>>) offsets(%arg17 : memref<64xi32, #tpu.memory_space<vmem>>) semaphore(%run_scoped3A : memref<!tpu.dma_semaphore, #tpu.memory_space<semaphore_mem>>) {add = true}
      %dma_wait3A_99 = arith.constant 0 : i32
      %dma_wait3A_100 = arith.constant 0 : i32
      %dma_wait3A_101 = tpu.memref_slice %arg13[%dma_wait3A_99, %dma_wait3A_100] : memref<20096x16xf32, #tpu.memory_space<vmem_shared>> -> memref<20096x16xf32, #tpu.memory_space<vmem_shared>>
      tpu.wait_indirect_dma semaphore(%run_scoped3A : memref<!tpu.dma_semaphore, #tpu.memory_space<semaphore_mem>>) src(%arg19 : memref<64x16xf32, #tpu.memory_space<vmem>>) dst(%dma_wait3A_101 : memref<20096x16xf32, #tpu.memory_space<vmem_shared>>)
      tpu.yield
    }) : () -> ()
    %dma_wait3A_59 = arith.constant 0 : i32
    %dma_wait3A_60 = arith.constant 0 : i32
    %dma_wait3A_61 = tpu.memref_slice %arg2[%dma_wait3A_59, %dma_wait3A_60] : memref<20000x128xf32, #tpu.memory_space<hbm>> -> memref<20000x128xf32, #tpu.memory_space<hbm>>
    tpu.wait_indirect_dma semaphore(%arg34 : memref<!tpu.dma_semaphore, #tpu.memory_space<semaphore_mem>>) src(%dma_wait3A_61 : memref<20000x128xf32, #tpu.memory_space<hbm>>) dst(%arg24 : memref<64x128xf32, #tpu.memory_space<vmem>>)
    %dma_wait3A_62 = arith.constant 0 : i32
    %dma_wait3A_63 = arith.constant 0 : i32
    %dma_wait3A_64 = tpu.memref_slice %arg3[%dma_wait3A_62, %dma_wait3A_63] : memref<40000x16xf32, #tpu.memory_space<hbm>> -> memref<40000x16xf32, #tpu.memory_space<hbm>>
    tpu.wait_indirect_dma semaphore(%arg35 : memref<!tpu.dma_semaphore, #tpu.memory_space<semaphore_mem>>) src(%dma_wait3A_64 : memref<40000x16xf32, #tpu.memory_space<hbm>>) dst(%arg25 : memref<64x16xf32, #tpu.memory_space<vmem>>)
    "tpu.region"() ({
      %run_scoped3A = tpu.sem_alloc : memref<!tpu.dma_semaphore, #tpu.memory_space<semaphore_mem>>
      %dma_start3A_96 = arith.constant 0 : i32
      %dma_start3A_97 = arith.constant 0 : i32
      %dma_start3A_98 = tpu.memref_slice %arg12[%dma_start3A_96, %dma_start3A_97] : memref<10240x128xf32, #tpu.memory_space<vmem_shared>> -> memref<10240x128xf32, #tpu.memory_space<vmem_shared>>
      tpu.enqueue_indirect_dma source(%arg24 : memref<64x128xf32, #tpu.memory_space<vmem>>) target(%dma_start3A_98 : memref<10240x128xf32, #tpu.memory_space<vmem_shared>>) offsets(%arg21 : memref<64xi32, #tpu.memory_space<vmem>>) semaphore(%run_scoped3A : memref<!tpu.dma_semaphore, #tpu.memory_space<semaphore_mem>>) {add = true}
      %dma_wait3A_99 = arith.constant 0 : i32
      %dma_wait3A_100 = arith.constant 0 : i32
      %dma_wait3A_101 = tpu.memref_slice %arg12[%dma_wait3A_99, %dma_wait3A_100] : memref<10240x128xf32, #tpu.memory_space<vmem_shared>> -> memref<10240x128xf32, #tpu.memory_space<vmem_shared>>
      tpu.wait_indirect_dma semaphore(%run_scoped3A : memref<!tpu.dma_semaphore, #tpu.memory_space<semaphore_mem>>) src(%arg24 : memref<64x128xf32, #tpu.memory_space<vmem>>) dst(%dma_wait3A_101 : memref<10240x128xf32, #tpu.memory_space<vmem_shared>>)
      tpu.yield
    }) : () -> ()
    "tpu.region"() ({
      %run_scoped3A = tpu.sem_alloc : memref<!tpu.dma_semaphore, #tpu.memory_space<semaphore_mem>>
      %dma_start3A_96 = arith.constant 0 : i32
      %dma_start3A_97 = arith.constant 0 : i32
      %dma_start3A_98 = tpu.memref_slice %arg13[%dma_start3A_96, %dma_start3A_97] : memref<20096x16xf32, #tpu.memory_space<vmem_shared>> -> memref<20096x16xf32, #tpu.memory_space<vmem_shared>>
      tpu.enqueue_indirect_dma source(%arg25 : memref<64x16xf32, #tpu.memory_space<vmem>>) target(%dma_start3A_98 : memref<20096x16xf32, #tpu.memory_space<vmem_shared>>) offsets(%arg23 : memref<64xi32, #tpu.memory_space<vmem>>) semaphore(%run_scoped3A : memref<!tpu.dma_semaphore, #tpu.memory_space<semaphore_mem>>) {add = true}
      %dma_wait3A_99 = arith.constant 0 : i32
      %dma_wait3A_100 = arith.constant 0 : i32
      %dma_wait3A_101 = tpu.memref_slice %arg13[%dma_wait3A_99, %dma_wait3A_100] : memref<20096x16xf32, #tpu.memory_space<vmem_shared>> -> memref<20096x16xf32, #tpu.memory_space<vmem_shared>>
      tpu.wait_indirect_dma semaphore(%run_scoped3A : memref<!tpu.dma_semaphore, #tpu.memory_space<semaphore_mem>>) src(%arg25 : memref<64x16xf32, #tpu.memory_space<vmem>>) dst(%dma_wait3A_101 : memref<20096x16xf32, #tpu.memory_space<vmem_shared>>)
      tpu.yield
    }) : () -> ()
    %add3A_65 = arith.constant 9984 : i32
    %add3A_66 = arith.addi %mul3A_4, %add3A_65 : i32
    %add3A_67 = arith.addi %mul3A_6, %add3A_66 : i32
    "tpu.region"() ({
      %run_scoped3A = tpu.sem_alloc : memref<!tpu.dma_semaphore, #tpu.memory_space<semaphore_mem>>
      %dma_start3A_96 = tpu.memref_slice %arg4[%add3A_67] : memref<320000xi32, #tpu.memory_space<hbm>> -> memref<16xi32, #tpu.memory_space<hbm>>
      %dma_start3A_97 = tpu.memref_slice %arg4[%add3A_67] : memref<320000xi32, #tpu.memory_space<hbm>> -> memref<16xi32, #tpu.memory_space<hbm>>
      tpu.enqueue_dma source(%dma_start3A_97 : memref<16xi32, #tpu.memory_space<hbm>>) target(%arg26 : memref<16xi32, #tpu.memory_space<vmem>>) target_semaphore(%run_scoped3A : memref<!tpu.dma_semaphore, #tpu.memory_space<semaphore_mem>>)
      %dma_wait3A_98 = tpu.memref_slice %arg4[%add3A_67] : memref<320000xi32, #tpu.memory_space<hbm>> -> memref<16xi32, #tpu.memory_space<hbm>>
      %dma_wait3A_99 = tpu.memref_slice %arg4[%add3A_67] : memref<320000xi32, #tpu.memory_space<hbm>> -> memref<16xi32, #tpu.memory_space<hbm>>
      tpu.wait_dma2 semaphore(%run_scoped3A : memref<!tpu.dma_semaphore, #tpu.memory_space<semaphore_mem>>) src(%dma_wait3A_99 : memref<16xi32, #tpu.memory_space<hbm>>) dst(%arg26 : memref<16xi32, #tpu.memory_space<vmem>>)
      tpu.yield
    }) : () -> ()
    "tpu.region"() ({
      %run_scoped3A = tpu.sem_alloc : memref<!tpu.dma_semaphore, #tpu.memory_space<semaphore_mem>>
      %dma_start3A_96 = tpu.memref_slice %arg5[%add3A_66] : memref<160000xi32, #tpu.memory_space<hbm>> -> memref<16xi32, #tpu.memory_space<hbm>>
      %dma_start3A_97 = tpu.memref_slice %arg5[%add3A_66] : memref<160000xi32, #tpu.memory_space<hbm>> -> memref<16xi32, #tpu.memory_space<hbm>>
      tpu.enqueue_dma source(%dma_start3A_97 : memref<16xi32, #tpu.memory_space<hbm>>) target(%arg27 : memref<16xi32, #tpu.memory_space<vmem>>) target_semaphore(%run_scoped3A : memref<!tpu.dma_semaphore, #tpu.memory_space<semaphore_mem>>)
      %dma_wait3A_98 = tpu.memref_slice %arg5[%add3A_66] : memref<160000xi32, #tpu.memory_space<hbm>> -> memref<16xi32, #tpu.memory_space<hbm>>
      %dma_wait3A_99 = tpu.memref_slice %arg5[%add3A_66] : memref<160000xi32, #tpu.memory_space<hbm>> -> memref<16xi32, #tpu.memory_space<hbm>>
      tpu.wait_dma2 semaphore(%run_scoped3A : memref<!tpu.dma_semaphore, #tpu.memory_space<semaphore_mem>>) src(%dma_wait3A_99 : memref<16xi32, #tpu.memory_space<hbm>>) dst(%arg27 : memref<16xi32, #tpu.memory_space<vmem>>)
      tpu.yield
    }) : () -> ()
    "tpu.region"() ({
      %run_scoped3A = tpu.sem_alloc : memref<!tpu.dma_semaphore, #tpu.memory_space<semaphore_mem>>
      %dma_start3A_96 = tpu.memref_slice %arg6[%add3A_66] : memref<160000xi32, #tpu.memory_space<hbm>> -> memref<16xi32, #tpu.memory_space<hbm>>
      %dma_start3A_97 = tpu.memref_slice %arg6[%add3A_66] : memref<160000xi32, #tpu.memory_space<hbm>> -> memref<16xi32, #tpu.memory_space<hbm>>
      tpu.enqueue_dma source(%dma_start3A_97 : memref<16xi32, #tpu.memory_space<hbm>>) target(%arg28 : memref<16xi32, #tpu.memory_space<vmem>>) target_semaphore(%run_scoped3A : memref<!tpu.dma_semaphore, #tpu.memory_space<semaphore_mem>>)
      %dma_wait3A_98 = tpu.memref_slice %arg6[%add3A_66] : memref<160000xi32, #tpu.memory_space<hbm>> -> memref<16xi32, #tpu.memory_space<hbm>>
      %dma_wait3A_99 = tpu.memref_slice %arg6[%add3A_66] : memref<160000xi32, #tpu.memory_space<hbm>> -> memref<16xi32, #tpu.memory_space<hbm>>
      tpu.wait_dma2 semaphore(%run_scoped3A : memref<!tpu.dma_semaphore, #tpu.memory_space<semaphore_mem>>) src(%dma_wait3A_99 : memref<16xi32, #tpu.memory_space<hbm>>) dst(%arg28 : memref<16xi32, #tpu.memory_space<vmem>>)
      tpu.yield
    }) : () -> ()
    %add3A_68 = arith.addi %mul3A_6, %add3A_66 : i32
    "tpu.region"() ({
      %run_scoped3A = tpu.sem_alloc : memref<!tpu.dma_semaphore, #tpu.memory_space<semaphore_mem>>
      %dma_start3A_96 = tpu.memref_slice %arg7[%add3A_68] : memref<320000xi32, #tpu.memory_space<hbm>> -> memref<16xi32, #tpu.memory_space<hbm>>
      %dma_start3A_97 = tpu.memref_slice %arg7[%add3A_68] : memref<320000xi32, #tpu.memory_space<hbm>> -> memref<16xi32, #tpu.memory_space<hbm>>
      tpu.enqueue_dma source(%dma_start3A_97 : memref<16xi32, #tpu.memory_space<hbm>>) target(%arg29 : memref<16xi32, #tpu.memory_space<vmem>>) target_semaphore(%run_scoped3A : memref<!tpu.dma_semaphore, #tpu.memory_space<semaphore_mem>>)
      %dma_wait3A_98 = tpu.memref_slice %arg7[%add3A_68] : memref<320000xi32, #tpu.memory_space<hbm>> -> memref<16xi32, #tpu.memory_space<hbm>>
      %dma_wait3A_99 = tpu.memref_slice %arg7[%add3A_68] : memref<320000xi32, #tpu.memory_space<hbm>> -> memref<16xi32, #tpu.memory_space<hbm>>
      tpu.wait_dma2 semaphore(%run_scoped3A : memref<!tpu.dma_semaphore, #tpu.memory_space<semaphore_mem>>) src(%dma_wait3A_99 : memref<16xi32, #tpu.memory_space<hbm>>) dst(%arg29 : memref<16xi32, #tpu.memory_space<vmem>>)
      tpu.yield
    }) : () -> ()
    %dma_start3A_69 = arith.constant 0 : i32
    %dma_start3A_70 = arith.constant 0 : i32
    %dma_start3A_71 = tpu.memref_slice %arg2[%dma_start3A_69, %dma_start3A_70] : memref<20000x128xf32, #tpu.memory_space<hbm>> -> memref<20000x128xf32, #tpu.memory_space<hbm>>
    tpu.enqueue_indirect_dma source(%dma_start3A_71 : memref<20000x128xf32, #tpu.memory_space<hbm>>) target(%arg30 : memref<16x128xf32, #tpu.memory_space<vmem>>) offsets(%arg26 : memref<16xi32, #tpu.memory_space<vmem>>) semaphore(%arg40 : memref<!tpu.dma_semaphore, #tpu.memory_space<semaphore_mem>>)
    %dma_wait3A_72 = arith.constant 0 : i32
    %dma_wait3A_73 = arith.constant 0 : i32
    %dma_wait3A_74 = tpu.memref_slice %arg2[%dma_wait3A_72, %dma_wait3A_73] : memref<20000x128xf32, #tpu.memory_space<hbm>> -> memref<20000x128xf32, #tpu.memory_space<hbm>>
    tpu.wait_indirect_dma semaphore(%arg40 : memref<!tpu.dma_semaphore, #tpu.memory_space<semaphore_mem>>) src(%dma_wait3A_74 : memref<20000x128xf32, #tpu.memory_space<hbm>>) dst(%arg30 : memref<16x128xf32, #tpu.memory_space<vmem>>)
    "tpu.region"() ({
      %run_scoped3A = tpu.sem_alloc : memref<!tpu.dma_semaphore, #tpu.memory_space<semaphore_mem>>
      %dma_start3A_96 = arith.constant 0 : i32
      %dma_start3A_97 = arith.constant 0 : i32
      %dma_start3A_98 = tpu.memref_slice %arg12[%dma_start3A_96, %dma_start3A_97] : memref<10240x128xf32, #tpu.memory_space<vmem_shared>> -> memref<10240x128xf32, #tpu.memory_space<vmem_shared>>
      tpu.enqueue_indirect_dma source(%arg30 : memref<16x128xf32, #tpu.memory_space<vmem>>) target(%dma_start3A_98 : memref<10240x128xf32, #tpu.memory_space<vmem_shared>>) offsets(%arg27 : memref<16xi32, #tpu.memory_space<vmem>>) semaphore(%run_scoped3A : memref<!tpu.dma_semaphore, #tpu.memory_space<semaphore_mem>>) {add = true}
      %dma_wait3A_99 = arith.constant 0 : i32
      %dma_wait3A_100 = arith.constant 0 : i32
      %dma_wait3A_101 = tpu.memref_slice %arg12[%dma_wait3A_99, %dma_wait3A_100] : memref<10240x128xf32, #tpu.memory_space<vmem_shared>> -> memref<10240x128xf32, #tpu.memory_space<vmem_shared>>
      tpu.wait_indirect_dma semaphore(%run_scoped3A : memref<!tpu.dma_semaphore, #tpu.memory_space<semaphore_mem>>) src(%arg30 : memref<16x128xf32, #tpu.memory_space<vmem>>) dst(%dma_wait3A_101 : memref<10240x128xf32, #tpu.memory_space<vmem_shared>>)
      tpu.yield
    }) : () -> ()
    %dma_start3A_75 = arith.constant 0 : i32
    %dma_start3A_76 = arith.constant 0 : i32
    %dma_start3A_77 = tpu.memref_slice %arg3[%dma_start3A_75, %dma_start3A_76] : memref<40000x16xf32, #tpu.memory_space<hbm>> -> memref<40000x16xf32, #tpu.memory_space<hbm>>
    tpu.enqueue_indirect_dma source(%dma_start3A_77 : memref<40000x16xf32, #tpu.memory_space<hbm>>) target(%arg31 : memref<16x16xf32, #tpu.memory_space<vmem>>) offsets(%arg28 : memref<16xi32, #tpu.memory_space<vmem>>) semaphore(%arg40 : memref<!tpu.dma_semaphore, #tpu.memory_space<semaphore_mem>>)
    %dma_wait3A_78 = arith.constant 0 : i32
    %dma_wait3A_79 = arith.constant 0 : i32
    %dma_wait3A_80 = tpu.memref_slice %arg3[%dma_wait3A_78, %dma_wait3A_79] : memref<40000x16xf32, #tpu.memory_space<hbm>> -> memref<40000x16xf32, #tpu.memory_space<hbm>>
    tpu.wait_indirect_dma semaphore(%arg40 : memref<!tpu.dma_semaphore, #tpu.memory_space<semaphore_mem>>) src(%dma_wait3A_80 : memref<40000x16xf32, #tpu.memory_space<hbm>>) dst(%arg31 : memref<16x16xf32, #tpu.memory_space<vmem>>)
    "tpu.region"() ({
      %run_scoped3A = tpu.sem_alloc : memref<!tpu.dma_semaphore, #tpu.memory_space<semaphore_mem>>
      %dma_start3A_96 = arith.constant 0 : i32
      %dma_start3A_97 = arith.constant 0 : i32
      %dma_start3A_98 = tpu.memref_slice %arg13[%dma_start3A_96, %dma_start3A_97] : memref<20096x16xf32, #tpu.memory_space<vmem_shared>> -> memref<20096x16xf32, #tpu.memory_space<vmem_shared>>
      tpu.enqueue_indirect_dma source(%arg31 : memref<16x16xf32, #tpu.memory_space<vmem>>) target(%dma_start3A_98 : memref<20096x16xf32, #tpu.memory_space<vmem_shared>>) offsets(%arg29 : memref<16xi32, #tpu.memory_space<vmem>>) semaphore(%run_scoped3A : memref<!tpu.dma_semaphore, #tpu.memory_space<semaphore_mem>>) {add = true}
      %dma_wait3A_99 = arith.constant 0 : i32
      %dma_wait3A_100 = arith.constant 0 : i32
      %dma_wait3A_101 = tpu.memref_slice %arg13[%dma_wait3A_99, %dma_wait3A_100] : memref<20096x16xf32, #tpu.memory_space<vmem_shared>> -> memref<20096x16xf32, #tpu.memory_space<vmem_shared>>
      tpu.wait_indirect_dma semaphore(%run_scoped3A : memref<!tpu.dma_semaphore, #tpu.memory_space<semaphore_mem>>) src(%arg31 : memref<16x16xf32, #tpu.memory_space<vmem>>) dst(%dma_wait3A_101 : memref<20096x16xf32, #tpu.memory_space<vmem_shared>>)
      tpu.yield
    }) : () -> ()
    %barrier3A_81 = arith.constant 0 : index
    tpu.barrier barrier_id(%barrier3A_81)
    %mul3A_82 = arith.constant 640 : i32
    %mul3A_83 = arith.muli %arg1, %mul3A_82 : i32
    %mul3A_84 = arith.constant 10240 : i32
    %mul3A_85 = arith.muli %arg0, %mul3A_84 : i32
    %mul3A_86 = arith.constant 640 : i32
    %mul3A_87 = arith.muli %arg1, %mul3A_86 : i32
    %add3A_88 = arith.addi %mul3A_85, %mul3A_87 : i32
    "tpu.region"() ({
      %run_scoped3A = tpu.sem_alloc : memref<!tpu.dma_semaphore, #tpu.memory_space<semaphore_mem>>
      %dma_start3A_96 = arith.constant 0 : i32
      %dma_start3A_97 = tpu.memref_slice %arg10[%add3A_88, %dma_start3A_96] : memref<20480x128xf32, #tpu.memory_space<hbm>> -> memref<640x128xf32, #tpu.memory_space<hbm>>
      %dma_start3A_98 = arith.constant 0 : i32
      %dma_start3A_99 = tpu.memref_slice %arg12[%mul3A_83, %dma_start3A_98] : memref<10240x128xf32, #tpu.memory_space<vmem_shared>> -> memref<640x128xf32, #tpu.memory_space<vmem_shared>>
      tpu.enqueue_dma source(%dma_start3A_99 : memref<640x128xf32, #tpu.memory_space<vmem_shared>>) target(%dma_start3A_97 : memref<640x128xf32, #tpu.memory_space<hbm>>) target_semaphore(%run_scoped3A : memref<!tpu.dma_semaphore, #tpu.memory_space<semaphore_mem>>)
      %dma_wait3A_100 = arith.constant 0 : i32
      %dma_wait3A_101 = tpu.memref_slice %arg10[%add3A_88, %dma_wait3A_100] : memref<20480x128xf32, #tpu.memory_space<hbm>> -> memref<640x128xf32, #tpu.memory_space<hbm>>
      %dma_wait3A_102 = arith.constant 0 : i32
      %dma_wait3A_103 = tpu.memref_slice %arg12[%mul3A_83, %dma_wait3A_102] : memref<10240x128xf32, #tpu.memory_space<vmem_shared>> -> memref<640x128xf32, #tpu.memory_space<vmem_shared>>
      tpu.wait_dma2 semaphore(%run_scoped3A : memref<!tpu.dma_semaphore, #tpu.memory_space<semaphore_mem>>) src(%dma_wait3A_103 : memref<640x128xf32, #tpu.memory_space<vmem_shared>>) dst(%dma_wait3A_101 : memref<640x128xf32, #tpu.memory_space<hbm>>)
      tpu.yield
    }) : () -> ()
    %mul3A_89 = arith.constant 1256 : i32
    %mul3A_90 = arith.muli %arg1, %mul3A_89 : i32
    %mul3A_91 = arith.constant 20096 : i32
    %mul3A_92 = arith.muli %arg0, %mul3A_91 : i32
    %mul3A_93 = arith.constant 1256 : i32
    %mul3A_94 = arith.muli %arg1, %mul3A_93 : i32
    %add3A_95 = arith.addi %mul3A_92, %mul3A_94 : i32
    "tpu.region"() ({
      %run_scoped3A = tpu.sem_alloc : memref<!tpu.dma_semaphore, #tpu.memory_space<semaphore_mem>>
      %dma_start3A_96 = arith.constant 0 : i32
      %dma_start3A_97 = tpu.memref_slice %arg11[%add3A_95, %dma_start3A_96] : memref<40192x16xf32, #tpu.memory_space<hbm>> -> memref<1256x16xf32, #tpu.memory_space<hbm>>
      %dma_start3A_98 = arith.constant 0 : i32
      %dma_start3A_99 = tpu.memref_slice %arg13[%mul3A_90, %dma_start3A_98] : memref<20096x16xf32, #tpu.memory_space<vmem_shared>> -> memref<1256x16xf32, #tpu.memory_space<vmem_shared>>
      tpu.enqueue_dma source(%dma_start3A_99 : memref<1256x16xf32, #tpu.memory_space<vmem_shared>>) target(%dma_start3A_97 : memref<1256x16xf32, #tpu.memory_space<hbm>>) target_semaphore(%run_scoped3A : memref<!tpu.dma_semaphore, #tpu.memory_space<semaphore_mem>>)
      %dma_wait3A_100 = arith.constant 0 : i32
      %dma_wait3A_101 = tpu.memref_slice %arg11[%add3A_95, %dma_wait3A_100] : memref<40192x16xf32, #tpu.memory_space<hbm>> -> memref<1256x16xf32, #tpu.memory_space<hbm>>
      %dma_wait3A_102 = arith.constant 0 : i32
      %dma_wait3A_103 = tpu.memref_slice %arg13[%mul3A_90, %dma_wait3A_102] : memref<20096x16xf32, #tpu.memory_space<vmem_shared>> -> memref<1256x16xf32, #tpu.memory_space<vmem_shared>>
      tpu.wait_dma2 semaphore(%run_scoped3A : memref<!tpu.dma_semaphore, #tpu.memory_space<semaphore_mem>>) src(%dma_wait3A_103 : memref<1256x16xf32, #tpu.memory_space<vmem_shared>>) dst(%dma_wait3A_101 : memref<1256x16xf32, #tpu.memory_space<hbm>>)
      tpu.yield
    }) : () -> ()
    return
  }
}

#map = affine_map<(d0, d1) -> (0, 0)>
#map1 = affine_map<(d0, d1) -> (0)>
module attributes {stable_mosaic.version = 14 : i64} {
  func.func @_layer_body(%arg0: i32, %arg1: i32, %arg2: memref<20000x128xf32, #tpu.memory_space<hbm>>, %arg3: memref<40000x16xf32, #tpu.memory_space<hbm>>, %arg4: memref<320000xi32, #tpu.memory_space<hbm>>, %arg5: memref<160000xi32, #tpu.memory_space<hbm>>, %arg6: memref<160000xi32, #tpu.memory_space<hbm>>, %arg7: memref<320000xi32, #tpu.memory_space<hbm>>, %arg8: memref<640x128xf32, #tpu.memory_space<hbm>>, %arg9: memref<1256x16xf32, #tpu.memory_space<hbm>>, %arg10: memref<20480x128xf32, #tpu.memory_space<hbm>>, %arg11: memref<40192x16xf32, #tpu.memory_space<hbm>>, %arg12: memref<10240x128xf32, #tpu.memory_space<vmem_shared>>, %arg13: memref<20096x16xf32, #tpu.memory_space<vmem_shared>>, %arg14: memref<64xi32, #tpu.memory_space<vmem>>, %arg15: memref<64xi32, #tpu.memory_space<vmem>>, %arg16: memref<64xi32, #tpu.memory_space<vmem>>, %arg17: memref<64xi32, #tpu.memory_space<vmem>>, %arg18: memref<64x128xf32, #tpu.memory_space<vmem>>, %arg19: memref<64x16xf32, #tpu.memory_space<vmem>>, %arg20: memref<64xi32, #tpu.memory_space<vmem>>, %arg21: memref<64xi32, #tpu.memory_space<vmem>>, %arg22: memref<64xi32, #tpu.memory_space<vmem>>, %arg23: memref<64xi32, #tpu.memory_space<vmem>>, %arg24: memref<64x128xf32, #tpu.memory_space<vmem>>, %arg25: memref<64x16xf32, #tpu.memory_space<vmem>>, %arg26: memref<16xi32, #tpu.memory_space<vmem>>, %arg27: memref<16xi32, #tpu.memory_space<vmem>>, %arg28: memref<16xi32, #tpu.memory_space<vmem>>, %arg29: memref<16xi32, #tpu.memory_space<vmem>>, %arg30: memref<16x128xf32, #tpu.memory_space<vmem>>, %arg31: memref<16x16xf32, #tpu.memory_space<vmem>>, %arg32: memref<!tpu.dma_semaphore, #tpu.memory_space<semaphore_mem>>, %arg33: memref<!tpu.dma_semaphore, #tpu.memory_space<semaphore_mem>>, %arg34: memref<!tpu.dma_semaphore, #tpu.memory_space<semaphore_mem>>, %arg35: memref<!tpu.dma_semaphore, #tpu.memory_space<semaphore_mem>>, %arg36: memref<!tpu.dma_semaphore, #tpu.memory_space<semaphore_mem>>, %arg37: memref<!tpu.dma_semaphore, #tpu.memory_space<semaphore_mem>>, %arg38: memref<!tpu.dma_semaphore, #tpu.memory_space<semaphore_mem>>, %arg39: memref<!tpu.dma_semaphore, #tpu.memory_space<semaphore_mem>>, %arg40: memref<!tpu.dma_semaphore, #tpu.memory_space<semaphore_mem>>) attributes {dimension_semantics = [#tpu.dimension_semantics<core_parallel>, #tpu.dimension_semantics<subcore_parallel>], iteration_bounds = array<i64: 2, 16>, scalar_prefetch = 0 : i64, scratch_operands = 29 : i64, tpu.core_type = #tpu.core_type<sc_vector_subcore>, window_params = [{transform_indices = #map}, {transform_indices = #map}, {transform_indices = #map1}, {transform_indices = #map1}, {transform_indices = #map1}, {transform_indices = #map1}, {transform_indices = #map}, {transform_indices = #map}, {transform_indices = #map}, {transform_indices = #map}]} {
    %mul3A = arith.constant 640 : i32
    %mul3A_0 = arith.muli %arg1, %mul3A : i32
    "tpu.region"() ({
      %run_scoped3A = tpu.sem_alloc : memref<!tpu.dma_semaphore, #tpu.memory_space<semaphore_mem>>
      %dma_start3A_96 = arith.constant 0 : i32
      %dma_start3A_97 = tpu.memref_slice %arg12[%mul3A_0, %dma_start3A_96] : memref<10240x128xf32, #tpu.memory_space<vmem_shared>> -> memref<640x128xf32, #tpu.memory_space<vmem_shared>>
      tpu.enqueue_dma source(%arg8 : memref<640x128xf32, #tpu.memory_space<hbm>>) target(%dma_start3A_97 : memref<640x128xf32, #tpu.memory_space<vmem_shared>>) target_semaphore(%run_scoped3A : memref<!tpu.dma_semaphore, #tpu.memory_space<semaphore_mem>>)
      %dma_wait3A_98 = arith.constant 0 : i32
      %dma_wait3A_99 = tpu.memref_slice %arg12[%mul3A_0, %dma_wait3A_98] : memref<10240x128xf32, #tpu.memory_space<vmem_shared>> -> memref<640x128xf32, #tpu.memory_space<vmem_shared>>
      tpu.wait_dma2 semaphore(%run_scoped3A : memref<!tpu.dma_semaphore, #tpu.memory_space<semaphore_mem>>) src(%arg8 : memref<640x128xf32, #tpu.memory_space<hbm>>) dst(%dma_wait3A_99 : memref<640x128xf32, #tpu.memory_space<vmem_shared>>)
      tpu.yield
    }) : () -> ()
    %mul3A_1 = arith.constant 1256 : i32
    %mul3A_2 = arith.muli %arg1, %mul3A_1 : i32
    "tpu.region"() ({
      %run_scoped3A = tpu.sem_alloc : memref<!tpu.dma_semaphore, #tpu.memory_space<semaphore_mem>>
      %dma_start3A_96 = arith.constant 0 : i32
      %dma_start3A_97 = tpu.memref_slice %arg13[%mul3A_2, %dma_start3A_96] : memref<20096x16xf32, #tpu.memory_space<vmem_shared>> -> memref<1256x16xf32, #tpu.memory_space<vmem_shared>>
      tpu.enqueue_dma source(%arg9 : memref<1256x16xf32, #tpu.memory_space<hbm>>) target(%dma_start3A_97 : memref<1256x16xf32, #tpu.memory_space<vmem_shared>>) target_semaphore(%run_scoped3A : memref<!tpu.dma_semaphore, #tpu.memory_space<semaphore_mem>>)
      %dma_wait3A_98 = arith.constant 0 : i32
      %dma_wait3A_99 = tpu.memref_slice %arg13[%mul3A_2, %dma_wait3A_98] : memref<20096x16xf32, #tpu.memory_space<vmem_shared>> -> memref<1256x16xf32, #tpu.memory_space<vmem_shared>>
      tpu.wait_dma2 semaphore(%run_scoped3A : memref<!tpu.dma_semaphore, #tpu.memory_space<semaphore_mem>>) src(%arg9 : memref<1256x16xf32, #tpu.memory_space<hbm>>) dst(%dma_wait3A_99 : memref<1256x16xf32, #tpu.memory_space<vmem_shared>>)
      tpu.yield
    }) : () -> ()
    %barrier3A = arith.constant 0 : index
    tpu.barrier barrier_id(%barrier3A)
    %mul3A_3 = arith.constant 10000 : i32
    %mul3A_4 = arith.muli %arg1, %mul3A_3 : i32
    %mul3A_5 = arith.constant 160000 : i32
    %mul3A_6 = arith.muli %arg0, %mul3A_5 : i32
    %add3A = arith.constant 0 : i32
    %add3A_7 = arith.addi %mul3A_4, %add3A : i32
    %add3A_8 = arith.addi %mul3A_6, %add3A_7 : i32
    "tpu.region"() ({
      %run_scoped3A = tpu.sem_alloc : memref<!tpu.dma_semaphore, #tpu.memory_space<semaphore_mem>>
      %dma_start3A_96 = tpu.memref_slice %arg4[%add3A_8] : memref<320000xi32, #tpu.memory_space<hbm>> -> memref<64xi32, #tpu.memory_space<hbm>>
      %dma_start3A_97 = tpu.memref_slice %arg4[%add3A_8] : memref<320000xi32, #tpu.memory_space<hbm>> -> memref<64xi32, #tpu.memory_space<hbm>>
      tpu.enqueue_dma source(%dma_start3A_97 : memref<64xi32, #tpu.memory_space<hbm>>) target(%arg14 : memref<64xi32, #tpu.memory_space<vmem>>) target_semaphore(%run_scoped3A : memref<!tpu.dma_semaphore, #tpu.memory_space<semaphore_mem>>)
      %dma_wait3A_98 = tpu.memref_slice %arg4[%add3A_8] : memref<320000xi32, #tpu.memory_space<hbm>> -> memref<64xi32, #tpu.memory_space<hbm>>
      %dma_wait3A_99 = tpu.memref_slice %arg4[%add3A_8] : memref<320000xi32, #tpu.memory_space<hbm>> -> memref<64xi32, #tpu.memory_space<hbm>>
      tpu.wait_dma2 semaphore(%run_scoped3A : memref<!tpu.dma_semaphore, #tpu.memory_space<semaphore_mem>>) src(%dma_wait3A_99 : memref<64xi32, #tpu.memory_space<hbm>>) dst(%arg14 : memref<64xi32, #tpu.memory_space<vmem>>)
      tpu.yield
    }) : () -> ()
    "tpu.region"() ({
      %run_scoped3A = tpu.sem_alloc : memref<!tpu.dma_semaphore, #tpu.memory_space<semaphore_mem>>
      %dma_start3A_96 = tpu.memref_slice %arg5[%add3A_7] : memref<160000xi32, #tpu.memory_space<hbm>> -> memref<64xi32, #tpu.memory_space<hbm>>
      %dma_start3A_97 = tpu.memref_slice %arg5[%add3A_7] : memref<160000xi32, #tpu.memory_space<hbm>> -> memref<64xi32, #tpu.memory_space<hbm>>
      tpu.enqueue_dma source(%dma_start3A_97 : memref<64xi32, #tpu.memory_space<hbm>>) target(%arg15 : memref<64xi32, #tpu.memory_space<vmem>>) target_semaphore(%run_scoped3A : memref<!tpu.dma_semaphore, #tpu.memory_space<semaphore_mem>>)
      %dma_wait3A_98 = tpu.memref_slice %arg5[%add3A_7] : memref<160000xi32, #tpu.memory_space<hbm>> -> memref<64xi32, #tpu.memory_space<hbm>>
      %dma_wait3A_99 = tpu.memref_slice %arg5[%add3A_7] : memref<160000xi32, #tpu.memory_space<hbm>> -> memref<64xi32, #tpu.memory_space<hbm>>
      tpu.wait_dma2 semaphore(%run_scoped3A : memref<!tpu.dma_semaphore, #tpu.memory_space<semaphore_mem>>) src(%dma_wait3A_99 : memref<64xi32, #tpu.memory_space<hbm>>) dst(%arg15 : memref<64xi32, #tpu.memory_space<vmem>>)
      tpu.yield
    }) : () -> ()
    "tpu.region"() ({
      %run_scoped3A = tpu.sem_alloc : memref<!tpu.dma_semaphore, #tpu.memory_space<semaphore_mem>>
      %dma_start3A_96 = tpu.memref_slice %arg6[%add3A_7] : memref<160000xi32, #tpu.memory_space<hbm>> -> memref<64xi32, #tpu.memory_space<hbm>>
      %dma_start3A_97 = tpu.memref_slice %arg6[%add3A_7] : memref<160000xi32, #tpu.memory_space<hbm>> -> memref<64xi32, #tpu.memory_space<hbm>>
      tpu.enqueue_dma source(%dma_start3A_97 : memref<64xi32, #tpu.memory_space<hbm>>) target(%arg16 : memref<64xi32, #tpu.memory_space<vmem>>) target_semaphore(%run_scoped3A : memref<!tpu.dma_semaphore, #tpu.memory_space<semaphore_mem>>)
      %dma_wait3A_98 = tpu.memref_slice %arg6[%add3A_7] : memref<160000xi32, #tpu.memory_space<hbm>> -> memref<64xi32, #tpu.memory_space<hbm>>
      %dma_wait3A_99 = tpu.memref_slice %arg6[%add3A_7] : memref<160000xi32, #tpu.memory_space<hbm>> -> memref<64xi32, #tpu.memory_space<hbm>>
      tpu.wait_dma2 semaphore(%run_scoped3A : memref<!tpu.dma_semaphore, #tpu.memory_space<semaphore_mem>>) src(%dma_wait3A_99 : memref<64xi32, #tpu.memory_space<hbm>>) dst(%arg16 : memref<64xi32, #tpu.memory_space<vmem>>)
      tpu.yield
    }) : () -> ()
    %add3A_9 = arith.addi %mul3A_6, %add3A_7 : i32
    "tpu.region"() ({
      %run_scoped3A = tpu.sem_alloc : memref<!tpu.dma_semaphore, #tpu.memory_space<semaphore_mem>>
      %dma_start3A_96 = tpu.memref_slice %arg7[%add3A_9] : memref<320000xi32, #tpu.memory_space<hbm>> -> memref<64xi32, #tpu.memory_space<hbm>>
      %dma_start3A_97 = tpu.memref_slice %arg7[%add3A_9] : memref<320000xi32, #tpu.memory_space<hbm>> -> memref<64xi32, #tpu.memory_space<hbm>>
      tpu.enqueue_dma source(%dma_start3A_97 : memref<64xi32, #tpu.memory_space<hbm>>) target(%arg17 : memref<64xi32, #tpu.memory_space<vmem>>) target_semaphore(%run_scoped3A : memref<!tpu.dma_semaphore, #tpu.memory_space<semaphore_mem>>)
      %dma_wait3A_98 = tpu.memref_slice %arg7[%add3A_9] : memref<320000xi32, #tpu.memory_space<hbm>> -> memref<64xi32, #tpu.memory_space<hbm>>
      %dma_wait3A_99 = tpu.memref_slice %arg7[%add3A_9] : memref<320000xi32, #tpu.memory_space<hbm>> -> memref<64xi32, #tpu.memory_space<hbm>>
      tpu.wait_dma2 semaphore(%run_scoped3A : memref<!tpu.dma_semaphore, #tpu.memory_space<semaphore_mem>>) src(%dma_wait3A_99 : memref<64xi32, #tpu.memory_space<hbm>>) dst(%arg17 : memref<64xi32, #tpu.memory_space<vmem>>)
      tpu.yield
    }) : () -> ()
    %dma_start3A = arith.constant 0 : i32
    %dma_start3A_10 = arith.constant 0 : i32
    %dma_start3A_11 = tpu.memref_slice %arg2[%dma_start3A, %dma_start3A_10] : memref<20000x128xf32, #tpu.memory_space<hbm>> -> memref<20000x128xf32, #tpu.memory_space<hbm>>
    tpu.enqueue_indirect_dma source(%dma_start3A_11 : memref<20000x128xf32, #tpu.memory_space<hbm>>) target(%arg18 : memref<64x128xf32, #tpu.memory_space<vmem>>) offsets(%arg14 : memref<64xi32, #tpu.memory_space<vmem>>) semaphore(%arg32 : memref<!tpu.dma_semaphore, #tpu.memory_space<semaphore_mem>>)
    %dma_start3A_12 = arith.constant 0 : i32
    %dma_start3A_13 = arith.constant 0 : i32
    %dma_start3A_14 = tpu.memref_slice %arg3[%dma_start3A_12, %dma_start3A_13] : memref<40000x16xf32, #tpu.memory_space<hbm>> -> memref<40000x16xf32, #tpu.memory_space<hbm>>
    tpu.enqueue_indirect_dma source(%dma_start3A_14 : memref<40000x16xf32, #tpu.memory_space<hbm>>) target(%arg19 : memref<64x16xf32, #tpu.memory_space<vmem>>) offsets(%arg16 : memref<64xi32, #tpu.memory_space<vmem>>) semaphore(%arg33 : memref<!tpu.dma_semaphore, #tpu.memory_space<semaphore_mem>>)
    %add3A_15 = arith.constant 64 : i32
    %add3A_16 = arith.addi %mul3A_4, %add3A_15 : i32
    %add3A_17 = arith.addi %mul3A_6, %add3A_16 : i32
    %dma_start3A_18 = tpu.memref_slice %arg4[%add3A_17] : memref<320000xi32, #tpu.memory_space<hbm>> -> memref<64xi32, #tpu.memory_space<hbm>>
    %dma_start3A_19 = tpu.memref_slice %arg4[%add3A_17] : memref<320000xi32, #tpu.memory_space<hbm>> -> memref<64xi32, #tpu.memory_space<hbm>>
    tpu.enqueue_dma source(%dma_start3A_19 : memref<64xi32, #tpu.memory_space<hbm>>) target(%arg20 : memref<64xi32, #tpu.memory_space<vmem>>) target_semaphore(%arg36 : memref<!tpu.dma_semaphore, #tpu.memory_space<semaphore_mem>>)
    %dma_start3A_20 = tpu.memref_slice %arg5[%add3A_16] : memref<160000xi32, #tpu.memory_space<hbm>> -> memref<64xi32, #tpu.memory_space<hbm>>
    %dma_start3A_21 = tpu.memref_slice %arg5[%add3A_16] : memref<160000xi32, #tpu.memory_space<hbm>> -> memref<64xi32, #tpu.memory_space<hbm>>
    tpu.enqueue_dma source(%dma_start3A_21 : memref<64xi32, #tpu.memory_space<hbm>>) target(%arg21 : memref<64xi32, #tpu.memory_space<vmem>>) target_semaphore(%arg37 : memref<!tpu.dma_semaphore, #tpu.memory_space<semaphore_mem>>)
    %dma_start3A_22 = tpu.memref_slice %arg6[%add3A_16] : memref<160000xi32, #tpu.memory_space<hbm>> -> memref<64xi32, #tpu.memory_space<hbm>>
    %dma_start3A_23 = tpu.memref_slice %arg6[%add3A_16] : memref<160000xi32, #tpu.memory_space<hbm>> -> memref<64xi32, #tpu.memory_space<hbm>>
    tpu.enqueue_dma source(%dma_start3A_23 : memref<64xi32, #tpu.memory_space<hbm>>) target(%arg22 : memref<64xi32, #tpu.memory_space<vmem>>) target_semaphore(%arg38 : memref<!tpu.dma_semaphore, #tpu.memory_space<semaphore_mem>>)
    %add3A_24 = arith.addi %mul3A_6, %add3A_16 : i32
    %dma_start3A_25 = tpu.memref_slice %arg7[%add3A_24] : memref<320000xi32, #tpu.memory_space<hbm>> -> memref<64xi32, #tpu.memory_space<hbm>>
    %dma_start3A_26 = tpu.memref_slice %arg7[%add3A_24] : memref<320000xi32, #tpu.memory_space<hbm>> -> memref<64xi32, #tpu.memory_space<hbm>>
    tpu.enqueue_dma source(%dma_start3A_26 : memref<64xi32, #tpu.memory_space<hbm>>) target(%arg23 : memref<64xi32, #tpu.memory_space<vmem>>) target_semaphore(%arg39 : memref<!tpu.dma_semaphore, #tpu.memory_space<semaphore_mem>>)
    %scan3A = arith.constant 0 : i32
    %scan3A_27 = arith.constant 0 : i32
    %scan3A_28 = arith.constant 77 : i32
    %scan3A_29 = arith.addi %scan3A_27, %scan3A_28 : i32
    %scan3A_30 = arith.constant 1 : i32
    scf.for %scan3A_96 = %scan3A_27 to %scan3A_29 step %scan3A_30  : i32 {
      %mul3A_97 = arith.constant 2 : i32
      %mul3A_98 = arith.muli %mul3A_97, %scan3A_96 : i32
      %dma_wait3A_99 = arith.constant 0 : i32
      %dma_wait3A_100 = tpu.memref_slice %arg4[%dma_wait3A_99] : memref<320000xi32, #tpu.memory_space<hbm>> -> memref<64xi32, #tpu.memory_space<hbm>>
      %dma_wait3A_101 = arith.constant 0 : i32
      %dma_wait3A_102 = tpu.memref_slice %arg4[%dma_wait3A_101] : memref<320000xi32, #tpu.memory_space<hbm>> -> memref<64xi32, #tpu.memory_space<hbm>>
      tpu.wait_dma2 semaphore(%arg36 : memref<!tpu.dma_semaphore, #tpu.memory_space<semaphore_mem>>) src(%dma_wait3A_102 : memref<64xi32, #tpu.memory_space<hbm>>) dst(%arg20 : memref<64xi32, #tpu.memory_space<vmem>>)
      %dma_wait3A_103 = arith.constant 0 : i32
      %dma_wait3A_104 = tpu.memref_slice %arg5[%dma_wait3A_103] : memref<160000xi32, #tpu.memory_space<hbm>> -> memref<64xi32, #tpu.memory_space<hbm>>
      %dma_wait3A_105 = arith.constant 0 : i32
      %dma_wait3A_106 = tpu.memref_slice %arg5[%dma_wait3A_105] : memref<160000xi32, #tpu.memory_space<hbm>> -> memref<64xi32, #tpu.memory_space<hbm>>
      tpu.wait_dma2 semaphore(%arg37 : memref<!tpu.dma_semaphore, #tpu.memory_space<semaphore_mem>>) src(%dma_wait3A_106 : memref<64xi32, #tpu.memory_space<hbm>>) dst(%arg21 : memref<64xi32, #tpu.memory_space<vmem>>)
      %dma_wait3A_107 = arith.constant 0 : i32
      %dma_wait3A_108 = tpu.memref_slice %arg6[%dma_wait3A_107] : memref<160000xi32, #tpu.memory_space<hbm>> -> memref<64xi32, #tpu.memory_space<hbm>>
      %dma_wait3A_109 = arith.constant 0 : i32
      %dma_wait3A_110 = tpu.memref_slice %arg6[%dma_wait3A_109] : memref<160000xi32, #tpu.memory_space<hbm>> -> memref<64xi32, #tpu.memory_space<hbm>>
      tpu.wait_dma2 semaphore(%arg38 : memref<!tpu.dma_semaphore, #tpu.memory_space<semaphore_mem>>) src(%dma_wait3A_110 : memref<64xi32, #tpu.memory_space<hbm>>) dst(%arg22 : memref<64xi32, #tpu.memory_space<vmem>>)
      %dma_wait3A_111 = arith.constant 0 : i32
      %dma_wait3A_112 = tpu.memref_slice %arg7[%dma_wait3A_111] : memref<320000xi32, #tpu.memory_space<hbm>> -> memref<64xi32, #tpu.memory_space<hbm>>
      %dma_wait3A_113 = arith.constant 0 : i32
      %dma_wait3A_114 = tpu.memref_slice %arg7[%dma_wait3A_113] : memref<320000xi32, #tpu.memory_space<hbm>> -> memref<64xi32, #tpu.memory_space<hbm>>
      tpu.wait_dma2 semaphore(%arg39 : memref<!tpu.dma_semaphore, #tpu.memory_space<semaphore_mem>>) src(%dma_wait3A_114 : memref<64xi32, #tpu.memory_space<hbm>>) dst(%arg23 : memref<64xi32, #tpu.memory_space<vmem>>)
      %dma_start3A_115 = arith.constant 0 : i32
      %dma_start3A_116 = arith.constant 0 : i32
      %dma_start3A_117 = tpu.memref_slice %arg2[%dma_start3A_115, %dma_start3A_116] : memref<20000x128xf32, #tpu.memory_space<hbm>> -> memref<20000x128xf32, #tpu.memory_space<hbm>>
      tpu.enqueue_indirect_dma source(%dma_start3A_117 : memref<20000x128xf32, #tpu.memory_space<hbm>>) target(%arg24 : memref<64x128xf32, #tpu.memory_space<vmem>>) offsets(%arg20 : memref<64xi32, #tpu.memory_space<vmem>>) semaphore(%arg34 : memref<!tpu.dma_semaphore, #tpu.memory_space<semaphore_mem>>)
      %dma_start3A_118 = arith.constant 0 : i32
      %dma_start3A_119 = arith.constant 0 : i32
      %dma_start3A_120 = tpu.memref_slice %arg3[%dma_start3A_118, %dma_start3A_119] : memref<40000x16xf32, #tpu.memory_space<hbm>> -> memref<40000x16xf32, #tpu.memory_space<hbm>>
      tpu.enqueue_indirect_dma source(%dma_start3A_120 : memref<40000x16xf32, #tpu.memory_space<hbm>>) target(%arg25 : memref<64x16xf32, #tpu.memory_space<vmem>>) offsets(%arg22 : memref<64xi32, #tpu.memory_space<vmem>>) semaphore(%arg35 : memref<!tpu.dma_semaphore, #tpu.memory_space<semaphore_mem>>)
      %dma_wait3A_121 = arith.constant 0 : i32
      %dma_wait3A_122 = arith.constant 0 : i32
      %dma_wait3A_123 = tpu.memref_slice %arg2[%dma_wait3A_121, %dma_wait3A_122] : memref<20000x128xf32, #tpu.memory_space<hbm>> -> memref<20000x128xf32, #tpu.memory_space<hbm>>
      tpu.wait_indirect_dma semaphore(%arg32 : memref<!tpu.dma_semaphore, #tpu.memory_space<semaphore_mem>>) src(%dma_wait3A_123 : memref<20000x128xf32, #tpu.memory_space<hbm>>) dst(%arg18 : memref<64x128xf32, #tpu.memory_space<vmem>>)
      %dma_wait3A_124 = arith.constant 0 : i32
      %dma_wait3A_125 = arith.constant 0 : i32
      %dma_wait3A_126 = tpu.memref_slice %arg3[%dma_wait3A_124, %dma_wait3A_125] : memref<40000x16xf32, #tpu.memory_space<hbm>> -> memref<40000x16xf32, #tpu.memory_space<hbm>>
      tpu.wait_indirect_dma semaphore(%arg33 : memref<!tpu.dma_semaphore, #tpu.memory_space<semaphore_mem>>) src(%dma_wait3A_126 : memref<40000x16xf32, #tpu.memory_space<hbm>>) dst(%arg19 : memref<64x16xf32, #tpu.memory_space<vmem>>)
      "tpu.region"() ({
        %run_scoped3A = tpu.sem_alloc : memref<!tpu.dma_semaphore, #tpu.memory_space<semaphore_mem>>
        %dma_start3A_187 = arith.constant 0 : i32
        %dma_start3A_188 = arith.constant 0 : i32
        %dma_start3A_189 = tpu.memref_slice %arg12[%dma_start3A_187, %dma_start3A_188] : memref<10240x128xf32, #tpu.memory_space<vmem_shared>> -> memref<10240x128xf32, #tpu.memory_space<vmem_shared>>
        tpu.enqueue_indirect_dma source(%arg18 : memref<64x128xf32, #tpu.memory_space<vmem>>) target(%dma_start3A_189 : memref<10240x128xf32, #tpu.memory_space<vmem_shared>>) offsets(%arg15 : memref<64xi32, #tpu.memory_space<vmem>>) semaphore(%run_scoped3A : memref<!tpu.dma_semaphore, #tpu.memory_space<semaphore_mem>>) {add = true}
        %dma_wait3A_190 = arith.constant 0 : i32
        %dma_wait3A_191 = arith.constant 0 : i32
        %dma_wait3A_192 = tpu.memref_slice %arg12[%dma_wait3A_190, %dma_wait3A_191] : memref<10240x128xf32, #tpu.memory_space<vmem_shared>> -> memref<10240x128xf32, #tpu.memory_space<vmem_shared>>
        tpu.wait_indirect_dma semaphore(%run_scoped3A : memref<!tpu.dma_semaphore, #tpu.memory_space<semaphore_mem>>) src(%arg18 : memref<64x128xf32, #tpu.memory_space<vmem>>) dst(%dma_wait3A_192 : memref<10240x128xf32, #tpu.memory_space<vmem_shared>>)
        tpu.yield
      }) : () -> ()
      "tpu.region"() ({
        %run_scoped3A = tpu.sem_alloc : memref<!tpu.dma_semaphore, #tpu.memory_space<semaphore_mem>>
        %dma_start3A_187 = arith.constant 0 : i32
        %dma_start3A_188 = arith.constant 0 : i32
        %dma_start3A_189 = tpu.memref_slice %arg13[%dma_start3A_187, %dma_start3A_188] : memref<20096x16xf32, #tpu.memory_space<vmem_shared>> -> memref<20096x16xf32, #tpu.memory_space<vmem_shared>>
        tpu.enqueue_indirect_dma source(%arg19 : memref<64x16xf32, #tpu.memory_space<vmem>>) target(%dma_start3A_189 : memref<20096x16xf32, #tpu.memory_space<vmem_shared>>) offsets(%arg17 : memref<64xi32, #tpu.memory_space<vmem>>) semaphore(%run_scoped3A : memref<!tpu.dma_semaphore, #tpu.memory_space<semaphore_mem>>) {add = true}
        %dma_wait3A_190 = arith.constant 0 : i32
        %dma_wait3A_191 = arith.constant 0 : i32
        %dma_wait3A_192 = tpu.memref_slice %arg13[%dma_wait3A_190, %dma_wait3A_191] : memref<20096x16xf32, #tpu.memory_space<vmem_shared>> -> memref<20096x16xf32, #tpu.memory_space<vmem_shared>>
        tpu.wait_indirect_dma semaphore(%run_scoped3A : memref<!tpu.dma_semaphore, #tpu.memory_space<semaphore_mem>>) src(%arg19 : memref<64x16xf32, #tpu.memory_space<vmem>>) dst(%dma_wait3A_192 : memref<20096x16xf32, #tpu.memory_space<vmem_shared>>)
        tpu.yield
      }) : () -> ()
      %add3A_127 = arith.constant 2 : i32
      %add3A_128 = arith.addi %mul3A_98, %add3A_127 : i32
      %mul3A_129 = arith.constant 64 : i32
      %mul3A_130 = arith.muli %add3A_128, %mul3A_129 : i32
      %add3A_131 = arith.addi %mul3A_4, %mul3A_130 : i32
      %add3A_132 = arith.addi %mul3A_6, %add3A_131 : i32
      %dma_start3A_133 = tpu.memref_slice %arg4[%add3A_132] : memref<320000xi32, #tpu.memory_space<hbm>> -> memref<64xi32, #tpu.memory_space<hbm>>
      %dma_start3A_134 = tpu.memref_slice %arg4[%add3A_132] : memref<320000xi32, #tpu.memory_space<hbm>> -> memref<64xi32, #tpu.memory_space<hbm>>
      tpu.enqueue_dma source(%dma_start3A_134 : memref<64xi32, #tpu.memory_space<hbm>>) target(%arg14 : memref<64xi32, #tpu.memory_space<vmem>>) target_semaphore(%arg36 : memref<!tpu.dma_semaphore, #tpu.memory_space<semaphore_mem>>)
      %dma_start3A_135 = tpu.memref_slice %arg5[%add3A_131] : memref<160000xi32, #tpu.memory_space<hbm>> -> memref<64xi32, #tpu.memory_space<hbm>>
      %dma_start3A_136 = tpu.memref_slice %arg5[%add3A_131] : memref<160000xi32, #tpu.memory_space<hbm>> -> memref<64xi32, #tpu.memory_space<hbm>>
      tpu.enqueue_dma source(%dma_start3A_136 : memref<64xi32, #tpu.memory_space<hbm>>) target(%arg15 : memref<64xi32, #tpu.memory_space<vmem>>) target_semaphore(%arg37 : memref<!tpu.dma_semaphore, #tpu.memory_space<semaphore_mem>>)
      %dma_start3A_137 = tpu.memref_slice %arg6[%add3A_131] : memref<160000xi32, #tpu.memory_space<hbm>> -> memref<64xi32, #tpu.memory_space<hbm>>
      %dma_start3A_138 = tpu.memref_slice %arg6[%add3A_131] : memref<160000xi32, #tpu.memory_space<hbm>> -> memref<64xi32, #tpu.memory_space<hbm>>
      tpu.enqueue_dma source(%dma_start3A_138 : memref<64xi32, #tpu.memory_space<hbm>>) target(%arg16 : memref<64xi32, #tpu.memory_space<vmem>>) target_semaphore(%arg38 : memref<!tpu.dma_semaphore, #tpu.memory_space<semaphore_mem>>)
      %add3A_139 = arith.addi %mul3A_6, %add3A_131 : i32
      %dma_start3A_140 = tpu.memref_slice %arg7[%add3A_139] : memref<320000xi32, #tpu.memory_space<hbm>> -> memref<64xi32, #tpu.memory_space<hbm>>
      %dma_start3A_141 = tpu.memref_slice %arg7[%add3A_139] : memref<320000xi32, #tpu.memory_space<hbm>> -> memref<64xi32, #tpu.memory_space<hbm>>
      tpu.enqueue_dma source(%dma_start3A_141 : memref<64xi32, #tpu.memory_space<hbm>>) target(%arg17 : memref<64xi32, #tpu.memory_space<vmem>>) target_semaphore(%arg39 : memref<!tpu.dma_semaphore, #tpu.memory_space<semaphore_mem>>)
      %add3A_142 = arith.constant 1 : i32
      %add3A_143 = arith.addi %mul3A_98, %add3A_142 : i32
      %dma_wait3A_144 = arith.constant 0 : i32
      %dma_wait3A_145 = tpu.memref_slice %arg4[%dma_wait3A_144] : memref<320000xi32, #tpu.memory_space<hbm>> -> memref<64xi32, #tpu.memory_space<hbm>>
      %dma_wait3A_146 = arith.constant 0 : i32
      %dma_wait3A_147 = tpu.memref_slice %arg4[%dma_wait3A_146] : memref<320000xi32, #tpu.memory_space<hbm>> -> memref<64xi32, #tpu.memory_space<hbm>>
      tpu.wait_dma2 semaphore(%arg36 : memref<!tpu.dma_semaphore, #tpu.memory_space<semaphore_mem>>) src(%dma_wait3A_147 : memref<64xi32, #tpu.memory_space<hbm>>) dst(%arg14 : memref<64xi32, #tpu.memory_space<vmem>>)
      %dma_wait3A_148 = arith.constant 0 : i32
      %dma_wait3A_149 = tpu.memref_slice %arg5[%dma_wait3A_148] : memref<160000xi32, #tpu.memory_space<hbm>> -> memref<64xi32, #tpu.memory_space<hbm>>
      %dma_wait3A_150 = arith.constant 0 : i32
      %dma_wait3A_151 = tpu.memref_slice %arg5[%dma_wait3A_150] : memref<160000xi32, #tpu.memory_space<hbm>> -> memref<64xi32, #tpu.memory_space<hbm>>
      tpu.wait_dma2 semaphore(%arg37 : memref<!tpu.dma_semaphore, #tpu.memory_space<semaphore_mem>>) src(%dma_wait3A_151 : memref<64xi32, #tpu.memory_space<hbm>>) dst(%arg15 : memref<64xi32, #tpu.memory_space<vmem>>)
      %dma_wait3A_152 = arith.constant 0 : i32
      %dma_wait3A_153 = tpu.memref_slice %arg6[%dma_wait3A_152] : memref<160000xi32, #tpu.memory_space<hbm>> -> memref<64xi32, #tpu.memory_space<hbm>>
      %dma_wait3A_154 = arith.constant 0 : i32
      %dma_wait3A_155 = tpu.memref_slice %arg6[%dma_wait3A_154] : memref<160000xi32, #tpu.memory_space<hbm>> -> memref<64xi32, #tpu.memory_space<hbm>>
      tpu.wait_dma2 semaphore(%arg38 : memref<!tpu.dma_semaphore, #tpu.memory_space<semaphore_mem>>) src(%dma_wait3A_155 : memref<64xi32, #tpu.memory_space<hbm>>) dst(%arg16 : memref<64xi32, #tpu.memory_space<vmem>>)
      %dma_wait3A_156 = arith.constant 0 : i32
      %dma_wait3A_157 = tpu.memref_slice %arg7[%dma_wait3A_156] : memref<320000xi32, #tpu.memory_space<hbm>> -> memref<64xi32, #tpu.memory_space<hbm>>
      %dma_wait3A_158 = arith.constant 0 : i32
      %dma_wait3A_159 = tpu.memref_slice %arg7[%dma_wait3A_158] : memref<320000xi32, #tpu.memory_space<hbm>> -> memref<64xi32, #tpu.memory_space<hbm>>
      tpu.wait_dma2 semaphore(%arg39 : memref<!tpu.dma_semaphore, #tpu.memory_space<semaphore_mem>>) src(%dma_wait3A_159 : memref<64xi32, #tpu.memory_space<hbm>>) dst(%arg17 : memref<64xi32, #tpu.memory_space<vmem>>)
      %dma_start3A_160 = arith.constant 0 : i32
      %dma_start3A_161 = arith.constant 0 : i32
      %dma_start3A_162 = tpu.memref_slice %arg2[%dma_start3A_160, %dma_start3A_161] : memref<20000x128xf32, #tpu.memory_space<hbm>> -> memref<20000x128xf32, #tpu.memory_space<hbm>>
      tpu.enqueue_indirect_dma source(%dma_start3A_162 : memref<20000x128xf32, #tpu.memory_space<hbm>>) target(%arg18 : memref<64x128xf32, #tpu.memory_space<vmem>>) offsets(%arg14 : memref<64xi32, #tpu.memory_space<vmem>>) semaphore(%arg32 : memref<!tpu.dma_semaphore, #tpu.memory_space<semaphore_mem>>)
      %dma_start3A_163 = arith.constant 0 : i32
      %dma_start3A_164 = arith.constant 0 : i32
      %dma_start3A_165 = tpu.memref_slice %arg3[%dma_start3A_163, %dma_start3A_164] : memref<40000x16xf32, #tpu.memory_space<hbm>> -> memref<40000x16xf32, #tpu.memory_space<hbm>>
      tpu.enqueue_indirect_dma source(%dma_start3A_165 : memref<40000x16xf32, #tpu.memory_space<hbm>>) target(%arg19 : memref<64x16xf32, #tpu.memory_space<vmem>>) offsets(%arg16 : memref<64xi32, #tpu.memory_space<vmem>>) semaphore(%arg33 : memref<!tpu.dma_semaphore, #tpu.memory_space<semaphore_mem>>)
      %dma_wait3A_166 = arith.constant 0 : i32
      %dma_wait3A_167 = arith.constant 0 : i32
      %dma_wait3A_168 = tpu.memref_slice %arg2[%dma_wait3A_166, %dma_wait3A_167] : memref<20000x128xf32, #tpu.memory_space<hbm>> -> memref<20000x128xf32, #tpu.memory_space<hbm>>
      tpu.wait_indirect_dma semaphore(%arg34 : memref<!tpu.dma_semaphore, #tpu.memory_space<semaphore_mem>>) src(%dma_wait3A_168 : memref<20000x128xf32, #tpu.memory_space<hbm>>) dst(%arg24 : memref<64x128xf32, #tpu.memory_space<vmem>>)
      %dma_wait3A_169 = arith.constant 0 : i32
      %dma_wait3A_170 = arith.constant 0 : i32
      %dma_wait3A_171 = tpu.memref_slice %arg3[%dma_wait3A_169, %dma_wait3A_170] : memref<40000x16xf32, #tpu.memory_space<hbm>> -> memref<40000x16xf32, #tpu.memory_space<hbm>>
      tpu.wait_indirect_dma semaphore(%arg35 : memref<!tpu.dma_semaphore, #tpu.memory_space<semaphore_mem>>) src(%dma_wait3A_171 : memref<40000x16xf32, #tpu.memory_space<hbm>>) dst(%arg25 : memref<64x16xf32, #tpu.memory_space<vmem>>)
      "tpu.region"() ({
        %run_scoped3A = tpu.sem_alloc : memref<!tpu.dma_semaphore, #tpu.memory_space<semaphore_mem>>
        %dma_start3A_187 = arith.constant 0 : i32
        %dma_start3A_188 = arith.constant 0 : i32
        %dma_start3A_189 = tpu.memref_slice %arg12[%dma_start3A_187, %dma_start3A_188] : memref<10240x128xf32, #tpu.memory_space<vmem_shared>> -> memref<10240x128xf32, #tpu.memory_space<vmem_shared>>
        tpu.enqueue_indirect_dma source(%arg24 : memref<64x128xf32, #tpu.memory_space<vmem>>) target(%dma_start3A_189 : memref<10240x128xf32, #tpu.memory_space<vmem_shared>>) offsets(%arg21 : memref<64xi32, #tpu.memory_space<vmem>>) semaphore(%run_scoped3A : memref<!tpu.dma_semaphore, #tpu.memory_space<semaphore_mem>>) {add = true}
        %dma_wait3A_190 = arith.constant 0 : i32
        %dma_wait3A_191 = arith.constant 0 : i32
        %dma_wait3A_192 = tpu.memref_slice %arg12[%dma_wait3A_190, %dma_wait3A_191] : memref<10240x128xf32, #tpu.memory_space<vmem_shared>> -> memref<10240x128xf32, #tpu.memory_space<vmem_shared>>
        tpu.wait_indirect_dma semaphore(%run_scoped3A : memref<!tpu.dma_semaphore, #tpu.memory_space<semaphore_mem>>) src(%arg24 : memref<64x128xf32, #tpu.memory_space<vmem>>) dst(%dma_wait3A_192 : memref<10240x128xf32, #tpu.memory_space<vmem_shared>>)
        tpu.yield
      }) : () -> ()
      "tpu.region"() ({
        %run_scoped3A = tpu.sem_alloc : memref<!tpu.dma_semaphore, #tpu.memory_space<semaphore_mem>>
        %dma_start3A_187 = arith.constant 0 : i32
        %dma_start3A_188 = arith.constant 0 : i32
        %dma_start3A_189 = tpu.memref_slice %arg13[%dma_start3A_187, %dma_start3A_188] : memref<20096x16xf32, #tpu.memory_space<vmem_shared>> -> memref<20096x16xf32, #tpu.memory_space<vmem_shared>>
        tpu.enqueue_indirect_dma source(%arg25 : memref<64x16xf32, #tpu.memory_space<vmem>>) target(%dma_start3A_189 : memref<20096x16xf32, #tpu.memory_space<vmem_shared>>) offsets(%arg23 : memref<64xi32, #tpu.memory_space<vmem>>) semaphore(%run_scoped3A : memref<!tpu.dma_semaphore, #tpu.memory_space<semaphore_mem>>) {add = true}
        %dma_wait3A_190 = arith.constant 0 : i32
        %dma_wait3A_191 = arith.constant 0 : i32
        %dma_wait3A_192 = tpu.memref_slice %arg13[%dma_wait3A_190, %dma_wait3A_191] : memref<20096x16xf32, #tpu.memory_space<vmem_shared>> -> memref<20096x16xf32, #tpu.memory_space<vmem_shared>>
        tpu.wait_indirect_dma semaphore(%run_scoped3A : memref<!tpu.dma_semaphore, #tpu.memory_space<semaphore_mem>>) src(%arg25 : memref<64x16xf32, #tpu.memory_space<vmem>>) dst(%dma_wait3A_192 : memref<20096x16xf32, #tpu.memory_space<vmem_shared>>)
        tpu.yield
      }) : () -> ()
      %add3A_172 = arith.constant 2 : i32
      %add3A_173 = arith.addi %add3A_143, %add3A_172 : i32
      %mul3A_174 = arith.constant 64 : i32
      %mul3A_175 = arith.muli %add3A_173, %mul3A_174 : i32
      %add3A_176 = arith.addi %mul3A_4, %mul3A_175 : i32
      %add3A_177 = arith.addi %mul3A_6, %add3A_176 : i32
      %dma_start3A_178 = tpu.memref_slice %arg4[%add3A_177] : memref<320000xi32, #tpu.memory_space<hbm>> -> memref<64xi32, #tpu.memory_space<hbm>>
      %dma_start3A_179 = tpu.memref_slice %arg4[%add3A_177] : memref<320000xi32, #tpu.memory_space<hbm>> -> memref<64xi32, #tpu.memory_space<hbm>>
      tpu.enqueue_dma source(%dma_start3A_179 : memref<64xi32, #tpu.memory_space<hbm>>) target(%arg20 : memref<64xi32, #tpu.memory_space<vmem>>) target_semaphore(%arg36 : memref<!tpu.dma_semaphore, #tpu.memory_space<semaphore_mem>>)
      %dma_start3A_180 = tpu.memref_slice %arg5[%add3A_176] : memref<160000xi32, #tpu.memory_space<hbm>> -> memref<64xi32, #tpu.memory_space<hbm>>
      %dma_start3A_181 = tpu.memref_slice %arg5[%add3A_176] : memref<160000xi32, #tpu.memory_space<hbm>> -> memref<64xi32, #tpu.memory_space<hbm>>
      tpu.enqueue_dma source(%dma_start3A_181 : memref<64xi32, #tpu.memory_space<hbm>>) target(%arg21 : memref<64xi32, #tpu.memory_space<vmem>>) target_semaphore(%arg37 : memref<!tpu.dma_semaphore, #tpu.memory_space<semaphore_mem>>)
      %dma_start3A_182 = tpu.memref_slice %arg6[%add3A_176] : memref<160000xi32, #tpu.memory_space<hbm>> -> memref<64xi32, #tpu.memory_space<hbm>>
      %dma_start3A_183 = tpu.memref_slice %arg6[%add3A_176] : memref<160000xi32, #tpu.memory_space<hbm>> -> memref<64xi32, #tpu.memory_space<hbm>>
      tpu.enqueue_dma source(%dma_start3A_183 : memref<64xi32, #tpu.memory_space<hbm>>) target(%arg22 : memref<64xi32, #tpu.memory_space<vmem>>) target_semaphore(%arg38 : memref<!tpu.dma_semaphore, #tpu.memory_space<semaphore_mem>>)
      %add3A_184 = arith.addi %mul3A_6, %add3A_176 : i32
      %dma_start3A_185 = tpu.memref_slice %arg7[%add3A_184] : memref<320000xi32, #tpu.memory_space<hbm>> -> memref<64xi32, #tpu.memory_space<hbm>>
      %dma_start3A_186 = tpu.memref_slice %arg7[%add3A_184] : memref<320000xi32, #tpu.memory_space<hbm>> -> memref<64xi32, #tpu.memory_space<hbm>>
      tpu.enqueue_dma source(%dma_start3A_186 : memref<64xi32, #tpu.memory_space<hbm>>) target(%arg23 : memref<64xi32, #tpu.memory_space<vmem>>) target_semaphore(%arg39 : memref<!tpu.dma_semaphore, #tpu.memory_space<semaphore_mem>>)
    }
    %scan3A_31 = arith.constant 77 : i32
    %dma_wait3A = arith.constant 0 : i32
    %dma_wait3A_32 = tpu.memref_slice %arg4[%dma_wait3A] : memref<320000xi32, #tpu.memory_space<hbm>> -> memref<64xi32, #tpu.memory_space<hbm>>
    %dma_wait3A_33 = arith.constant 0 : i32
    %dma_wait3A_34 = tpu.memref_slice %arg4[%dma_wait3A_33] : memref<320000xi32, #tpu.memory_space<hbm>> -> memref<64xi32, #tpu.memory_space<hbm>>
    tpu.wait_dma2 semaphore(%arg36 : memref<!tpu.dma_semaphore, #tpu.memory_space<semaphore_mem>>) src(%dma_wait3A_34 : memref<64xi32, #tpu.memory_space<hbm>>) dst(%arg20 : memref<64xi32, #tpu.memory_space<vmem>>)
    %dma_wait3A_35 = arith.constant 0 : i32
    %dma_wait3A_36 = tpu.memref_slice %arg5[%dma_wait3A_35] : memref<160000xi32, #tpu.memory_space<hbm>> -> memref<64xi32, #tpu.memory_space<hbm>>
    %dma_wait3A_37 = arith.constant 0 : i32
    %dma_wait3A_38 = tpu.memref_slice %arg5[%dma_wait3A_37] : memref<160000xi32, #tpu.memory_space<hbm>> -> memref<64xi32, #tpu.memory_space<hbm>>
    tpu.wait_dma2 semaphore(%arg37 : memref<!tpu.dma_semaphore, #tpu.memory_space<semaphore_mem>>) src(%dma_wait3A_38 : memref<64xi32, #tpu.memory_space<hbm>>) dst(%arg21 : memref<64xi32, #tpu.memory_space<vmem>>)
    %dma_wait3A_39 = arith.constant 0 : i32
    %dma_wait3A_40 = tpu.memref_slice %arg6[%dma_wait3A_39] : memref<160000xi32, #tpu.memory_space<hbm>> -> memref<64xi32, #tpu.memory_space<hbm>>
    %dma_wait3A_41 = arith.constant 0 : i32
    %dma_wait3A_42 = tpu.memref_slice %arg6[%dma_wait3A_41] : memref<160000xi32, #tpu.memory_space<hbm>> -> memref<64xi32, #tpu.memory_space<hbm>>
    tpu.wait_dma2 semaphore(%arg38 : memref<!tpu.dma_semaphore, #tpu.memory_space<semaphore_mem>>) src(%dma_wait3A_42 : memref<64xi32, #tpu.memory_space<hbm>>) dst(%arg22 : memref<64xi32, #tpu.memory_space<vmem>>)
    %dma_wait3A_43 = arith.constant 0 : i32
    %dma_wait3A_44 = tpu.memref_slice %arg7[%dma_wait3A_43] : memref<320000xi32, #tpu.memory_space<hbm>> -> memref<64xi32, #tpu.memory_space<hbm>>
    %dma_wait3A_45 = arith.constant 0 : i32
    %dma_wait3A_46 = tpu.memref_slice %arg7[%dma_wait3A_45] : memref<320000xi32, #tpu.memory_space<hbm>> -> memref<64xi32, #tpu.memory_space<hbm>>
    tpu.wait_dma2 semaphore(%arg39 : memref<!tpu.dma_semaphore, #tpu.memory_space<semaphore_mem>>) src(%dma_wait3A_46 : memref<64xi32, #tpu.memory_space<hbm>>) dst(%arg23 : memref<64xi32, #tpu.memory_space<vmem>>)
    %dma_start3A_47 = arith.constant 0 : i32
    %dma_start3A_48 = arith.constant 0 : i32
    %dma_start3A_49 = tpu.memref_slice %arg2[%dma_start3A_47, %dma_start3A_48] : memref<20000x128xf32, #tpu.memory_space<hbm>> -> memref<20000x128xf32, #tpu.memory_space<hbm>>
    tpu.enqueue_indirect_dma source(%dma_start3A_49 : memref<20000x128xf32, #tpu.memory_space<hbm>>) target(%arg24 : memref<64x128xf32, #tpu.memory_space<vmem>>) offsets(%arg20 : memref<64xi32, #tpu.memory_space<vmem>>) semaphore(%arg34 : memref<!tpu.dma_semaphore, #tpu.memory_space<semaphore_mem>>)
    %dma_start3A_50 = arith.constant 0 : i32
    %dma_start3A_51 = arith.constant 0 : i32
    %dma_start3A_52 = tpu.memref_slice %arg3[%dma_start3A_50, %dma_start3A_51] : memref<40000x16xf32, #tpu.memory_space<hbm>> -> memref<40000x16xf32, #tpu.memory_space<hbm>>
    tpu.enqueue_indirect_dma source(%dma_start3A_52 : memref<40000x16xf32, #tpu.memory_space<hbm>>) target(%arg25 : memref<64x16xf32, #tpu.memory_space<vmem>>) offsets(%arg22 : memref<64xi32, #tpu.memory_space<vmem>>) semaphore(%arg35 : memref<!tpu.dma_semaphore, #tpu.memory_space<semaphore_mem>>)
    %dma_wait3A_53 = arith.constant 0 : i32
    %dma_wait3A_54 = arith.constant 0 : i32
    %dma_wait3A_55 = tpu.memref_slice %arg2[%dma_wait3A_53, %dma_wait3A_54] : memref<20000x128xf32, #tpu.memory_space<hbm>> -> memref<20000x128xf32, #tpu.memory_space<hbm>>
    tpu.wait_indirect_dma semaphore(%arg32 : memref<!tpu.dma_semaphore, #tpu.memory_space<semaphore_mem>>) src(%dma_wait3A_55 : memref<20000x128xf32, #tpu.memory_space<hbm>>) dst(%arg18 : memref<64x128xf32, #tpu.memory_space<vmem>>)
    %dma_wait3A_56 = arith.constant 0 : i32
    %dma_wait3A_57 = arith.constant 0 : i32
    %dma_wait3A_58 = tpu.memref_slice %arg3[%dma_wait3A_56, %dma_wait3A_57] : memref<40000x16xf32, #tpu.memory_space<hbm>> -> memref<40000x16xf32, #tpu.memory_space<hbm>>
    tpu.wait_indirect_dma semaphore(%arg33 : memref<!tpu.dma_semaphore, #tpu.memory_space<semaphore_mem>>) src(%dma_wait3A_58 : memref<40000x16xf32, #tpu.memory_space<hbm>>) dst(%arg19 : memref<64x16xf32, #tpu.memory_space<vmem>>)
    "tpu.region"() ({
      %run_scoped3A = tpu.sem_alloc : memref<!tpu.dma_semaphore, #tpu.memory_space<semaphore_mem>>
      %dma_start3A_96 = arith.constant 0 : i32
      %dma_start3A_97 = arith.constant 0 : i32
      %dma_start3A_98 = tpu.memref_slice %arg12[%dma_start3A_96, %dma_start3A_97] : memref<10240x128xf32, #tpu.memory_space<vmem_shared>> -> memref<10240x128xf32, #tpu.memory_space<vmem_shared>>
      tpu.enqueue_indirect_dma source(%arg18 : memref<64x128xf32, #tpu.memory_space<vmem>>) target(%dma_start3A_98 : memref<10240x128xf32, #tpu.memory_space<vmem_shared>>) offsets(%arg15 : memref<64xi32, #tpu.memory_space<vmem>>) semaphore(%run_scoped3A : memref<!tpu.dma_semaphore, #tpu.memory_space<semaphore_mem>>) {add = true}
      %dma_wait3A_99 = arith.constant 0 : i32
      %dma_wait3A_100 = arith.constant 0 : i32
      %dma_wait3A_101 = tpu.memref_slice %arg12[%dma_wait3A_99, %dma_wait3A_100] : memref<10240x128xf32, #tpu.memory_space<vmem_shared>> -> memref<10240x128xf32, #tpu.memory_space<vmem_shared>>
      tpu.wait_indirect_dma semaphore(%run_scoped3A : memref<!tpu.dma_semaphore, #tpu.memory_space<semaphore_mem>>) src(%arg18 : memref<64x128xf32, #tpu.memory_space<vmem>>) dst(%dma_wait3A_101 : memref<10240x128xf32, #tpu.memory_space<vmem_shared>>)
      tpu.yield
    }) : () -> ()
    "tpu.region"() ({
      %run_scoped3A = tpu.sem_alloc : memref<!tpu.dma_semaphore, #tpu.memory_space<semaphore_mem>>
      %dma_start3A_96 = arith.constant 0 : i32
      %dma_start3A_97 = arith.constant 0 : i32
      %dma_start3A_98 = tpu.memref_slice %arg13[%dma_start3A_96, %dma_start3A_97] : memref<20096x16xf32, #tpu.memory_space<vmem_shared>> -> memref<20096x16xf32, #tpu.memory_space<vmem_shared>>
      tpu.enqueue_indirect_dma source(%arg19 : memref<64x16xf32, #tpu.memory_space<vmem>>) target(%dma_start3A_98 : memref<20096x16xf32, #tpu.memory_space<vmem_shared>>) offsets(%arg17 : memref<64xi32, #tpu.memory_space<vmem>>) semaphore(%run_scoped3A : memref<!tpu.dma_semaphore, #tpu.memory_space<semaphore_mem>>) {add = true}
      %dma_wait3A_99 = arith.constant 0 : i32
      %dma_wait3A_100 = arith.constant 0 : i32
      %dma_wait3A_101 = tpu.memref_slice %arg13[%dma_wait3A_99, %dma_wait3A_100] : memref<20096x16xf32, #tpu.memory_space<vmem_shared>> -> memref<20096x16xf32, #tpu.memory_space<vmem_shared>>
      tpu.wait_indirect_dma semaphore(%run_scoped3A : memref<!tpu.dma_semaphore, #tpu.memory_space<semaphore_mem>>) src(%arg19 : memref<64x16xf32, #tpu.memory_space<vmem>>) dst(%dma_wait3A_101 : memref<20096x16xf32, #tpu.memory_space<vmem_shared>>)
      tpu.yield
    }) : () -> ()
    %dma_wait3A_59 = arith.constant 0 : i32
    %dma_wait3A_60 = arith.constant 0 : i32
    %dma_wait3A_61 = tpu.memref_slice %arg2[%dma_wait3A_59, %dma_wait3A_60] : memref<20000x128xf32, #tpu.memory_space<hbm>> -> memref<20000x128xf32, #tpu.memory_space<hbm>>
    tpu.wait_indirect_dma semaphore(%arg34 : memref<!tpu.dma_semaphore, #tpu.memory_space<semaphore_mem>>) src(%dma_wait3A_61 : memref<20000x128xf32, #tpu.memory_space<hbm>>) dst(%arg24 : memref<64x128xf32, #tpu.memory_space<vmem>>)
    %dma_wait3A_62 = arith.constant 0 : i32
    %dma_wait3A_63 = arith.constant 0 : i32
    %dma_wait3A_64 = tpu.memref_slice %arg3[%dma_wait3A_62, %dma_wait3A_63] : memref<40000x16xf32, #tpu.memory_space<hbm>> -> memref<40000x16xf32, #tpu.memory_space<hbm>>
    tpu.wait_indirect_dma semaphore(%arg35 : memref<!tpu.dma_semaphore, #tpu.memory_space<semaphore_mem>>) src(%dma_wait3A_64 : memref<40000x16xf32, #tpu.memory_space<hbm>>) dst(%arg25 : memref<64x16xf32, #tpu.memory_space<vmem>>)
    "tpu.region"() ({
      %run_scoped3A = tpu.sem_alloc : memref<!tpu.dma_semaphore, #tpu.memory_space<semaphore_mem>>
      %dma_start3A_96 = arith.constant 0 : i32
      %dma_start3A_97 = arith.constant 0 : i32
      %dma_start3A_98 = tpu.memref_slice %arg12[%dma_start3A_96, %dma_start3A_97] : memref<10240x128xf32, #tpu.memory_space<vmem_shared>> -> memref<10240x128xf32, #tpu.memory_space<vmem_shared>>
      tpu.enqueue_indirect_dma source(%arg24 : memref<64x128xf32, #tpu.memory_space<vmem>>) target(%dma_start3A_98 : memref<10240x128xf32, #tpu.memory_space<vmem_shared>>) offsets(%arg21 : memref<64xi32, #tpu.memory_space<vmem>>) semaphore(%run_scoped3A : memref<!tpu.dma_semaphore, #tpu.memory_space<semaphore_mem>>) {add = true}
      %dma_wait3A_99 = arith.constant 0 : i32
      %dma_wait3A_100 = arith.constant 0 : i32
      %dma_wait3A_101 = tpu.memref_slice %arg12[%dma_wait3A_99, %dma_wait3A_100] : memref<10240x128xf32, #tpu.memory_space<vmem_shared>> -> memref<10240x128xf32, #tpu.memory_space<vmem_shared>>
      tpu.wait_indirect_dma semaphore(%run_scoped3A : memref<!tpu.dma_semaphore, #tpu.memory_space<semaphore_mem>>) src(%arg24 : memref<64x128xf32, #tpu.memory_space<vmem>>) dst(%dma_wait3A_101 : memref<10240x128xf32, #tpu.memory_space<vmem_shared>>)
      tpu.yield
    }) : () -> ()
    "tpu.region"() ({
      %run_scoped3A = tpu.sem_alloc : memref<!tpu.dma_semaphore, #tpu.memory_space<semaphore_mem>>
      %dma_start3A_96 = arith.constant 0 : i32
      %dma_start3A_97 = arith.constant 0 : i32
      %dma_start3A_98 = tpu.memref_slice %arg13[%dma_start3A_96, %dma_start3A_97] : memref<20096x16xf32, #tpu.memory_space<vmem_shared>> -> memref<20096x16xf32, #tpu.memory_space<vmem_shared>>
      tpu.enqueue_indirect_dma source(%arg25 : memref<64x16xf32, #tpu.memory_space<vmem>>) target(%dma_start3A_98 : memref<20096x16xf32, #tpu.memory_space<vmem_shared>>) offsets(%arg23 : memref<64xi32, #tpu.memory_space<vmem>>) semaphore(%run_scoped3A : memref<!tpu.dma_semaphore, #tpu.memory_space<semaphore_mem>>) {add = true}
      %dma_wait3A_99 = arith.constant 0 : i32
      %dma_wait3A_100 = arith.constant 0 : i32
      %dma_wait3A_101 = tpu.memref_slice %arg13[%dma_wait3A_99, %dma_wait3A_100] : memref<20096x16xf32, #tpu.memory_space<vmem_shared>> -> memref<20096x16xf32, #tpu.memory_space<vmem_shared>>
      tpu.wait_indirect_dma semaphore(%run_scoped3A : memref<!tpu.dma_semaphore, #tpu.memory_space<semaphore_mem>>) src(%arg25 : memref<64x16xf32, #tpu.memory_space<vmem>>) dst(%dma_wait3A_101 : memref<20096x16xf32, #tpu.memory_space<vmem_shared>>)
      tpu.yield
    }) : () -> ()
    %add3A_65 = arith.constant 9984 : i32
    %add3A_66 = arith.addi %mul3A_4, %add3A_65 : i32
    %add3A_67 = arith.addi %mul3A_6, %add3A_66 : i32
    "tpu.region"() ({
      %run_scoped3A = tpu.sem_alloc : memref<!tpu.dma_semaphore, #tpu.memory_space<semaphore_mem>>
      %dma_start3A_96 = tpu.memref_slice %arg4[%add3A_67] : memref<320000xi32, #tpu.memory_space<hbm>> -> memref<16xi32, #tpu.memory_space<hbm>>
      %dma_start3A_97 = tpu.memref_slice %arg4[%add3A_67] : memref<320000xi32, #tpu.memory_space<hbm>> -> memref<16xi32, #tpu.memory_space<hbm>>
      tpu.enqueue_dma source(%dma_start3A_97 : memref<16xi32, #tpu.memory_space<hbm>>) target(%arg26 : memref<16xi32, #tpu.memory_space<vmem>>) target_semaphore(%run_scoped3A : memref<!tpu.dma_semaphore, #tpu.memory_space<semaphore_mem>>)
      %dma_wait3A_98 = tpu.memref_slice %arg4[%add3A_67] : memref<320000xi32, #tpu.memory_space<hbm>> -> memref<16xi32, #tpu.memory_space<hbm>>
      %dma_wait3A_99 = tpu.memref_slice %arg4[%add3A_67] : memref<320000xi32, #tpu.memory_space<hbm>> -> memref<16xi32, #tpu.memory_space<hbm>>
      tpu.wait_dma2 semaphore(%run_scoped3A : memref<!tpu.dma_semaphore, #tpu.memory_space<semaphore_mem>>) src(%dma_wait3A_99 : memref<16xi32, #tpu.memory_space<hbm>>) dst(%arg26 : memref<16xi32, #tpu.memory_space<vmem>>)
      tpu.yield
    }) : () -> ()
    "tpu.region"() ({
      %run_scoped3A = tpu.sem_alloc : memref<!tpu.dma_semaphore, #tpu.memory_space<semaphore_mem>>
      %dma_start3A_96 = tpu.memref_slice %arg5[%add3A_66] : memref<160000xi32, #tpu.memory_space<hbm>> -> memref<16xi32, #tpu.memory_space<hbm>>
      %dma_start3A_97 = tpu.memref_slice %arg5[%add3A_66] : memref<160000xi32, #tpu.memory_space<hbm>> -> memref<16xi32, #tpu.memory_space<hbm>>
      tpu.enqueue_dma source(%dma_start3A_97 : memref<16xi32, #tpu.memory_space<hbm>>) target(%arg27 : memref<16xi32, #tpu.memory_space<vmem>>) target_semaphore(%run_scoped3A : memref<!tpu.dma_semaphore, #tpu.memory_space<semaphore_mem>>)
      %dma_wait3A_98 = tpu.memref_slice %arg5[%add3A_66] : memref<160000xi32, #tpu.memory_space<hbm>> -> memref<16xi32, #tpu.memory_space<hbm>>
      %dma_wait3A_99 = tpu.memref_slice %arg5[%add3A_66] : memref<160000xi32, #tpu.memory_space<hbm>> -> memref<16xi32, #tpu.memory_space<hbm>>
      tpu.wait_dma2 semaphore(%run_scoped3A : memref<!tpu.dma_semaphore, #tpu.memory_space<semaphore_mem>>) src(%dma_wait3A_99 : memref<16xi32, #tpu.memory_space<hbm>>) dst(%arg27 : memref<16xi32, #tpu.memory_space<vmem>>)
      tpu.yield
    }) : () -> ()
    "tpu.region"() ({
      %run_scoped3A = tpu.sem_alloc : memref<!tpu.dma_semaphore, #tpu.memory_space<semaphore_mem>>
      %dma_start3A_96 = tpu.memref_slice %arg6[%add3A_66] : memref<160000xi32, #tpu.memory_space<hbm>> -> memref<16xi32, #tpu.memory_space<hbm>>
      %dma_start3A_97 = tpu.memref_slice %arg6[%add3A_66] : memref<160000xi32, #tpu.memory_space<hbm>> -> memref<16xi32, #tpu.memory_space<hbm>>
      tpu.enqueue_dma source(%dma_start3A_97 : memref<16xi32, #tpu.memory_space<hbm>>) target(%arg28 : memref<16xi32, #tpu.memory_space<vmem>>) target_semaphore(%run_scoped3A : memref<!tpu.dma_semaphore, #tpu.memory_space<semaphore_mem>>)
      %dma_wait3A_98 = tpu.memref_slice %arg6[%add3A_66] : memref<160000xi32, #tpu.memory_space<hbm>> -> memref<16xi32, #tpu.memory_space<hbm>>
      %dma_wait3A_99 = tpu.memref_slice %arg6[%add3A_66] : memref<160000xi32, #tpu.memory_space<hbm>> -> memref<16xi32, #tpu.memory_space<hbm>>
      tpu.wait_dma2 semaphore(%run_scoped3A : memref<!tpu.dma_semaphore, #tpu.memory_space<semaphore_mem>>) src(%dma_wait3A_99 : memref<16xi32, #tpu.memory_space<hbm>>) dst(%arg28 : memref<16xi32, #tpu.memory_space<vmem>>)
      tpu.yield
    }) : () -> ()
    %add3A_68 = arith.addi %mul3A_6, %add3A_66 : i32
    "tpu.region"() ({
      %run_scoped3A = tpu.sem_alloc : memref<!tpu.dma_semaphore, #tpu.memory_space<semaphore_mem>>
      %dma_start3A_96 = tpu.memref_slice %arg7[%add3A_68] : memref<320000xi32, #tpu.memory_space<hbm>> -> memref<16xi32, #tpu.memory_space<hbm>>
      %dma_start3A_97 = tpu.memref_slice %arg7[%add3A_68] : memref<320000xi32, #tpu.memory_space<hbm>> -> memref<16xi32, #tpu.memory_space<hbm>>
      tpu.enqueue_dma source(%dma_start3A_97 : memref<16xi32, #tpu.memory_space<hbm>>) target(%arg29 : memref<16xi32, #tpu.memory_space<vmem>>) target_semaphore(%run_scoped3A : memref<!tpu.dma_semaphore, #tpu.memory_space<semaphore_mem>>)
      %dma_wait3A_98 = tpu.memref_slice %arg7[%add3A_68] : memref<320000xi32, #tpu.memory_space<hbm>> -> memref<16xi32, #tpu.memory_space<hbm>>
      %dma_wait3A_99 = tpu.memref_slice %arg7[%add3A_68] : memref<320000xi32, #tpu.memory_space<hbm>> -> memref<16xi32, #tpu.memory_space<hbm>>
      tpu.wait_dma2 semaphore(%run_scoped3A : memref<!tpu.dma_semaphore, #tpu.memory_space<semaphore_mem>>) src(%dma_wait3A_99 : memref<16xi32, #tpu.memory_space<hbm>>) dst(%arg29 : memref<16xi32, #tpu.memory_space<vmem>>)
      tpu.yield
    }) : () -> ()
    %dma_start3A_69 = arith.constant 0 : i32
    %dma_start3A_70 = arith.constant 0 : i32
    %dma_start3A_71 = tpu.memref_slice %arg2[%dma_start3A_69, %dma_start3A_70] : memref<20000x128xf32, #tpu.memory_space<hbm>> -> memref<20000x128xf32, #tpu.memory_space<hbm>>
    tpu.enqueue_indirect_dma source(%dma_start3A_71 : memref<20000x128xf32, #tpu.memory_space<hbm>>) target(%arg30 : memref<16x128xf32, #tpu.memory_space<vmem>>) offsets(%arg26 : memref<16xi32, #tpu.memory_space<vmem>>) semaphore(%arg40 : memref<!tpu.dma_semaphore, #tpu.memory_space<semaphore_mem>>)
    %dma_wait3A_72 = arith.constant 0 : i32
    %dma_wait3A_73 = arith.constant 0 : i32
    %dma_wait3A_74 = tpu.memref_slice %arg2[%dma_wait3A_72, %dma_wait3A_73] : memref<20000x128xf32, #tpu.memory_space<hbm>> -> memref<20000x128xf32, #tpu.memory_space<hbm>>
    tpu.wait_indirect_dma semaphore(%arg40 : memref<!tpu.dma_semaphore, #tpu.memory_space<semaphore_mem>>) src(%dma_wait3A_74 : memref<20000x128xf32, #tpu.memory_space<hbm>>) dst(%arg30 : memref<16x128xf32, #tpu.memory_space<vmem>>)
    "tpu.region"() ({
      %run_scoped3A = tpu.sem_alloc : memref<!tpu.dma_semaphore, #tpu.memory_space<semaphore_mem>>
      %dma_start3A_96 = arith.constant 0 : i32
      %dma_start3A_97 = arith.constant 0 : i32
      %dma_start3A_98 = tpu.memref_slice %arg12[%dma_start3A_96, %dma_start3A_97] : memref<10240x128xf32, #tpu.memory_space<vmem_shared>> -> memref<10240x128xf32, #tpu.memory_space<vmem_shared>>
      tpu.enqueue_indirect_dma source(%arg30 : memref<16x128xf32, #tpu.memory_space<vmem>>) target(%dma_start3A_98 : memref<10240x128xf32, #tpu.memory_space<vmem_shared>>) offsets(%arg27 : memref<16xi32, #tpu.memory_space<vmem>>) semaphore(%run_scoped3A : memref<!tpu.dma_semaphore, #tpu.memory_space<semaphore_mem>>) {add = true}
      %dma_wait3A_99 = arith.constant 0 : i32
      %dma_wait3A_100 = arith.constant 0 : i32
      %dma_wait3A_101 = tpu.memref_slice %arg12[%dma_wait3A_99, %dma_wait3A_100] : memref<10240x128xf32, #tpu.memory_space<vmem_shared>> -> memref<10240x128xf32, #tpu.memory_space<vmem_shared>>
      tpu.wait_indirect_dma semaphore(%run_scoped3A : memref<!tpu.dma_semaphore, #tpu.memory_space<semaphore_mem>>) src(%arg30 : memref<16x128xf32, #tpu.memory_space<vmem>>) dst(%dma_wait3A_101 : memref<10240x128xf32, #tpu.memory_space<vmem_shared>>)
      tpu.yield
    }) : () -> ()
    %dma_start3A_75 = arith.constant 0 : i32
    %dma_start3A_76 = arith.constant 0 : i32
    %dma_start3A_77 = tpu.memref_slice %arg3[%dma_start3A_75, %dma_start3A_76] : memref<40000x16xf32, #tpu.memory_space<hbm>> -> memref<40000x16xf32, #tpu.memory_space<hbm>>
    tpu.enqueue_indirect_dma source(%dma_start3A_77 : memref<40000x16xf32, #tpu.memory_space<hbm>>) target(%arg31 : memref<16x16xf32, #tpu.memory_space<vmem>>) offsets(%arg28 : memref<16xi32, #tpu.memory_space<vmem>>) semaphore(%arg40 : memref<!tpu.dma_semaphore, #tpu.memory_space<semaphore_mem>>)
    %dma_wait3A_78 = arith.constant 0 : i32
    %dma_wait3A_79 = arith.constant 0 : i32
    %dma_wait3A_80 = tpu.memref_slice %arg3[%dma_wait3A_78, %dma_wait3A_79] : memref<40000x16xf32, #tpu.memory_space<hbm>> -> memref<40000x16xf32, #tpu.memory_space<hbm>>
    tpu.wait_indirect_dma semaphore(%arg40 : memref<!tpu.dma_semaphore, #tpu.memory_space<semaphore_mem>>) src(%dma_wait3A_80 : memref<40000x16xf32, #tpu.memory_space<hbm>>) dst(%arg31 : memref<16x16xf32, #tpu.memory_space<vmem>>)
    "tpu.region"() ({
      %run_scoped3A = tpu.sem_alloc : memref<!tpu.dma_semaphore, #tpu.memory_space<semaphore_mem>>
      %dma_start3A_96 = arith.constant 0 : i32
      %dma_start3A_97 = arith.constant 0 : i32
      %dma_start3A_98 = tpu.memref_slice %arg13[%dma_start3A_96, %dma_start3A_97] : memref<20096x16xf32, #tpu.memory_space<vmem_shared>> -> memref<20096x16xf32, #tpu.memory_space<vmem_shared>>
      tpu.enqueue_indirect_dma source(%arg31 : memref<16x16xf32, #tpu.memory_space<vmem>>) target(%dma_start3A_98 : memref<20096x16xf32, #tpu.memory_space<vmem_shared>>) offsets(%arg29 : memref<16xi32, #tpu.memory_space<vmem>>) semaphore(%run_scoped3A : memref<!tpu.dma_semaphore, #tpu.memory_space<semaphore_mem>>) {add = true}
      %dma_wait3A_99 = arith.constant 0 : i32
      %dma_wait3A_100 = arith.constant 0 : i32
      %dma_wait3A_101 = tpu.memref_slice %arg13[%dma_wait3A_99, %dma_wait3A_100] : memref<20096x16xf32, #tpu.memory_space<vmem_shared>> -> memref<20096x16xf32, #tpu.memory_space<vmem_shared>>
      tpu.wait_indirect_dma semaphore(%run_scoped3A : memref<!tpu.dma_semaphore, #tpu.memory_space<semaphore_mem>>) src(%arg31 : memref<16x16xf32, #tpu.memory_space<vmem>>) dst(%dma_wait3A_101 : memref<20096x16xf32, #tpu.memory_space<vmem_shared>>)
      tpu.yield
    }) : () -> ()
    %barrier3A_81 = arith.constant 0 : index
    tpu.barrier barrier_id(%barrier3A_81)
    %mul3A_82 = arith.constant 640 : i32
    %mul3A_83 = arith.muli %arg1, %mul3A_82 : i32
    %mul3A_84 = arith.constant 10240 : i32
    %mul3A_85 = arith.muli %arg0, %mul3A_84 : i32
    %mul3A_86 = arith.constant 640 : i32
    %mul3A_87 = arith.muli %arg1, %mul3A_86 : i32
    %add3A_88 = arith.addi %mul3A_85, %mul3A_87 : i32
    "tpu.region"() ({
      %run_scoped3A = tpu.sem_alloc : memref<!tpu.dma_semaphore, #tpu.memory_space<semaphore_mem>>
      %dma_start3A_96 = arith.constant 0 : i32
      %dma_start3A_97 = tpu.memref_slice %arg10[%add3A_88, %dma_start3A_96] : memref<20480x128xf32, #tpu.memory_space<hbm>> -> memref<640x128xf32, #tpu.memory_space<hbm>>
      %dma_start3A_98 = arith.constant 0 : i32
      %dma_start3A_99 = tpu.memref_slice %arg12[%mul3A_83, %dma_start3A_98] : memref<10240x128xf32, #tpu.memory_space<vmem_shared>> -> memref<640x128xf32, #tpu.memory_space<vmem_shared>>
      tpu.enqueue_dma source(%dma_start3A_99 : memref<640x128xf32, #tpu.memory_space<vmem_shared>>) target(%dma_start3A_97 : memref<640x128xf32, #tpu.memory_space<hbm>>) target_semaphore(%run_scoped3A : memref<!tpu.dma_semaphore, #tpu.memory_space<semaphore_mem>>)
      %dma_wait3A_100 = arith.constant 0 : i32
      %dma_wait3A_101 = tpu.memref_slice %arg10[%add3A_88, %dma_wait3A_100] : memref<20480x128xf32, #tpu.memory_space<hbm>> -> memref<640x128xf32, #tpu.memory_space<hbm>>
      %dma_wait3A_102 = arith.constant 0 : i32
      %dma_wait3A_103 = tpu.memref_slice %arg12[%mul3A_83, %dma_wait3A_102] : memref<10240x128xf32, #tpu.memory_space<vmem_shared>> -> memref<640x128xf32, #tpu.memory_space<vmem_shared>>
      tpu.wait_dma2 semaphore(%run_scoped3A : memref<!tpu.dma_semaphore, #tpu.memory_space<semaphore_mem>>) src(%dma_wait3A_103 : memref<640x128xf32, #tpu.memory_space<vmem_shared>>) dst(%dma_wait3A_101 : memref<640x128xf32, #tpu.memory_space<hbm>>)
      tpu.yield
    }) : () -> ()
    %mul3A_89 = arith.constant 1256 : i32
    %mul3A_90 = arith.muli %arg1, %mul3A_89 : i32
    %mul3A_91 = arith.constant 20096 : i32
    %mul3A_92 = arith.muli %arg0, %mul3A_91 : i32
    %mul3A_93 = arith.constant 1256 : i32
    %mul3A_94 = arith.muli %arg1, %mul3A_93 : i32
    %add3A_95 = arith.addi %mul3A_92, %mul3A_94 : i32
    "tpu.region"() ({
      %run_scoped3A = tpu.sem_alloc : memref<!tpu.dma_semaphore, #tpu.memory_space<semaphore_mem>>
      %dma_start3A_96 = arith.constant 0 : i32
      %dma_start3A_97 = tpu.memref_slice %arg11[%add3A_95, %dma_start3A_96] : memref<40192x16xf32, #tpu.memory_space<hbm>> -> memref<1256x16xf32, #tpu.memory_space<hbm>>
      %dma_start3A_98 = arith.constant 0 : i32
      %dma_start3A_99 = tpu.memref_slice %arg13[%mul3A_90, %dma_start3A_98] : memref<20096x16xf32, #tpu.memory_space<vmem_shared>> -> memref<1256x16xf32, #tpu.memory_space<vmem_shared>>
      tpu.enqueue_dma source(%dma_start3A_99 : memref<1256x16xf32, #tpu.memory_space<vmem_shared>>) target(%dma_start3A_97 : memref<1256x16xf32, #tpu.memory_space<hbm>>) target_semaphore(%run_scoped3A : memref<!tpu.dma_semaphore, #tpu.memory_space<semaphore_mem>>)
      %dma_wait3A_100 = arith.constant 0 : i32
      %dma_wait3A_101 = tpu.memref_slice %arg11[%add3A_95, %dma_wait3A_100] : memref<40192x16xf32, #tpu.memory_space<hbm>> -> memref<1256x16xf32, #tpu.memory_space<hbm>>
      %dma_wait3A_102 = arith.constant 0 : i32
      %dma_wait3A_103 = tpu.memref_slice %arg13[%mul3A_90, %dma_wait3A_102] : memref<20096x16xf32, #tpu.memory_space<vmem_shared>> -> memref<1256x16xf32, #tpu.memory_space<vmem_shared>>
      tpu.wait_dma2 semaphore(%run_scoped3A : memref<!tpu.dma_semaphore, #tpu.memory_space<semaphore_mem>>) src(%dma_wait3A_103 : memref<1256x16xf32, #tpu.memory_space<vmem_shared>>) dst(%dma_wait3A_101 : memref<1256x16xf32, #tpu.memory_space<hbm>>)
      tpu.yield
    }) : () -> ()
    return
  }
}

#map = affine_map<(d0, d1) -> (0)>
#map1 = affine_map<(d0, d1) -> (0, 0)>
module attributes {stable_mosaic.version = 14 : i64} {
  func.func @_stats_body(%arg0: i32, %arg1: i32, %arg2: memref<160128xi32, #tpu.memory_space<hbm>>, %arg3: memref<160128xi32, #tpu.memory_space<hbm>>, %arg4: memref<160128xf32, #tpu.memory_space<hbm>>, %arg5: memref<1256x16xf32, #tpu.memory_space<hbm>>, %arg6: memref<20480x16xf32, #tpu.memory_space<hbm>>, %arg7: memref<10240x16xf32, #tpu.memory_space<vmem_shared>>, %arg8: memref<128xi32, #tpu.memory_space<vmem>>, %arg9: memref<128xi32, #tpu.memory_space<vmem>>, %arg10: memref<128xf32, #tpu.memory_space<vmem>>, %arg11: memref<128xi32, #tpu.memory_space<vmem>>, %arg12: memref<128xi32, #tpu.memory_space<vmem>>, %arg13: memref<128xf32, #tpu.memory_space<vmem>>, %arg14: memref<128x16xf32, #tpu.memory_space<vmem>>, %arg15: memref<16xi32, #tpu.memory_space<vmem>>, %arg16: memref<16xi32, #tpu.memory_space<vmem>>, %arg17: memref<16xf32, #tpu.memory_space<vmem>>, %arg18: memref<16x16xf32, #tpu.memory_space<vmem>>, %arg19: memref<!tpu.dma_semaphore, #tpu.memory_space<semaphore_mem>>, %arg20: memref<!tpu.dma_semaphore, #tpu.memory_space<semaphore_mem>>, %arg21: memref<!tpu.dma_semaphore, #tpu.memory_space<semaphore_mem>>, %arg22: memref<!tpu.dma_semaphore, #tpu.memory_space<semaphore_mem>>) attributes {dimension_semantics = [#tpu.dimension_semantics<core_parallel>, #tpu.dimension_semantics<subcore_parallel>], iteration_bounds = array<i64: 2, 16>, scalar_prefetch = 0 : i64, scratch_operands = 16 : i64, tpu.core_type = #tpu.core_type<sc_vector_subcore>, window_params = [{transform_indices = #map}, {transform_indices = #map}, {transform_indices = #map}, {transform_indices = #map1}, {transform_indices = #map1}]} {
    %mul3A = arith.constant 640 : i32
    %mul3A_0 = arith.muli %arg1, %mul3A : i32
    "tpu.region"() ({
      %run_scoped3A = tpu.sem_alloc : memref<!tpu.dma_semaphore, #tpu.memory_space<semaphore_mem>>
      %dma_start3A_132 = arith.constant 0 : i32
      %dma_start3A_133 = tpu.memref_slice %arg7[%mul3A_0, %dma_start3A_132] : memref<10240x16xf32, #tpu.memory_space<vmem_shared>> -> memref<640x16xf32, #tpu.memory_space<vmem_shared>>
      %dma_start3A_134 = arith.constant 0 : i32
      %dma_start3A_135 = arith.constant 0 : i32
      %dma_start3A_136 = tpu.memref_slice %arg5[%dma_start3A_134, %dma_start3A_135] : memref<1256x16xf32, #tpu.memory_space<hbm>> -> memref<640x16xf32, #tpu.memory_space<hbm>>
      tpu.enqueue_dma source(%dma_start3A_136 : memref<640x16xf32, #tpu.memory_space<hbm>>) target(%dma_start3A_133 : memref<640x16xf32, #tpu.memory_space<vmem_shared>>) target_semaphore(%run_scoped3A : memref<!tpu.dma_semaphore, #tpu.memory_space<semaphore_mem>>)
      %dma_wait3A_137 = arith.constant 0 : i32
      %dma_wait3A_138 = tpu.memref_slice %arg7[%mul3A_0, %dma_wait3A_137] : memref<10240x16xf32, #tpu.memory_space<vmem_shared>> -> memref<640x16xf32, #tpu.memory_space<vmem_shared>>
      %dma_wait3A_139 = arith.constant 0 : i32
      %dma_wait3A_140 = arith.constant 0 : i32
      %dma_wait3A_141 = tpu.memref_slice %arg5[%dma_wait3A_139, %dma_wait3A_140] : memref<1256x16xf32, #tpu.memory_space<hbm>> -> memref<640x16xf32, #tpu.memory_space<hbm>>
      tpu.wait_dma2 semaphore(%run_scoped3A : memref<!tpu.dma_semaphore, #tpu.memory_space<semaphore_mem>>) src(%dma_wait3A_141 : memref<640x16xf32, #tpu.memory_space<hbm>>) dst(%dma_wait3A_138 : memref<640x16xf32, #tpu.memory_space<vmem_shared>>)
      tpu.yield
    }) : () -> ()
    %barrier3A = arith.constant 0 : index
    tpu.barrier barrier_id(%barrier3A)
    %mul3A_1 = arith.constant 16 : i32
    %mul3A_2 = arith.muli %arg0, %mul3A_1 : i32
    %add3A = arith.addi %mul3A_2, %arg1 : i32
    %mul3A_3 = arith.constant 5000 : i32
    %mul3A_4 = arith.muli %add3A, %mul3A_3 : i32
    %broadcast_in_dim3A = arith.constant 1.000000e+00 : f32
    %broadcast_in_dim3A_5 = vector.broadcast %broadcast_in_dim3A : f32 to vector<16xf32>
    %iota3A = tpu.iota {dimensions = array<i32: 0>} : vector<16xi32>
    %add3A_6 = arith.constant 0 : i32
    %add3A_7 = arith.addi %mul3A_4, %add3A_6 : i32
    "tpu.region"() ({
      %run_scoped3A = tpu.sem_alloc : memref<!tpu.dma_semaphore, #tpu.memory_space<semaphore_mem>>
      %dma_start3A_132 = tpu.memref_slice %arg2[%add3A_7] : memref<160128xi32, #tpu.memory_space<hbm>> -> memref<128xi32, #tpu.memory_space<hbm>>
      %dma_start3A_133 = tpu.memref_slice %arg2[%add3A_7] : memref<160128xi32, #tpu.memory_space<hbm>> -> memref<128xi32, #tpu.memory_space<hbm>>
      tpu.enqueue_dma source(%dma_start3A_133 : memref<128xi32, #tpu.memory_space<hbm>>) target(%arg8 : memref<128xi32, #tpu.memory_space<vmem>>) target_semaphore(%run_scoped3A : memref<!tpu.dma_semaphore, #tpu.memory_space<semaphore_mem>>)
      %dma_wait3A_134 = tpu.memref_slice %arg2[%add3A_7] : memref<160128xi32, #tpu.memory_space<hbm>> -> memref<128xi32, #tpu.memory_space<hbm>>
      %dma_wait3A_135 = tpu.memref_slice %arg2[%add3A_7] : memref<160128xi32, #tpu.memory_space<hbm>> -> memref<128xi32, #tpu.memory_space<hbm>>
      tpu.wait_dma2 semaphore(%run_scoped3A : memref<!tpu.dma_semaphore, #tpu.memory_space<semaphore_mem>>) src(%dma_wait3A_135 : memref<128xi32, #tpu.memory_space<hbm>>) dst(%arg8 : memref<128xi32, #tpu.memory_space<vmem>>)
      tpu.yield
    }) : () -> ()
    "tpu.region"() ({
      %run_scoped3A = tpu.sem_alloc : memref<!tpu.dma_semaphore, #tpu.memory_space<semaphore_mem>>
      %dma_start3A_132 = tpu.memref_slice %arg3[%add3A_7] : memref<160128xi32, #tpu.memory_space<hbm>> -> memref<128xi32, #tpu.memory_space<hbm>>
      %dma_start3A_133 = tpu.memref_slice %arg3[%add3A_7] : memref<160128xi32, #tpu.memory_space<hbm>> -> memref<128xi32, #tpu.memory_space<hbm>>
      tpu.enqueue_dma source(%dma_start3A_133 : memref<128xi32, #tpu.memory_space<hbm>>) target(%arg9 : memref<128xi32, #tpu.memory_space<vmem>>) target_semaphore(%run_scoped3A : memref<!tpu.dma_semaphore, #tpu.memory_space<semaphore_mem>>)
      %dma_wait3A_134 = tpu.memref_slice %arg3[%add3A_7] : memref<160128xi32, #tpu.memory_space<hbm>> -> memref<128xi32, #tpu.memory_space<hbm>>
      %dma_wait3A_135 = tpu.memref_slice %arg3[%add3A_7] : memref<160128xi32, #tpu.memory_space<hbm>> -> memref<128xi32, #tpu.memory_space<hbm>>
      tpu.wait_dma2 semaphore(%run_scoped3A : memref<!tpu.dma_semaphore, #tpu.memory_space<semaphore_mem>>) src(%dma_wait3A_135 : memref<128xi32, #tpu.memory_space<hbm>>) dst(%arg9 : memref<128xi32, #tpu.memory_space<vmem>>)
      tpu.yield
    }) : () -> ()
    "tpu.region"() ({
      %run_scoped3A = tpu.sem_alloc : memref<!tpu.dma_semaphore, #tpu.memory_space<semaphore_mem>>
      %dma_start3A_132 = tpu.memref_slice %arg4[%add3A_7] : memref<160128xf32, #tpu.memory_space<hbm>> -> memref<128xf32, #tpu.memory_space<hbm>>
      %dma_start3A_133 = tpu.memref_slice %arg4[%add3A_7] : memref<160128xf32, #tpu.memory_space<hbm>> -> memref<128xf32, #tpu.memory_space<hbm>>
      tpu.enqueue_dma source(%dma_start3A_133 : memref<128xf32, #tpu.memory_space<hbm>>) target(%arg10 : memref<128xf32, #tpu.memory_space<vmem>>) target_semaphore(%run_scoped3A : memref<!tpu.dma_semaphore, #tpu.memory_space<semaphore_mem>>)
      %dma_wait3A_134 = tpu.memref_slice %arg4[%add3A_7] : memref<160128xf32, #tpu.memory_space<hbm>> -> memref<128xf32, #tpu.memory_space<hbm>>
      %dma_wait3A_135 = tpu.memref_slice %arg4[%add3A_7] : memref<160128xf32, #tpu.memory_space<hbm>> -> memref<128xf32, #tpu.memory_space<hbm>>
      tpu.wait_dma2 semaphore(%run_scoped3A : memref<!tpu.dma_semaphore, #tpu.memory_space<semaphore_mem>>) src(%dma_wait3A_135 : memref<128xf32, #tpu.memory_space<hbm>>) dst(%arg10 : memref<128xf32, #tpu.memory_space<vmem>>)
      tpu.yield
    }) : () -> ()
    %add3A_8 = arith.constant 128 : i32
    %add3A_9 = arith.addi %mul3A_4, %add3A_8 : i32
    %dma_start3A = tpu.memref_slice %arg2[%add3A_9] : memref<160128xi32, #tpu.memory_space<hbm>> -> memref<128xi32, #tpu.memory_space<hbm>>
    %dma_start3A_10 = tpu.memref_slice %arg2[%add3A_9] : memref<160128xi32, #tpu.memory_space<hbm>> -> memref<128xi32, #tpu.memory_space<hbm>>
    tpu.enqueue_dma source(%dma_start3A_10 : memref<128xi32, #tpu.memory_space<hbm>>) target(%arg11 : memref<128xi32, #tpu.memory_space<vmem>>) target_semaphore(%arg19 : memref<!tpu.dma_semaphore, #tpu.memory_space<semaphore_mem>>)
    %dma_start3A_11 = tpu.memref_slice %arg3[%add3A_9] : memref<160128xi32, #tpu.memory_space<hbm>> -> memref<128xi32, #tpu.memory_space<hbm>>
    %dma_start3A_12 = tpu.memref_slice %arg3[%add3A_9] : memref<160128xi32, #tpu.memory_space<hbm>> -> memref<128xi32, #tpu.memory_space<hbm>>
    tpu.enqueue_dma source(%dma_start3A_12 : memref<128xi32, #tpu.memory_space<hbm>>) target(%arg12 : memref<128xi32, #tpu.memory_space<vmem>>) target_semaphore(%arg20 : memref<!tpu.dma_semaphore, #tpu.memory_space<semaphore_mem>>)
    %dma_start3A_13 = tpu.memref_slice %arg4[%add3A_9] : memref<160128xf32, #tpu.memory_space<hbm>> -> memref<128xf32, #tpu.memory_space<hbm>>
    %dma_start3A_14 = tpu.memref_slice %arg4[%add3A_9] : memref<160128xf32, #tpu.memory_space<hbm>> -> memref<128xf32, #tpu.memory_space<hbm>>
    tpu.enqueue_dma source(%dma_start3A_14 : memref<128xf32, #tpu.memory_space<hbm>>) target(%arg13 : memref<128xf32, #tpu.memory_space<vmem>>) target_semaphore(%arg21 : memref<!tpu.dma_semaphore, #tpu.memory_space<semaphore_mem>>)
    %scan3A = arith.constant 0 : i32
    %scan3A_15 = arith.constant 0 : i32
    %scan3A_16 = arith.constant 19 : i32
    %scan3A_17 = arith.addi %scan3A_15, %scan3A_16 : i32
    %scan3A_18 = arith.constant 1 : i32
    scf.for %scan3A_132 = %scan3A_15 to %scan3A_17 step %scan3A_18  : i32 {
      %mul3A_133 = arith.constant 2 : i32
      %mul3A_134 = arith.muli %mul3A_133, %scan3A_132 : i32
      "tpu.region"() ({
        %run_scoped3A = tpu.sem_alloc : memref<!tpu.dma_semaphore, #tpu.memory_space<semaphore_mem>>
        %dma_start3A_343 = arith.constant 0 : i32
        %dma_start3A_344 = arith.constant 0 : i32
        %dma_start3A_345 = tpu.memref_slice %arg5[%dma_start3A_343, %dma_start3A_344] : memref<1256x16xf32, #tpu.memory_space<hbm>> -> memref<128x16xf32, #tpu.memory_space<hbm>>
        %dma_start3A_346 = arith.constant 0 : i32
        %dma_start3A_347 = arith.constant 0 : i32
        %dma_start3A_348 = tpu.memref_slice %arg5[%dma_start3A_346, %dma_start3A_347] : memref<1256x16xf32, #tpu.memory_space<hbm>> -> memref<128x16xf32, #tpu.memory_space<hbm>>
        tpu.enqueue_dma source(%dma_start3A_348 : memref<128x16xf32, #tpu.memory_space<hbm>>) target(%arg14 : memref<128x16xf32, #tpu.memory_space<vmem>>) target_semaphore(%run_scoped3A : memref<!tpu.dma_semaphore, #tpu.memory_space<semaphore_mem>>)
        %dma_wait3A_349 = arith.constant 0 : i32
        %dma_wait3A_350 = arith.constant 0 : i32
        %dma_wait3A_351 = tpu.memref_slice %arg5[%dma_wait3A_349, %dma_wait3A_350] : memref<1256x16xf32, #tpu.memory_space<hbm>> -> memref<128x16xf32, #tpu.memory_space<hbm>>
        %dma_wait3A_352 = arith.constant 0 : i32
        %dma_wait3A_353 = arith.constant 0 : i32
        %dma_wait3A_354 = tpu.memref_slice %arg5[%dma_wait3A_352, %dma_wait3A_353] : memref<1256x16xf32, #tpu.memory_space<hbm>> -> memref<128x16xf32, #tpu.memory_space<hbm>>
        tpu.wait_dma2 semaphore(%run_scoped3A : memref<!tpu.dma_semaphore, #tpu.memory_space<semaphore_mem>>) src(%dma_wait3A_354 : memref<128x16xf32, #tpu.memory_space<hbm>>) dst(%arg14 : memref<128x16xf32, #tpu.memory_space<vmem>>)
        tpu.yield
      }) : () -> ()
      %get3A_135 = arith.constant 0 : index
      %get3A_136 = tpu.vector_load %arg9[%get3A_135] {strides = array<i32>} : memref<128xi32, #tpu.memory_space<vmem>>, vector<16xi32>,
      %get3A_137 = arith.constant 0 : index
      %get3A_138 = tpu.vector_load %arg10[%get3A_137] {strides = array<i32>} : memref<128xf32, #tpu.memory_space<vmem>>, vector<16xf32>,
      %add3A_139 = arith.constant 0 : i32
      %add3A_140 = vector.broadcast %add3A_139 : i32 to vector<16xi32>
      %add3A_141 = arith.addi %iota3A, %add3A_140 : vector<16xi32>
      tpu.vector_store_idx %arg14[%add3A_141, %get3A_136], %broadcast_in_dim3A_5 : memref<128x16xf32, #tpu.memory_space<vmem>>[vector<16xi32>, vector<16xi32>], vector<16xf32>,
      %add3A_142 = arith.constant 4 : i32
      %add3A_143 = vector.broadcast %add3A_142 : i32 to vector<16xi32>
      %add3A_144 = arith.addi %get3A_136, %add3A_143 : vector<16xi32>
      tpu.vector_store_idx %arg14[%add3A_141, %add3A_144], %get3A_138 : memref<128x16xf32, #tpu.memory_space<vmem>>[vector<16xi32>, vector<16xi32>], vector<16xf32>,
      %get3A_145 = arith.constant 16 : index
      %get3A_146 = tpu.vector_load %arg9[%get3A_145] {strides = array<i32>} : memref<128xi32, #tpu.memory_space<vmem>>, vector<16xi32>,
      %get3A_147 = arith.constant 16 : index
      %get3A_148 = tpu.vector_load %arg10[%get3A_147] {strides = array<i32>} : memref<128xf32, #tpu.memory_space<vmem>>, vector<16xf32>,
      %add3A_149 = arith.constant 16 : i32
      %add3A_150 = vector.broadcast %add3A_149 : i32 to vector<16xi32>
      %add3A_151 = arith.addi %iota3A, %add3A_150 : vector<16xi32>
      tpu.vector_store_idx %arg14[%add3A_151, %get3A_146], %broadcast_in_dim3A_5 : memref<128x16xf32, #tpu.memory_space<vmem>>[vector<16xi32>, vector<16xi32>], vector<16xf32>,
      %add3A_152 = arith.constant 4 : i32
      %add3A_153 = vector.broadcast %add3A_152 : i32 to vector<16xi32>
      %add3A_154 = arith.addi %get3A_146, %add3A_153 : vector<16xi32>
      tpu.vector_store_idx %arg14[%add3A_151, %add3A_154], %get3A_148 : memref<128x16xf32, #tpu.memory_space<vmem>>[vector<16xi32>, vector<16xi32>], vector<16xf32>,
      %get3A_155 = arith.constant 32 : index
      %get3A_156 = tpu.vector_load %arg9[%get3A_155] {strides = array<i32>} : memref<128xi32, #tpu.memory_space<vmem>>, vector<16xi32>,
      %get3A_157 = arith.constant 32 : index
      %get3A_158 = tpu.vector_load %arg10[%get3A_157] {strides = array<i32>} : memref<128xf32, #tpu.memory_space<vmem>>, vector<16xf32>,
      %add3A_159 = arith.constant 32 : i32
      %add3A_160 = vector.broadcast %add3A_159 : i32 to vector<16xi32>
      %add3A_161 = arith.addi %iota3A, %add3A_160 : vector<16xi32>
      tpu.vector_store_idx %arg14[%add3A_161, %get3A_156], %broadcast_in_dim3A_5 : memref<128x16xf32, #tpu.memory_space<vmem>>[vector<16xi32>, vector<16xi32>], vector<16xf32>,
      %add3A_162 = arith.constant 4 : i32
      %add3A_163 = vector.broadcast %add3A_162 : i32 to vector<16xi32>
      %add3A_164 = arith.addi %get3A_156, %add3A_163 : vector<16xi32>
      tpu.vector_store_idx %arg14[%add3A_161, %add3A_164], %get3A_158 : memref<128x16xf32, #tpu.memory_space<vmem>>[vector<16xi32>, vector<16xi32>], vector<16xf32>,
      %get3A_165 = arith.constant 48 : index
      %get3A_166 = tpu.vector_load %arg9[%get3A_165] {strides = array<i32>} : memref<128xi32, #tpu.memory_space<vmem>>, vector<16xi32>,
      %get3A_167 = arith.constant 48 : index
      %get3A_168 = tpu.vector_load %arg10[%get3A_167] {strides = array<i32>} : memref<128xf32, #tpu.memory_space<vmem>>, vector<16xf32>,
      %add3A_169 = arith.constant 48 : i32
      %add3A_170 = vector.broadcast %add3A_169 : i32 to vector<16xi32>
      %add3A_171 = arith.addi %iota3A, %add3A_170 : vector<16xi32>
      tpu.vector_store_idx %arg14[%add3A_171, %get3A_166], %broadcast_in_dim3A_5 : memref<128x16xf32, #tpu.memory_space<vmem>>[vector<16xi32>, vector<16xi32>], vector<16xf32>,
      %add3A_172 = arith.constant 4 : i32
      %add3A_173 = vector.broadcast %add3A_172 : i32 to vector<16xi32>
      %add3A_174 = arith.addi %get3A_166, %add3A_173 : vector<16xi32>
      tpu.vector_store_idx %arg14[%add3A_171, %add3A_174], %get3A_168 : memref<128x16xf32, #tpu.memory_space<vmem>>[vector<16xi32>, vector<16xi32>], vector<16xf32>,
      %get3A_175 = arith.constant 64 : index
      %get3A_176 = tpu.vector_load %arg9[%get3A_175] {strides = array<i32>} : memref<128xi32, #tpu.memory_space<vmem>>, vector<16xi32>,
      %get3A_177 = arith.constant 64 : index
      %get3A_178 = tpu.vector_load %arg10[%get3A_177] {strides = array<i32>} : memref<128xf32, #tpu.memory_space<vmem>>, vector<16xf32>,
      %add3A_179 = arith.constant 64 : i32
      %add3A_180 = vector.broadcast %add3A_179 : i32 to vector<16xi32>
      %add3A_181 = arith.addi %iota3A, %add3A_180 : vector<16xi32>
      tpu.vector_store_idx %arg14[%add3A_181, %get3A_176], %broadcast_in_dim3A_5 : memref<128x16xf32, #tpu.memory_space<vmem>>[vector<16xi32>, vector<16xi32>], vector<16xf32>,
      %add3A_182 = arith.constant 4 : i32
      %add3A_183 = vector.broadcast %add3A_182 : i32 to vector<16xi32>
      %add3A_184 = arith.addi %get3A_176, %add3A_183 : vector<16xi32>
      tpu.vector_store_idx %arg14[%add3A_181, %add3A_184], %get3A_178 : memref<128x16xf32, #tpu.memory_space<vmem>>[vector<16xi32>, vector<16xi32>], vector<16xf32>,
      %get3A_185 = arith.constant 80 : index
      %get3A_186 = tpu.vector_load %arg9[%get3A_185] {strides = array<i32>} : memref<128xi32, #tpu.memory_space<vmem>>, vector<16xi32>,
      %get3A_187 = arith.constant 80 : index
      %get3A_188 = tpu.vector_load %arg10[%get3A_187] {strides = array<i32>} : memref<128xf32, #tpu.memory_space<vmem>>, vector<16xf32>,
      %add3A_189 = arith.constant 80 : i32
      %add3A_190 = vector.broadcast %add3A_189 : i32 to vector<16xi32>
      %add3A_191 = arith.addi %iota3A, %add3A_190 : vector<16xi32>
      tpu.vector_store_idx %arg14[%add3A_191, %get3A_186], %broadcast_in_dim3A_5 : memref<128x16xf32, #tpu.memory_space<vmem>>[vector<16xi32>, vector<16xi32>], vector<16xf32>,
      %add3A_192 = arith.constant 4 : i32
      %add3A_193 = vector.broadcast %add3A_192 : i32 to vector<16xi32>
      %add3A_194 = arith.addi %get3A_186, %add3A_193 : vector<16xi32>
      tpu.vector_store_idx %arg14[%add3A_191, %add3A_194], %get3A_188 : memref<128x16xf32, #tpu.memory_space<vmem>>[vector<16xi32>, vector<16xi32>], vector<16xf32>,
      %get3A_195 = arith.constant 96 : index
      %get3A_196 = tpu.vector_load %arg9[%get3A_195] {strides = array<i32>} : memref<128xi32, #tpu.memory_space<vmem>>, vector<16xi32>,
      %get3A_197 = arith.constant 96 : index
      %get3A_198 = tpu.vector_load %arg10[%get3A_197] {strides = array<i32>} : memref<128xf32, #tpu.memory_space<vmem>>, vector<16xf32>,
      %add3A_199 = arith.constant 96 : i32
      %add3A_200 = vector.broadcast %add3A_199 : i32 to vector<16xi32>
      %add3A_201 = arith.addi %iota3A, %add3A_200 : vector<16xi32>
      tpu.vector_store_idx %arg14[%add3A_201, %get3A_196], %broadcast_in_dim3A_5 : memref<128x16xf32, #tpu.memory_space<vmem>>[vector<16xi32>, vector<16xi32>], vector<16xf32>,
      %add3A_202 = arith.constant 4 : i32
      %add3A_203 = vector.broadcast %add3A_202 : i32 to vector<16xi32>
      %add3A_204 = arith.addi %get3A_196, %add3A_203 : vector<16xi32>
      tpu.vector_store_idx %arg14[%add3A_201, %add3A_204], %get3A_198 : memref<128x16xf32, #tpu.memory_space<vmem>>[vector<16xi32>, vector<16xi32>], vector<16xf32>,
      %get3A_205 = arith.constant 112 : index
      %get3A_206 = tpu.vector_load %arg9[%get3A_205] {strides = array<i32>} : memref<128xi32, #tpu.memory_space<vmem>>, vector<16xi32>,
      %get3A_207 = arith.constant 112 : index
      %get3A_208 = tpu.vector_load %arg10[%get3A_207] {strides = array<i32>} : memref<128xf32, #tpu.memory_space<vmem>>, vector<16xf32>,
      %add3A_209 = arith.constant 112 : i32
      %add3A_210 = vector.broadcast %add3A_209 : i32 to vector<16xi32>
      %add3A_211 = arith.addi %iota3A, %add3A_210 : vector<16xi32>
      tpu.vector_store_idx %arg14[%add3A_211, %get3A_206], %broadcast_in_dim3A_5 : memref<128x16xf32, #tpu.memory_space<vmem>>[vector<16xi32>, vector<16xi32>], vector<16xf32>,
      %add3A_212 = arith.constant 4 : i32
      %add3A_213 = vector.broadcast %add3A_212 : i32 to vector<16xi32>
      %add3A_214 = arith.addi %get3A_206, %add3A_213 : vector<16xi32>
      tpu.vector_store_idx %arg14[%add3A_211, %add3A_214], %get3A_208 : memref<128x16xf32, #tpu.memory_space<vmem>>[vector<16xi32>, vector<16xi32>], vector<16xf32>,
      "tpu.region"() ({
        %run_scoped3A = tpu.sem_alloc : memref<!tpu.dma_semaphore, #tpu.memory_space<semaphore_mem>>
        %dma_start3A_343 = arith.constant 0 : i32
        %dma_start3A_344 = arith.constant 0 : i32
        %dma_start3A_345 = tpu.memref_slice %arg7[%dma_start3A_343, %dma_start3A_344] : memref<10240x16xf32, #tpu.memory_space<vmem_shared>> -> memref<10240x16xf32, #tpu.memory_space<vmem_shared>>
        tpu.enqueue_indirect_dma source(%arg14 : memref<128x16xf32, #tpu.memory_space<vmem>>) target(%dma_start3A_345 : memref<10240x16xf32, #tpu.memory_space<vmem_shared>>) offsets(%arg8 : memref<128xi32, #tpu.memory_space<vmem>>) semaphore(%run_scoped3A : memref<!tpu.dma_semaphore, #tpu.memory_space<semaphore_mem>>) {add = true}
        %dma_wait3A_346 = arith.constant 0 : i32
        %dma_wait3A_347 = arith.constant 0 : i32
        %dma_wait3A_348 = tpu.memref_slice %arg7[%dma_wait3A_346, %dma_wait3A_347] : memref<10240x16xf32, #tpu.memory_space<vmem_shared>> -> memref<10240x16xf32, #tpu.memory_space<vmem_shared>>
        tpu.wait_indirect_dma semaphore(%run_scoped3A : memref<!tpu.dma_semaphore, #tpu.memory_space<semaphore_mem>>) src(%arg14 : memref<128x16xf32, #tpu.memory_space<vmem>>) dst(%dma_wait3A_348 : memref<10240x16xf32, #tpu.memory_space<vmem_shared>>)
        tpu.yield
      }) : () -> ()
      %dma_wait3A_215 = arith.constant 0 : i32
      %dma_wait3A_216 = tpu.memref_slice %arg2[%dma_wait3A_215] : memref<160128xi32, #tpu.memory_space<hbm>> -> memref<128xi32, #tpu.memory_space<hbm>>
      %dma_wait3A_217 = arith.constant 0 : i32
      %dma_wait3A_218 = tpu.memref_slice %arg2[%dma_wait3A_217] : memref<160128xi32, #tpu.memory_space<hbm>> -> memref<128xi32, #tpu.memory_space<hbm>>
      tpu.wait_dma2 semaphore(%arg19 : memref<!tpu.dma_semaphore, #tpu.memory_space<semaphore_mem>>) src(%dma_wait3A_218 : memref<128xi32, #tpu.memory_space<hbm>>) dst(%arg11 : memref<128xi32, #tpu.memory_space<vmem>>)
      %dma_wait3A_219 = arith.constant 0 : i32
      %dma_wait3A_220 = tpu.memref_slice %arg3[%dma_wait3A_219] : memref<160128xi32, #tpu.memory_space<hbm>> -> memref<128xi32, #tpu.memory_space<hbm>>
      %dma_wait3A_221 = arith.constant 0 : i32
      %dma_wait3A_222 = tpu.memref_slice %arg3[%dma_wait3A_221] : memref<160128xi32, #tpu.memory_space<hbm>> -> memref<128xi32, #tpu.memory_space<hbm>>
      tpu.wait_dma2 semaphore(%arg20 : memref<!tpu.dma_semaphore, #tpu.memory_space<semaphore_mem>>) src(%dma_wait3A_222 : memref<128xi32, #tpu.memory_space<hbm>>) dst(%arg12 : memref<128xi32, #tpu.memory_space<vmem>>)
      %dma_wait3A_223 = arith.constant 0 : i32
      %dma_wait3A_224 = tpu.memref_slice %arg4[%dma_wait3A_223] : memref<160128xf32, #tpu.memory_space<hbm>> -> memref<128xf32, #tpu.memory_space<hbm>>
      %dma_wait3A_225 = arith.constant 0 : i32
      %dma_wait3A_226 = tpu.memref_slice %arg4[%dma_wait3A_225] : memref<160128xf32, #tpu.memory_space<hbm>> -> memref<128xf32, #tpu.memory_space<hbm>>
      tpu.wait_dma2 semaphore(%arg21 : memref<!tpu.dma_semaphore, #tpu.memory_space<semaphore_mem>>) src(%dma_wait3A_226 : memref<128xf32, #tpu.memory_space<hbm>>) dst(%arg13 : memref<128xf32, #tpu.memory_space<vmem>>)
      %add3A_227 = arith.constant 2 : i32
      %add3A_228 = arith.addi %mul3A_134, %add3A_227 : i32
      %mul3A_229 = arith.constant 128 : i32
      %mul3A_230 = arith.muli %add3A_228, %mul3A_229 : i32
      %add3A_231 = arith.addi %mul3A_4, %mul3A_230 : i32
      %dma_start3A_232 = tpu.memref_slice %arg2[%add3A_231] : memref<160128xi32, #tpu.memory_space<hbm>> -> memref<128xi32, #tpu.memory_space<hbm>>
      %dma_start3A_233 = tpu.memref_slice %arg2[%add3A_231] : memref<160128xi32, #tpu.memory_space<hbm>> -> memref<128xi32, #tpu.memory_space<hbm>>
      tpu.enqueue_dma source(%dma_start3A_233 : memref<128xi32, #tpu.memory_space<hbm>>) target(%arg8 : memref<128xi32, #tpu.memory_space<vmem>>) target_semaphore(%arg19 : memref<!tpu.dma_semaphore, #tpu.memory_space<semaphore_mem>>)
      %dma_start3A_234 = tpu.memref_slice %arg3[%add3A_231] : memref<160128xi32, #tpu.memory_space<hbm>> -> memref<128xi32, #tpu.memory_space<hbm>>
      %dma_start3A_235 = tpu.memref_slice %arg3[%add3A_231] : memref<160128xi32, #tpu.memory_space<hbm>> -> memref<128xi32, #tpu.memory_space<hbm>>
      tpu.enqueue_dma source(%dma_start3A_235 : memref<128xi32, #tpu.memory_space<hbm>>) target(%arg9 : memref<128xi32, #tpu.memory_space<vmem>>) target_semaphore(%arg20 : memref<!tpu.dma_semaphore, #tpu.memory_space<semaphore_mem>>)
      %dma_start3A_236 = tpu.memref_slice %arg4[%add3A_231] : memref<160128xf32, #tpu.memory_space<hbm>> -> memref<128xf32, #tpu.memory_space<hbm>>
      %dma_start3A_237 = tpu.memref_slice %arg4[%add3A_231] : memref<160128xf32, #tpu.memory_space<hbm>> -> memref<128xf32, #tpu.memory_space<hbm>>
      tpu.enqueue_dma source(%dma_start3A_237 : memref<128xf32, #tpu.memory_space<hbm>>) target(%arg10 : memref<128xf32, #tpu.memory_space<vmem>>) target_semaphore(%arg21 : memref<!tpu.dma_semaphore, #tpu.memory_space<semaphore_mem>>)
      %add3A_238 = arith.constant 1 : i32
      %add3A_239 = arith.addi %mul3A_134, %add3A_238 : i32
      "tpu.region"() ({
        %run_scoped3A = tpu.sem_alloc : memref<!tpu.dma_semaphore, #tpu.memory_space<semaphore_mem>>
        %dma_start3A_343 = arith.constant 0 : i32
        %dma_start3A_344 = arith.constant 0 : i32
        %dma_start3A_345 = tpu.memref_slice %arg5[%dma_start3A_343, %dma_start3A_344] : memref<1256x16xf32, #tpu.memory_space<hbm>> -> memref<128x16xf32, #tpu.memory_space<hbm>>
        %dma_start3A_346 = arith.constant 0 : i32
        %dma_start3A_347 = arith.constant 0 : i32
        %dma_start3A_348 = tpu.memref_slice %arg5[%dma_start3A_346, %dma_start3A_347] : memref<1256x16xf32, #tpu.memory_space<hbm>> -> memref<128x16xf32, #tpu.memory_space<hbm>>
        tpu.enqueue_dma source(%dma_start3A_348 : memref<128x16xf32, #tpu.memory_space<hbm>>) target(%arg14 : memref<128x16xf32, #tpu.memory_space<vmem>>) target_semaphore(%run_scoped3A : memref<!tpu.dma_semaphore, #tpu.memory_space<semaphore_mem>>)
        %dma_wait3A_349 = arith.constant 0 : i32
        %dma_wait3A_350 = arith.constant 0 : i32
        %dma_wait3A_351 = tpu.memref_slice %arg5[%dma_wait3A_349, %dma_wait3A_350] : memref<1256x16xf32, #tpu.memory_space<hbm>> -> memref<128x16xf32, #tpu.memory_space<hbm>>
        %dma_wait3A_352 = arith.constant 0 : i32
        %dma_wait3A_353 = arith.constant 0 : i32
        %dma_wait3A_354 = tpu.memref_slice %arg5[%dma_wait3A_352, %dma_wait3A_353] : memref<1256x16xf32, #tpu.memory_space<hbm>> -> memref<128x16xf32, #tpu.memory_space<hbm>>
        tpu.wait_dma2 semaphore(%run_scoped3A : memref<!tpu.dma_semaphore, #tpu.memory_space<semaphore_mem>>) src(%dma_wait3A_354 : memref<128x16xf32, #tpu.memory_space<hbm>>) dst(%arg14 : memref<128x16xf32, #tpu.memory_space<vmem>>)
        tpu.yield
      }) : () -> ()
      %get3A_240 = arith.constant 0 : index
      %get3A_241 = tpu.vector_load %arg12[%get3A_240] {strides = array<i32>} : memref<128xi32, #tpu.memory_space<vmem>>, vector<16xi32>,
      %get3A_242 = arith.constant 0 : index
      %get3A_243 = tpu.vector_load %arg13[%get3A_242] {strides = array<i32>} : memref<128xf32, #tpu.memory_space<vmem>>, vector<16xf32>,
      %add3A_244 = arith.constant 0 : i32
      %add3A_245 = vector.broadcast %add3A_244 : i32 to vector<16xi32>
      %add3A_246 = arith.addi %iota3A, %add3A_245 : vector<16xi32>
      tpu.vector_store_idx %arg14[%add3A_246, %get3A_241], %broadcast_in_dim3A_5 : memref<128x16xf32, #tpu.memory_space<vmem>>[vector<16xi32>, vector<16xi32>], vector<16xf32>,
      %add3A_247 = arith.constant 4 : i32
      %add3A_248 = vector.broadcast %add3A_247 : i32 to vector<16xi32>
      %add3A_249 = arith.addi %get3A_241, %add3A_248 : vector<16xi32>
      tpu.vector_store_idx %arg14[%add3A_246, %add3A_249], %get3A_243 : memref<128x16xf32, #tpu.memory_space<vmem>>[vector<16xi32>, vector<16xi32>], vector<16xf32>,
      %get3A_250 = arith.constant 16 : index
      %get3A_251 = tpu.vector_load %arg12[%get3A_250] {strides = array<i32>} : memref<128xi32, #tpu.memory_space<vmem>>, vector<16xi32>,
      %get3A_252 = arith.constant 16 : index
      %get3A_253 = tpu.vector_load %arg13[%get3A_252] {strides = array<i32>} : memref<128xf32, #tpu.memory_space<vmem>>, vector<16xf32>,
      %add3A_254 = arith.constant 16 : i32
      %add3A_255 = vector.broadcast %add3A_254 : i32 to vector<16xi32>
      %add3A_256 = arith.addi %iota3A, %add3A_255 : vector<16xi32>
      tpu.vector_store_idx %arg14[%add3A_256, %get3A_251], %broadcast_in_dim3A_5 : memref<128x16xf32, #tpu.memory_space<vmem>>[vector<16xi32>, vector<16xi32>], vector<16xf32>,
      %add3A_257 = arith.constant 4 : i32
      %add3A_258 = vector.broadcast %add3A_257 : i32 to vector<16xi32>
      %add3A_259 = arith.addi %get3A_251, %add3A_258 : vector<16xi32>
      tpu.vector_store_idx %arg14[%add3A_256, %add3A_259], %get3A_253 : memref<128x16xf32, #tpu.memory_space<vmem>>[vector<16xi32>, vector<16xi32>], vector<16xf32>,
      %get3A_260 = arith.constant 32 : index
      %get3A_261 = tpu.vector_load %arg12[%get3A_260] {strides = array<i32>} : memref<128xi32, #tpu.memory_space<vmem>>, vector<16xi32>,
      %get3A_262 = arith.constant 32 : index
      %get3A_263 = tpu.vector_load %arg13[%get3A_262] {strides = array<i32>} : memref<128xf32, #tpu.memory_space<vmem>>, vector<16xf32>,
      %add3A_264 = arith.constant 32 : i32
      %add3A_265 = vector.broadcast %add3A_264 : i32 to vector<16xi32>
      %add3A_266 = arith.addi %iota3A, %add3A_265 : vector<16xi32>
      tpu.vector_store_idx %arg14[%add3A_266, %get3A_261], %broadcast_in_dim3A_5 : memref<128x16xf32, #tpu.memory_space<vmem>>[vector<16xi32>, vector<16xi32>], vector<16xf32>,
      %add3A_267 = arith.constant 4 : i32
      %add3A_268 = vector.broadcast %add3A_267 : i32 to vector<16xi32>
      %add3A_269 = arith.addi %get3A_261, %add3A_268 : vector<16xi32>
      tpu.vector_store_idx %arg14[%add3A_266, %add3A_269], %get3A_263 : memref<128x16xf32, #tpu.memory_space<vmem>>[vector<16xi32>, vector<16xi32>], vector<16xf32>,
      %get3A_270 = arith.constant 48 : index
      %get3A_271 = tpu.vector_load %arg12[%get3A_270] {strides = array<i32>} : memref<128xi32, #tpu.memory_space<vmem>>, vector<16xi32>,
      %get3A_272 = arith.constant 48 : index
      %get3A_273 = tpu.vector_load %arg13[%get3A_272] {strides = array<i32>} : memref<128xf32, #tpu.memory_space<vmem>>, vector<16xf32>,
      %add3A_274 = arith.constant 48 : i32
      %add3A_275 = vector.broadcast %add3A_274 : i32 to vector<16xi32>
      %add3A_276 = arith.addi %iota3A, %add3A_275 : vector<16xi32>
      tpu.vector_store_idx %arg14[%add3A_276, %get3A_271], %broadcast_in_dim3A_5 : memref<128x16xf32, #tpu.memory_space<vmem>>[vector<16xi32>, vector<16xi32>], vector<16xf32>,
      %add3A_277 = arith.constant 4 : i32
      %add3A_278 = vector.broadcast %add3A_277 : i32 to vector<16xi32>
      %add3A_279 = arith.addi %get3A_271, %add3A_278 : vector<16xi32>
      tpu.vector_store_idx %arg14[%add3A_276, %add3A_279], %get3A_273 : memref<128x16xf32, #tpu.memory_space<vmem>>[vector<16xi32>, vector<16xi32>], vector<16xf32>,
      %get3A_280 = arith.constant 64 : index
      %get3A_281 = tpu.vector_load %arg12[%get3A_280] {strides = array<i32>} : memref<128xi32, #tpu.memory_space<vmem>>, vector<16xi32>,
      %get3A_282 = arith.constant 64 : index
      %get3A_283 = tpu.vector_load %arg13[%get3A_282] {strides = array<i32>} : memref<128xf32, #tpu.memory_space<vmem>>, vector<16xf32>,
      %add3A_284 = arith.constant 64 : i32
      %add3A_285 = vector.broadcast %add3A_284 : i32 to vector<16xi32>
      %add3A_286 = arith.addi %iota3A, %add3A_285 : vector<16xi32>
      tpu.vector_store_idx %arg14[%add3A_286, %get3A_281], %broadcast_in_dim3A_5 : memref<128x16xf32, #tpu.memory_space<vmem>>[vector<16xi32>, vector<16xi32>], vector<16xf32>,
      %add3A_287 = arith.constant 4 : i32
      %add3A_288 = vector.broadcast %add3A_287 : i32 to vector<16xi32>
      %add3A_289 = arith.addi %get3A_281, %add3A_288 : vector<16xi32>
      tpu.vector_store_idx %arg14[%add3A_286, %add3A_289], %get3A_283 : memref<128x16xf32, #tpu.memory_space<vmem>>[vector<16xi32>, vector<16xi32>], vector<16xf32>,
      %get3A_290 = arith.constant 80 : index
      %get3A_291 = tpu.vector_load %arg12[%get3A_290] {strides = array<i32>} : memref<128xi32, #tpu.memory_space<vmem>>, vector<16xi32>,
      %get3A_292 = arith.constant 80 : index
      %get3A_293 = tpu.vector_load %arg13[%get3A_292] {strides = array<i32>} : memref<128xf32, #tpu.memory_space<vmem>>, vector<16xf32>,
      %add3A_294 = arith.constant 80 : i32
      %add3A_295 = vector.broadcast %add3A_294 : i32 to vector<16xi32>
      %add3A_296 = arith.addi %iota3A, %add3A_295 : vector<16xi32>
      tpu.vector_store_idx %arg14[%add3A_296, %get3A_291], %broadcast_in_dim3A_5 : memref<128x16xf32, #tpu.memory_space<vmem>>[vector<16xi32>, vector<16xi32>], vector<16xf32>,
      %add3A_297 = arith.constant 4 : i32
      %add3A_298 = vector.broadcast %add3A_297 : i32 to vector<16xi32>
      %add3A_299 = arith.addi %get3A_291, %add3A_298 : vector<16xi32>
      tpu.vector_store_idx %arg14[%add3A_296, %add3A_299], %get3A_293 : memref<128x16xf32, #tpu.memory_space<vmem>>[vector<16xi32>, vector<16xi32>], vector<16xf32>,
      %get3A_300 = arith.constant 96 : index
      %get3A_301 = tpu.vector_load %arg12[%get3A_300] {strides = array<i32>} : memref<128xi32, #tpu.memory_space<vmem>>, vector<16xi32>,
      %get3A_302 = arith.constant 96 : index
      %get3A_303 = tpu.vector_load %arg13[%get3A_302] {strides = array<i32>} : memref<128xf32, #tpu.memory_space<vmem>>, vector<16xf32>,
      %add3A_304 = arith.constant 96 : i32
      %add3A_305 = vector.broadcast %add3A_304 : i32 to vector<16xi32>
      %add3A_306 = arith.addi %iota3A, %add3A_305 : vector<16xi32>
      tpu.vector_store_idx %arg14[%add3A_306, %get3A_301], %broadcast_in_dim3A_5 : memref<128x16xf32, #tpu.memory_space<vmem>>[vector<16xi32>, vector<16xi32>], vector<16xf32>,
      %add3A_307 = arith.constant 4 : i32
      %add3A_308 = vector.broadcast %add3A_307 : i32 to vector<16xi32>
      %add3A_309 = arith.addi %get3A_301, %add3A_308 : vector<16xi32>
      tpu.vector_store_idx %arg14[%add3A_306, %add3A_309], %get3A_303 : memref<128x16xf32, #tpu.memory_space<vmem>>[vector<16xi32>, vector<16xi32>], vector<16xf32>,
      %get3A_310 = arith.constant 112 : index
      %get3A_311 = tpu.vector_load %arg12[%get3A_310] {strides = array<i32>} : memref<128xi32, #tpu.memory_space<vmem>>, vector<16xi32>,
      %get3A_312 = arith.constant 112 : index
      %get3A_313 = tpu.vector_load %arg13[%get3A_312] {strides = array<i32>} : memref<128xf32, #tpu.memory_space<vmem>>, vector<16xf32>,
      %add3A_314 = arith.constant 112 : i32
      %add3A_315 = vector.broadcast %add3A_314 : i32 to vector<16xi32>
      %add3A_316 = arith.addi %iota3A, %add3A_315 : vector<16xi32>
      tpu.vector_store_idx %arg14[%add3A_316, %get3A_311], %broadcast_in_dim3A_5 : memref<128x16xf32, #tpu.memory_space<vmem>>[vector<16xi32>, vector<16xi32>], vector<16xf32>,
      %add3A_317 = arith.constant 4 : i32
      %add3A_318 = vector.broadcast %add3A_317 : i32 to vector<16xi32>
      %add3A_319 = arith.addi %get3A_311, %add3A_318 : vector<16xi32>
      tpu.vector_store_idx %arg14[%add3A_316, %add3A_319], %get3A_313 : memref<128x16xf32, #tpu.memory_space<vmem>>[vector<16xi32>, vector<16xi32>], vector<16xf32>,
      "tpu.region"() ({
        %run_scoped3A = tpu.sem_alloc : memref<!tpu.dma_semaphore, #tpu.memory_space<semaphore_mem>>
        %dma_start3A_343 = arith.constant 0 : i32
        %dma_start3A_344 = arith.constant 0 : i32
        %dma_start3A_345 = tpu.memref_slice %arg7[%dma_start3A_343, %dma_start3A_344] : memref<10240x16xf32, #tpu.memory_space<vmem_shared>> -> memref<10240x16xf32, #tpu.memory_space<vmem_shared>>
        tpu.enqueue_indirect_dma source(%arg14 : memref<128x16xf32, #tpu.memory_space<vmem>>) target(%dma_start3A_345 : memref<10240x16xf32, #tpu.memory_space<vmem_shared>>) offsets(%arg11 : memref<128xi32, #tpu.memory_space<vmem>>) semaphore(%run_scoped3A : memref<!tpu.dma_semaphore, #tpu.memory_space<semaphore_mem>>) {add = true}
        %dma_wait3A_346 = arith.constant 0 : i32
        %dma_wait3A_347 = arith.constant 0 : i32
        %dma_wait3A_348 = tpu.memref_slice %arg7[%dma_wait3A_346, %dma_wait3A_347] : memref<10240x16xf32, #tpu.memory_space<vmem_shared>> -> memref<10240x16xf32, #tpu.memory_space<vmem_shared>>
        tpu.wait_indirect_dma semaphore(%run_scoped3A : memref<!tpu.dma_semaphore, #tpu.memory_space<semaphore_mem>>) src(%arg14 : memref<128x16xf32, #tpu.memory_space<vmem>>) dst(%dma_wait3A_348 : memref<10240x16xf32, #tpu.memory_space<vmem_shared>>)
        tpu.yield
      }) : () -> ()
      %dma_wait3A_320 = arith.constant 0 : i32
      %dma_wait3A_321 = tpu.memref_slice %arg2[%dma_wait3A_320] : memref<160128xi32, #tpu.memory_space<hbm>> -> memref<128xi32, #tpu.memory_space<hbm>>
      %dma_wait3A_322 = arith.constant 0 : i32
      %dma_wait3A_323 = tpu.memref_slice %arg2[%dma_wait3A_322] : memref<160128xi32, #tpu.memory_space<hbm>> -> memref<128xi32, #tpu.memory_space<hbm>>
      tpu.wait_dma2 semaphore(%arg19 : memref<!tpu.dma_semaphore, #tpu.memory_space<semaphore_mem>>) src(%dma_wait3A_323 : memref<128xi32, #tpu.memory_space<hbm>>) dst(%arg8 : memref<128xi32, #tpu.memory_space<vmem>>)
      %dma_wait3A_324 = arith.constant 0 : i32
      %dma_wait3A_325 = tpu.memref_slice %arg3[%dma_wait3A_324] : memref<160128xi32, #tpu.memory_space<hbm>> -> memref<128xi32, #tpu.memory_space<hbm>>
      %dma_wait3A_326 = arith.constant 0 : i32
      %dma_wait3A_327 = tpu.memref_slice %arg3[%dma_wait3A_326] : memref<160128xi32, #tpu.memory_space<hbm>> -> memref<128xi32, #tpu.memory_space<hbm>>
      tpu.wait_dma2 semaphore(%arg20 : memref<!tpu.dma_semaphore, #tpu.memory_space<semaphore_mem>>) src(%dma_wait3A_327 : memref<128xi32, #tpu.memory_space<hbm>>) dst(%arg9 : memref<128xi32, #tpu.memory_space<vmem>>)
      %dma_wait3A_328 = arith.constant 0 : i32
      %dma_wait3A_329 = tpu.memref_slice %arg4[%dma_wait3A_328] : memref<160128xf32, #tpu.memory_space<hbm>> -> memref<128xf32, #tpu.memory_space<hbm>>
      %dma_wait3A_330 = arith.constant 0 : i32
      %dma_wait3A_331 = tpu.memref_slice %arg4[%dma_wait3A_330] : memref<160128xf32, #tpu.memory_space<hbm>> -> memref<128xf32, #tpu.memory_space<hbm>>
      tpu.wait_dma2 semaphore(%arg21 : memref<!tpu.dma_semaphore, #tpu.memory_space<semaphore_mem>>) src(%dma_wait3A_331 : memref<128xf32, #tpu.memory_space<hbm>>) dst(%arg10 : memref<128xf32, #tpu.memory_space<vmem>>)
      %add3A_332 = arith.constant 2 : i32
      %add3A_333 = arith.addi %add3A_239, %add3A_332 : i32
      %mul3A_334 = arith.constant 128 : i32
      %mul3A_335 = arith.muli %add3A_333, %mul3A_334 : i32
      %add3A_336 = arith.addi %mul3A_4, %mul3A_335 : i32
      %dma_start3A_337 = tpu.memref_slice %arg2[%add3A_336] : memref<160128xi32, #tpu.memory_space<hbm>> -> memref<128xi32, #tpu.memory_space<hbm>>
      %dma_start3A_338 = tpu.memref_slice %arg2[%add3A_336] : memref<160128xi32, #tpu.memory_space<hbm>> -> memref<128xi32, #tpu.memory_space<hbm>>
      tpu.enqueue_dma source(%dma_start3A_338 : memref<128xi32, #tpu.memory_space<hbm>>) target(%arg11 : memref<128xi32, #tpu.memory_space<vmem>>) target_semaphore(%arg19 : memref<!tpu.dma_semaphore, #tpu.memory_space<semaphore_mem>>)
      %dma_start3A_339 = tpu.memref_slice %arg3[%add3A_336] : memref<160128xi32, #tpu.memory_space<hbm>> -> memref<128xi32, #tpu.memory_space<hbm>>
      %dma_start3A_340 = tpu.memref_slice %arg3[%add3A_336] : memref<160128xi32, #tpu.memory_space<hbm>> -> memref<128xi32, #tpu.memory_space<hbm>>
      tpu.enqueue_dma source(%dma_start3A_340 : memref<128xi32, #tpu.memory_space<hbm>>) target(%arg12 : memref<128xi32, #tpu.memory_space<vmem>>) target_semaphore(%arg20 : memref<!tpu.dma_semaphore, #tpu.memory_space<semaphore_mem>>)
      %dma_start3A_341 = tpu.memref_slice %arg4[%add3A_336] : memref<160128xf32, #tpu.memory_space<hbm>> -> memref<128xf32, #tpu.memory_space<hbm>>
      %dma_start3A_342 = tpu.memref_slice %arg4[%add3A_336] : memref<160128xf32, #tpu.memory_space<hbm>> -> memref<128xf32, #tpu.memory_space<hbm>>
      tpu.enqueue_dma source(%dma_start3A_342 : memref<128xf32, #tpu.memory_space<hbm>>) target(%arg13 : memref<128xf32, #tpu.memory_space<vmem>>) target_semaphore(%arg21 : memref<!tpu.dma_semaphore, #tpu.memory_space<semaphore_mem>>)
    }
    %scan3A_19 = arith.constant 19 : i32
    "tpu.region"() ({
      %run_scoped3A = tpu.sem_alloc : memref<!tpu.dma_semaphore, #tpu.memory_space<semaphore_mem>>
      %dma_start3A_132 = arith.constant 0 : i32
      %dma_start3A_133 = arith.constant 0 : i32
      %dma_start3A_134 = tpu.memref_slice %arg5[%dma_start3A_132, %dma_start3A_133] : memref<1256x16xf32, #tpu.memory_space<hbm>> -> memref<128x16xf32, #tpu.memory_space<hbm>>
      %dma_start3A_135 = arith.constant 0 : i32
      %dma_start3A_136 = arith.constant 0 : i32
      %dma_start3A_137 = tpu.memref_slice %arg5[%dma_start3A_135, %dma_start3A_136] : memref<1256x16xf32, #tpu.memory_space<hbm>> -> memref<128x16xf32, #tpu.memory_space<hbm>>
      tpu.enqueue_dma source(%dma_start3A_137 : memref<128x16xf32, #tpu.memory_space<hbm>>) target(%arg14 : memref<128x16xf32, #tpu.memory_space<vmem>>) target_semaphore(%run_scoped3A : memref<!tpu.dma_semaphore, #tpu.memory_space<semaphore_mem>>)
      %dma_wait3A_138 = arith.constant 0 : i32
      %dma_wait3A_139 = arith.constant 0 : i32
      %dma_wait3A_140 = tpu.memref_slice %arg5[%dma_wait3A_138, %dma_wait3A_139] : memref<1256x16xf32, #tpu.memory_space<hbm>> -> memref<128x16xf32, #tpu.memory_space<hbm>>
      %dma_wait3A_141 = arith.constant 0 : i32
      %dma_wait3A_142 = arith.constant 0 : i32
      %dma_wait3A_143 = tpu.memref_slice %arg5[%dma_wait3A_141, %dma_wait3A_142] : memref<1256x16xf32, #tpu.memory_space<hbm>> -> memref<128x16xf32, #tpu.memory_space<hbm>>
      tpu.wait_dma2 semaphore(%run_scoped3A : memref<!tpu.dma_semaphore, #tpu.memory_space<semaphore_mem>>) src(%dma_wait3A_143 : memref<128x16xf32, #tpu.memory_space<hbm>>) dst(%arg14 : memref<128x16xf32, #tpu.memory_space<vmem>>)
      tpu.yield
    }) : () -> ()
    %get3A = arith.constant 0 : index
    %get3A_20 = tpu.vector_load %arg9[%get3A] {strides = array<i32>} : memref<128xi32, #tpu.memory_space<vmem>>, vector<16xi32>,
    %get3A_21 = arith.constant 0 : index
    %get3A_22 = tpu.vector_load %arg10[%get3A_21] {strides = array<i32>} : memref<128xf32, #tpu.memory_space<vmem>>, vector<16xf32>,
    %add3A_23 = arith.constant 0 : i32
    %add3A_24 = vector.broadcast %add3A_23 : i32 to vector<16xi32>
    %add3A_25 = arith.addi %iota3A, %add3A_24 : vector<16xi32>
    tpu.vector_store_idx %arg14[%add3A_25, %get3A_20], %broadcast_in_dim3A_5 : memref<128x16xf32, #tpu.memory_space<vmem>>[vector<16xi32>, vector<16xi32>], vector<16xf32>,
    %add3A_26 = arith.constant 4 : i32
    %add3A_27 = vector.broadcast %add3A_26 : i32 to vector<16xi32>
    %add3A_28 = arith.addi %get3A_20, %add3A_27 : vector<16xi32>
    tpu.vector_store_idx %arg14[%add3A_25, %add3A_28], %get3A_22 : memref<128x16xf32, #tpu.memory_space<vmem>>[vector<16xi32>, vector<16xi32>], vector<16xf32>,
    %get3A_29 = arith.constant 16 : index
    %get3A_30 = tpu.vector_load %arg9[%get3A_29] {strides = array<i32>} : memref<128xi32, #tpu.memory_space<vmem>>, vector<16xi32>,
    %get3A_31 = arith.constant 16 : index
    %get3A_32 = tpu.vector_load %arg10[%get3A_31] {strides = array<i32>} : memref<128xf32, #tpu.memory_space<vmem>>, vector<16xf32>,
    %add3A_33 = arith.constant 16 : i32
    %add3A_34 = vector.broadcast %add3A_33 : i32 to vector<16xi32>
    %add3A_35 = arith.addi %iota3A, %add3A_34 : vector<16xi32>
    tpu.vector_store_idx %arg14[%add3A_35, %get3A_30], %broadcast_in_dim3A_5 : memref<128x16xf32, #tpu.memory_space<vmem>>[vector<16xi32>, vector<16xi32>], vector<16xf32>,
    %add3A_36 = arith.constant 4 : i32
    %add3A_37 = vector.broadcast %add3A_36 : i32 to vector<16xi32>
    %add3A_38 = arith.addi %get3A_30, %add3A_37 : vector<16xi32>
    tpu.vector_store_idx %arg14[%add3A_35, %add3A_38], %get3A_32 : memref<128x16xf32, #tpu.memory_space<vmem>>[vector<16xi32>, vector<16xi32>], vector<16xf32>,
    %get3A_39 = arith.constant 32 : index
    %get3A_40 = tpu.vector_load %arg9[%get3A_39] {strides = array<i32>} : memref<128xi32, #tpu.memory_space<vmem>>, vector<16xi32>,
    %get3A_41 = arith.constant 32 : index
    %get3A_42 = tpu.vector_load %arg10[%get3A_41] {strides = array<i32>} : memref<128xf32, #tpu.memory_space<vmem>>, vector<16xf32>,
    %add3A_43 = arith.constant 32 : i32
    %add3A_44 = vector.broadcast %add3A_43 : i32 to vector<16xi32>
    %add3A_45 = arith.addi %iota3A, %add3A_44 : vector<16xi32>
    tpu.vector_store_idx %arg14[%add3A_45, %get3A_40], %broadcast_in_dim3A_5 : memref<128x16xf32, #tpu.memory_space<vmem>>[vector<16xi32>, vector<16xi32>], vector<16xf32>,
    %add3A_46 = arith.constant 4 : i32
    %add3A_47 = vector.broadcast %add3A_46 : i32 to vector<16xi32>
    %add3A_48 = arith.addi %get3A_40, %add3A_47 : vector<16xi32>
    tpu.vector_store_idx %arg14[%add3A_45, %add3A_48], %get3A_42 : memref<128x16xf32, #tpu.memory_space<vmem>>[vector<16xi32>, vector<16xi32>], vector<16xf32>,
    %get3A_49 = arith.constant 48 : index
    %get3A_50 = tpu.vector_load %arg9[%get3A_49] {strides = array<i32>} : memref<128xi32, #tpu.memory_space<vmem>>, vector<16xi32>,
    %get3A_51 = arith.constant 48 : index
    %get3A_52 = tpu.vector_load %arg10[%get3A_51] {strides = array<i32>} : memref<128xf32, #tpu.memory_space<vmem>>, vector<16xf32>,
    %add3A_53 = arith.constant 48 : i32
    %add3A_54 = vector.broadcast %add3A_53 : i32 to vector<16xi32>
    %add3A_55 = arith.addi %iota3A, %add3A_54 : vector<16xi32>
    tpu.vector_store_idx %arg14[%add3A_55, %get3A_50], %broadcast_in_dim3A_5 : memref<128x16xf32, #tpu.memory_space<vmem>>[vector<16xi32>, vector<16xi32>], vector<16xf32>,
    %add3A_56 = arith.constant 4 : i32
    %add3A_57 = vector.broadcast %add3A_56 : i32 to vector<16xi32>
    %add3A_58 = arith.addi %get3A_50, %add3A_57 : vector<16xi32>
    tpu.vector_store_idx %arg14[%add3A_55, %add3A_58], %get3A_52 : memref<128x16xf32, #tpu.memory_space<vmem>>[vector<16xi32>, vector<16xi32>], vector<16xf32>,
    %get3A_59 = arith.constant 64 : index
    %get3A_60 = tpu.vector_load %arg9[%get3A_59] {strides = array<i32>} : memref<128xi32, #tpu.memory_space<vmem>>, vector<16xi32>,
    %get3A_61 = arith.constant 64 : index
    %get3A_62 = tpu.vector_load %arg10[%get3A_61] {strides = array<i32>} : memref<128xf32, #tpu.memory_space<vmem>>, vector<16xf32>,
    %add3A_63 = arith.constant 64 : i32
    %add3A_64 = vector.broadcast %add3A_63 : i32 to vector<16xi32>
    %add3A_65 = arith.addi %iota3A, %add3A_64 : vector<16xi32>
    tpu.vector_store_idx %arg14[%add3A_65, %get3A_60], %broadcast_in_dim3A_5 : memref<128x16xf32, #tpu.memory_space<vmem>>[vector<16xi32>, vector<16xi32>], vector<16xf32>,
    %add3A_66 = arith.constant 4 : i32
    %add3A_67 = vector.broadcast %add3A_66 : i32 to vector<16xi32>
    %add3A_68 = arith.addi %get3A_60, %add3A_67 : vector<16xi32>
    tpu.vector_store_idx %arg14[%add3A_65, %add3A_68], %get3A_62 : memref<128x16xf32, #tpu.memory_space<vmem>>[vector<16xi32>, vector<16xi32>], vector<16xf32>,
    %get3A_69 = arith.constant 80 : index
    %get3A_70 = tpu.vector_load %arg9[%get3A_69] {strides = array<i32>} : memref<128xi32, #tpu.memory_space<vmem>>, vector<16xi32>,
    %get3A_71 = arith.constant 80 : index
    %get3A_72 = tpu.vector_load %arg10[%get3A_71] {strides = array<i32>} : memref<128xf32, #tpu.memory_space<vmem>>, vector<16xf32>,
    %add3A_73 = arith.constant 80 : i32
    %add3A_74 = vector.broadcast %add3A_73 : i32 to vector<16xi32>
    %add3A_75 = arith.addi %iota3A, %add3A_74 : vector<16xi32>
    tpu.vector_store_idx %arg14[%add3A_75, %get3A_70], %broadcast_in_dim3A_5 : memref<128x16xf32, #tpu.memory_space<vmem>>[vector<16xi32>, vector<16xi32>], vector<16xf32>,
    %add3A_76 = arith.constant 4 : i32
    %add3A_77 = vector.broadcast %add3A_76 : i32 to vector<16xi32>
    %add3A_78 = arith.addi %get3A_70, %add3A_77 : vector<16xi32>
    tpu.vector_store_idx %arg14[%add3A_75, %add3A_78], %get3A_72 : memref<128x16xf32, #tpu.memory_space<vmem>>[vector<16xi32>, vector<16xi32>], vector<16xf32>,
    %get3A_79 = arith.constant 96 : index
    %get3A_80 = tpu.vector_load %arg9[%get3A_79] {strides = array<i32>} : memref<128xi32, #tpu.memory_space<vmem>>, vector<16xi32>,
    %get3A_81 = arith.constant 96 : index
    %get3A_82 = tpu.vector_load %arg10[%get3A_81] {strides = array<i32>} : memref<128xf32, #tpu.memory_space<vmem>>, vector<16xf32>,
    %add3A_83 = arith.constant 96 : i32
    %add3A_84 = vector.broadcast %add3A_83 : i32 to vector<16xi32>
    %add3A_85 = arith.addi %iota3A, %add3A_84 : vector<16xi32>
    tpu.vector_store_idx %arg14[%add3A_85, %get3A_80], %broadcast_in_dim3A_5 : memref<128x16xf32, #tpu.memory_space<vmem>>[vector<16xi32>, vector<16xi32>], vector<16xf32>,
    %add3A_86 = arith.constant 4 : i32
    %add3A_87 = vector.broadcast %add3A_86 : i32 to vector<16xi32>
    %add3A_88 = arith.addi %get3A_80, %add3A_87 : vector<16xi32>
    tpu.vector_store_idx %arg14[%add3A_85, %add3A_88], %get3A_82 : memref<128x16xf32, #tpu.memory_space<vmem>>[vector<16xi32>, vector<16xi32>], vector<16xf32>,
    %get3A_89 = arith.constant 112 : index
    %get3A_90 = tpu.vector_load %arg9[%get3A_89] {strides = array<i32>} : memref<128xi32, #tpu.memory_space<vmem>>, vector<16xi32>,
    %get3A_91 = arith.constant 112 : index
    %get3A_92 = tpu.vector_load %arg10[%get3A_91] {strides = array<i32>} : memref<128xf32, #tpu.memory_space<vmem>>, vector<16xf32>,
    %add3A_93 = arith.constant 112 : i32
    %add3A_94 = vector.broadcast %add3A_93 : i32 to vector<16xi32>
    %add3A_95 = arith.addi %iota3A, %add3A_94 : vector<16xi32>
    tpu.vector_store_idx %arg14[%add3A_95, %get3A_90], %broadcast_in_dim3A_5 : memref<128x16xf32, #tpu.memory_space<vmem>>[vector<16xi32>, vector<16xi32>], vector<16xf32>,
    %add3A_96 = arith.constant 4 : i32
    %add3A_97 = vector.broadcast %add3A_96 : i32 to vector<16xi32>
    %add3A_98 = arith.addi %get3A_90, %add3A_97 : vector<16xi32>
    tpu.vector_store_idx %arg14[%add3A_95, %add3A_98], %get3A_92 : memref<128x16xf32, #tpu.memory_space<vmem>>[vector<16xi32>, vector<16xi32>], vector<16xf32>,
    "tpu.region"() ({
      %run_scoped3A = tpu.sem_alloc : memref<!tpu.dma_semaphore, #tpu.memory_space<semaphore_mem>>
      %dma_start3A_132 = arith.constant 0 : i32
      %dma_start3A_133 = arith.constant 0 : i32
      %dma_start3A_134 = tpu.memref_slice %arg7[%dma_start3A_132, %dma_start3A_133] : memref<10240x16xf32, #tpu.memory_space<vmem_shared>> -> memref<10240x16xf32, #tpu.memory_space<vmem_shared>>
      tpu.enqueue_indirect_dma source(%arg14 : memref<128x16xf32, #tpu.memory_space<vmem>>) target(%dma_start3A_134 : memref<10240x16xf32, #tpu.memory_space<vmem_shared>>) offsets(%arg8 : memref<128xi32, #tpu.memory_space<vmem>>) semaphore(%run_scoped3A : memref<!tpu.dma_semaphore, #tpu.memory_space<semaphore_mem>>) {add = true}
      %dma_wait3A_135 = arith.constant 0 : i32
      %dma_wait3A_136 = arith.constant 0 : i32
      %dma_wait3A_137 = tpu.memref_slice %arg7[%dma_wait3A_135, %dma_wait3A_136] : memref<10240x16xf32, #tpu.memory_space<vmem_shared>> -> memref<10240x16xf32, #tpu.memory_space<vmem_shared>>
      tpu.wait_indirect_dma semaphore(%run_scoped3A : memref<!tpu.dma_semaphore, #tpu.memory_space<semaphore_mem>>) src(%arg14 : memref<128x16xf32, #tpu.memory_space<vmem>>) dst(%dma_wait3A_137 : memref<10240x16xf32, #tpu.memory_space<vmem_shared>>)
      tpu.yield
    }) : () -> ()
    %dma_wait3A = arith.constant 0 : i32
    %dma_wait3A_99 = tpu.memref_slice %arg2[%dma_wait3A] : memref<160128xi32, #tpu.memory_space<hbm>> -> memref<128xi32, #tpu.memory_space<hbm>>
    %dma_wait3A_100 = arith.constant 0 : i32
    %dma_wait3A_101 = tpu.memref_slice %arg2[%dma_wait3A_100] : memref<160128xi32, #tpu.memory_space<hbm>> -> memref<128xi32, #tpu.memory_space<hbm>>
    tpu.wait_dma2 semaphore(%arg19 : memref<!tpu.dma_semaphore, #tpu.memory_space<semaphore_mem>>) src(%dma_wait3A_101 : memref<128xi32, #tpu.memory_space<hbm>>) dst(%arg11 : memref<128xi32, #tpu.memory_space<vmem>>)
    %dma_wait3A_102 = arith.constant 0 : i32
    %dma_wait3A_103 = tpu.memref_slice %arg3[%dma_wait3A_102] : memref<160128xi32, #tpu.memory_space<hbm>> -> memref<128xi32, #tpu.memory_space<hbm>>
    %dma_wait3A_104 = arith.constant 0 : i32
    %dma_wait3A_105 = tpu.memref_slice %arg3[%dma_wait3A_104] : memref<160128xi32, #tpu.memory_space<hbm>> -> memref<128xi32, #tpu.memory_space<hbm>>
    tpu.wait_dma2 semaphore(%arg20 : memref<!tpu.dma_semaphore, #tpu.memory_space<semaphore_mem>>) src(%dma_wait3A_105 : memref<128xi32, #tpu.memory_space<hbm>>) dst(%arg12 : memref<128xi32, #tpu.memory_space<vmem>>)
    %dma_wait3A_106 = arith.constant 0 : i32
    %dma_wait3A_107 = tpu.memref_slice %arg4[%dma_wait3A_106] : memref<160128xf32, #tpu.memory_space<hbm>> -> memref<128xf32, #tpu.memory_space<hbm>>
    %dma_wait3A_108 = arith.constant 0 : i32
    %dma_wait3A_109 = tpu.memref_slice %arg4[%dma_wait3A_108] : memref<160128xf32, #tpu.memory_space<hbm>> -> memref<128xf32, #tpu.memory_space<hbm>>
    tpu.wait_dma2 semaphore(%arg21 : memref<!tpu.dma_semaphore, #tpu.memory_space<semaphore_mem>>) src(%dma_wait3A_109 : memref<128xf32, #tpu.memory_space<hbm>>) dst(%arg13 : memref<128xf32, #tpu.memory_space<vmem>>)
    %add3A_110 = arith.constant 4992 : i32
    %add3A_111 = arith.addi %mul3A_4, %add3A_110 : i32
    "tpu.region"() ({
      %run_scoped3A = tpu.sem_alloc : memref<!tpu.dma_semaphore, #tpu.memory_space<semaphore_mem>>
      %dma_start3A_132 = tpu.memref_slice %arg2[%add3A_111] : memref<160128xi32, #tpu.memory_space<hbm>> -> memref<16xi32, #tpu.memory_space<hbm>>
      %dma_start3A_133 = tpu.memref_slice %arg2[%add3A_111] : memref<160128xi32, #tpu.memory_space<hbm>> -> memref<16xi32, #tpu.memory_space<hbm>>
      tpu.enqueue_dma source(%dma_start3A_133 : memref<16xi32, #tpu.memory_space<hbm>>) target(%arg15 : memref<16xi32, #tpu.memory_space<vmem>>) target_semaphore(%run_scoped3A : memref<!tpu.dma_semaphore, #tpu.memory_space<semaphore_mem>>)
      %dma_wait3A_134 = tpu.memref_slice %arg2[%add3A_111] : memref<160128xi32, #tpu.memory_space<hbm>> -> memref<16xi32, #tpu.memory_space<hbm>>
      %dma_wait3A_135 = tpu.memref_slice %arg2[%add3A_111] : memref<160128xi32, #tpu.memory_space<hbm>> -> memref<16xi32, #tpu.memory_space<hbm>>
      tpu.wait_dma2 semaphore(%run_scoped3A : memref<!tpu.dma_semaphore, #tpu.memory_space<semaphore_mem>>) src(%dma_wait3A_135 : memref<16xi32, #tpu.memory_space<hbm>>) dst(%arg15 : memref<16xi32, #tpu.memory_space<vmem>>)
      tpu.yield
    }) : () -> ()
    "tpu.region"() ({
      %run_scoped3A = tpu.sem_alloc : memref<!tpu.dma_semaphore, #tpu.memory_space<semaphore_mem>>
      %dma_start3A_132 = tpu.memref_slice %arg3[%add3A_111] : memref<160128xi32, #tpu.memory_space<hbm>> -> memref<16xi32, #tpu.memory_space<hbm>>
      %dma_start3A_133 = tpu.memref_slice %arg3[%add3A_111] : memref<160128xi32, #tpu.memory_space<hbm>> -> memref<16xi32, #tpu.memory_space<hbm>>
      tpu.enqueue_dma source(%dma_start3A_133 : memref<16xi32, #tpu.memory_space<hbm>>) target(%arg16 : memref<16xi32, #tpu.memory_space<vmem>>) target_semaphore(%run_scoped3A : memref<!tpu.dma_semaphore, #tpu.memory_space<semaphore_mem>>)
      %dma_wait3A_134 = tpu.memref_slice %arg3[%add3A_111] : memref<160128xi32, #tpu.memory_space<hbm>> -> memref<16xi32, #tpu.memory_space<hbm>>
      %dma_wait3A_135 = tpu.memref_slice %arg3[%add3A_111] : memref<160128xi32, #tpu.memory_space<hbm>> -> memref<16xi32, #tpu.memory_space<hbm>>
      tpu.wait_dma2 semaphore(%run_scoped3A : memref<!tpu.dma_semaphore, #tpu.memory_space<semaphore_mem>>) src(%dma_wait3A_135 : memref<16xi32, #tpu.memory_space<hbm>>) dst(%arg16 : memref<16xi32, #tpu.memory_space<vmem>>)
      tpu.yield
    }) : () -> ()
    "tpu.region"() ({
      %run_scoped3A = tpu.sem_alloc : memref<!tpu.dma_semaphore, #tpu.memory_space<semaphore_mem>>
      %dma_start3A_132 = tpu.memref_slice %arg4[%add3A_111] : memref<160128xf32, #tpu.memory_space<hbm>> -> memref<16xf32, #tpu.memory_space<hbm>>
      %dma_start3A_133 = tpu.memref_slice %arg4[%add3A_111] : memref<160128xf32, #tpu.memory_space<hbm>> -> memref<16xf32, #tpu.memory_space<hbm>>
      tpu.enqueue_dma source(%dma_start3A_133 : memref<16xf32, #tpu.memory_space<hbm>>) target(%arg17 : memref<16xf32, #tpu.memory_space<vmem>>) target_semaphore(%run_scoped3A : memref<!tpu.dma_semaphore, #tpu.memory_space<semaphore_mem>>)
      %dma_wait3A_134 = tpu.memref_slice %arg4[%add3A_111] : memref<160128xf32, #tpu.memory_space<hbm>> -> memref<16xf32, #tpu.memory_space<hbm>>
      %dma_wait3A_135 = tpu.memref_slice %arg4[%add3A_111] : memref<160128xf32, #tpu.memory_space<hbm>> -> memref<16xf32, #tpu.memory_space<hbm>>
      tpu.wait_dma2 semaphore(%run_scoped3A : memref<!tpu.dma_semaphore, #tpu.memory_space<semaphore_mem>>) src(%dma_wait3A_135 : memref<16xf32, #tpu.memory_space<hbm>>) dst(%arg17 : memref<16xf32, #tpu.memory_space<vmem>>)
      tpu.yield
    }) : () -> ()
    "tpu.region"() ({
      %run_scoped3A = tpu.sem_alloc : memref<!tpu.dma_semaphore, #tpu.memory_space<semaphore_mem>>
      %dma_start3A_132 = arith.constant 0 : i32
      %dma_start3A_133 = arith.constant 0 : i32
      %dma_start3A_134 = tpu.memref_slice %arg5[%dma_start3A_132, %dma_start3A_133] : memref<1256x16xf32, #tpu.memory_space<hbm>> -> memref<16x16xf32, #tpu.memory_space<hbm>>
      %dma_start3A_135 = arith.constant 0 : i32
      %dma_start3A_136 = arith.constant 0 : i32
      %dma_start3A_137 = tpu.memref_slice %arg5[%dma_start3A_135, %dma_start3A_136] : memref<1256x16xf32, #tpu.memory_space<hbm>> -> memref<16x16xf32, #tpu.memory_space<hbm>>
      tpu.enqueue_dma source(%dma_start3A_137 : memref<16x16xf32, #tpu.memory_space<hbm>>) target(%arg18 : memref<16x16xf32, #tpu.memory_space<vmem>>) target_semaphore(%run_scoped3A : memref<!tpu.dma_semaphore, #tpu.memory_space<semaphore_mem>>)
      %dma_wait3A_138 = arith.constant 0 : i32
      %dma_wait3A_139 = arith.constant 0 : i32
      %dma_wait3A_140 = tpu.memref_slice %arg5[%dma_wait3A_138, %dma_wait3A_139] : memref<1256x16xf32, #tpu.memory_space<hbm>> -> memref<16x16xf32, #tpu.memory_space<hbm>>
      %dma_wait3A_141 = arith.constant 0 : i32
      %dma_wait3A_142 = arith.constant 0 : i32
      %dma_wait3A_143 = tpu.memref_slice %arg5[%dma_wait3A_141, %dma_wait3A_142] : memref<1256x16xf32, #tpu.memory_space<hbm>> -> memref<16x16xf32, #tpu.memory_space<hbm>>
      tpu.wait_dma2 semaphore(%run_scoped3A : memref<!tpu.dma_semaphore, #tpu.memory_space<semaphore_mem>>) src(%dma_wait3A_143 : memref<16x16xf32, #tpu.memory_space<hbm>>) dst(%arg18 : memref<16x16xf32, #tpu.memory_space<vmem>>)
      tpu.yield
    }) : () -> ()
    %lt3A = arith.constant 8 : i32
    %lt3A_112 = vector.broadcast %lt3A : i32 to vector<16xi32>
    %lt3A_113 = arith.cmpi slt, %iota3A, %lt3A_112 : vector<16xi32>
    %get3A_114 = arith.constant 0 : index
    %get3A_115 = tpu.vector_load %arg15[%get3A_114] {strides = array<i32>} : memref<16xi32, #tpu.memory_space<vmem>>, vector<16xi32>,
    %jit3A = arith.constant 10000 : i32
    %broadcast_in_dim3A_116 = vector.broadcast %jit3A : i32 to vector<16xi32>
    %select_n3A = arith.select %lt3A_113, %get3A_115, %broadcast_in_dim3A_116 : vector<16xi1>, vector<16xi32>
    %get3A_117 = arith.constant 0 : index
    %get3A_118 = tpu.vector_load %arg16[%get3A_117] {strides = array<i32>} : memref<16xi32, #tpu.memory_space<vmem>>, vector<16xi32>,
    %get3A_119 = arith.constant 0 : index
    %get3A_120 = tpu.vector_load %arg17[%get3A_119] {strides = array<i32>} : memref<16xf32, #tpu.memory_space<vmem>>, vector<16xf32>,
    tpu.vector_store_idx %arg18[%iota3A, %get3A_118], %broadcast_in_dim3A_5 : memref<16x16xf32, #tpu.memory_space<vmem>>[vector<16xi32>, vector<16xi32>], vector<16xf32>,
    %add3A_121 = arith.constant 4 : i32
    %add3A_122 = vector.broadcast %add3A_121 : i32 to vector<16xi32>
    %add3A_123 = arith.addi %get3A_118, %add3A_122 : vector<16xi32>
    tpu.vector_store_idx %arg18[%iota3A, %add3A_123], %get3A_120 : memref<16x16xf32, #tpu.memory_space<vmem>>[vector<16xi32>, vector<16xi32>], vector<16xf32>,
    "tpu.region"() ({
      %run_scoped3A = tpu.sem_alloc : memref<!tpu.dma_semaphore, #tpu.memory_space<semaphore_mem>>
      %dma_start3A_132 = arith.constant 0 : i32
      %dma_start3A_133 = arith.constant 0 : i32
      %dma_start3A_134 = tpu.memref_slice %arg7[%dma_start3A_132, %dma_start3A_133] : memref<10240x16xf32, #tpu.memory_space<vmem_shared>> -> memref<10240x16xf32, #tpu.memory_space<vmem_shared>>
      tpu.enqueue_indirect_dma source(%arg18 : memref<16x16xf32, #tpu.memory_space<vmem>>) target(%dma_start3A_134 : memref<10240x16xf32, #tpu.memory_space<vmem_shared>>) offsets(%select_n3A : vector<16xi32>) semaphore(%run_scoped3A : memref<!tpu.dma_semaphore, #tpu.memory_space<semaphore_mem>>) {add = true}
      %dma_wait3A_135 = arith.constant 0 : i32
      %dma_wait3A_136 = arith.constant 0 : i32
      %dma_wait3A_137 = tpu.memref_slice %arg7[%dma_wait3A_135, %dma_wait3A_136] : memref<10240x16xf32, #tpu.memory_space<vmem_shared>> -> memref<10240x16xf32, #tpu.memory_space<vmem_shared>>
      tpu.wait_indirect_dma semaphore(%run_scoped3A : memref<!tpu.dma_semaphore, #tpu.memory_space<semaphore_mem>>) src(%arg18 : memref<16x16xf32, #tpu.memory_space<vmem>>) dst(%dma_wait3A_137 : memref<10240x16xf32, #tpu.memory_space<vmem_shared>>)
      tpu.yield
    }) : () -> ()
    %barrier3A_124 = arith.constant 0 : index
    tpu.barrier barrier_id(%barrier3A_124)
    %mul3A_125 = arith.constant 640 : i32
    %mul3A_126 = arith.muli %arg1, %mul3A_125 : i32
    %mul3A_127 = arith.constant 10240 : i32
    %mul3A_128 = arith.muli %arg0, %mul3A_127 : i32
    %mul3A_129 = arith.constant 640 : i32
    %mul3A_130 = arith.muli %arg1, %mul3A_129 : i32
    %add3A_131 = arith.addi %mul3A_128, %mul3A_130 : i32
    "tpu.region"() ({
      %run_scoped3A = tpu.sem_alloc : memref<!tpu.dma_semaphore, #tpu.memory_space<semaphore_mem>>
      %dma_start3A_132 = arith.constant 0 : i32
      %dma_start3A_133 = tpu.memref_slice %arg6[%add3A_131, %dma_start3A_132] : memref<20480x16xf32, #tpu.memory_space<hbm>> -> memref<640x16xf32, #tpu.memory_space<hbm>>
      %dma_start3A_134 = arith.constant 0 : i32
      %dma_start3A_135 = tpu.memref_slice %arg7[%mul3A_126, %dma_start3A_134] : memref<10240x16xf32, #tpu.memory_space<vmem_shared>> -> memref<640x16xf32, #tpu.memory_space<vmem_shared>>
      tpu.enqueue_dma source(%dma_start3A_135 : memref<640x16xf32, #tpu.memory_space<vmem_shared>>) target(%dma_start3A_133 : memref<640x16xf32, #tpu.memory_space<hbm>>) target_semaphore(%run_scoped3A : memref<!tpu.dma_semaphore, #tpu.memory_space<semaphore_mem>>)
      %dma_wait3A_136 = arith.constant 0 : i32
      %dma_wait3A_137 = tpu.memref_slice %arg6[%add3A_131, %dma_wait3A_136] : memref<20480x16xf32, #tpu.memory_space<hbm>> -> memref<640x16xf32, #tpu.memory_space<hbm>>
      %dma_wait3A_138 = arith.constant 0 : i32
      %dma_wait3A_139 = tpu.memref_slice %arg7[%mul3A_126, %dma_wait3A_138] : memref<10240x16xf32, #tpu.memory_space<vmem_shared>> -> memref<640x16xf32, #tpu.memory_space<vmem_shared>>
      tpu.wait_dma2 semaphore(%run_scoped3A : memref<!tpu.dma_semaphore, #tpu.memory_space<semaphore_mem>>) src(%dma_wait3A_139 : memref<640x16xf32, #tpu.memory_space<vmem_shared>>) dst(%dma_wait3A_137 : memref<640x16xf32, #tpu.memory_space<hbm>>)
      tpu.yield
    }) : () -> ()
    return
  }
}

module attributes {stable_mosaic.version = 14 : i64} {
  func.func @_tca_body(%arg0: i32, %arg1: memref<1000x256xf32, #tpu.memory_space<vmem>>, %arg2: memref<256x256xf32, #tpu.memory_space<vmem>>, %arg3: memref<1x256xf32, #tpu.memory_space<vmem>>, %arg4: memref<256x64xf32, #tpu.memory_space<vmem>>, %arg5: memref<1000x256xf32, #tpu.memory_space<vmem>>, %arg6: memref<1000x64xf32, #tpu.memory_space<vmem>>) attributes {dimension_semantics = [#tpu.dimension_semantics<arbitrary>], iteration_bounds = array<i64: 10>, scalar_prefetch = 0 : i64, scratch_operands = 0 : i64, tpu.core_type = #tpu.core_type<tc>, window_params = [{transform_indices = @transform_0, window_bounds = array<i64: 1000, 256>}, {pipeline_mode = #tpu.pipeline_mode<synchronous>, transform_indices = @transform_1, window_bounds = array<i64: 256, 256>}, {pipeline_mode = #tpu.pipeline_mode<synchronous>, transform_indices = @transform_2, window_bounds = array<i64: 1, 256>}, {pipeline_mode = #tpu.pipeline_mode<synchronous>, transform_indices = @transform_3, window_bounds = array<i64: 256, 64>}, {transform_indices = @transform_4, window_bounds = array<i64: 1000, 256>}, {transform_indices = @transform_5, window_bounds = array<i64: 1000, 64>}]} {
    %get3A = arith.constant 0 : index
    %get3A_0 = arith.constant 0 : index
    %get3A_1 = vector.load %arg1[%get3A, %get3A_0] : memref<1000x256xf32, #tpu.memory_space<vmem>>, vector<1000x256xf32>
    %get3A_2 = arith.constant 0 : index
    %get3A_3 = arith.constant 0 : index
    %get3A_4 = vector.load %arg2[%get3A_2, %get3A_3] : memref<256x256xf32, #tpu.memory_space<vmem>>, vector<256x256xf32>
    %dot_general3A = arith.constant dense<0.000000e+00> : vector<1000x256xf32>
    %dot_general3A_5 = tpu.matmul %get3A_1, %get3A_4, %dot_general3A {dimension_numbers = #tpu.dot_dimension_numbers<[1], [0], [0], [1], [0, 0, 1, 1], [], []>, transpose_lhs_hint = false} : vector<1000x256xf32>, vector<256x256xf32>, vector<1000x256xf32> -> vector<1000x256xf32>
    %get3A_6 = arith.constant 0 : index
    %get3A_7 = arith.constant 0 : index
    %get3A_8 = vector.load %arg3[%get3A_6, %get3A_7] : memref<1x256xf32, #tpu.memory_space<vmem>>, vector<1x256xf32>
    %add3A = vector.broadcast %get3A_8 : vector<1x256xf32> to vector<1000x256xf32>
    %add3A_9 = arith.addf %dot_general3A_5, %add3A : vector<1000x256xf32>
    %swap3A = arith.constant 0 : index
    %swap3A_10 = arith.constant 0 : index
    %swap3A_11 = vector.load %arg5[%swap3A, %swap3A_10] : memref<1000x256xf32, #tpu.memory_space<vmem>>, vector<1000x256xf32>
    tpu.vector_store %arg5[%swap3A, %swap3A_10], %add3A_9 {strides = array<i32>} : memref<1000x256xf32, #tpu.memory_space<vmem>>, vector<1000x256xf32>,
    %get3A_12 = arith.constant 0 : index
    %get3A_13 = arith.constant 0 : index
    %get3A_14 = vector.load %arg4[%get3A_12, %get3A_13] : memref<256x64xf32, #tpu.memory_space<vmem>>, vector<256x64xf32>
    %dot_general3A_15 = arith.constant dense<0.000000e+00> : vector<1000x64xf32>
    %dot_general3A_16 = tpu.matmul %add3A_9, %get3A_14, %dot_general3A_15 {dimension_numbers = #tpu.dot_dimension_numbers<[1], [0], [0], [1], [0, 0, 1, 1], [], []>, transpose_lhs_hint = false} : vector<1000x256xf32>, vector<256x64xf32>, vector<1000x64xf32> -> vector<1000x64xf32>
    %swap3A_17 = arith.constant 0 : index
    %swap3A_18 = arith.constant 0 : index
    %swap3A_19 = vector.load %arg6[%swap3A_17, %swap3A_18] : memref<1000x64xf32, #tpu.memory_space<vmem>>, vector<1000x64xf32>
    tpu.vector_store %arg6[%swap3A_17, %swap3A_18], %dot_general3A_16 {strides = array<i32>} : memref<1000x64xf32, #tpu.memory_space<vmem>>, vector<1000x64xf32>,
    return
  }
  func.func @transform_0(%arg0: i32) -> (i32, i32) {
    %c0_i32 = arith.constant 0 : i32
    %c0_i32_0 = arith.constant 0 : i32
    return %arg0, %c0_i32 : i32, i32
  }
  func.func @transform_1(%arg0: i32) -> (i32, i32) {
    %c0_i32 = arith.constant 0 : i32
    %c0_i32_0 = arith.constant 0 : i32
    %c0_i32_1 = arith.constant 0 : i32
    return %c0_i32, %c0_i32_0 : i32, i32
  }
  func.func @transform_2(%arg0: i32) -> (i32, i32) {
    %c0_i32 = arith.constant 0 : i32
    %c0_i32_0 = arith.constant 0 : i32
    %c0_i32_1 = arith.constant 0 : i32
    return %c0_i32, %c0_i32_0 : i32, i32
  }
  func.func @transform_3(%arg0: i32) -> (i32, i32) {
    %c0_i32 = arith.constant 0 : i32
    %c0_i32_0 = arith.constant 0 : i32
    %c0_i32_1 = arith.constant 0 : i32
    return %c0_i32, %c0_i32_0 : i32, i32
  }
  func.func @transform_4(%arg0: i32) -> (i32, i32) {
    %c0_i32 = arith.constant 0 : i32
    %c0_i32_0 = arith.constant 0 : i32
    return %arg0, %c0_i32 : i32, i32
  }
  func.func @transform_5(%arg0: i32) -> (i32, i32) {
    %c0_i32 = arith.constant 0 : i32
    %c0_i32_0 = arith.constant 0 : i32
    return %arg0, %c0_i32 : i32, i32
  }
}

module attributes {stable_mosaic.version = 14 : i64} {
  func.func @_tcb_body(%arg0: i32, %arg1: memref<1000x256xf32, #tpu.memory_space<vmem>>, %arg2: memref<1000x256xf32, #tpu.memory_space<vmem>>, %arg3: memref<1000x64xf32, #tpu.memory_space<vmem>>, %arg4: memref<1000x16xf32, #tpu.memory_space<vmem>>, %arg5: memref<1000x16xf32, #tpu.memory_space<vmem>>, %arg6: memref<256x256xf32, #tpu.memory_space<vmem>>, %arg7: memref<256x256xf32, #tpu.memory_space<vmem>>, %arg8: memref<1x256xf32, #tpu.memory_space<vmem>>, %arg9: memref<256x64xf32, #tpu.memory_space<vmem>>, %arg10: memref<1x64xf32, #tpu.memory_space<vmem>>, %arg11: memref<64x256xf32, #tpu.memory_space<vmem>>, %arg12: memref<16x64xf32, #tpu.memory_space<vmem>>, %arg13: memref<16x64xf32, #tpu.memory_space<vmem>>, %arg14: memref<16x256xf32, #tpu.memory_space<vmem>>, %arg15: memref<1000x256xf32, #tpu.memory_space<vmem>>, %arg16: memref<8x256xf32, #tpu.memory_space<vmem>>) attributes {dimension_semantics = [#tpu.dimension_semantics<arbitrary>], iteration_bounds = array<i64: 10>, scalar_prefetch = 0 : i64, scratch_operands = 0 : i64, tpu.core_type = #tpu.core_type<tc>, window_params = [{transform_indices = @transform_0, window_bounds = array<i64: 1000, 256>}, {transform_indices = @transform_1, window_bounds = array<i64: 1000, 256>}, {transform_indices = @transform_2, window_bounds = array<i64: 1000, 64>}, {transform_indices = @transform_3, window_bounds = array<i64: 1000, 16>}, {transform_indices = @transform_4, window_bounds = array<i64: 1000, 16>}, {pipeline_mode = #tpu.pipeline_mode<synchronous>, transform_indices = @transform_5, window_bounds = array<i64: 256, 256>}, {pipeline_mode = #tpu.pipeline_mode<synchronous>, transform_indices = @transform_6, window_bounds = array<i64: 256, 256>}, {pipeline_mode = #tpu.pipeline_mode<synchronous>, transform_indices = @transform_7, window_bounds = array<i64: 1, 256>}, {pipeline_mode = #tpu.pipeline_mode<synchronous>, transform_indices = @transform_8, window_bounds = array<i64: 256, 64>}, {pipeline_mode = #tpu.pipeline_mode<synchronous>, transform_indices = @transform_9, window_bounds = array<i64: 1, 64>}, {pipeline_mode = #tpu.pipeline_mode<synchronous>, transform_indices = @transform_10, window_bounds = array<i64: 64, 256>}, {pipeline_mode = #tpu.pipeline_mode<synchronous>, transform_indices = @transform_11, window_bounds = array<i64: 16, 64>}, {pipeline_mode = #tpu.pipeline_mode<synchronous>, transform_indices = @transform_12, window_bounds = array<i64: 16, 64>}, {pipeline_mode = #tpu.pipeline_mode<synchronous>, transform_indices = @transform_13, window_bounds = array<i64: 16, 256>}, {transform_indices = @transform_14, window_bounds = array<i64: 1000, 256>}, {pipeline_mode = #tpu.pipeline_mode<synchronous>, transform_indices = @transform_15, window_bounds = array<i64: 8, 256>}]} {
    %get3A = arith.constant 0 : index
    %get3A_0 = arith.constant 0 : index
    %get3A_1 = vector.load %arg4[%get3A, %get3A_0] : memref<1000x16xf32, #tpu.memory_space<vmem>>, vector<1000x16xf32>
    %get3A_2 = arith.constant 0 : index
    %get3A_3 = arith.constant 0 : index
    %get3A_4 = vector.load %arg5[%get3A_2, %get3A_3] : memref<1000x16xf32, #tpu.memory_space<vmem>>, vector<1000x16xf32>
    %add3A = arith.addf %get3A_1, %get3A_4 : vector<1000x16xf32>
    %slice3A = vector.extract_strided_slice %add3A {offsets = [0, 0], sizes = [1000, 4], strides = [1, 1]} : vector<1000x16xf32> to vector<1000x4xf32>
    %reduce_sum3A = arith.constant dense<0.000000e+00> : vector<1000xf32>
    %reduce_sum3A_5 = vector.multi_reduction <add>, %slice3A, %reduce_sum3A [1] : vector<1000x4xf32> to vector<1000xf32>
    %broadcast_in_dim3A = vector.shape_cast %reduce_sum3A_5 : vector<1000xf32> to vector<1000x1xf32>
    %slice3A_6 = vector.extract_strided_slice %add3A {offsets = [0, 4], sizes = [1000, 4], strides = [1, 1]} : vector<1000x16xf32> to vector<1000x4xf32>
    %reduce_sum3A_7 = arith.constant dense<0.000000e+00> : vector<1000xf32>
    %reduce_sum3A_8 = vector.multi_reduction <add>, %slice3A_6, %reduce_sum3A_7 [1] : vector<1000x4xf32> to vector<1000xf32>
    %broadcast_in_dim3A_9 = vector.shape_cast %reduce_sum3A_8 : vector<1000xf32> to vector<1000x1xf32>
    %max3A = arith.constant 1.000000e+00 : f32
    %max3A_10 = vector.broadcast %max3A : f32 to vector<1000x1xf32>
    %max3A_11 = arith.maximumf %broadcast_in_dim3A, %max3A_10 : vector<1000x1xf32>
    %get3A_12 = arith.constant 0 : index
    %get3A_13 = arith.constant 0 : index
    %get3A_14 = vector.load %arg2[%get3A_12, %get3A_13] : memref<1000x256xf32, #tpu.memory_space<vmem>>, vector<1000x256xf32>
    %get3A_15 = arith.constant 0 : index
    %get3A_16 = arith.constant 0 : index
    %get3A_17 = vector.load %arg1[%get3A_15, %get3A_16] : memref<1000x256xf32, #tpu.memory_space<vmem>>, vector<1000x256xf32>
    %get3A_18 = arith.constant 0 : index
    %get3A_19 = arith.constant 0 : index
    %get3A_20 = vector.load %arg6[%get3A_18, %get3A_19] : memref<256x256xf32, #tpu.memory_space<vmem>>, vector<256x256xf32>
    %dot_general3A = arith.constant dense<0.000000e+00> : vector<1000x256xf32>
    %dot_general3A_21 = tpu.matmul %get3A_17, %get3A_20, %dot_general3A {dimension_numbers = #tpu.dot_dimension_numbers<[1], [0], [0], [1], [0, 0, 1, 1], [], []>, transpose_lhs_hint = false} : vector<1000x256xf32>, vector<256x256xf32>, vector<1000x256xf32> -> vector<1000x256xf32>
    %get3A_22 = arith.constant 0 : index
    %get3A_23 = arith.constant 0 : index
    %get3A_24 = vector.load %arg7[%get3A_22, %get3A_23] : memref<256x256xf32, #tpu.memory_space<vmem>>, vector<256x256xf32>
    %dot_general3A_25 = arith.constant dense<0.000000e+00> : vector<1000x256xf32>
    %dot_general3A_26 = tpu.matmul %get3A_14, %get3A_24, %dot_general3A_25 {dimension_numbers = #tpu.dot_dimension_numbers<[1], [0], [0], [1], [0, 0, 1, 1], [], []>, transpose_lhs_hint = false} : vector<1000x256xf32>, vector<256x256xf32>, vector<1000x256xf32> -> vector<1000x256xf32>
    %mul3A = vector.broadcast %broadcast_in_dim3A : vector<1000x1xf32> to vector<1000x256xf32>
    %mul3A_27 = arith.mulf %mul3A, %dot_general3A_26 : vector<1000x256xf32>
    %add3A_28 = arith.addf %dot_general3A_21, %mul3A_27 : vector<1000x256xf32>
    %get3A_29 = arith.constant 0 : index
    %get3A_30 = arith.constant 0 : index
    %get3A_31 = vector.load %arg8[%get3A_29, %get3A_30] : memref<1x256xf32, #tpu.memory_space<vmem>>, vector<1x256xf32>
    %mul3A_32 = vector.broadcast %broadcast_in_dim3A_9 : vector<1000x1xf32> to vector<1000x256xf32>
    %mul3A_33 = vector.broadcast %get3A_31 : vector<1x256xf32> to vector<1000x256xf32>
    %mul3A_34 = arith.mulf %mul3A_32, %mul3A_33 : vector<1000x256xf32>
    %add3A_35 = arith.addf %add3A_28, %mul3A_34 : vector<1000x256xf32>
    %get3A_36 = arith.constant 0 : index
    %get3A_37 = arith.constant 0 : index
    %get3A_38 = vector.load %arg9[%get3A_36, %get3A_37] : memref<256x64xf32, #tpu.memory_space<vmem>>, vector<256x64xf32>
    %dot_general3A_39 = arith.constant dense<0.000000e+00> : vector<1000x64xf32>
    %dot_general3A_40 = tpu.matmul %get3A_14, %get3A_38, %dot_general3A_39 {dimension_numbers = #tpu.dot_dimension_numbers<[1], [0], [0], [1], [0, 0, 1, 1], [], []>, transpose_lhs_hint = false} : vector<1000x256xf32>, vector<256x64xf32>, vector<1000x64xf32> -> vector<1000x64xf32>
    %get3A_41 = arith.constant 0 : index
    %get3A_42 = arith.constant 0 : index
    %get3A_43 = vector.load %arg3[%get3A_41, %get3A_42] : memref<1000x64xf32, #tpu.memory_space<vmem>>, vector<1000x64xf32>
    %get3A_44 = arith.constant 0 : index
    %get3A_45 = arith.constant 0 : index
    %get3A_46 = vector.load %arg12[%get3A_44, %get3A_45] : memref<16x64xf32, #tpu.memory_space<vmem>>, vector<16x64xf32>
    %dot_general3A_47 = arith.constant dense<0.000000e+00> : vector<1000x64xf32>
    %dot_general3A_48 = tpu.matmul %add3A, %get3A_46, %dot_general3A_47 {dimension_numbers = #tpu.dot_dimension_numbers<[1], [0], [0], [1], [0, 0, 1, 1], [], []>, transpose_lhs_hint = false} : vector<1000x16xf32>, vector<16x64xf32>, vector<1000x64xf32> -> vector<1000x64xf32>
    %mul3A_49 = arith.mulf %dot_general3A_48, %dot_general3A_40 : vector<1000x64xf32>
    %add3A_50 = arith.addf %get3A_43, %mul3A_49 : vector<1000x64xf32>
    %get3A_51 = arith.constant 0 : index
    %get3A_52 = arith.constant 0 : index
    %get3A_53 = vector.load %arg13[%get3A_51, %get3A_52] : memref<16x64xf32, #tpu.memory_space<vmem>>, vector<16x64xf32>
    %dot_general3A_54 = arith.constant dense<0.000000e+00> : vector<1000x64xf32>
    %dot_general3A_55 = tpu.matmul %add3A, %get3A_53, %dot_general3A_54 {dimension_numbers = #tpu.dot_dimension_numbers<[1], [0], [0], [1], [0, 0, 1, 1], [], []>, transpose_lhs_hint = false} : vector<1000x16xf32>, vector<16x64xf32>, vector<1000x64xf32> -> vector<1000x64xf32>
    %get3A_56 = arith.constant 0 : index
    %get3A_57 = arith.constant 0 : index
    %get3A_58 = vector.load %arg10[%get3A_56, %get3A_57] : memref<1x64xf32, #tpu.memory_space<vmem>>, vector<1x64xf32>
    %mul3A_59 = vector.broadcast %get3A_58 : vector<1x64xf32> to vector<1000x64xf32>
    %mul3A_60 = arith.mulf %dot_general3A_55, %mul3A_59 : vector<1000x64xf32>
    %add3A_61 = arith.addf %add3A_50, %mul3A_60 : vector<1000x64xf32>
    %get3A_62 = arith.constant 0 : index
    %get3A_63 = arith.constant 0 : index
    %get3A_64 = vector.load %arg11[%get3A_62, %get3A_63] : memref<64x256xf32, #tpu.memory_space<vmem>>, vector<64x256xf32>
    %dot_general3A_65 = arith.constant dense<0.000000e+00> : vector<1000x256xf32>
    %dot_general3A_66 = tpu.matmul %add3A_61, %get3A_64, %dot_general3A_65 {dimension_numbers = #tpu.dot_dimension_numbers<[1], [0], [0], [1], [0, 0, 1, 1], [], []>, transpose_lhs_hint = false} : vector<1000x64xf32>, vector<64x256xf32>, vector<1000x256xf32> -> vector<1000x256xf32>
    %get3A_67 = arith.constant 0 : index
    %get3A_68 = arith.constant 0 : index
    %get3A_69 = vector.load %arg14[%get3A_67, %get3A_68] : memref<16x256xf32, #tpu.memory_space<vmem>>, vector<16x256xf32>
    %dot_general3A_70 = arith.constant dense<0.000000e+00> : vector<1000x256xf32>
    %dot_general3A_71 = tpu.matmul %add3A, %get3A_69, %dot_general3A_70 {dimension_numbers = #tpu.dot_dimension_numbers<[1], [0], [0], [1], [0, 0, 1, 1], [], []>, transpose_lhs_hint = false} : vector<1000x16xf32>, vector<16x256xf32>, vector<1000x256xf32> -> vector<1000x256xf32>
    %add3A_72 = arith.addf %dot_general3A_66, %dot_general3A_71 : vector<1000x256xf32>
    %add3A_73 = arith.addf %add3A_35, %add3A_72 : vector<1000x256xf32>
    %div3A = vector.broadcast %max3A_11 : vector<1000x1xf32> to vector<1000x256xf32>
    %div3A_74 = arith.divf %add3A_73, %div3A : vector<1000x256xf32>
    %swap3A = arith.constant 0 : index
    %swap3A_75 = arith.constant 0 : index
    %swap3A_76 = vector.load %arg15[%swap3A, %swap3A_75] : memref<1000x256xf32, #tpu.memory_space<vmem>>, vector<1000x256xf32>
    tpu.vector_store %arg15[%swap3A, %swap3A_75], %div3A_74 {strides = array<i32>} : memref<1000x256xf32, #tpu.memory_space<vmem>>, vector<1000x256xf32>,
    %reduce_sum3A_77 = arith.constant dense<0.000000e+00> : vector<256xf32>
    %reduce_sum3A_78 = vector.multi_reduction <add>, %div3A_74, %reduce_sum3A_77 [0] : vector<1000x256xf32> to vector<256xf32>
    %broadcast_in_dim3A_79 = vector.shape_cast %reduce_sum3A_78 : vector<256xf32> to vector<1x256xf32>
    %mul3A_80 = arith.mulf %div3A_74, %div3A_74 : vector<1000x256xf32>
    %reduce_sum3A_81 = arith.constant dense<0.000000e+00> : vector<256xf32>
    %reduce_sum3A_82 = vector.multi_reduction <add>, %mul3A_80, %reduce_sum3A_81 [0] : vector<1000x256xf32> to vector<256xf32>
    %broadcast_in_dim3A_83 = vector.shape_cast %reduce_sum3A_82 : vector<256xf32> to vector<1x256xf32>
    %broadcast_in_dim3A_84 = arith.constant 0.000000e+00 : f32
    %broadcast_in_dim3A_85 = vector.broadcast %broadcast_in_dim3A_84 : f32 to vector<6x256xf32>
    %concatenate3A = tpu.concatenate %broadcast_in_dim3A_79, %broadcast_in_dim3A_83, %broadcast_in_dim3A_85 in 0 : vector<1x256xf32>, vector<1x256xf32>, vector<6x256xf32> -> vector<8x256xf32>
    %eq3A = arith.constant 0 : i32
    %eq3A_86 = arith.cmpi eq, %arg0, %eq3A : i32
    %convert_element_type3A = arith.extui %eq3A_86 : i1 to i32
    %cond3A = arith.constant 0 : i32
    %cond3A_87 = arith.cmpi ne, %convert_element_type3A, %cond3A : i32
    scf.if %cond3A_87 {
      %swap3A_92 = arith.constant 0 : index
      %swap3A_93 = arith.constant 0 : index
      %swap3A_94 = vector.load %arg16[%swap3A_92, %swap3A_93] : memref<8x256xf32, #tpu.memory_space<vmem>>, vector<8x256xf32>
      tpu.vector_store %arg16[%swap3A_92, %swap3A_93], %concatenate3A {strides = array<i32>} : memref<8x256xf32, #tpu.memory_space<vmem>>, vector<8x256xf32>,
    } else {
    }
    %gt3A = arith.constant 0 : i32
    %gt3A_88 = arith.cmpi sgt, %arg0, %gt3A : i32
    %convert_element_type3A_89 = arith.extui %gt3A_88 : i1 to i32
    %cond3A_90 = arith.constant 0 : i32
    %cond3A_91 = arith.cmpi ne, %convert_element_type3A_89, %cond3A_90 : i32
    scf.if %cond3A_91 {
      %get3A_92 = arith.constant 0 : index
      %get3A_93 = arith.constant 0 : index
      %get3A_94 = vector.load %arg16[%get3A_92, %get3A_93] : memref<8x256xf32, #tpu.memory_space<vmem>>, vector<8x256xf32>
      %add3A_95 = arith.addf %get3A_94, %concatenate3A : vector<8x256xf32>
      %swap3A_96 = arith.constant 0 : index
      %swap3A_97 = arith.constant 0 : index
      %swap3A_98 = vector.load %arg16[%swap3A_96, %swap3A_97] : memref<8x256xf32, #tpu.memory_space<vmem>>, vector<8x256xf32>
      tpu.vector_store %arg16[%swap3A_96, %swap3A_97], %add3A_95 {strides = array<i32>} : memref<8x256xf32, #tpu.memory_space<vmem>>, vector<8x256xf32>,
    } else {
    }
    return
  }
  func.func @transform_0(%arg0: i32) -> (i32, i32) {
    %c0_i32 = arith.constant 0 : i32
    %c0_i32_0 = arith.constant 0 : i32
    return %arg0, %c0_i32 : i32, i32
  }
  func.func @transform_1(%arg0: i32) -> (i32, i32) {
    %c0_i32 = arith.constant 0 : i32
    %c0_i32_0 = arith.constant 0 : i32
    return %arg0, %c0_i32 : i32, i32
  }
  func.func @transform_2(%arg0: i32) -> (i32, i32) {
    %c0_i32 = arith.constant 0 : i32
    %c0_i32_0 = arith.constant 0 : i32
    return %arg0, %c0_i32 : i32, i32
  }
  func.func @transform_3(%arg0: i32) -> (i32, i32) {
    %c0_i32 = arith.constant 0 : i32
    %c0_i32_0 = arith.constant 0 : i32
    return %arg0, %c0_i32 : i32, i32
  }
  func.func @transform_4(%arg0: i32) -> (i32, i32) {
    %c0_i32 = arith.constant 0 : i32
    %c0_i32_0 = arith.constant 0 : i32
    return %arg0, %c0_i32 : i32, i32
  }
  func.func @transform_5(%arg0: i32) -> (i32, i32) {
    %c0_i32 = arith.constant 0 : i32
    %c0_i32_0 = arith.constant 0 : i32
    %c0_i32_1 = arith.constant 0 : i32
    return %c0_i32, %c0_i32_0 : i32, i32
  }
  func.func @transform_6(%arg0: i32) -> (i32, i32) {
    %c0_i32 = arith.constant 0 : i32
    %c0_i32_0 = arith.constant 0 : i32
    %c0_i32_1 = arith.constant 0 : i32
    return %c0_i32, %c0_i32_0 : i32, i32
  }
  func.func @transform_7(%arg0: i32) -> (i32, i32) {
    %c0_i32 = arith.constant 0 : i32
    %c0_i32_0 = arith.constant 0 : i32
    %c0_i32_1 = arith.constant 0 : i32
    return %c0_i32, %c0_i32_0 : i32, i32
  }
  func.func @transform_8(%arg0: i32) -> (i32, i32) {
    %c0_i32 = arith.constant 0 : i32
    %c0_i32_0 = arith.constant 0 : i32
    %c0_i32_1 = arith.constant 0 : i32
    return %c0_i32, %c0_i32_0 : i32, i32
  }
  func.func @transform_9(%arg0: i32) -> (i32, i32) {
    %c0_i32 = arith.constant 0 : i32
    %c0_i32_0 = arith.constant 0 : i32
    %c0_i32_1 = arith.constant 0 : i32
    return %c0_i32, %c0_i32_0 : i32, i32
  }
  func.func @transform_10(%arg0: i32) -> (i32, i32) {
    %c0_i32 = arith.constant 0 : i32
    %c0_i32_0 = arith.constant 0 : i32
    %c0_i32_1 = arith.constant 0 : i32
    return %c0_i32, %c0_i32_0 : i32, i32
  }
  func.func @transform_11(%arg0: i32) -> (i32, i32) {
    %c0_i32 = arith.constant 0 : i32
    %c0_i32_0 = arith.constant 0 : i32
    %c0_i32_1 = arith.constant 0 : i32
    return %c0_i32, %c0_i32_0 : i32, i32
  }
  func.func @transform_12(%arg0: i32) -> (i32, i32) {
    %c0_i32 = arith.constant 0 : i32
    %c0_i32_0 = arith.constant 0 : i32
    %c0_i32_1 = arith.constant 0 : i32
    return %c0_i32, %c0_i32_0 : i32, i32
  }
  func.func @transform_13(%arg0: i32) -> (i32, i32) {
    %c0_i32 = arith.constant 0 : i32
    %c0_i32_0 = arith.constant 0 : i32
    %c0_i32_1 = arith.constant 0 : i32
    return %c0_i32, %c0_i32_0 : i32, i32
  }
  func.func @transform_14(%arg0: i32) -> (i32, i32) {
    %c0_i32 = arith.constant 0 : i32
    %c0_i32_0 = arith.constant 0 : i32
    return %arg0, %c0_i32 : i32, i32
  }
  func.func @transform_15(%arg0: i32) -> (i32, i32) {
    %c0_i32 = arith.constant 0 : i32
    %c0_i32_0 = arith.constant 0 : i32
    %c0_i32_1 = arith.constant 0 : i32
    return %c0_i32, %c0_i32_0 : i32, i32
  }
}

module attributes {stable_mosaic.version = 14 : i64} {
  func.func @_tcc_body(%arg0: i32, %arg1: memref<1000x256xf32, #tpu.memory_space<vmem>>, %arg2: memref<8x256xf32, #tpu.memory_space<vmem>>, %arg3: memref<1000x256xf32, #tpu.memory_space<vmem>>, %arg4: memref<1x256xf32, #tpu.memory_space<vmem>>, %arg5: memref<1x256xf32, #tpu.memory_space<vmem>>, %arg6: memref<256x256xf32, #tpu.memory_space<vmem>>, %arg7: memref<256x256xf32, #tpu.memory_space<vmem>>, %arg8: memref<256x256xf32, #tpu.memory_space<vmem>>, %arg9: memref<1x256xf32, #tpu.memory_space<vmem>>, %arg10: memref<256x64xf32, #tpu.memory_space<vmem>>, %arg11: memref<1000x256xf32, #tpu.memory_space<vmem>>, %arg12: memref<1000x64xf32, #tpu.memory_space<vmem>>) attributes {dimension_semantics = [#tpu.dimension_semantics<arbitrary>], iteration_bounds = array<i64: 10>, scalar_prefetch = 0 : i64, scratch_operands = 0 : i64, tpu.core_type = #tpu.core_type<tc>, window_params = [{transform_indices = @transform_0, window_bounds = array<i64: 1000, 256>}, {pipeline_mode = #tpu.pipeline_mode<synchronous>, transform_indices = @transform_1, window_bounds = array<i64: 8, 256>}, {transform_indices = @transform_2, window_bounds = array<i64: 1000, 256>}, {pipeline_mode = #tpu.pipeline_mode<synchronous>, transform_indices = @transform_3, window_bounds = array<i64: 1, 256>}, {pipeline_mode = #tpu.pipeline_mode<synchronous>, transform_indices = @transform_4, window_bounds = array<i64: 1, 256>}, {pipeline_mode = #tpu.pipeline_mode<synchronous>, transform_indices = @transform_5, window_bounds = array<i64: 256, 256>}, {pipeline_mode = #tpu.pipeline_mode<synchronous>, transform_indices = @transform_6, window_bounds = array<i64: 256, 256>}, {pipeline_mode = #tpu.pipeline_mode<synchronous>, transform_indices = @transform_7, window_bounds = array<i64: 256, 256>}, {pipeline_mode = #tpu.pipeline_mode<synchronous>, transform_indices = @transform_8, window_bounds = array<i64: 1, 256>}, {pipeline_mode = #tpu.pipeline_mode<synchronous>, transform_indices = @transform_9, window_bounds = array<i64: 256, 64>}, {transform_indices = @transform_10, window_bounds = array<i64: 1000, 256>}, {transform_indices = @transform_11, window_bounds = array<i64: 1000, 64>}]} {
    %get3A = arith.constant 0 : index
    %get3A_0 = arith.constant 0 : index
    %get3A_1 = vector.load %arg2[%get3A, %get3A_0] : memref<8x256xf32, #tpu.memory_space<vmem>>, vector<1x256xf32>
    %mul3A = arith.constant 9.99999974E-5 : f32
    %mul3A_2 = vector.broadcast %mul3A : f32 to vector<1x256xf32>
    %mul3A_3 = arith.mulf %get3A_1, %mul3A_2 : vector<1x256xf32>
    %get3A_4 = arith.constant 1 : index
    %get3A_5 = arith.constant 0 : index
    %get3A_6 = vector.load %arg2[%get3A_4, %get3A_5] : memref<8x256xf32, #tpu.memory_space<vmem>>, vector<1x256xf32>
    %mul3A_7 = arith.constant 9.99999974E-5 : f32
    %mul3A_8 = vector.broadcast %mul3A_7 : f32 to vector<1x256xf32>
    %mul3A_9 = arith.mulf %get3A_6, %mul3A_8 : vector<1x256xf32>
    %mul3A_10 = arith.mulf %mul3A_3, %mul3A_3 : vector<1x256xf32>
    %sub3A = arith.subf %mul3A_9, %mul3A_10 : vector<1x256xf32>
    %add3A = arith.constant 9.99999974E-6 : f32
    %add3A_11 = vector.broadcast %add3A : f32 to vector<1x256xf32>
    %add3A_12 = arith.addf %sub3A, %add3A_11 : vector<1x256xf32>
    %rsqrt3A = math.rsqrt %add3A_12 : vector<1x256xf32>
    %get3A_13 = arith.constant 0 : index
    %get3A_14 = arith.constant 0 : index
    %get3A_15 = vector.load %arg1[%get3A_13, %get3A_14] : memref<1000x256xf32, #tpu.memory_space<vmem>>, vector<1000x256xf32>
    %sub3A_16 = vector.broadcast %mul3A_3 : vector<1x256xf32> to vector<1000x256xf32>
    %sub3A_17 = arith.subf %get3A_15, %sub3A_16 : vector<1000x256xf32>
    %get3A_18 = arith.constant 0 : index
    %get3A_19 = arith.constant 0 : index
    %get3A_20 = vector.load %arg4[%get3A_18, %get3A_19] : memref<1x256xf32, #tpu.memory_space<vmem>>, vector<1x256xf32>
    %mul3A_21 = arith.mulf %rsqrt3A, %get3A_20 : vector<1x256xf32>
    %mul3A_22 = vector.broadcast %mul3A_21 : vector<1x256xf32> to vector<1000x256xf32>
    %mul3A_23 = arith.mulf %sub3A_17, %mul3A_22 : vector<1000x256xf32>
    %get3A_24 = arith.constant 0 : index
    %get3A_25 = arith.constant 0 : index
    %get3A_26 = vector.load %arg5[%get3A_24, %get3A_25] : memref<1x256xf32, #tpu.memory_space<vmem>>, vector<1x256xf32>
    %add3A_27 = vector.broadcast %get3A_26 : vector<1x256xf32> to vector<1000x256xf32>
    %add3A_28 = arith.addf %mul3A_23, %add3A_27 : vector<1000x256xf32>
    %get3A_29 = arith.constant 0 : index
    %get3A_30 = arith.constant 0 : index
    %get3A_31 = vector.load %arg3[%get3A_29, %get3A_30] : memref<1000x256xf32, #tpu.memory_space<vmem>>, vector<1000x256xf32>
    %get3A_32 = arith.constant 0 : index
    %get3A_33 = arith.constant 0 : index
    %get3A_34 = vector.load %arg7[%get3A_32, %get3A_33] : memref<256x256xf32, #tpu.memory_space<vmem>>, vector<256x256xf32>
    %dot_general3A = arith.constant dense<0.000000e+00> : vector<1000x256xf32>
    %dot_general3A_35 = tpu.matmul %get3A_31, %get3A_34, %dot_general3A {dimension_numbers = #tpu.dot_dimension_numbers<[1], [0], [0], [1], [0, 0, 1, 1], [], []>, transpose_lhs_hint = false} : vector<1000x256xf32>, vector<256x256xf32>, vector<1000x256xf32> -> vector<1000x256xf32>
    %get3A_36 = arith.constant 0 : index
    %get3A_37 = arith.constant 0 : index
    %get3A_38 = vector.load %arg8[%get3A_36, %get3A_37] : memref<256x256xf32, #tpu.memory_space<vmem>>, vector<256x256xf32>
    %dot_general3A_39 = arith.constant dense<0.000000e+00> : vector<1000x256xf32>
    %dot_general3A_40 = tpu.matmul %add3A_28, %get3A_38, %dot_general3A_39 {dimension_numbers = #tpu.dot_dimension_numbers<[1], [0], [0], [1], [0, 0, 1, 1], [], []>, transpose_lhs_hint = false} : vector<1000x256xf32>, vector<256x256xf32>, vector<1000x256xf32> -> vector<1000x256xf32>
    %add3A_41 = arith.addf %dot_general3A_35, %dot_general3A_40 : vector<1000x256xf32>
    %get3A_42 = arith.constant 0 : index
    %get3A_43 = arith.constant 0 : index
    %get3A_44 = vector.load %arg9[%get3A_42, %get3A_43] : memref<1x256xf32, #tpu.memory_space<vmem>>, vector<1x256xf32>
    %add3A_45 = vector.broadcast %get3A_44 : vector<1x256xf32> to vector<1000x256xf32>
    %add3A_46 = arith.addf %add3A_41, %add3A_45 : vector<1000x256xf32>
    %get3A_47 = arith.constant 0 : index
    %get3A_48 = arith.constant 0 : index
    %get3A_49 = vector.load %arg6[%get3A_47, %get3A_48] : memref<256x256xf32, #tpu.memory_space<vmem>>, vector<256x256xf32>
    %dot_general3A_50 = arith.constant dense<0.000000e+00> : vector<1000x256xf32>
    %dot_general3A_51 = tpu.matmul %get3A_31, %get3A_49, %dot_general3A_50 {dimension_numbers = #tpu.dot_dimension_numbers<[1], [0], [0], [1], [0, 0, 1, 1], [], []>, transpose_lhs_hint = false} : vector<1000x256xf32>, vector<256x256xf32>, vector<1000x256xf32> -> vector<1000x256xf32>
    %max3A = arith.constant 0.000000e+00 : f32
    %max3A_52 = vector.broadcast %max3A : f32 to vector<1000x256xf32>
    %max3A_53 = arith.maximumf %add3A_46, %max3A_52 : vector<1000x256xf32>
    %add3A_54 = arith.addf %dot_general3A_51, %max3A_53 : vector<1000x256xf32>
    %swap3A = arith.constant 0 : index
    %swap3A_55 = arith.constant 0 : index
    %swap3A_56 = vector.load %arg11[%swap3A, %swap3A_55] : memref<1000x256xf32, #tpu.memory_space<vmem>>, vector<1000x256xf32>
    tpu.vector_store %arg11[%swap3A, %swap3A_55], %add3A_54 {strides = array<i32>} : memref<1000x256xf32, #tpu.memory_space<vmem>>, vector<1000x256xf32>,
    %get3A_57 = arith.constant 0 : index
    %get3A_58 = arith.constant 0 : index
    %get3A_59 = vector.load %arg10[%get3A_57, %get3A_58] : memref<256x64xf32, #tpu.memory_space<vmem>>, vector<256x64xf32>
    %dot_general3A_60 = arith.constant dense<0.000000e+00> : vector<1000x64xf32>
    %dot_general3A_61 = tpu.matmul %add3A_54, %get3A_59, %dot_general3A_60 {dimension_numbers = #tpu.dot_dimension_numbers<[1], [0], [0], [1], [0, 0, 1, 1], [], []>, transpose_lhs_hint = false} : vector<1000x256xf32>, vector<256x64xf32>, vector<1000x64xf32> -> vector<1000x64xf32>
    %swap3A_62 = arith.constant 0 : index
    %swap3A_63 = arith.constant 0 : index
    %swap3A_64 = vector.load %arg12[%swap3A_62, %swap3A_63] : memref<1000x64xf32, #tpu.memory_space<vmem>>, vector<1000x64xf32>
    tpu.vector_store %arg12[%swap3A_62, %swap3A_63], %dot_general3A_61 {strides = array<i32>} : memref<1000x64xf32, #tpu.memory_space<vmem>>, vector<1000x64xf32>,
    return
  }
  func.func @transform_0(%arg0: i32) -> (i32, i32) {
    %c0_i32 = arith.constant 0 : i32
    %c0_i32_0 = arith.constant 0 : i32
    return %arg0, %c0_i32 : i32, i32
  }
  func.func @transform_1(%arg0: i32) -> (i32, i32) {
    %c0_i32 = arith.constant 0 : i32
    %c0_i32_0 = arith.constant 0 : i32
    %c0_i32_1 = arith.constant 0 : i32
    return %c0_i32, %c0_i32_0 : i32, i32
  }
  func.func @transform_2(%arg0: i32) -> (i32, i32) {
    %c0_i32 = arith.constant 0 : i32
    %c0_i32_0 = arith.constant 0 : i32
    return %arg0, %c0_i32 : i32, i32
  }
  func.func @transform_3(%arg0: i32) -> (i32, i32) {
    %c0_i32 = arith.constant 0 : i32
    %c0_i32_0 = arith.constant 0 : i32
    %c0_i32_1 = arith.constant 0 : i32
    return %c0_i32, %c0_i32_0 : i32, i32
  }
  func.func @transform_4(%arg0: i32) -> (i32, i32) {
    %c0_i32 = arith.constant 0 : i32
    %c0_i32_0 = arith.constant 0 : i32
    %c0_i32_1 = arith.constant 0 : i32
    return %c0_i32, %c0_i32_0 : i32, i32
  }
  func.func @transform_5(%arg0: i32) -> (i32, i32) {
    %c0_i32 = arith.constant 0 : i32
    %c0_i32_0 = arith.constant 0 : i32
    %c0_i32_1 = arith.constant 0 : i32
    return %c0_i32, %c0_i32_0 : i32, i32
  }
  func.func @transform_6(%arg0: i32) -> (i32, i32) {
    %c0_i32 = arith.constant 0 : i32
    %c0_i32_0 = arith.constant 0 : i32
    %c0_i32_1 = arith.constant 0 : i32
    return %c0_i32, %c0_i32_0 : i32, i32
  }
  func.func @transform_7(%arg0: i32) -> (i32, i32) {
    %c0_i32 = arith.constant 0 : i32
    %c0_i32_0 = arith.constant 0 : i32
    %c0_i32_1 = arith.constant 0 : i32
    return %c0_i32, %c0_i32_0 : i32, i32
  }
  func.func @transform_8(%arg0: i32) -> (i32, i32) {
    %c0_i32 = arith.constant 0 : i32
    %c0_i32_0 = arith.constant 0 : i32
    %c0_i32_1 = arith.constant 0 : i32
    return %c0_i32, %c0_i32_0 : i32, i32
  }
  func.func @transform_9(%arg0: i32) -> (i32, i32) {
    %c0_i32 = arith.constant 0 : i32
    %c0_i32_0 = arith.constant 0 : i32
    %c0_i32_1 = arith.constant 0 : i32
    return %c0_i32, %c0_i32_0 : i32, i32
  }
  func.func @transform_10(%arg0: i32) -> (i32, i32) {
    %c0_i32 = arith.constant 0 : i32
    %c0_i32_0 = arith.constant 0 : i32
    return %arg0, %c0_i32 : i32, i32
  }
  func.func @transform_11(%arg0: i32) -> (i32, i32) {
    %c0_i32 = arith.constant 0 : i32
    %c0_i32_0 = arith.constant 0 : i32
    return %arg0, %c0_i32 : i32, i32
  }
}

module attributes {stable_mosaic.version = 14 : i64} {
  func.func @_tcc_body(%arg0: i32, %arg1: memref<1000x256xf32, #tpu.memory_space<vmem>>, %arg2: memref<8x256xf32, #tpu.memory_space<vmem>>, %arg3: memref<1000x256xf32, #tpu.memory_space<vmem>>, %arg4: memref<1x256xf32, #tpu.memory_space<vmem>>, %arg5: memref<1x256xf32, #tpu.memory_space<vmem>>, %arg6: memref<256x256xf32, #tpu.memory_space<vmem>>, %arg7: memref<256x256xf32, #tpu.memory_space<vmem>>, %arg8: memref<256x256xf32, #tpu.memory_space<vmem>>, %arg9: memref<1x256xf32, #tpu.memory_space<vmem>>, %arg10: memref<256x64xf32, #tpu.memory_space<vmem>>, %arg11: memref<1000x256xf32, #tpu.memory_space<vmem>>, %arg12: memref<1000x64xf32, #tpu.memory_space<vmem>>) attributes {dimension_semantics = [#tpu.dimension_semantics<arbitrary>], iteration_bounds = array<i64: 10>, scalar_prefetch = 0 : i64, scratch_operands = 0 : i64, tpu.core_type = #tpu.core_type<tc>, window_params = [{transform_indices = @transform_0, window_bounds = array<i64: 1000, 256>}, {pipeline_mode = #tpu.pipeline_mode<synchronous>, transform_indices = @transform_1, window_bounds = array<i64: 8, 256>}, {transform_indices = @transform_2, window_bounds = array<i64: 1000, 256>}, {pipeline_mode = #tpu.pipeline_mode<synchronous>, transform_indices = @transform_3, window_bounds = array<i64: 1, 256>}, {pipeline_mode = #tpu.pipeline_mode<synchronous>, transform_indices = @transform_4, window_bounds = array<i64: 1, 256>}, {pipeline_mode = #tpu.pipeline_mode<synchronous>, transform_indices = @transform_5, window_bounds = array<i64: 256, 256>}, {pipeline_mode = #tpu.pipeline_mode<synchronous>, transform_indices = @transform_6, window_bounds = array<i64: 256, 256>}, {pipeline_mode = #tpu.pipeline_mode<synchronous>, transform_indices = @transform_7, window_bounds = array<i64: 256, 256>}, {pipeline_mode = #tpu.pipeline_mode<synchronous>, transform_indices = @transform_8, window_bounds = array<i64: 1, 256>}, {pipeline_mode = #tpu.pipeline_mode<synchronous>, transform_indices = @transform_9, window_bounds = array<i64: 256, 64>}, {transform_indices = @transform_10, window_bounds = array<i64: 1000, 256>}, {transform_indices = @transform_11, window_bounds = array<i64: 1000, 64>}]} {
    %get3A = arith.constant 0 : index
    %get3A_0 = arith.constant 0 : index
    %get3A_1 = vector.load %arg2[%get3A, %get3A_0] : memref<8x256xf32, #tpu.memory_space<vmem>>, vector<1x256xf32>
    %mul3A = arith.constant 9.99999974E-5 : f32
    %mul3A_2 = vector.broadcast %mul3A : f32 to vector<1x256xf32>
    %mul3A_3 = arith.mulf %get3A_1, %mul3A_2 : vector<1x256xf32>
    %get3A_4 = arith.constant 1 : index
    %get3A_5 = arith.constant 0 : index
    %get3A_6 = vector.load %arg2[%get3A_4, %get3A_5] : memref<8x256xf32, #tpu.memory_space<vmem>>, vector<1x256xf32>
    %mul3A_7 = arith.constant 9.99999974E-5 : f32
    %mul3A_8 = vector.broadcast %mul3A_7 : f32 to vector<1x256xf32>
    %mul3A_9 = arith.mulf %get3A_6, %mul3A_8 : vector<1x256xf32>
    %mul3A_10 = arith.mulf %mul3A_3, %mul3A_3 : vector<1x256xf32>
    %sub3A = arith.subf %mul3A_9, %mul3A_10 : vector<1x256xf32>
    %add3A = arith.constant 9.99999974E-6 : f32
    %add3A_11 = vector.broadcast %add3A : f32 to vector<1x256xf32>
    %add3A_12 = arith.addf %sub3A, %add3A_11 : vector<1x256xf32>
    %rsqrt3A = math.rsqrt %add3A_12 : vector<1x256xf32>
    %get3A_13 = arith.constant 0 : index
    %get3A_14 = arith.constant 0 : index
    %get3A_15 = vector.load %arg1[%get3A_13, %get3A_14] : memref<1000x256xf32, #tpu.memory_space<vmem>>, vector<1000x256xf32>
    %sub3A_16 = vector.broadcast %mul3A_3 : vector<1x256xf32> to vector<1000x256xf32>
    %sub3A_17 = arith.subf %get3A_15, %sub3A_16 : vector<1000x256xf32>
    %get3A_18 = arith.constant 0 : index
    %get3A_19 = arith.constant 0 : index
    %get3A_20 = vector.load %arg4[%get3A_18, %get3A_19] : memref<1x256xf32, #tpu.memory_space<vmem>>, vector<1x256xf32>
    %mul3A_21 = arith.mulf %rsqrt3A, %get3A_20 : vector<1x256xf32>
    %mul3A_22 = vector.broadcast %mul3A_21 : vector<1x256xf32> to vector<1000x256xf32>
    %mul3A_23 = arith.mulf %sub3A_17, %mul3A_22 : vector<1000x256xf32>
    %get3A_24 = arith.constant 0 : index
    %get3A_25 = arith.constant 0 : index
    %get3A_26 = vector.load %arg5[%get3A_24, %get3A_25] : memref<1x256xf32, #tpu.memory_space<vmem>>, vector<1x256xf32>
    %add3A_27 = vector.broadcast %get3A_26 : vector<1x256xf32> to vector<1000x256xf32>
    %add3A_28 = arith.addf %mul3A_23, %add3A_27 : vector<1000x256xf32>
    %get3A_29 = arith.constant 0 : index
    %get3A_30 = arith.constant 0 : index
    %get3A_31 = vector.load %arg3[%get3A_29, %get3A_30] : memref<1000x256xf32, #tpu.memory_space<vmem>>, vector<1000x256xf32>
    %get3A_32 = arith.constant 0 : index
    %get3A_33 = arith.constant 0 : index
    %get3A_34 = vector.load %arg7[%get3A_32, %get3A_33] : memref<256x256xf32, #tpu.memory_space<vmem>>, vector<256x256xf32>
    %dot_general3A = arith.constant dense<0.000000e+00> : vector<1000x256xf32>
    %dot_general3A_35 = tpu.matmul %get3A_31, %get3A_34, %dot_general3A {dimension_numbers = #tpu.dot_dimension_numbers<[1], [0], [0], [1], [0, 0, 1, 1], [], []>, transpose_lhs_hint = false} : vector<1000x256xf32>, vector<256x256xf32>, vector<1000x256xf32> -> vector<1000x256xf32>
    %get3A_36 = arith.constant 0 : index
    %get3A_37 = arith.constant 0 : index
    %get3A_38 = vector.load %arg8[%get3A_36, %get3A_37] : memref<256x256xf32, #tpu.memory_space<vmem>>, vector<256x256xf32>
    %dot_general3A_39 = arith.constant dense<0.000000e+00> : vector<1000x256xf32>
    %dot_general3A_40 = tpu.matmul %add3A_28, %get3A_38, %dot_general3A_39 {dimension_numbers = #tpu.dot_dimension_numbers<[1], [0], [0], [1], [0, 0, 1, 1], [], []>, transpose_lhs_hint = false} : vector<1000x256xf32>, vector<256x256xf32>, vector<1000x256xf32> -> vector<1000x256xf32>
    %add3A_41 = arith.addf %dot_general3A_35, %dot_general3A_40 : vector<1000x256xf32>
    %get3A_42 = arith.constant 0 : index
    %get3A_43 = arith.constant 0 : index
    %get3A_44 = vector.load %arg9[%get3A_42, %get3A_43] : memref<1x256xf32, #tpu.memory_space<vmem>>, vector<1x256xf32>
    %add3A_45 = vector.broadcast %get3A_44 : vector<1x256xf32> to vector<1000x256xf32>
    %add3A_46 = arith.addf %add3A_41, %add3A_45 : vector<1000x256xf32>
    %get3A_47 = arith.constant 0 : index
    %get3A_48 = arith.constant 0 : index
    %get3A_49 = vector.load %arg6[%get3A_47, %get3A_48] : memref<256x256xf32, #tpu.memory_space<vmem>>, vector<256x256xf32>
    %dot_general3A_50 = arith.constant dense<0.000000e+00> : vector<1000x256xf32>
    %dot_general3A_51 = tpu.matmul %get3A_31, %get3A_49, %dot_general3A_50 {dimension_numbers = #tpu.dot_dimension_numbers<[1], [0], [0], [1], [0, 0, 1, 1], [], []>, transpose_lhs_hint = false} : vector<1000x256xf32>, vector<256x256xf32>, vector<1000x256xf32> -> vector<1000x256xf32>
    %max3A = arith.constant 0.000000e+00 : f32
    %max3A_52 = vector.broadcast %max3A : f32 to vector<1000x256xf32>
    %max3A_53 = arith.maximumf %add3A_46, %max3A_52 : vector<1000x256xf32>
    %add3A_54 = arith.addf %dot_general3A_51, %max3A_53 : vector<1000x256xf32>
    %swap3A = arith.constant 0 : index
    %swap3A_55 = arith.constant 0 : index
    %swap3A_56 = vector.load %arg11[%swap3A, %swap3A_55] : memref<1000x256xf32, #tpu.memory_space<vmem>>, vector<1000x256xf32>
    tpu.vector_store %arg11[%swap3A, %swap3A_55], %add3A_54 {strides = array<i32>} : memref<1000x256xf32, #tpu.memory_space<vmem>>, vector<1000x256xf32>,
    %get3A_57 = arith.constant 0 : index
    %get3A_58 = arith.constant 0 : index
    %get3A_59 = vector.load %arg10[%get3A_57, %get3A_58] : memref<256x64xf32, #tpu.memory_space<vmem>>, vector<256x64xf32>
    %dot_general3A_60 = arith.constant dense<0.000000e+00> : vector<1000x64xf32>
    %dot_general3A_61 = tpu.matmul %add3A_54, %get3A_59, %dot_general3A_60 {dimension_numbers = #tpu.dot_dimension_numbers<[1], [0], [0], [1], [0, 0, 1, 1], [], []>, transpose_lhs_hint = false} : vector<1000x256xf32>, vector<256x64xf32>, vector<1000x64xf32> -> vector<1000x64xf32>
    %swap3A_62 = arith.constant 0 : index
    %swap3A_63 = arith.constant 0 : index
    %swap3A_64 = vector.load %arg12[%swap3A_62, %swap3A_63] : memref<1000x64xf32, #tpu.memory_space<vmem>>, vector<1000x64xf32>
    tpu.vector_store %arg12[%swap3A_62, %swap3A_63], %dot_general3A_61 {strides = array<i32>} : memref<1000x64xf32, #tpu.memory_space<vmem>>, vector<1000x64xf32>,
    return
  }
  func.func @transform_0(%arg0: i32) -> (i32, i32) {
    %c0_i32 = arith.constant 0 : i32
    %c0_i32_0 = arith.constant 0 : i32
    return %arg0, %c0_i32 : i32, i32
  }
  func.func @transform_1(%arg0: i32) -> (i32, i32) {
    %c0_i32 = arith.constant 0 : i32
    %c0_i32_0 = arith.constant 0 : i32
    %c0_i32_1 = arith.constant 0 : i32
    return %c0_i32, %c0_i32_0 : i32, i32
  }
  func.func @transform_2(%arg0: i32) -> (i32, i32) {
    %c0_i32 = arith.constant 0 : i32
    %c0_i32_0 = arith.constant 0 : i32
    return %arg0, %c0_i32 : i32, i32
  }
  func.func @transform_3(%arg0: i32) -> (i32, i32) {
    %c0_i32 = arith.constant 0 : i32
    %c0_i32_0 = arith.constant 0 : i32
    %c0_i32_1 = arith.constant 0 : i32
    return %c0_i32, %c0_i32_0 : i32, i32
  }
  func.func @transform_4(%arg0: i32) -> (i32, i32) {
    %c0_i32 = arith.constant 0 : i32
    %c0_i32_0 = arith.constant 0 : i32
    %c0_i32_1 = arith.constant 0 : i32
    return %c0_i32, %c0_i32_0 : i32, i32
  }
  func.func @transform_5(%arg0: i32) -> (i32, i32) {
    %c0_i32 = arith.constant 0 : i32
    %c0_i32_0 = arith.constant 0 : i32
    %c0_i32_1 = arith.constant 0 : i32
    return %c0_i32, %c0_i32_0 : i32, i32
  }
  func.func @transform_6(%arg0: i32) -> (i32, i32) {
    %c0_i32 = arith.constant 0 : i32
    %c0_i32_0 = arith.constant 0 : i32
    %c0_i32_1 = arith.constant 0 : i32
    return %c0_i32, %c0_i32_0 : i32, i32
  }
  func.func @transform_7(%arg0: i32) -> (i32, i32) {
    %c0_i32 = arith.constant 0 : i32
    %c0_i32_0 = arith.constant 0 : i32
    %c0_i32_1 = arith.constant 0 : i32
    return %c0_i32, %c0_i32_0 : i32, i32
  }
  func.func @transform_8(%arg0: i32) -> (i32, i32) {
    %c0_i32 = arith.constant 0 : i32
    %c0_i32_0 = arith.constant 0 : i32
    %c0_i32_1 = arith.constant 0 : i32
    return %c0_i32, %c0_i32_0 : i32, i32
  }
  func.func @transform_9(%arg0: i32) -> (i32, i32) {
    %c0_i32 = arith.constant 0 : i32
    %c0_i32_0 = arith.constant 0 : i32
    %c0_i32_1 = arith.constant 0 : i32
    return %c0_i32, %c0_i32_0 : i32, i32
  }
  func.func @transform_10(%arg0: i32) -> (i32, i32) {
    %c0_i32 = arith.constant 0 : i32
    %c0_i32_0 = arith.constant 0 : i32
    return %arg0, %c0_i32 : i32, i32
  }
  func.func @transform_11(%arg0: i32) -> (i32, i32) {
    %c0_i32 = arith.constant 0 : i32
    %c0_i32_0 = arith.constant 0 : i32
    return %arg0, %c0_i32 : i32, i32
  }
}

</mosaic_0001>

<sc_bundles>
// kernel: kernel.10.cloned.1.call-start
scs
__scs_entry_jumppad:
0x0: {  	(pc) =	sbr.rel $0x88, $3  }
0x1: {  	(tag) =	ssettag $0x0;
	lr =	simm.s32 $0x1  }
0x2: {  	[smem:$0x3F93] =	sst lr;
	_ =	strace $0xD0000000  }
0x3: {  	_ = 	snop  }
0x4: {  	_ = 	snop  }
0x5: {  	_ = 	snop  }
0x6: {  	_ = 	snop  }
0x7: {  	_ = 	snop  }
__scs_overlays_trampoline_lowered:
0x8: {  	[smem:$0x3FA2] =	sst s0  }
0x9: {  	[smem:$0x3FA3] =	sst s1  }
0xa: {  	[smem:$0x3FA4] =	sst s2  }
0xb: {  	[smem:$0x3FA5] =	sst s3  }
0xc: {  	[smem:$0x3FA6] =	sst s4  }
0xd: {  	[smem:$0x3FA7] =	sst s5  }
0xe: {  	[smem:$0x3FA8] =	sst s6  }
0xf: {  	[smem:$0x3FA9] =	sst s7  }
0x10: {  	[smem:$0x3FAA] =	sst s8  }
0x11: {  	[smem:$0x3FAB] =	sst s9;
	s0 =	simm.s32 @!p0 $0x0  }
0x12: {  	s1 =	sld [smem:$0x3F91];
	s0 =	simm.s32 @p0 $0x1  }
0x13: {  	[smem:$0x3FAC] =	sst s0;
	s0 =	simm.s32 @!p1 $0x0  }
0x14: {  	s2 =	sld [smem:$0x3F90];
	s0 =	simm.s32 @p1 $0x1  }
0x15: {  	[smem:$0x3FAD] =	sst s0;
	s0 =	simm.s32 @!p2 $0x0  }
0x16: {  	s3 =	sld [smem:$0x3FDB];
	s0 =	simm.s32 @p2 $0x1  }
0x17: {  	s4 =	simm.s32 $0x1BF5;
	[smem:$0x3FAF] =	sst s0  }
0x18: {  	s0 =	sld [smem:$0x3F92];
	_ =	swait.ge [sflag:s4], $0x0  }
0x19: {  	s7 =	sld [smem:$0x3F93]  }
0x1a: {  	s8 =	sadd.s32 $0xFFFFE003, lr  }
0x1b: {  	s9 =	sadd.s32 $0xFFFFFEF7, lr;
	s5 =	simm.s32 $0xFFFFFFFF;
	p2 =	slt.u32 s8, $0xFFFFF086  }
0x1c: {  	p1 =	slt.u32 s9, $0xF7A;
	s5 =	simm.s32 @!p2 $0x0  }
0x1d: {  	s5 =	simm.s32 @p1 $0x1;
	p0 =	seq.s32 s7, s2  }
0x1e: {  	s7 =	smul.u32 @!p0 $0xF7A, s2;
	p2 =	seq.s32 @!p0 s5, $0x0  }
0x1f: {  	s9 =	smul.u32 $0xF7A, s1;
	s8 =	simm.s32 @!p0 $0x1BF5;
	p2 =	por !p2, p0  }
0x20: {  	[sflag:s8] =	ssyncset.s32 @!p0 $0xFFFFF086;
	s6 =	sadd.s32 @!p0 s3, s7;
	s7 =	simm.s32 @!p0 $0x108  }
0x21: {  	s3 =	sadd.s32 s3, s9;
	s6 =	sadd.s32 @!p0 $0x88, s6;
	s7 =	simm.s32 @p2 $0x1082  }
0x22: {  	[simem:s7], [sflag:s8] =	dma.local @!p0 [hbm:s6], $0xF7A  }
0x23: {  	s9 =	sor.u32 $0xD0000000, s2;
	s6 =	simm.s32 $0x108;
	_ =	swait.ge @!p0 [sflag:s8], $0x0  }
0x24: {  	s3 =	sadd.s32 $0x88, s3;
	s6 =	simm.s32 @!p1 $0x1082;
	[sflag:s4] =	ssyncset.s32 $0xFFFFF086  }
0x25: {  	[simem:s6], [sflag:s4] =	dma.local [hbm:s3], $0xF7A  }
0x26: {  	[smem:$0x3F93] =	sst s1;
	(tag) =	ssettag s2;
	_ =	strace s9  }
0x27: {  	s1 =	sld [smem:$0x3FA3]  }
0x28: {  	s2 =	sld [smem:$0x3FA4]  }
0x29: {  	s4 =	sld [smem:$0x3FA6]  }
0x2a: {  	p0 =	seq.s32 s5, $0x0;
	s5 =	sld [smem:$0x3FA7]  }
0x2b: {  	s6 =	sld [smem:$0x3FA8]  }
0x2c: {  	s7 =	sld [smem:$0x3FA9]  }
0x2d: {  	s3 =	simm.s32 $0x108;
	s8 =	sld [smem:$0x3FAA]  }
0x2e: {  	s3 =	simm.s32 @!p0 $0x1082;
	s9 =	sld [smem:$0x3FAB]  }
0x2f: {  	lr =	sadd.s32 s0, s3;
	s0 =	sld [smem:$0x3FA2]  }
0x30: {  	s3 =	sld [smem:$0x3FA5]  }
0x31: {  	[smem:$0x3FAE] =	sst s10  }
0x32: {  	s10 =	sld [smem:$0x3FAC];
	_ =	sdelay $0x3  }
0x33: {  	p0 =	seq.s32 s10, $0x1;
	s10 =	sld [smem:$0x3FAE];
	_ =	sdelay $0x3  }
0x34: {  	[smem:$0x3FAE] =	sst s10  }
0x35: {  	s10 =	sld [smem:$0x3FAD];
	_ =	sdelay $0x3  }
0x36: {  	p1 =	seq.s32 s10, $0x1;
	s10 =	sld [smem:$0x3FAE];
	_ =	sdelay $0x3  }
0x37: {  	[smem:$0x3FAE] =	sst s10  }
0x38: {  	s10 =	sld [smem:$0x3FAF]  }
0x39: {  	_ = 	snop;
	(pc) =	sbr.ind lr, $3  }
0x3a: {  	_ = 	snop  }
0x3b: {  	_ = 	snop  }
0x3c: {  	p2 =	seq.s32 s10, $0x1;
	s10 =	sld [smem:$0x3FAE]  }
0x3d: {  	_ =	shalt  }
0x3e: {  	_ =	shalt  }
0x3f: {  	_ =	shalt  }
0x40: {  	_ =	shalt  }
0x41: {  	_ =	shalt  }
0x42: {  	_ =	shalt  }
0x43: {  	_ =	shalt  }
0x44: {  	_ =	shalt  }
0x45: {  	_ =	shalt  }
0x46: {  	_ =	shalt  }
0x47: {  	_ =	shalt  }
0x48: {  	_ =	shalt  }
0x49: {  	_ =	shalt  }
0x4a: {  	_ =	shalt  }
0x4b: {  	_ =	shalt  }
0x4c: {  	_ =	shalt  }
0x4d: {  	_ =	shalt  }
0x4e: {  	_ =	shalt  }
0x4f: {  	_ =	shalt  }
0x50: {  	_ =	shalt  }
0x51: {  	_ =	shalt  }
0x52: {  	_ =	shalt  }
0x53: {  	_ =	shalt  }
0x54: {  	_ =	shalt  }
0x55: {  	_ =	shalt  }
0x56: {  	_ =	shalt  }
0x57: {  	_ =	shalt  }
0x58: {  	_ =	shalt  }
0x59: {  	_ =	shalt  }
0x5a: {  	_ =	shalt  }
0x5b: {  	_ =	shalt  }
0x5c: {  	_ =	shalt  }
0x5d: {  	_ =	shalt  }
0x5e: {  	_ =	shalt  }
0x5f: {  	_ =	shalt  }
0x60: {  	_ =	shalt  }
0x61: {  	_ =	shalt  }
0x62: {  	_ =	shalt  }
0x63: {  	_ =	shalt  }
0x64: {  	_ =	shalt  }
0x65: {  	_ =	shalt  }
0x66: {  	_ =	shalt  }
0x67: {  	_ =	shalt  }
0x68: {  	_ =	shalt  }
0x69: {  	_ =	shalt  }
0x6a: {  	_ =	shalt  }
0x6b: {  	_ =	shalt  }
0x6c: {  	_ =	shalt  }
0x6d: {  	_ =	shalt  }
0x6e: {  	_ =	shalt  }
0x6f: {  	_ =	shalt  }
0x70: {  	_ =	shalt  }
0x71: {  	_ =	shalt  }
0x72: {  	_ =	shalt  }
0x73: {  	_ =	shalt  }
0x74: {  	_ =	shalt  }
0x75: {  	_ =	shalt  }
0x76: {  	_ =	shalt  }
0x77: {  	_ =	shalt  }
0x78: {  	_ =	shalt  }
0x79: {  	_ =	shalt  }
0x7a: {  	_ =	shalt  }
0x7b: {  	_ =	shalt  }
0x7c: {  	_ =	shalt  }
0x7d: {  	_ =	shalt  }
0x7e: {  	_ =	shalt  }
0x7f: {  	_ =	shalt  }
0x80: {  	_ =	shalt  }
0x81: {  	_ =	shalt  }
0x82: {  	_ =	shalt  }
0x83: {  	_ =	shalt  }
0x84: {  	_ =	shalt  }
0x85: {  	_ =	shalt  }
0x86: {  	_ =	shalt  }
0x87: {  	_ =	shalt  }
.Lfunc_end0:
.L_simem_size_0:
called_computation_lowered:
.L_overlay_start_0:
0x88: {  	s2 =	sld [smem:$0x3FD9]  }
0x89: {  	s3 =	sld [smem:$0x3FFE];
	_ =	sdelay $0x1  }
0x8a: {  	s1 =	srdreg.scid  }
0x8b: {  	s0 =	sand.u32 $0x1, s1  }
0x8c: {  	s17 =	sshll.u32 s0, $0xA;
	s2 =	sadd.s32 s3, s2  }
0x8d: {  	s2 =	sadd.s32 s2, s17  }
0x8e: {  	[smem:$0x3FBA] =	sst s2  }
0x8f: {  	_ = 	snop  }
0x90: {  	(tm) =	ssettm $0x1  }
0x91: {  	s18 =	sld [smem:$0x3FFB];
	_ =	sdelay $0x3  }
0x92: {  	_ =	strace s18  }
0x93: {  	s2 =	sld [smem:$0x3FFC];
	_ =	sdelay $0x3  }
0x94: {  	_ =	strace s2  }
0x95: {  	s2 =	sld [smem:$0x3FFD];
	_ =	sdelay $0x3  }
0x96: {  	_ =	strace s2  }
0x97: {  	_ =	strace $0x8FFFFFFF  }
0x98: {  	s19 =	sld [smem:$0x3FDB];
	_ =	sdelay $0x1  }
0x99: {  	s20 =	simm.s32 $_scs_section_size  }
0x9a: {  	s4 =	simm.s32 $_size__tile_overlayer_lowered;
	s5 =	simm.s32 $_tile_overlayer_lowered  }
0x9b: {  	s6 =	simm.s32 $0x1BFF;
	s21 =	sshll.u32 s5, $0x1;
	s3 =	sadd.s32 s20, s19  }
0x9c: {  	s22 =	simm.s32 $0x0;
	s4 =	sshll.u32 s4, $0x1;
	s5 =	sadd.s32 s21, s3  }
0x9d: {  	[timem:s22], [sflag:s6] =	dma.local [hbm:s5], s4  }
0x9e: {  	_ =	swait.ge [sflag:s6], s4  }
0x9f: {  	s4 =	ssub.s32 $0x0, s4;
	[sflag:s6] =	ssyncset.done $0x0  }
0xa0: {  	[sflag:s6] =	ssyncadd.s32 s4;
	_ =	sdelay $0x1  }
0xa1: {  	s23 =	simm.s32 $0x1B8B  }
0xa2: {  	_ =	swait.ge [sflag:s23], $0x1  }
0xa3: {  	[sflag:s23] =	ssyncset.done $0x0  }
0xa4: {  	[sflag:s23] =	ssyncadd.s32 $0xFFFFFFFF  }
0xa5: {  	s4 =	sld [smem:$0x0]  }
0xa6: {  	s5 =	sand.u32 $0xFFFFFFFE, s1  }
0xa7: {  	p0 =	sne.s32 s1, s5  }
0xa8: {  	s5 =	sshll.u32 @p0 s5, $0xE  }
0xa9: {  	s5 =	sadd.s32 @p0 $0x11B8D, s5;
	s6 =	sshll.u32 @p0 s4, $0x11  }
0xaa: {  	s5 =	sor.u32 @p0 s6, s5  }
0xab: {  	[sflag:s5] =	ssyncadd.remote.s32 @p0 $0x1;
	_ =	sdelay $0x1  }
0xac: {  	s5 =	simm.s32 @p0 $0x1B8D  }
0xad: {  	_ =	swait.eq @p0 [sflag:s5], $0x1  }
0xae: {  	[sflag:s5] =	ssyncadd.s32 @p0 $0xFFFFFFFF  }
0xaf: {  	s6 =	sshll.u32 @!p0 s1, $0xE  }
0xb0: {  	s6 =	sor.u32 @!p0 $0x4000, s6;
	s5 =	simm.s32 @!p0 $0x1B8D  }
0xb1: {  	s4 =	sshll.u32 @!p0 s4, $0x11;
	s6 =	sadd.s32 @!p0 $0x11B8D, s6;
	_ =	swait.eq @!p0 [sflag:s5], $0x1  }
0xb2: {  	s4 =	sor.u32 @!p0 s4, s6;
	[sflag:s5] =	ssyncadd.s32 @!p0 $0xFFFFFFFF  }
0xb3: {  	s25 =	simm.s32 $0x1B8E;
	s24 =	sld [smem:$0x3FFE];
	[sflag:s4] =	ssyncadd.remote.s32 @!p0 $0x1  }
0xb4: {  	s26 =	simm.s32 $execute0_lowered;
	[smem:$0x3FD2] =	sst s25  }
0xb5: {  	s5 =	sshll.u32 s26, $0x1;
	_ =	strace $0x80000049;
	[dreg:$0x1] =	wrdreg $0xFFFFFFFF  }
0xb6: {  	s28 =	simm.s32 $_size_execute0_lowered;
	s3 =	sadd.s32 s3, s5;
	[dreg:$0x0] =	wrdreg $0x0  }
0xb7: {  	s5 =	sshll.u32 s28, $0x1;
	[dreg:$0x2] =	wrdreg s3  }
0xb8: {  	[dreg:$0x3] =	wrdreg s5  }
0xb9: {  	[dreg:$0x4] =	wrdreg $0xC0  }
0xba: {  	_ =	task [dreg:s22], $0x5FFFF  }
0xbb: {  	[dreg:$0x1] =	wrdreg $0xFFFFFFFF  }
0xbc: {  	[dreg:$0x0] =	wrdreg $0x60  }
0xbd: {  	[dreg:$0x2] =	wrdreg s24  }
0xbe: {  	[dreg:$0x3] =	wrdreg $0x0  }
0xbf: {  	[dreg:$0x4] =	wrdreg $0x9  }
0xc0: {  	_ =	task.clear_ibuf [dreg:s22], $0x5FFFF;
	_ =	strace $0x90000049  }
0xc1: {  	s29 =	simm.s32 $0x9;
	_ =	strace $0x8000004B  }
0xc2: {  	_ =	swait.ge [sflag:s29], $0x1  }
0xc3: {  	[sflag:s29] =	ssyncadd.s32 $0xFFFFFFFF  }
0xc4: {  	_ =	strace $0x9000004B  }
0xc5: {  	_ =	sfence  }
0xc6: {  	s30 =	sld [smem:$0x0];
	_ =	sdelay $0x2  }
0xc7: {  	s31 =	sshll.u32 s1, $0xD;
	s1 =	sshrl.u32 s1, $0x2  }
0xc8: {  	s4 =	sand.u32 $0x4000, s31;
	s1 =	sadd.s32 s1, s30  }
0xc9: {  	s0 =	sor.u32 s4, s0;
	s1 =	sshll.u32 s1, $0x11  }
0xca: {  	s0 =	sor.u32 s1, s0  }
0xcb: {  	s0 =	sadd.s32 $0x8F2B, s0  }
0xcc: {  	[sflag:s0] =	ssyncadd.remote.s32 $0x1  }
0xcd: {  	_ =	sfence.sel $0xFFFF  }
0xce: {  	[dreg:$0x0] =	wrdreg $0xFFFFFFFF;
	(pc) =	sbr.abs _section_cstart, $3  }
0xcf: {  	[dreg:$0x1] =	wrdreg $0xFFFFFFFF  }
0xd0: {  	_ =	task.clear_ibuf [dreg:s22], $0x2FFFF;
	_ =	strace $0x9FFFFFFF  }
0xd1: {  	(tm) =	ssettm $0x7FFFFFFF  }
tec
execute0_lowered:
.L_overlay_start_1:
0x0: {  	(tag) =	ssettag $0x1  }
0x1: {  	s0 =	rddreg [dreg:$0x0]  }
0x2: {  	s2 =	rddreg [dreg:$0x1];
	s3 =	simm.s32 $0x0  }
0x3: {  	s1 =	srdreg.scid;
	s12 =	stileid.u32;
	s28 =	simm.s32 $0x2900  }
0x4: {  	s29 =	simm.s32 $0x2980;
	s30 =	simm.s32 $0x2A00;
	s31 =	simm.s32 $0x2A80  }
0x5: {  	[smem:$0x7FF] =	sst s3;
	s1 =	sand.u32 $0x1, s1;
	s8 =	smul.u32 $0x500, s12  }
0x6: {  	s4 =	sadd.s32 $0xED000, s0;
	s5 =	sadd.s32 $0xF2000, s0;
	s6 =	sadd.s32 $0xF7000, s0  }
0x7: {  	s7 =	sadd.s32 $0x88C00, s0;
	s14 =	smul.u32 $0xA000, s12;
	s16 =	sshll.u32 s12, $0x6  }
0x8: {  	_ =	strace $0x8000004A;
	s9 =	smul.u32 $0x5000, s1;
	s10 =	sshll.u32 s1, $0x4  }
0x9: {  	s15 =	ssub.s32 $0x2, s1;
	s1 =	smul.u32 $0x13880, s1;
	s10 =	sor.u32 s12, s10  }
0xa: {  	s11 =	sshrl.u32 s15, $0x1;
	s12 =	smul.u32 $0x1388, s12;
	s8 =	sadd.s32 s8, s9  }
0xb: {  	s9 =	sshrl.u32 s14, $0x2;
	s10 =	smul.u32 $0x1388, s10;
	s0 =	sadd.s32 s8, s0  }
0xc: {  	s8 =	ssub.s32 s15, s11;
	s9 =	sadd.s32 s9, s2;
	s1 =	sadd.s32 s12, s1  }
0xd: {  	s12 =	simm.s32 $0x3330;
	[dreg:$0x4] =	wrdreg s9;
	s10 =	sshrl.u32 s10, $0x3  }
0xe: {  	s9 =	sor.u32 $0x1C04, s16;
	s23 =	sadd.s32 $0x180, s1;
	s17 =	sadd.s32 s4, s10  }
0xf: {  	s15 =	sadd.s32 $0x100, s1;
	s13 =	sadd.s32 s5, s10;
	[dreg:$0x5] =	wrdreg s17  }
0x10: {  	s18 =	sadd.s32 $0x10, s10;
	s19 =	sadd.s32 s6, s10;
	[dreg:$0x6] =	wrdreg s13  }
0x11: {  	s1 =	simm.s32 $0x80;
	[dreg:$0x7] =	wrdreg s19;
	s20 =	sadd.s32 s4, s18  }
0x12: {  	s10 =	sadd.s32 $0x270, s10;
	s21 =	sadd.s32 s5, s18;
	[dreg:$0x8] =	wrdreg s20  }
0x13: {  	v0 =	vlaneseq.u32;
	s25 =	sshrl.u32 s23, $0x3;
	s11 =	sadd.s32 s6, s18;
	[dreg:$0x9] =	wrdreg s21  }
0x14: {  	v0 =	vmul.u32 $0x10, v0;
	s22 =	sadd.s32 s4, s10;
	s24 =	sadd.s32 s5, s10;
	[dreg:$0xa] =	wrdreg s11  }
0x15: {  	v1 =	vimm.f32 $1.000000000e+00;
	vm0 =	vmmov $0xffff;
	vm1 =	vmmov $0xff;
	s10 =	sadd.s32 s6, s10;
	s19 =	sadd.s32 $0xFC000, s0;
	[dreg:$0xb] =	wrdreg s22  }
0x16: {  	v2 =	vor.u32 $0x4, v0;
	v3 =	vor.u32 $0x100, v0;
	v4 =	vor.u32 $0x104, v0;
	s26 =	sadd.s32 s25, s6;
	s0 =	simm.s32 $0x2B00;
	[dreg:$0xc] =	wrdreg s24  }
0x17: {  	v5 =	vor.u32 $0x200, v0;
	v6 =	vor.u32 $0x204, v0;
	v7 =	vor.u32 $0x300, v0;
	s13 =	simm.s32 $0x0;
	[dreg:$0xd] =	wrdreg s10;
	s20 =	smax.u32 s8, $0x1  }
0x18: {  	v8 =	vor.u32 $0x304, v0;
	v9 =	vor.u32 $0x400, v0;
	v10 =	vor.u32 $0x404, v0;
	[dreg:$0x3] =	wrdreg s26;
	s21 =	sadd.s32 s25, s5;
	s22 =	sadd.s32 s25, s4  }
0x19: {  	v11 =	vor.u32 $0x500, v0;
	v12 =	vor.u32 $0x504, v0;
	v13 =	vor.u32 $0x600, v0;
	s24 =	simm.s32 $0x4;
	s25 =	simm.s32 $0x2800;
	s26 =	simm.s32 $0x2880  }
0x1a: {  	v14 =	vor.u32 $0x604, v0;
	v15 =	vor.u32 $0x700, v0;
	v16 =	vor.u32 $0x704, v0;
	s8 =	simm.s32 $0x1;
	s10 =	simm.s32 $0x2;
	s11 =	simm.s32 $0x3  }
.LBB2_1:
0x1b: {  	s14 =	rddreg [dreg:$0x4]  }
0x1c: {  	s14 =	sshrl.u32 s14, $0x3  }
0x1d: {  	[spmem:s14], [sflag:s9] =	dma.local [hbm:s7], $0x500  }
0x1e: {  	_ =	swait.ge [sflag:s24], $0x500  }
0x1f: {  	[sflag:s24] =	ssyncset.done $0x0  }
0x20: {  	[sflag:s24] =	ssyncadd.s32 $0xFFFFFB00  }
0x21: {  	[bflag:$0x0] =	sbarrier.arrive $0xFFFF  }
0x22: {  	s16 =	rddreg [dreg:$0x5]  }
0x23: {  	[tilespmem:s25], [sflag:$0x4] =	stream.linear.gather [hbm4b:s16+s3], $0x80, $0x38;
	[tilespmem:$0x3430] =	vst v63  }
0x24: {  	_ =	swait.ge [sflag:s24], $0x80  }
0x25: {  	[sflag:s24] =	ssyncset.done $0x0  }
0x26: {  	s18 =	rddreg [dreg:$0x6];
	[sflag:s24] =	ssyncadd.s32 $0xFFFFFF80  }
0x27: {  	[tilespmem:s26], [sflag:$0x4] =	stream.linear.gather [hbm4b:s18+s3], $0x80, $0x38;
	[tilespmem:$0x3430] =	vst v63  }
0x28: {  	_ =	swait.ge [sflag:s24], $0x80  }
0x29: {  	[sflag:s24] =	ssyncset.done $0x0  }
0x2a: {  	s23 =	rddreg [dreg:$0x7];
	[sflag:s24] =	ssyncadd.s32 $0xFFFFFF80  }
0x2b: {  	[tilespmem:s28], [sflag:$0x4] =	stream.linear.gather [hbm4b:s23+s3], $0x80, $0x38;
	[tilespmem:$0x3430] =	vst v63  }
0x2c: {  	_ =	swait.ge [sflag:s24], $0x80  }
0x2d: {  	[sflag:s24] =	ssyncset.done $0x0  }
0x2e: {  	s17 =	rddreg [dreg:$0x8];
	[sflag:s24] =	ssyncadd.s32 $0xFFFFFF80  }
0x2f: {  	[tilespmem:s29], [sflag:$0x1] =	stream.linear.gather [hbm4b:s17+s3], $0x80, $0x38;
	[tilespmem:$0x3430] =	vst v63  }
0x30: {  	s18 =	rddreg [dreg:$0x9]  }
0x31: {  	[tilespmem:s30], [sflag:$0x2] =	stream.linear.gather [hbm4b:s18+s3], $0x80, $0x38;
	[tilespmem:$0x3430] =	vst v63  }
0x32: {  	s23 =	rddreg [dreg:$0xa]  }
0x33: {  	[tilespmem:s31], [sflag:$0x3] =	stream.linear.gather [hbm4b:s23+s3], $0x80, $0x38;
	[tilespmem:$0x3430] =	vst v63  }
0x34: {  	s16 =	simm.s32 $0x0;
	s23 =	smov.u32 s15  }
.LBB2_2:
0x35: {  	[tilespmem:s0], [sflag:$0x4] =	stream.linear.gather [hbm4b:s7+s3], $0x800, $0x38;
	[tilespmem:$0x3430] =	vst v63  }
0x36: {  	_ =	swait.ge [sflag:s24], $0x800  }
0x37: {  	[sflag:s24] =	ssyncset.done $0x0  }
0x38: {  	[sflag:s24] =	ssyncadd.s32 $0xFFFFF800  }
0x39: {  	v17 =	vld [tilespmem:$0x2880];
	_ =	sdelay $0x4  }
0x3a: {  	v18 =	vadd.s32 v0, v17  }
0x3b: {  	v19 =	vld [tilespmem:$0x2900];
	v17 =	vadd.s32 v2, v17;
	_ =	sdelay $0x3  }
0x3c: {  	[tilespmem:v18+s0+$0x0] =	vst.idx.msk $0xffff, v1  }
0x3d: {  	[tilespmem:v17+s0+$0x0] =	vst.idx.msk $0xffff, v19  }
0x3e: {  	v17 =	vld [tilespmem:$0x2890];
	_ =	sdelay $0x4  }
0x3f: {  	v18 =	vadd.s32 v3, v17  }
0x40: {  	v19 =	vld [tilespmem:$0x2910];
	v17 =	vadd.s32 v4, v17;
	_ =	sdelay $0x3  }
0x41: {  	[tilespmem:v18+s0+$0x0] =	vst.idx.msk $0xffff, v1  }
0x42: {  	[tilespmem:v17+s0+$0x0] =	vst.idx.msk $0xffff, v19  }
0x43: {  	v17 =	vld [tilespmem:$0x28A0];
	_ =	sdelay $0x4  }
0x44: {  	v18 =	vadd.s32 v5, v17  }
0x45: {  	v19 =	vld [tilespmem:$0x2920];
	v17 =	vadd.s32 v6, v17;
	_ =	sdelay $0x3  }
0x46: {  	[tilespmem:v18+s0+$0x0] =	vst.idx.msk $0xffff, v1  }
0x47: {  	[tilespmem:v17+s0+$0x0] =	vst.idx.msk $0xffff, v19  }
0x48: {  	v17 =	vld [tilespmem:$0x28B0];
	_ =	sdelay $0x4  }
0x49: {  	v18 =	vadd.s32 v7, v17  }
0x4a: {  	v19 =	vld [tilespmem:$0x2930];
	v17 =	vadd.s32 v8, v17;
	_ =	sdelay $0x3  }
0x4b: {  	[tilespmem:v18+s0+$0x0] =	vst.idx.msk $0xffff, v1  }
0x4c: {  	[tilespmem:v17+s0+$0x0] =	vst.idx.msk $0xffff, v19  }
0x4d: {  	v17 =	vld [tilespmem:$0x28C0];
	_ =	sdelay $0x4  }
0x4e: {  	v18 =	vadd.s32 v9, v17  }
0x4f: {  	v19 =	vld [tilespmem:$0x2940];
	v17 =	vadd.s32 v10, v17;
	_ =	sdelay $0x3  }
0x50: {  	[tilespmem:v18+s0+$0x0] =	vst.idx.msk $0xffff, v1  }
0x51: {  	[tilespmem:v17+s0+$0x0] =	vst.idx.msk $0xffff, v19  }
0x52: {  	v17 =	vld [tilespmem:$0x28D0];
	_ =	sdelay $0x4  }
0x53: {  	v18 =	vadd.s32 v11, v17  }
0x54: {  	v19 =	vld [tilespmem:$0x2950];
	v17 =	vadd.s32 v12, v17;
	_ =	sdelay $0x3  }
0x55: {  	[tilespmem:v18+s0+$0x0] =	vst.idx.msk $0xffff, v1  }
0x56: {  	[tilespmem:v17+s0+$0x0] =	vst.idx.msk $0xffff, v19  }
0x57: {  	v17 =	vld [tilespmem:$0x28E0];
	_ =	sdelay $0x4  }
0x58: {  	v18 =	vadd.s32 v13, v17  }
0x59: {  	v19 =	vld [tilespmem:$0x2960];
	v17 =	vadd.s32 v14, v17;
	_ =	sdelay $0x3  }
0x5a: {  	[tilespmem:v18+s0+$0x0] =	vst.idx.msk $0xffff, v1  }
0x5b: {  	[tilespmem:v17+s0+$0x0] =	vst.idx.msk $0xffff, v19  }
0x5c: {  	v17 =	vld [tilespmem:$0x28F0];
	_ =	sdelay $0x4  }
0x5d: {  	v18 =	vadd.s32 v15, v17  }
0x5e: {  	v19 =	vld [tilespmem:$0x2970];
	v17 =	vadd.s32 v16, v17;
	_ =	sdelay $0x3  }
0x5f: {  	[tilespmem:v18+s0+$0x0] =	vst.idx.msk $0xffff, v1  }
0x60: {  	[tilespmem:v17+s0+$0x0] =	vst.idx.msk $0xffff, v19  }
0x61: {  	[spmem:s2] =	stream.indirect.scatter.add.f32 [tilespmem:s0], [sflag:$0x4], $0x10, s25, s1, $0xb8;
	[tilespmem:$0x3430] =	vst v63  }
0x62: {  	_ =	swait.ge [sflag:s24], $0x800  }
0x63: {  	[sflag:s24] =	ssyncset.done $0x0  }
0x64: {  	[sflag:s24] =	ssyncadd.s32 $0xFFFFF800  }
0x65: {  	_ =	swait.ge [sflag:s8], $0x80  }
0x66: {  	[sflag:s8] =	ssyncset.done $0x0  }
0x67: {  	[sflag:s8] =	ssyncadd.s32 $0xFFFFFF80  }
0x68: {  	_ =	swait.ge [sflag:s10], $0x80  }
0x69: {  	[sflag:s10] =	ssyncset.done $0x0  }
0x6a: {  	[sflag:s10] =	ssyncadd.s32 $0xFFFFFF80  }
0x6b: {  	_ =	swait.ge [sflag:s11], $0x80  }
0x6c: {  	s17 =	sshrl.u32 s23, $0x3;
	[sflag:s11] =	ssyncset.done $0x0  }
0x6d: {  	s18 =	sadd.s32 s4, s17;
	[sflag:s11] =	ssyncadd.s32 $0xFFFFFF80  }
0x6e: {  	[tilespmem:s25], [sflag:$0x1] =	stream.linear.gather [hbm4b:s18+s3], $0x80, $0x38;
	[tilespmem:$0x3430] =	vst v63  }
0x6f: {  	s18 =	sadd.s32 s5, s17  }
0x70: {  	[tilespmem:s26], [sflag:$0x2] =	stream.linear.gather [hbm4b:s18+s3], $0x80, $0x38;
	[tilespmem:$0x3430] =	vst v63  }
0x71: {  	s17 =	sadd.s32 s6, s17  }
0x72: {  	[tilespmem:s28], [sflag:$0x3] =	stream.linear.gather [hbm4b:s17+s3], $0x80, $0x38;
	[tilespmem:$0x3430] =	vst v63  }
0x73: {  	_ = 	snop  }
0x74: {  	[tilespmem:s0], [sflag:$0x4] =	stream.linear.gather [hbm4b:s7+s3], $0x800, $0x38;
	[tilespmem:$0x3430] =	vst v63  }
0x75: {  	_ =	swait.ge [sflag:s24], $0x800  }
0x76: {  	[sflag:s24] =	ssyncset.done $0x0  }
0x77: {  	[sflag:s24] =	ssyncadd.s32 $0xFFFFF800  }
0x78: {  	v17 =	vld [tilespmem:$0x2A00];
	_ =	sdelay $0x4  }
0x79: {  	v18 =	vadd.s32 v0, v17  }
0x7a: {  	v19 =	vld [tilespmem:$0x2A80];
	v17 =	vadd.s32 v2, v17;
	_ =	sdelay $0x3  }
0x7b: {  	[tilespmem:v18+s0+$0x0] =	vst.idx.msk $0xffff, v1  }
0x7c: {  	[tilespmem:v17+s0+$0x0] =	vst.idx.msk $0xffff, v19  }
0x7d: {  	v17 =	vld [tilespmem:$0x2A10];
	_ =	sdelay $0x4  }
0x7e: {  	v18 =	vadd.s32 v3, v17  }
0x7f: {  	v19 =	vld [tilespmem:$0x2A90];
	v17 =	vadd.s32 v4, v17;
	_ =	sdelay $0x3  }
0x80: {  	[tilespmem:v18+s0+$0x0] =	vst.idx.msk $0xffff, v1  }
0x81: {  	[tilespmem:v17+s0+$0x0] =	vst.idx.msk $0xffff, v19  }
0x82: {  	v17 =	vld [tilespmem:$0x2A20];
	_ =	sdelay $0x4  }
0x83: {  	v18 =	vadd.s32 v5, v17  }
0x84: {  	v19 =	vld [tilespmem:$0x2AA0];
	v17 =	vadd.s32 v6, v17;
	_ =	sdelay $0x3  }
0x85: {  	[tilespmem:v18+s0+$0x0] =	vst.idx.msk $0xffff, v1  }
0x86: {  	[tilespmem:v17+s0+$0x0] =	vst.idx.msk $0xffff, v19  }
0x87: {  	v17 =	vld [tilespmem:$0x2A30];
	_ =	sdelay $0x4  }
0x88: {  	v18 =	vadd.s32 v7, v17  }
0x89: {  	v19 =	vld [tilespmem:$0x2AB0];
	v17 =	vadd.s32 v8, v17;
	_ =	sdelay $0x3  }
0x8a: {  	[tilespmem:v18+s0+$0x0] =	vst.idx.msk $0xffff, v1  }
0x8b: {  	[tilespmem:v17+s0+$0x0] =	vst.idx.msk $0xffff, v19  }
0x8c: {  	v17 =	vld [tilespmem:$0x2A40];
	_ =	sdelay $0x4  }
0x8d: {  	v18 =	vadd.s32 v9, v17  }
0x8e: {  	v19 =	vld [tilespmem:$0x2AC0];
	v17 =	vadd.s32 v10, v17;
	_ =	sdelay $0x3  }
0x8f: {  	[tilespmem:v18+s0+$0x0] =	vst.idx.msk $0xffff, v1  }
0x90: {  	[tilespmem:v17+s0+$0x0] =	vst.idx.msk $0xffff, v19  }
0x91: {  	v17 =	vld [tilespmem:$0x2A50];
	_ =	sdelay $0x4  }
0x92: {  	v18 =	vadd.s32 v11, v17  }
0x93: {  	v19 =	vld [tilespmem:$0x2AD0];
	v17 =	vadd.s32 v12, v17;
	_ =	sdelay $0x3  }
0x94: {  	[tilespmem:v18+s0+$0x0] =	vst.idx.msk $0xffff, v1  }
0x95: {  	[tilespmem:v17+s0+$0x0] =	vst.idx.msk $0xffff, v19  }
0x96: {  	v17 =	vld [tilespmem:$0x2A60];
	_ =	sdelay $0x4  }
0x97: {  	v18 =	vadd.s32 v13, v17  }
0x98: {  	v19 =	vld [tilespmem:$0x2AE0];
	v17 =	vadd.s32 v14, v17;
	_ =	sdelay $0x3  }
0x99: {  	[tilespmem:v18+s0+$0x0] =	vst.idx.msk $0xffff, v1  }
0x9a: {  	[tilespmem:v17+s0+$0x0] =	vst.idx.msk $0xffff, v19  }
0x9b: {  	v17 =	vld [tilespmem:$0x2A70];
	_ =	sdelay $0x4  }
0x9c: {  	v18 =	vadd.s32 v15, v17  }
0x9d: {  	v19 =	vld [tilespmem:$0x2AF0];
	v17 =	vadd.s32 v16, v17;
	_ =	sdelay $0x3  }
0x9e: {  	[tilespmem:v18+s0+$0x0] =	vst.idx.msk $0xffff, v1  }
0x9f: {  	[tilespmem:v17+s0+$0x0] =	vst.idx.msk $0xffff, v19  }
0xa0: {  	[spmem:s2] =	stream.indirect.scatter.add.f32 [tilespmem:s0], [sflag:$0x4], $0x10, s29, s1, $0xb8;
	[tilespmem:$0x3430] =	vst v63  }
0xa1: {  	_ =	swait.ge [sflag:s24], $0x800  }
0xa2: {  	[sflag:s24] =	ssyncset.done $0x0  }
0xa3: {  	[sflag:s24] =	ssyncadd.s32 $0xFFFFF800  }
0xa4: {  	_ =	swait.ge [sflag:s8], $0x80  }
0xa5: {  	[sflag:s8] =	ssyncset.done $0x0  }
0xa6: {  	[sflag:s8] =	ssyncadd.s32 $0xFFFFFF80  }
0xa7: {  	_ =	swait.ge [sflag:s10], $0x80  }
0xa8: {  	[sflag:s10] =	ssyncset.done $0x0  }
0xa9: {  	[sflag:s10] =	ssyncadd.s32 $0xFFFFFF80  }
0xaa: {  	_ =	swait.ge [sflag:s11], $0x80  }
0xab: {  	[sflag:s11] =	ssyncset.done $0x0  }
0xac: {  	p0 =	sne.s32 s16, $0x240;
	s18 =	sadd.s32 s16, s22;
	[sflag:s11] =	ssyncadd.s32 $0xFFFFFF80  }
0xad: {  	[tilespmem:s29], [sflag:$0x1] =	stream.linear.gather [hbm4b:s18+s3], $0x80, $0x38;
	[tilespmem:$0x3430] =	vst v63  }
.Ltmp0:
0xae: {  	_ = 	snop;
	(pc) =	sbr.rel @p0 .LBB2_2-.Ltmp0, $4  }
0xaf: {  	s17 =	rddreg [dreg:$0x3];
	s18 =	sadd.s32 s16, s21  }
0xb0: {  	[tilespmem:s30], [sflag:$0x2] =	stream.linear.gather [hbm4b:s18+s3], $0x80, $0x38;
	[tilespmem:$0x3430] =	vst v63  }
0xb1: {  	s23 =	sadd.s32 $0x100, s23;
	s17 =	sadd.s32 s16, s17;
	s16 =	sadd.s32 $0x20, s16  }
0xb2: {  	[tilespmem:s31], [sflag:$0x3] =	stream.linear.gather [hbm4b:s17+s3], $0x80, $0x38;
	[tilespmem:$0x3430] =	vst v63  }
0xb3: {  	[tilespmem:s0], [sflag:$0x4] =	stream.linear.gather [hbm4b:s7+s3], $0x800, $0x38;
	[tilespmem:$0x3430] =	vst v63  }
0xb4: {  	_ =	swait.ge [sflag:s24], $0x800  }
0xb5: {  	[sflag:s24] =	ssyncset.done $0x0  }
0xb6: {  	[sflag:s24] =	ssyncadd.s32 $0xFFFFF800  }
0xb7: {  	v17 =	vld [tilespmem:$0x2880];
	_ =	sdelay $0x4  }
0xb8: {  	v18 =	vadd.s32 v0, v17  }
0xb9: {  	v19 =	vld [tilespmem:$0x2900];
	v17 =	vadd.s32 v2, v17;
	_ =	sdelay $0x3  }
0xba: {  	[tilespmem:v18+s0+$0x0] =	vst.idx.msk $0xffff, v1  }
0xbb: {  	[tilespmem:v17+s0+$0x0] =	vst.idx.msk $0xffff, v19  }
0xbc: {  	v17 =	vld [tilespmem:$0x2890];
	_ =	sdelay $0x4  }
0xbd: {  	v18 =	vadd.s32 v3, v17  }
0xbe: {  	v19 =	vld [tilespmem:$0x2910];
	v17 =	vadd.s32 v4, v17;
	_ =	sdelay $0x3  }
0xbf: {  	[tilespmem:v18+s0+$0x0] =	vst.idx.msk $0xffff, v1  }
0xc0: {  	[tilespmem:v17+s0+$0x0] =	vst.idx.msk $0xffff, v19  }
0xc1: {  	v17 =	vld [tilespmem:$0x28A0];
	_ =	sdelay $0x4  }
0xc2: {  	v18 =	vadd.s32 v5, v17  }
0xc3: {  	v19 =	vld [tilespmem:$0x2920];
	v17 =	vadd.s32 v6, v17;
	_ =	sdelay $0x3  }
0xc4: {  	[tilespmem:v18+s0+$0x0] =	vst.idx.msk $0xffff, v1  }
0xc5: {  	[tilespmem:v17+s0+$0x0] =	vst.idx.msk $0xffff, v19  }
0xc6: {  	v17 =	vld [tilespmem:$0x28B0];
	_ =	sdelay $0x4  }
0xc7: {  	v18 =	vadd.s32 v7, v17  }
0xc8: {  	v19 =	vld [tilespmem:$0x2930];
	v17 =	vadd.s32 v8, v17;
	_ =	sdelay $0x3  }
0xc9: {  	[tilespmem:v18+s0+$0x0] =	vst.idx.msk $0xffff, v1  }
0xca: {  	[tilespmem:v17+s0+$0x0] =	vst.idx.msk $0xffff, v19  }
0xcb: {  	v17 =	vld [tilespmem:$0x28C0];
	_ =	sdelay $0x4  }
0xcc: {  	v18 =	vadd.s32 v9, v17  }
0xcd: {  	v19 =	vld [tilespmem:$0x2940];
	v17 =	vadd.s32 v10, v17;
	_ =	sdelay $0x3  }
0xce: {  	[tilespmem:v18+s0+$0x0] =	vst.idx.msk $0xffff, v1  }
0xcf: {  	[tilespmem:v17+s0+$0x0] =	vst.idx.msk $0xffff, v19  }
0xd0: {  	v17 =	vld [tilespmem:$0x28D0];
	_ =	sdelay $0x4  }
0xd1: {  	v18 =	vadd.s32 v11, v17  }
0xd2: {  	v19 =	vld [tilespmem:$0x2950];
	v17 =	vadd.s32 v12, v17;
	_ =	sdelay $0x3  }
0xd3: {  	[tilespmem:v18+s0+$0x0] =	vst.idx.msk $0xffff, v1  }
0xd4: {  	[tilespmem:v17+s0+$0x0] =	vst.idx.msk $0xffff, v19  }
0xd5: {  	v17 =	vld [tilespmem:$0x28E0];
	_ =	sdelay $0x4  }
0xd6: {  	v18 =	vadd.s32 v13, v17  }
0xd7: {  	v19 =	vld [tilespmem:$0x2960];
	v17 =	vadd.s32 v14, v17;
	_ =	sdelay $0x3  }
0xd8: {  	[tilespmem:v18+s0+$0x0] =	vst.idx.msk $0xffff, v1  }
0xd9: {  	[tilespmem:v17+s0+$0x0] =	vst.idx.msk $0xffff, v19  }
0xda: {  	v17 =	vld [tilespmem:$0x28F0];
	_ =	sdelay $0x4  }
0xdb: {  	v18 =	vadd.s32 v15, v17  }
0xdc: {  	v19 =	vld [tilespmem:$0x2970];
	v17 =	vadd.s32 v16, v17;
	_ =	sdelay $0x3  }
0xdd: {  	[tilespmem:v18+s0+$0x0] =	vst.idx.msk $0xffff, v1  }
0xde: {  	[tilespmem:v17+s0+$0x0] =	vst.idx.msk $0xffff, v19  }
0xdf: {  	[spmem:s2] =	stream.indirect.scatter.add.f32 [tilespmem:s0], [sflag:$0x4], $0x10, s25, s1, $0xb8;
	[tilespmem:$0x3430] =	vst v63  }
0xe0: {  	_ =	swait.ge [sflag:s24], $0x800  }
0xe1: {  	[sflag:s24] =	ssyncset.done $0x0  }
0xe2: {  	[sflag:s24] =	ssyncadd.s32 $0xFFFFF800  }
0xe3: {  	_ =	swait.ge [sflag:s8], $0x80  }
0xe4: {  	[sflag:s8] =	ssyncset.done $0x0  }
0xe5: {  	[sflag:s8] =	ssyncadd.s32 $0xFFFFFF80  }
0xe6: {  	_ =	swait.ge [sflag:s10], $0x80  }
0xe7: {  	[sflag:s10] =	ssyncset.done $0x0  }
0xe8: {  	[sflag:s10] =	ssyncadd.s32 $0xFFFFFF80  }
0xe9: {  	_ =	swait.ge [sflag:s11], $0x80  }
0xea: {  	[sflag:s11] =	ssyncset.done $0x0  }
0xeb: {  	s17 =	simm.s32 $0x3300;
	s16 =	rddreg [dreg:$0xb];
	[sflag:s11] =	ssyncadd.s32 $0xFFFFFF80  }
0xec: {  	[tilespmem:s17], [sflag:$0x4] =	stream.linear.gather [hbm4b:s16+s3], $0x10, $0x38;
	[tilespmem:$0x3430] =	vst v63  }
0xed: {  	_ =	swait.ge [sflag:s24], $0x10  }
0xee: {  	[sflag:s24] =	ssyncset.done $0x0  }
0xef: {  	s23 =	simm.s32 $0x3310;
	s18 =	rddreg [dreg:$0xc];
	[sflag:s24] =	ssyncadd.s32 $0xFFFFFFF0  }
0xf0: {  	[tilespmem:s23], [sflag:$0x4] =	stream.linear.gather [hbm4b:s18+s3], $0x10, $0x38;
	[tilespmem:$0x3430] =	vst v63  }
0xf1: {  	_ =	swait.ge [sflag:s24], $0x10  }
0xf2: {  	[sflag:s24] =	ssyncset.done $0x0  }
0xf3: {  	s23 =	simm.s32 $0x3320;
	s18 =	rddreg [dreg:$0xd];
	[sflag:s24] =	ssyncadd.s32 $0xFFFFFFF0  }
0xf4: {  	[tilespmem:s23], [sflag:$0x4] =	stream.linear.gather [hbm4b:s18+s3], $0x10, $0x38;
	[tilespmem:$0x3430] =	vst v63  }
0xf5: {  	_ =	swait.ge [sflag:s24], $0x10  }
0xf6: {  	[sflag:s24] =	ssyncset.done $0x0  }
0xf7: {  	[sflag:s24] =	ssyncadd.s32 $0xFFFFFFF0  }
0xf8: {  	[tilespmem:s12], [sflag:$0x4] =	stream.linear.gather [hbm4b:s7+s3], $0x100, $0x38;
	[tilespmem:$0x3430] =	vst v63  }
0xf9: {  	_ =	swait.ge [sflag:s24], $0x100  }
0xfa: {  	[sflag:s24] =	ssyncset.done $0x0  }
0xfb: {  	[sflag:s24] =	ssyncadd.s32 $0xFFFFFF00  }
0xfc: {  	v17 =	vld [tilespmem:$0x3310];
	_ =	sdelay $0x1  }
0xfd: {  	v18 =	vld [tilespmem:$0x3300];
	_ =	sdelay $0x2  }
0xfe: {  	v19 =	vadd.s32 v0, v17  }
0xff: {  	v20 =	vld [tilespmem:$0x3320];
	v17 =	vadd.s32 v2, v17  }
0x100: {  	v18 =	vnsel vm1, $0x2710, v18;
	_ =	sdelay $0x2  }
0x101: {  	[tilespmem:v19+s12+$0x0] =	vst.idx.msk $0xffff, v1  }
0x102: {  	[tilespmem:v17+s12+$0x0] =	vst.idx.msk $0xffff, v20  }
0x103: {  	[spmem:s2] =	stream.indirect_vreg.scatter.add.f32 [tilespmem:s12], [sflag:$0x4], $0x10, v18, vm0, $0xb8;
	[tilespmem:$0x3430] =	vst v63  }
0x104: {  	_ =	swait.ge [sflag:s24], $0x100  }
0x105: {  	s13 =	sadd.s32 $0x1, s13;
	[sflag:s24] =	ssyncset.done $0x0  }
0x106: {  	p0 =	sne.s32 s13, s20;
	[sflag:s24] =	ssyncadd.s32 $0xFFFFFF00  }
.Ltmp1:
0x107: {  	[bflag:$0x0] =	sbarrier.arrive $0xFFFF;
	(pc) =	sbr.rel @p0 .LBB2_1-.Ltmp1, $4  }
0x108: {  	[hbm:s19], [sflag:s9] =	dma.local [spmem:s14], $0x500  }
0x109: {  	_ =	swait.ge [sflag:s24], $0x500  }
0x10a: {  	[sflag:s24] =	ssyncset.done $0x0  }
0x10b: {  	[sflag:s24] =	ssyncadd.s32 $0xFFFFFB00  }
0x10c: {  	_ =	sfence.sel $0x180000  }
0x10d: {  	[bflag:$0x0] =	sbarrier.arrive $0xFFFF  }
0x10e: {  	_ =	strace $0x9000004A  }
0x10f: {  	s0 =	stileid.u32;
	[bflag:$0x2] =	sbarrier.arrive $0xFFFF  }
0x110: {  	p0 =	sne.s32 s0, $0x0;
	s0 =	rddreg [dreg:$0x2]  }
0x111: {  	s0 =	sadd.s32 @!p0 $0x100000, s0  }
0x112: {  	[sflag:s0] =	ssyncadd.tile.s32 @!p0 $0x1;
	_ =	shalt  }
.Lfunc_end2:
_tile_overlayer_lowered:
.L_overlay_start_2:
0x113: {  	(tag) =	ssettag $0x2  }
0x114: {  	s0 =	rddreg [dreg:$0x0];
	s2 =	stileid.u32  }
0x115: {  	s1 =	rddreg [dreg:$0x1];
	p0 =	sne.s32 s2, $0x0  }
0x116: {  	s3 =	rddreg [dreg:$0x2];
	[bflag:$0x3] =	sbarrier.arrive $0xFFFF;
	s2 =	simm.s32 @!p0 $0x1C04  }
0x117: {  	[timem:s3], [sflag:s2] =	dma.local @!p0 [hbm:s0], s1  }
0x118: {  	s0 =	simm.s32 @!p0 $0x4  }
0x119: {  	_ =	swait.ge @!p0 [sflag:s0], s1  }
0x11a: {  	s1 =	ssub.s32 @!p0 $0x0, s1;
	[sflag:s0] =	ssyncset.done @!p0 $0x0  }
0x11b: {  	[sflag:s0] =	ssyncadd.s32 @!p0 s1  }
0x11c: {  	[bflag:$0x3] =	sbarrier.arrive $0xFFFF  }
0x11d: {  	_ =	shalt  }

// kernel: kernel.13.cloned.1.call-start
scs
__scs_entry_jumppad:
0x0: {  	(pc) =	sbr.rel $0x88, $3  }
0x1: {  	(tag) =	ssettag $0x0;
	lr =	simm.s32 $0x1  }
0x2: {  	[smem:$0x3F93] =	sst lr;
	_ =	strace $0xD0000000  }
0x3: {  	_ = 	snop  }
0x4: {  	_ = 	snop  }
0x5: {  	_ = 	snop  }
0x6: {  	_ = 	snop  }
0x7: {  	_ = 	snop  }
__scs_overlays_trampoline_lowered:
0x8: {  	[smem:$0x3FA2] =	sst s0  }
0x9: {  	[smem:$0x3FA3] =	sst s1  }
0xa: {  	[smem:$0x3FA4] =	sst s2  }
0xb: {  	[smem:$0x3FA5] =	sst s3  }
0xc: {  	[smem:$0x3FA6] =	sst s4  }
0xd: {  	[smem:$0x3FA7] =	sst s5  }
0xe: {  	[smem:$0x3FA8] =	sst s6  }
0xf: {  	[smem:$0x3FA9] =	sst s7  }
0x10: {  	[smem:$0x3FAA] =	sst s8  }
0x11: {  	[smem:$0x3FAB] =	sst s9;
	s0 =	simm.s32 @!p0 $0x0  }
0x12: {  	s1 =	sld [smem:$0x3F91];
	s0 =	simm.s32 @p0 $0x1  }
0x13: {  	[smem:$0x3FAC] =	sst s0;
	s0 =	simm.s32 @!p1 $0x0  }
0x14: {  	s2 =	sld [smem:$0x3F90];
	s0 =	simm.s32 @p1 $0x1  }
0x15: {  	[smem:$0x3FAD] =	sst s0;
	s0 =	simm.s32 @!p2 $0x0  }
0x16: {  	s3 =	sld [smem:$0x3FDB];
	s0 =	simm.s32 @p2 $0x1  }
0x17: {  	s4 =	simm.s32 $0x1BF5;
	[smem:$0x3FAF] =	sst s0  }
0x18: {  	s0 =	sld [smem:$0x3F92];
	_ =	swait.ge [sflag:s4], $0x0  }
0x19: {  	s7 =	sld [smem:$0x3F93]  }
0x1a: {  	s8 =	sadd.s32 $0xFFFFE003, lr  }
0x1b: {  	s9 =	sadd.s32 $0xFFFFFEF7, lr;
	s5 =	simm.s32 $0xFFFFFFFF;
	p2 =	slt.u32 s8, $0xFFFFF086  }
0x1c: {  	p1 =	slt.u32 s9, $0xF7A;
	s5 =	simm.s32 @!p2 $0x0  }
0x1d: {  	s5 =	simm.s32 @p1 $0x1;
	p0 =	seq.s32 s7, s2  }
0x1e: {  	s7 =	smul.u32 @!p0 $0xF7A, s2;
	p2 =	seq.s32 @!p0 s5, $0x0  }
0x1f: {  	s9 =	smul.u32 $0xF7A, s1;
	s8 =	simm.s32 @!p0 $0x1BF5;
	p2 =	por !p2, p0  }
0x20: {  	[sflag:s8] =	ssyncset.s32 @!p0 $0xFFFFF086;
	s6 =	sadd.s32 @!p0 s3, s7;
	s7 =	simm.s32 @!p0 $0x108  }
0x21: {  	s3 =	sadd.s32 s3, s9;
	s6 =	sadd.s32 @!p0 $0x88, s6;
	s7 =	simm.s32 @p2 $0x1082  }
0x22: {  	[simem:s7], [sflag:s8] =	dma.local @!p0 [hbm:s6], $0xF7A  }
0x23: {  	s9 =	sor.u32 $0xD0000000, s2;
	s6 =	simm.s32 $0x108;
	_ =	swait.ge @!p0 [sflag:s8], $0x0  }
0x24: {  	s3 =	sadd.s32 $0x88, s3;
	s6 =	simm.s32 @!p1 $0x1082;
	[sflag:s4] =	ssyncset.s32 $0xFFFFF086  }
0x25: {  	[simem:s6], [sflag:s4] =	dma.local [hbm:s3], $0xF7A  }
0x26: {  	[smem:$0x3F93] =	sst s1;
	(tag) =	ssettag s2;
	_ =	strace s9  }
0x27: {  	s1 =	sld [smem:$0x3FA3]  }
0x28: {  	s2 =	sld [smem:$0x3FA4]  }
0x29: {  	s4 =	sld [smem:$0x3FA6]  }
0x2a: {  	p0 =	seq.s32 s5, $0x0;
	s5 =	sld [smem:$0x3FA7]  }
0x2b: {  	s6 =	sld [smem:$0x3FA8]  }
0x2c: {  	s7 =	sld [smem:$0x3FA9]  }
0x2d: {  	s3 =	simm.s32 $0x108;
	s8 =	sld [smem:$0x3FAA]  }
0x2e: {  	s3 =	simm.s32 @!p0 $0x1082;
	s9 =	sld [smem:$0x3FAB]  }
0x2f: {  	lr =	sadd.s32 s0, s3;
	s0 =	sld [smem:$0x3FA2]  }
0x30: {  	s3 =	sld [smem:$0x3FA5]  }
0x31: {  	[smem:$0x3FAE] =	sst s10  }
0x32: {  	s10 =	sld [smem:$0x3FAC];
	_ =	sdelay $0x3  }
0x33: {  	p0 =	seq.s32 s10, $0x1;
	s10 =	sld [smem:$0x3FAE];
	_ =	sdelay $0x3  }
0x34: {  	[smem:$0x3FAE] =	sst s10  }
0x35: {  	s10 =	sld [smem:$0x3FAD];
	_ =	sdelay $0x3  }
0x36: {  	p1 =	seq.s32 s10, $0x1;
	s10 =	sld [smem:$0x3FAE];
	_ =	sdelay $0x3  }
0x37: {  	[smem:$0x3FAE] =	sst s10  }
0x38: {  	s10 =	sld [smem:$0x3FAF]  }
0x39: {  	_ = 	snop;
	(pc) =	sbr.ind lr, $3  }
0x3a: {  	_ = 	snop  }
0x3b: {  	_ = 	snop  }
0x3c: {  	p2 =	seq.s32 s10, $0x1;
	s10 =	sld [smem:$0x3FAE]  }
0x3d: {  	_ =	shalt  }
0x3e: {  	_ =	shalt  }
0x3f: {  	_ =	shalt  }
0x40: {  	_ =	shalt  }
0x41: {  	_ =	shalt  }
0x42: {  	_ =	shalt  }
0x43: {  	_ =	shalt  }
0x44: {  	_ =	shalt  }
0x45: {  	_ =	shalt  }
0x46: {  	_ =	shalt  }
0x47: {  	_ =	shalt  }
0x48: {  	_ =	shalt  }
0x49: {  	_ =	shalt  }
0x4a: {  	_ =	shalt  }
0x4b: {  	_ =	shalt  }
0x4c: {  	_ =	shalt  }
0x4d: {  	_ =	shalt  }
0x4e: {  	_ =	shalt  }
0x4f: {  	_ =	shalt  }
0x50: {  	_ =	shalt  }
0x51: {  	_ =	shalt  }
0x52: {  	_ =	shalt  }
0x53: {  	_ =	shalt  }
0x54: {  	_ =	shalt  }
0x55: {  	_ =	shalt  }
0x56: {  	_ =	shalt  }
0x57: {  	_ =	shalt  }
0x58: {  	_ =	shalt  }
0x59: {  	_ =	shalt  }
0x5a: {  	_ =	shalt  }
0x5b: {  	_ =	shalt  }
0x5c: {  	_ =	shalt  }
0x5d: {  	_ =	shalt  }
0x5e: {  	_ =	shalt  }
0x5f: {  	_ =	shalt  }
0x60: {  	_ =	shalt  }
0x61: {  	_ =	shalt  }
0x62: {  	_ =	shalt  }
0x63: {  	_ =	shalt  }
0x64: {  	_ =	shalt  }
0x65: {  	_ =	shalt  }
0x66: {  	_ =	shalt  }
0x67: {  	_ =	shalt  }
0x68: {  	_ =	shalt  }
0x69: {  	_ =	shalt  }
0x6a: {  	_ =	shalt  }
0x6b: {  	_ =	shalt  }
0x6c: {  	_ =	shalt  }
0x6d: {  	_ =	shalt  }
0x6e: {  	_ =	shalt  }
0x6f: {  	_ =	shalt  }
0x70: {  	_ =	shalt  }
0x71: {  	_ =	shalt  }
0x72: {  	_ =	shalt  }
0x73: {  	_ =	shalt  }
0x74: {  	_ =	shalt  }
0x75: {  	_ =	shalt  }
0x76: {  	_ =	shalt  }
0x77: {  	_ =	shalt  }
0x78: {  	_ =	shalt  }
0x79: {  	_ =	shalt  }
0x7a: {  	_ =	shalt  }
0x7b: {  	_ =	shalt  }
0x7c: {  	_ =	shalt  }
0x7d: {  	_ =	shalt  }
0x7e: {  	_ =	shalt  }
0x7f: {  	_ =	shalt  }
0x80: {  	_ =	shalt  }
0x81: {  	_ =	shalt  }
0x82: {  	_ =	shalt  }
0x83: {  	_ =	shalt  }
0x84: {  	_ =	shalt  }
0x85: {  	_ =	shalt  }
0x86: {  	_ =	shalt  }
0x87: {  	_ =	shalt  }
.Lfunc_end0:
.L_simem_size_0:
called_computation.1_lowered:
.L_overlay_start_0:
0x88: {  	s2 =	sld [smem:$0x3FD9]  }
0x89: {  	s3 =	sld [smem:$0x3FFE];
	_ =	sdelay $0x1  }
0x8a: {  	s1 =	srdreg.scid  }
0x8b: {  	s0 =	sand.u32 $0x1, s1  }
0x8c: {  	s17 =	sshll.u32 s0, $0xA;
	s2 =	sadd.s32 s3, s2  }
0x8d: {  	s2 =	sadd.s32 s2, s17  }
0x8e: {  	[smem:$0x3FBA] =	sst s2  }
0x8f: {  	_ = 	snop  }
0x90: {  	s2 =	sld [smem:$0x3FD0];
	(tm) =	ssettm $0x1  }
0x91: {  	s18 =	sld [smem:$0x3FFB];
	_ =	sdelay $0x3  }
0x92: {  	_ =	strace s18  }
0x93: {  	s3 =	sld [smem:$0x3FFC];
	_ =	sdelay $0x3  }
0x94: {  	_ =	strace s3  }
0x95: {  	s3 =	sld [smem:$0x3FFD];
	_ =	sdelay $0x3  }
0x96: {  	_ =	strace s3  }
0x97: {  	_ =	strace $0x8FFFFFFF  }
0x98: {  	s19 =	sld [smem:$0x3FDB];
	_ =	sdelay $0x1  }
0x99: {  	s4 =	simm.s32 $_scs_section_size  }
0x9a: {  	s5 =	simm.s32 $_size__tile_overlayer_lowered;
	s6 =	simm.s32 $_tile_overlayer_lowered  }
0x9b: {  	s22 =	simm.s32 $0x1BFF;
	s21 =	sshll.u32 s6, $0x1;
	s3 =	sadd.s32 s4, s19  }
0x9c: {  	s7 =	simm.s32 $0x0;
	s20 =	sshll.u32 s5, $0x1;
	s5 =	sadd.s32 s21, s3  }
0x9d: {  	[timem:s7], [sflag:s22] =	dma.local [hbm:s5], s20  }
0x9e: {  	_ =	swait.ge [sflag:s22], s20  }
0x9f: {  	s4 =	ssub.s32 $0x0, s20;
	[sflag:s22] =	ssyncset.done $0x0  }
0xa0: {  	[sflag:s22] =	ssyncadd.s32 s4;
	_ =	sdelay $0x1  }
0xa1: {  	s23 =	simm.s32 $0x1B8B  }
0xa2: {  	_ =	swait.ge [sflag:s23], $0x1  }
0xa3: {  	[sflag:s23] =	ssyncset.done $0x0  }
0xa4: {  	s25 =	simm.s32 $0x1B8E;
	s24 =	sld [smem:$0x3FFE];
	[sflag:s23] =	ssyncadd.s32 $0xFFFFFFFF  }
0xa5: {  	s26 =	simm.s32 $execute0_lowered;
	[smem:$0x3FD2] =	sst s25  }
0xa6: {  	s5 =	sshll.u32 s26, $0x1;
	_ =	strace $0x80000046;
	[dreg:$0x1] =	wrdreg $0xFFFFFFFF  }
0xa7: {  	s28 =	simm.s32 $_size_execute0_lowered;
	s3 =	sadd.s32 s3, s5;
	[dreg:$0x0] =	wrdreg $0x0  }
0xa8: {  	s5 =	sshll.u32 s28, $0x1;
	[dreg:$0x2] =	wrdreg s3  }
0xa9: {  	[dreg:$0x3] =	wrdreg s5  }
0xaa: {  	[dreg:$0x4] =	wrdreg $0xC0  }
0xab: {  	_ =	task [dreg:s7], $0x5FFFF  }
0xac: {  	[dreg:$0x1] =	wrdreg $0xFFFFFFFF  }
0xad: {  	[dreg:$0x0] =	wrdreg $0x60  }
0xae: {  	[dreg:$0x2] =	wrdreg s2  }
0xaf: {  	[dreg:$0x3] =	wrdreg s24  }
0xb0: {  	[dreg:$0x4] =	wrdreg $0x0  }
0xb1: {  	[dreg:$0x5] =	wrdreg $0x140000  }
0xb2: {  	[dreg:$0x6] =	wrdreg $0xA  }
0xb3: {  	_ =	task.clear_ibuf [dreg:s7], $0x7FFFF;
	_ =	strace $0x90000046  }
0xb4: {  	s29 =	simm.s32 $0xA;
	_ =	strace $0x80000048  }
0xb5: {  	_ =	swait.ge [sflag:s29], $0x1  }
0xb6: {  	[sflag:s29] =	ssyncadd.s32 $0xFFFFFFFF  }
0xb7: {  	_ =	strace $0x90000048  }
0xb8: {  	_ =	sfence  }
0xb9: {  	s30 =	sld [smem:$0x0];
	_ =	sdelay $0x2  }
0xba: {  	s31 =	sshll.u32 s1, $0xD;
	s1 =	sshrl.u32 s1, $0x2  }
0xbb: {  	s3 =	sand.u32 $0x4000, s31;
	s1 =	sadd.s32 s1, s30  }
0xbc: {  	s0 =	sor.u32 s3, s0;
	s1 =	sshll.u32 s1, $0x11  }
0xbd: {  	s0 =	sor.u32 s1, s0  }
0xbe: {  	s0 =	sadd.s32 $0x8F2B, s0  }
0xbf: {  	[sflag:s0] =	ssyncadd.remote.s32 $0x1  }
0xc0: {  	_ =	sfence.sel $0xFFFF  }
0xc1: {  	[dreg:$0x0] =	wrdreg $0xFFFFFFFF;
	(pc) =	sbr.abs _section_cstart, $3  }
0xc2: {  	[dreg:$0x1] =	wrdreg $0xFFFFFFFF  }
0xc3: {  	_ =	task.clear_ibuf [dreg:s7], $0x2FFFF;
	_ =	strace $0x9FFFFFFF  }
0xc4: {  	(tm) =	ssettm $0x7FFFFFFF  }
0xc5: {  	_ =	shalt  }
tec
execute0_lowered:
.L_overlay_start_1:
0x0: {  	(tag) =	ssettag $0x1  }
0x1: {  	s0 =	rddreg [dreg:$0x1]  }
0x2: {  	s8 =	rddreg [dreg:$0x2]  }
0x3: {  	s18 =	rddreg [dreg:$0x3];
	s7 =	stileid.u32  }
0x4: {  	s1 =	srdreg.scid;
	s5 =	simm.s32 $0x0;
	s2 =	smul.u32 $0x2800, s7  }
0x5: {  	s1 =	sand.u32 $0x1, s1;
	[smem:$0x7FF] =	sst s5;
	s4 =	smul.u32 $0x9D0, s7  }
0x6: {  	s6 =	sadd.s32 $0x54E00, s0;
	s19 =	sadd.s32 $0x72800, s0;
	s12 =	smul.u32 $0x2710, s7  }
0x7: {  	s9 =	sadd.s32 $0x68800, s0;
	s11 =	sadd.s32 $0x6D800, s0;
	s16 =	smul.u32 $0x4E2, s7  }
0x8: {  	s20 =	sadd.s32 $0x7C600, s0;
	s13 =	sadd.s32 $0x86400, s0;
	s3 =	smul.u32 $0x28000, s1  }
0x9: {  	_ =	strace $0x80000047;
	s10 =	smul.u32 $0x9D00, s1;
	s30 =	ssub.s32 $0x2, s1  }
0xa: {  	[dreg:$0xa] =	wrdreg s13;
	s1 =	smul.u32 $0x27100, s1;
	s17 =	sshrl.u32 s30, $0x1  }
0xb: {  	s14 =	sshrl.u32 s12, $0x3;
	s15 =	sadd.s32 $0x40, s12;
	s23 =	sadd.s32 s16, s11  }
0xc: {  	s2 =	sadd.s32 s2, s3;
	s10 =	sadd.s32 s4, s10;
	s4 =	ssub.s32 s30, s17  }
0xd: {  	s13 =	sadd.s32 s12, s1;
	s17 =	sadd.s32 s9, s14;
	[dreg:$0x5] =	wrdreg s23  }
0xe: {  	s14 =	sadd.s32 s11, s14;
	s22 =	sadd.s32 s1, s15;
	[dreg:$0xb] =	wrdreg s17  }
0xf: {  	s15 =	sshrl.u32 s15, $0x3;
	s12 =	sadd.s32 $0x2700, s12;
	[dreg:$0xc] =	wrdreg s14  }
0x10: {  	s1 =	sadd.s32 s1, s12;
	s12 =	sshrl.u32 s12, $0x3;
	s24 =	sadd.s32 s9, s15  }
0x11: {  	s15 =	sadd.s32 s11, s15;
	s2 =	sadd.s32 s2, s0;
	[dreg:$0xd] =	wrdreg s24  }
0x12: {  	s3 =	sadd.s32 s10, s0;
	s0 =	sadd.s32 $0x88C00, s0;
	[dreg:$0xe] =	wrdreg s15  }
0x13: {  	s21 =	smul.u32 $0x50000, s7;
	s11 =	sadd.s32 s11, s12;
	[dreg:$0x11] =	wrdreg s0  }
0x14: {  	s31 =	simm.s32 $0xA;
	s25 =	sadd.s32 s9, s12;
	[dreg:$0xf] =	wrdreg s11  }
0x15: {  	s10 =	sshrl.u32 s21, $0x2;
	s9 =	sadd.s32 s16, s9;
	[dreg:$0x10] =	wrdreg s25  }
0x16: {  	s21 =	sshrl.u32 s22, $0x3;
	s10 =	sadd.s32 s10, s8;
	[dreg:$0x6] =	wrdreg s9  }
0x17: {  	s29 =	simm.s32 $0x1D480;
	s22 =	sadd.s32 s19, s21;
	[dreg:$0x12] =	wrdreg s10  }
0x18: {  	s15 =	sshrl.u32 s13, $0x3;
	s0 =	sadd.s32 s20, s21;
	[dreg:$0x17] =	wrdreg s22  }
0x19: {  	s1 =	sshrl.u32 s1, $0x3;
	s17 =	sadd.s32 s19, s15;
	[dreg:$0x18] =	wrdreg s0  }
0x1a: {  	s30 =	smul.u32 $0x13A00, s7;
	s23 =	sadd.s32 s19, s1;
	[dreg:$0x15] =	wrdreg s17  }
0x1b: {  	s26 =	sadd.s32 $0xC0, s13;
	s24 =	sadd.s32 s20, s1;
	[dreg:$0x19] =	wrdreg s23  }
0x1c: {  	s12 =	sshll.u32 s7, $0x6;
	s25 =	sadd.s32 $0x9D000, s2;
	[dreg:$0x1a] =	wrdreg s24  }
0x1d: {  	s11 =	sshrl.u32 s26, $0x3;
	s26 =	sadd.s32 $0x89600, s3;
	[dreg:$0x1b] =	wrdreg s25  }
0x1e: {  	s9 =	sshrl.u32 s30, $0x2;
	s30 =	sadd.s32 $0x80, s13;
	[dreg:$0x1c] =	wrdreg s26  }
0x1f: {  	s8 =	smov.u32 s19;
	s7 =	sor.u32 $0x1C0A, s12;
	[dreg:$0x1e] =	wrdreg s30  }
0x20: {  	s21 =	simm.s32 $0x7;
	s28 =	sadd.s32 s11, s20;
	[dreg:$0x13] =	wrdreg s7  }
0x21: {  	s12 =	simm.s32 $0x18E80;
	s11 =	sadd.s32 s11, s19;
	[dreg:$0x7] =	wrdreg s28  }
0x22: {  	s22 =	simm.s32 $0x8;
	s16 =	sadd.s32 s9, s18;
	[dreg:$0x8] =	wrdreg s11  }
0x23: {  	s1 =	simm.s32 $0x0;
	s18 =	sadd.s32 s20, s15;
	[dreg:$0x14] =	wrdreg s16  }
0x24: {  	s9 =	smov.u32 s20;
	s19 =	simm.s32 $0x5;
	[dreg:$0x16] =	wrdreg s18  }
0x25: {  	s20 =	simm.s32 $0x6;
	s28 =	smax.u32 s4, $0x1;
	[dreg:$0x9] =	wrdreg s9  }
0x26: {  	s16 =	simm.s32 $0x18F00;
	s11 =	simm.s32 $0x40;
	[dreg:$0x1d] =	wrdreg s28  }
.LBB2_1:
0x27: {  	[dreg:$0x1f] =	wrdreg s1  }
0x28: {  	s0 =	rddreg [dreg:$0x12]  }
0x29: {  	s14 =	rddreg [dreg:$0xa];
	s13 =	sshrl.u32 s0, $0x3  }
0x2a: {  	[smem:$0x7FC] =	sst s13  }
0x2b: {  	[spmem:s13], [sflag:s7] =	dma.local [hbm:s14], $0x2800  }
0x2c: {  	_ =	swait.ge [sflag:s31], $0x2800  }
0x2d: {  	s15 =	rddreg [dreg:$0x14]  }
0x2e: {  	[sflag:s31] =	ssyncset.done $0x0;
	s18 =	rddreg [dreg:$0x11];
	s17 =	sshrl.u32 s15, $0x3  }
0x2f: {  	[sflag:s31] =	ssyncadd.s32 $0xFFFFD800;
	[smem:$0x7FD] =	sst s17  }
0x30: {  	[spmem:s17], [sflag:s7] =	dma.local [hbm:s18], $0x9D0  }
0x31: {  	_ =	swait.ge [sflag:s31], $0x9D0  }
0x32: {  	[sflag:s31] =	ssyncset.done $0x0  }
0x33: {  	[sflag:s31] =	ssyncadd.s32 $0xFFFFF630  }
0x34: {  	[bflag:$0x0] =	sbarrier.arrive $0xFFFF  }
0x35: {  	s23 =	rddreg [dreg:$0x15]  }
0x36: {  	[tilespmem:s12], [sflag:$0xA] =	stream.linear.gather [hbm4b:s23+s5], $0x40, $0x38;
	[tilespmem:$0x1E1C0] =	vst v63  }
0x37: {  	_ =	swait.ge [sflag:s31], $0x40  }
0x38: {  	[sflag:s31] =	ssyncset.done $0x0  }
0x39: {  	s13 =	simm.s32 $0x18EC0;
	s24 =	rddreg [dreg:$0xb];
	[sflag:s31] =	ssyncadd.s32 $0xFFFFFFC0  }
0x3a: {  	[tilespmem:s13], [sflag:$0xA] =	stream.linear.gather [hbm4b:s24+s5], $0x40, $0x38;
	[tilespmem:$0x1E1C0] =	vst v63  }
0x3b: {  	_ =	swait.ge [sflag:s31], $0x40  }
0x3c: {  	[sflag:s31] =	ssyncset.done $0x0  }
0x3d: {  	s25 =	rddreg [dreg:$0xc];
	[sflag:s31] =	ssyncadd.s32 $0xFFFFFFC0  }
0x3e: {  	[tilespmem:s16], [sflag:$0xA] =	stream.linear.gather [hbm4b:s25+s5], $0x40, $0x38;
	[tilespmem:$0x1E1C0] =	vst v63  }
0x3f: {  	_ =	swait.ge [sflag:s31], $0x40  }
0x40: {  	[sflag:s31] =	ssyncset.done $0x0  }
0x41: {  	s14 =	simm.s32 $0x18F40;
	s26 =	rddreg [dreg:$0x16];
	[sflag:s31] =	ssyncadd.s32 $0xFFFFFFC0  }
0x42: {  	[tilespmem:s14], [sflag:$0xA] =	stream.linear.gather [hbm4b:s26+s5], $0x40, $0x38;
	[tilespmem:$0x1E1C0] =	vst v63  }
0x43: {  	_ =	swait.ge [sflag:s31], $0x40  }
0x44: {  	[sflag:s31] =	ssyncset.done $0x0  }
0x45: {  	[sflag:s31] =	ssyncadd.s32 $0xFFFFFFC0  }
0x46: {  	s15 =	simm.s32 $0x18F80;
	s0 =	rddreg [dreg:$0x0]  }
0x47: {  	[tilespmem:s15], [sflag:$0x1] =	stream.indirect.gather [hbm4b:s0+s11], $0x80, s12, s11, $0xb8;
	[tilespmem:$0x1E1C0] =	vst v63  }
0x48: {  	s17 =	simm.s32 $0x1AF80  }
0x49: {  	[tilespmem:s17], [sflag:$0x2] =	stream.indirect.gather [hbm4b:s6+s11], $0x10, s16, s11, $0xb8;
	[tilespmem:$0x1E1C0] =	vst v63  }
0x4a: {  	s23 =	simm.s32 $0x1B380;
	s28 =	rddreg [dreg:$0x17]  }
0x4b: {  	[tilespmem:s23], [sflag:$0x5] =	stream.linear.gather [hbm4b:s28+s5], $0x40, $0x38;
	[tilespmem:$0x1E1C0] =	vst v63  }
0x4c: {  	s24 =	simm.s32 $0x1B3C0;
	s2 =	rddreg [dreg:$0xd]  }
0x4d: {  	[tilespmem:s24], [sflag:$0x6] =	stream.linear.gather [hbm4b:s2+s5], $0x40, $0x38;
	[tilespmem:$0x1E1C0] =	vst v63  }
0x4e: {  	s3 =	rddreg [dreg:$0xe];
	s2 =	simm.s32 $0x1B400  }
0x4f: {  	[tilespmem:s2], [sflag:$0x7] =	stream.linear.gather [hbm4b:s3+s5], $0x40, $0x38;
	[tilespmem:$0x1E1C0] =	vst v63  }
0x50: {  	s25 =	simm.s32 $0x1B440;
	s4 =	rddreg [dreg:$0x18]  }
0x51: {  	[tilespmem:s25], [sflag:$0x8] =	stream.linear.gather [hbm4b:s4+s5], $0x40, $0x38;
	[tilespmem:$0x1E1C0] =	vst v63  }
0x52: {  	_ =	swait.ge [sflag:s19], $0x40  }
0x53: {  	[sflag:s19] =	ssyncset.done $0x0  }
0x54: {  	[sflag:s19] =	ssyncadd.s32 $0xFFFFFFC0  }
0x55: {  	_ =	swait.ge [sflag:s20], $0x40  }
0x56: {  	[sflag:s20] =	ssyncset.done $0x0  }
0x57: {  	[sflag:s20] =	ssyncadd.s32 $0xFFFFFFC0  }
0x58: {  	_ =	swait.ge [sflag:s21], $0x40  }
0x59: {  	[sflag:s21] =	ssyncset.done $0x0  }
0x5a: {  	[sflag:s21] =	ssyncadd.s32 $0xFFFFFFC0  }
0x5b: {  	_ =	swait.ge [sflag:s22], $0x40  }
0x5c: {  	[sflag:s22] =	ssyncset.done $0x0  }
0x5d: {  	s26 =	simm.s32 $0x1B480;
	[sflag:s22] =	ssyncadd.s32 $0xFFFFFFC0  }
0x5e: {  	[tilespmem:s26], [sflag:$0x3] =	stream.indirect.gather [hbm4b:s0+s11], $0x80, s23, s11, $0xb8;
	[tilespmem:$0x1E1C0] =	vst v63  }
0x5f: {  	s7 =	simm.s32 $0x1;
	s28 =	simm.s32 $0x1D480  }
0x60: {  	[tilespmem:s28], [sflag:$0x4] =	stream.indirect.gather [hbm4b:s6+s11], $0x10, s2, s11, $0xb8;
	[tilespmem:$0x1E1C0] =	vst v63  }
0x61: {  	_ =	swait.ge [sflag:s7], $0x2000  }
0x62: {  	[sflag:s7] =	ssyncset.done $0x0  }
0x63: {  	s10 =	simm.s32 $0x2;
	[sflag:s7] =	ssyncadd.s32 $0xFFFFE000  }
0x64: {  	_ =	swait.ge [sflag:s10], $0x400  }
0x65: {  	[sflag:s10] =	ssyncset.done $0x0  }
0x66: {  	[sflag:s10] =	ssyncadd.s32 $0xFFFFFC00  }
0x67: {  	s2 =	rddreg [dreg:$0x2]  }
0x68: {  	[spmem:s2] =	stream.indirect.scatter.add.f32 [tilespmem:s15], [sflag:$0xA], $0x80, s13, s11, $0xb8;
	[tilespmem:$0x1E1C0] =	vst v63  }
0x69: {  	_ =	swait.ge [sflag:s31], $0x2000  }
0x6a: {  	[sflag:s31] =	ssyncset.done $0x0  }
0x6b: {  	[sflag:s31] =	ssyncadd.s32 $0xFFFFE000  }
0x6c: {  	s7 =	rddreg [dreg:$0x3]  }
0x6d: {  	[spmem:s7] =	stream.indirect.scatter.add.f32 [tilespmem:s17], [sflag:$0xA], $0x10, s14, s11, $0xb8;
	[tilespmem:$0x1E1C0] =	vst v63  }
0x6e: {  	_ =	swait.ge [sflag:s31], $0x400  }
0x6f: {  	s10 =	rddreg [dreg:$0x1e]  }
0x70: {  	s3 =	rddreg [dreg:$0x6]  }
0x71: {  	[sflag:s31] =	ssyncset.done $0x0;
	s18 =	rddreg [dreg:$0x5];
	s1 =	sshrl.u32 s10, $0x3  }
0x72: {  	[sflag:s31] =	ssyncadd.s32 $0xFFFFFC00;
	s3 =	sadd.s32 $0x0, s3;
	s4 =	sadd.s32 s8, s1  }
0x73: {  	[tilespmem:s12], [sflag:$0x5] =	stream.linear.gather [hbm4b:s4+s5], $0x40, $0x38;
	[tilespmem:$0x1E1C0] =	vst v63  }
0x74: {  	s30 =	sadd.s32 $0x0, s18;
	s4 =	sadd.s32 $0x10, s3  }
0x75: {  	[tilespmem:s13], [sflag:$0x6] =	stream.linear.gather [hbm4b:s4+s5], $0x40, $0x38;
	[tilespmem:$0x1E1C0] =	vst v63  }
0x76: {  	s13 =	sadd.s32 $0x10, s30  }
0x77: {  	[tilespmem:s16], [sflag:$0x7] =	stream.linear.gather [hbm4b:s13+s5], $0x40, $0x38;
	[tilespmem:$0x1E1C0] =	vst v63  }
0x78: {  	s1 =	sadd.s32 s9, s1  }
0x79: {  	[tilespmem:s14], [sflag:$0x8] =	stream.linear.gather [hbm4b:s1+s5], $0x40, $0x38;
	[tilespmem:$0x1E1C0] =	vst v63  }
0x7a: {  	_ =	swait.ge [sflag:s19], $0x40  }
0x7b: {  	[sflag:s19] =	ssyncset.done $0x0  }
0x7c: {  	[sflag:s19] =	ssyncadd.s32 $0xFFFFFFC0  }
0x7d: {  	_ =	swait.ge [sflag:s20], $0x40  }
0x7e: {  	[sflag:s20] =	ssyncset.done $0x0  }
0x7f: {  	[sflag:s20] =	ssyncadd.s32 $0xFFFFFFC0  }
0x80: {  	_ =	swait.ge [sflag:s21], $0x40  }
0x81: {  	[sflag:s21] =	ssyncset.done $0x0  }
0x82: {  	[sflag:s21] =	ssyncadd.s32 $0xFFFFFFC0  }
0x83: {  	_ =	swait.ge [sflag:s22], $0x40  }
0x84: {  	[sflag:s22] =	ssyncset.done $0x0  }
0x85: {  	[sflag:s22] =	ssyncadd.s32 $0xFFFFFFC0  }
0x86: {  	[tilespmem:s15], [sflag:$0x1] =	stream.indirect.gather [hbm4b:s0+s11], $0x80, s12, s11, $0xb8;
	[tilespmem:$0x1E1C0] =	vst v63  }
0x87: {  	_ = 	snop  }
0x88: {  	[tilespmem:s17], [sflag:$0x2] =	stream.indirect.gather [hbm4b:s6+s11], $0x10, s16, s11, $0xb8;
	[tilespmem:$0x1E1C0] =	vst v63  }
0x89: {  	s17 =	simm.s32 $0x3  }
0x8a: {  	_ =	swait.ge [sflag:s17], $0x2000  }
0x8b: {  	[sflag:s17] =	ssyncset.done $0x0  }
0x8c: {  	s18 =	simm.s32 $0x4;
	[sflag:s17] =	ssyncadd.s32 $0xFFFFE000  }
0x8d: {  	_ =	swait.ge [sflag:s18], $0x400  }
0x8e: {  	[sflag:s18] =	ssyncset.done $0x0  }
0x8f: {  	[sflag:s18] =	ssyncadd.s32 $0xFFFFFC00  }
0x90: {  	[spmem:s2] =	stream.indirect.scatter.add.f32 [tilespmem:s26], [sflag:$0xA], $0x80, s24, s11, $0xb8;
	[tilespmem:$0x1E1C0] =	vst v63  }
0x91: {  	_ =	swait.ge [sflag:s31], $0x2000  }
0x92: {  	[sflag:s31] =	ssyncset.done $0x0  }
0x93: {  	[sflag:s31] =	ssyncadd.s32 $0xFFFFE000  }
0x94: {  	[spmem:s7] =	stream.indirect.scatter.add.f32 [tilespmem:s28], [sflag:$0xA], $0x10, s25, s11, $0xb8;
	[tilespmem:$0x1E1C0] =	vst v63  }
0x95: {  	_ =	swait.ge [sflag:s31], $0x400  }
0x96: {  	s26 =	rddreg [dreg:$0x8];
	[sflag:s31] =	ssyncset.done $0x0  }
0x97: {  	s3 =	sadd.s32 $0x18, s3;
	[sflag:s31] =	ssyncadd.s32 $0xFFFFFC00;
	s1 =	sadd.s32 $0x0, s26  }
0x98: {  	[tilespmem:s23], [sflag:$0x5] =	stream.linear.gather [hbm4b:s1+s5], $0x40, $0x38;
	[tilespmem:$0x1E1C0] =	vst v63  }
0x99: {  	s4 =	sadd.s32 $0x18, s30;
	s30 =	sadd.s32 $0x80, s10;
	s28 =	rddreg [dreg:$0x7]  }
0x9a: {  	[tilespmem:s24], [sflag:$0x6] =	stream.linear.gather [hbm4b:s3+s5], $0x40, $0x38;
	[tilespmem:$0x1E1C0] =	vst v63  }
0x9b: {  	s14 =	simm.s32 $0x18E80;
	s18 =	simm.s32 $0x10;
	s3 =	sadd.s32 $0x0, s28  }
.LBB2_2:
0x9c: {  	s0 =	simm.s32 $0x1B400  }
0x9d: {  	[tilespmem:s0], [sflag:$0x7] =	stream.linear.gather [hbm4b:s4+s5], $0x40, $0x38;
	[tilespmem:$0x1E1C0] =	vst v63  }
0x9e: {  	s26 =	simm.s32 $0x1B440  }
0x9f: {  	[tilespmem:s26], [sflag:$0x8] =	stream.linear.gather [hbm4b:s3+s5], $0x40, $0x38;
	[tilespmem:$0x1E1C0] =	vst v63  }
0xa0: {  	_ =	swait.ge [sflag:s19], $0x40  }
0xa1: {  	[sflag:s19] =	ssyncset.done $0x0  }
0xa2: {  	[sflag:s19] =	ssyncadd.s32 $0xFFFFFFC0  }
0xa3: {  	_ =	swait.ge [sflag:s20], $0x40  }
0xa4: {  	[sflag:s20] =	ssyncset.done $0x0  }
0xa5: {  	[sflag:s20] =	ssyncadd.s32 $0xFFFFFFC0  }
0xa6: {  	_ =	swait.ge [sflag:s21], $0x40  }
0xa7: {  	[sflag:s21] =	ssyncset.done $0x0  }
0xa8: {  	[sflag:s21] =	ssyncadd.s32 $0xFFFFFFC0  }
0xa9: {  	_ =	swait.ge [sflag:s22], $0x40  }
0xaa: {  	[sflag:s22] =	ssyncset.done $0x0  }
0xab: {  	[sflag:s22] =	ssyncadd.s32 $0xFFFFFFC0  }
0xac: {  	s25 =	simm.s32 $0x1B380;
	s28 =	simm.s32 $0x1B480;
	s2 =	rddreg [dreg:$0x0]  }
0xad: {  	[tilespmem:s28], [sflag:$0x3] =	stream.indirect.gather [hbm4b:s2+s11], $0x80, s25, s11, $0xb8;
	[tilespmem:$0x1E1C0] =	vst v63  }
0xae: {  	s15 =	simm.s32 $0x1  }
0xaf: {  	[tilespmem:s29], [sflag:$0x4] =	stream.indirect.gather [hbm4b:s6+s11], $0x10, s0, s11, $0xb8;
	[tilespmem:$0x1E1C0] =	vst v63  }
0xb0: {  	_ =	swait.ge [sflag:s15], $0x2000  }
0xb1: {  	[sflag:s15] =	ssyncset.done $0x0  }
0xb2: {  	s16 =	simm.s32 $0x2;
	[sflag:s15] =	ssyncadd.s32 $0xFFFFE000  }
0xb3: {  	_ =	swait.ge [sflag:s16], $0x400  }
0xb4: {  	[sflag:s16] =	ssyncset.done $0x0  }
0xb5: {  	[sflag:s16] =	ssyncadd.s32 $0xFFFFFC00  }
0xb6: {  	s24 =	simm.s32 $0x18F80;
	s16 =	simm.s32 $0x18EC0;
	s9 =	rddreg [dreg:$0x2]  }
0xb7: {  	[spmem:s9] =	stream.indirect.scatter.add.f32 [tilespmem:s24], [sflag:$0xA], $0x80, s16, s11, $0xb8;
	[tilespmem:$0x1E1C0] =	vst v63  }
0xb8: {  	_ =	swait.ge [sflag:s31], $0x2000  }
0xb9: {  	[sflag:s31] =	ssyncset.done $0x0  }
0xba: {  	[sflag:s31] =	ssyncadd.s32 $0xFFFFE000  }
0xbb: {  	s23 =	simm.s32 $0x18F40;
	s13 =	simm.s32 $0x1AF80;
	s10 =	rddreg [dreg:$0x3]  }
0xbc: {  	[spmem:s10] =	stream.indirect.scatter.add.f32 [tilespmem:s13], [sflag:$0xA], $0x10, s23, s11, $0xb8;
	[tilespmem:$0x1E1C0] =	vst v63  }
0xbd: {  	s1 =	smov.u32 s18;
	s7 =	sshrl.u32 s30, $0x3;
	_ =	swait.ge [sflag:s31], $0x400  }
0xbe: {  	s0 =	sadd.s32 s8, s7;
	[sflag:s31] =	ssyncset.done $0x0;
	s17 =	rddreg [dreg:$0x6]  }
0xbf: {  	s15 =	rddreg [dreg:$0x5];
	[sflag:s31] =	ssyncadd.s32 $0xFFFFFC00;
	s4 =	sadd.s32 s1, s17  }
0xc0: {  	[tilespmem:s14], [sflag:$0x5] =	stream.linear.gather [hbm4b:s0+s5], $0x40, $0x38;
	[tilespmem:$0x1E1C0] =	vst v63  }
0xc1: {  	s12 =	smov.u32 s8;
	s3 =	sadd.s32 s1, s15;
	s17 =	sadd.s32 $0x10, s4  }
0xc2: {  	[tilespmem:s16], [sflag:$0x6] =	stream.linear.gather [hbm4b:s17+s5], $0x40, $0x38;
	[tilespmem:$0x1E1C0] =	vst v63  }
0xc3: {  	s8 =	sadd.s32 $0x10, s3;
	s16 =	simm.s32 $0x18F00;
	s17 =	rddreg [dreg:$0x9]  }
0xc4: {  	[tilespmem:s16], [sflag:$0x7] =	stream.linear.gather [hbm4b:s8+s5], $0x40, $0x38;
	[tilespmem:$0x1E1C0] =	vst v63  }
0xc5: {  	s0 =	sadd.s32 s17, s7  }
0xc6: {  	[tilespmem:s23], [sflag:$0x8] =	stream.linear.gather [hbm4b:s0+s5], $0x40, $0x38;
	[tilespmem:$0x1E1C0] =	vst v63  }
0xc7: {  	_ =	swait.ge [sflag:s19], $0x40  }
0xc8: {  	[sflag:s19] =	ssyncset.done $0x0  }
0xc9: {  	[sflag:s19] =	ssyncadd.s32 $0xFFFFFFC0  }
0xca: {  	_ =	swait.ge [sflag:s20], $0x40  }
0xcb: {  	[sflag:s20] =	ssyncset.done $0x0  }
0xcc: {  	[sflag:s20] =	ssyncadd.s32 $0xFFFFFFC0  }
0xcd: {  	_ =	swait.ge [sflag:s21], $0x40  }
0xce: {  	[sflag:s21] =	ssyncset.done $0x0  }
0xcf: {  	[sflag:s21] =	ssyncadd.s32 $0xFFFFFFC0  }
0xd0: {  	_ =	swait.ge [sflag:s22], $0x40  }
0xd1: {  	[sflag:s22] =	ssyncset.done $0x0  }
0xd2: {  	[sflag:s22] =	ssyncadd.s32 $0xFFFFFFC0  }
0xd3: {  	[tilespmem:s24], [sflag:$0x1] =	stream.indirect.gather [hbm4b:s2+s11], $0x80, s14, s11, $0xb8;
	[tilespmem:$0x1E1C0] =	vst v63  }
0xd4: {  	s2 =	simm.s32 $0x3  }
0xd5: {  	[tilespmem:s13], [sflag:$0x2] =	stream.indirect.gather [hbm4b:s6+s11], $0x10, s16, s11, $0xb8;
	[tilespmem:$0x1E1C0] =	vst v63  }
0xd6: {  	_ =	swait.ge [sflag:s2], $0x2000  }
0xd7: {  	[sflag:s2] =	ssyncset.done $0x0  }
0xd8: {  	s7 =	simm.s32 $0x4;
	[sflag:s2] =	ssyncadd.s32 $0xFFFFE000  }
0xd9: {  	_ =	swait.ge [sflag:s7], $0x400  }
0xda: {  	[sflag:s7] =	ssyncset.done $0x0  }
0xdb: {  	s8 =	simm.s32 $0x1B3C0;
	[sflag:s7] =	ssyncadd.s32 $0xFFFFFC00  }
0xdc: {  	[spmem:s9] =	stream.indirect.scatter.add.f32 [tilespmem:s28], [sflag:$0xA], $0x80, s8, s11, $0xb8;
	[tilespmem:$0x1E1C0] =	vst v63  }
0xdd: {  	p0 =	sne.s32 s18, $0x4C0;
	_ =	swait.ge [sflag:s31], $0x2000  }
0xde: {  	s18 =	sadd.s32 $0x10, s18;
	s30 =	sadd.s32 $0x80, s30;
	[sflag:s31] =	ssyncset.done $0x0  }
0xdf: {  	s15 =	simm.s32 $0x18EC0;
	s17 =	simm.s32 $0x18F40;
	[sflag:s31] =	ssyncadd.s32 $0xFFFFE000  }
0xe0: {  	[spmem:s10] =	stream.indirect.scatter.add.f32 [tilespmem:s29], [sflag:$0xA], $0x10, s26, s11, $0xb8;
	[tilespmem:$0x1E1C0] =	vst v63  }
0xe1: {  	s23 =	simm.s32 $0x18F80;
	s24 =	simm.s32 $0x1AF80;
	_ =	swait.ge [sflag:s31], $0x400  }
0xe2: {  	s2 =	simm.s32 $0x1B380;
	[sflag:s31] =	ssyncset.done $0x0;
	s10 =	rddreg [dreg:$0x8]  }
.Ltmp0:
0xe3: {  	[sflag:s31] =	ssyncadd.s32 $0xFFFFFC00;
	s0 =	sadd.s32 s1, s10;
	(pc) =	sbr.rel @p0 .LBB2_2-.Ltmp0, $4  }
0xe4: {  	[tilespmem:s25], [sflag:$0x5] =	stream.linear.gather [hbm4b:s0+s5], $0x40, $0x38;
	[tilespmem:$0x1E1C0] =	vst v63  }
0xe5: {  	s28 =	sadd.s32 $0x18, s4;
	s4 =	sadd.s32 $0x18, s3;
	s26 =	rddreg [dreg:$0x7]  }
0xe6: {  	[tilespmem:s8], [sflag:$0x6] =	stream.linear.gather [hbm4b:s28+s5], $0x40, $0x38;
	[tilespmem:$0x1E1C0] =	vst v63  }
0xe7: {  	s9 =	simm.s32 $0x1B3C0;
	s3 =	sadd.s32 s1, s26;
	s8 =	smov.u32 s12  }
0xe8: {  	s1 =	simm.s32 $0x1B400  }
0xe9: {  	[tilespmem:s1], [sflag:$0x7] =	stream.linear.gather [hbm4b:s4+s5], $0x40, $0x38;
	[tilespmem:$0x1E1C0] =	vst v63  }
0xea: {  	s12 =	simm.s32 $0x1B440  }
0xeb: {  	[tilespmem:s12], [sflag:$0x8] =	stream.linear.gather [hbm4b:s3+s5], $0x40, $0x38;
	[tilespmem:$0x1E1C0] =	vst v63  }
0xec: {  	_ =	swait.ge [sflag:s19], $0x40  }
0xed: {  	[sflag:s19] =	ssyncset.done $0x0  }
0xee: {  	[sflag:s19] =	ssyncadd.s32 $0xFFFFFFC0  }
0xef: {  	_ =	swait.ge [sflag:s20], $0x40  }
0xf0: {  	[sflag:s20] =	ssyncset.done $0x0  }
0xf1: {  	[sflag:s20] =	ssyncadd.s32 $0xFFFFFFC0  }
0xf2: {  	_ =	swait.ge [sflag:s21], $0x40  }
0xf3: {  	[sflag:s21] =	ssyncset.done $0x0  }
0xf4: {  	[sflag:s21] =	ssyncadd.s32 $0xFFFFFFC0  }
0xf5: {  	_ =	swait.ge [sflag:s22], $0x40  }
0xf6: {  	[sflag:s22] =	ssyncset.done $0x0  }
0xf7: {  	[sflag:s22] =	ssyncadd.s32 $0xFFFFFFC0  }
0xf8: {  	s13 =	simm.s32 $0x1B480;
	s0 =	rddreg [dreg:$0x0]  }
0xf9: {  	[tilespmem:s13], [sflag:$0x3] =	stream.indirect.gather [hbm4b:s0+s11], $0x80, s2, s11, $0xb8;
	[tilespmem:$0x1E1C0] =	vst v63  }
0xfa: {  	s7 =	simm.s32 $0x1D480;
	s14 =	simm.s32 $0x1  }
0xfb: {  	[tilespmem:s7], [sflag:$0x4] =	stream.indirect.gather [hbm4b:s6+s11], $0x10, s1, s11, $0xb8;
	[tilespmem:$0x1E1C0] =	vst v63  }
0xfc: {  	_ =	swait.ge [sflag:s14], $0x2000  }
0xfd: {  	[sflag:s14] =	ssyncset.done $0x0  }
0xfe: {  	s18 =	simm.s32 $0x2;
	[sflag:s14] =	ssyncadd.s32 $0xFFFFE000  }
0xff: {  	_ =	swait.ge [sflag:s18], $0x400  }
0x100: {  	[sflag:s18] =	ssyncset.done $0x0  }
0x101: {  	[sflag:s18] =	ssyncadd.s32 $0xFFFFFC00  }
0x102: {  	s1 =	rddreg [dreg:$0x2]  }
0x103: {  	[spmem:s1] =	stream.indirect.scatter.add.f32 [tilespmem:s23], [sflag:$0xA], $0x80, s15, s11, $0xb8;
	[tilespmem:$0x1E1C0] =	vst v63  }
0x104: {  	_ =	swait.ge [sflag:s31], $0x2000  }
0x105: {  	[sflag:s31] =	ssyncset.done $0x0  }
0x106: {  	[sflag:s31] =	ssyncadd.s32 $0xFFFFE000  }
0x107: {  	s23 =	rddreg [dreg:$0x3]  }
0x108: {  	[spmem:s23] =	stream.indirect.scatter.add.f32 [tilespmem:s24], [sflag:$0xA], $0x10, s17, s11, $0xb8;
	[tilespmem:$0x1E1C0] =	vst v63  }
0x109: {  	_ =	swait.ge [sflag:s31], $0x400  }
0x10a: {  	[sflag:s31] =	ssyncset.done $0x0  }
0x10b: {  	s10 =	simm.s32 $0x3;
	[sflag:s31] =	ssyncadd.s32 $0xFFFFFC00  }
0x10c: {  	_ =	swait.ge [sflag:s10], $0x2000  }
0x10d: {  	[sflag:s10] =	ssyncset.done $0x0  }
0x10e: {  	s24 =	simm.s32 $0x4;
	[sflag:s10] =	ssyncadd.s32 $0xFFFFE000  }
0x10f: {  	_ =	swait.ge [sflag:s24], $0x400  }
0x110: {  	[sflag:s24] =	ssyncset.done $0x0  }
0x111: {  	[sflag:s24] =	ssyncadd.s32 $0xFFFFFC00  }
0x112: {  	[spmem:s1] =	stream.indirect.scatter.add.f32 [tilespmem:s13], [sflag:$0xA], $0x80, s9, s11, $0xb8;
	[tilespmem:$0x1E1C0] =	vst v63  }
0x113: {  	_ =	swait.ge [sflag:s31], $0x2000  }
0x114: {  	[sflag:s31] =	ssyncset.done $0x0  }
0x115: {  	[sflag:s31] =	ssyncadd.s32 $0xFFFFE000  }
0x116: {  	[spmem:s23] =	stream.indirect.scatter.add.f32 [tilespmem:s7], [sflag:$0xA], $0x10, s12, s11, $0xb8;
	[tilespmem:$0x1E1C0] =	vst v63  }
0x117: {  	_ =	swait.ge [sflag:s31], $0x400  }
0x118: {  	[sflag:s31] =	ssyncset.done $0x0  }
0x119: {  	s26 =	simm.s32 $0x1D880;
	s25 =	rddreg [dreg:$0x19];
	[sflag:s31] =	ssyncadd.s32 $0xFFFFFC00  }
0x11a: {  	[tilespmem:s26], [sflag:$0xA] =	stream.linear.gather [hbm4b:s25+s5], $0x10, $0x38;
	[tilespmem:$0x1E1C0] =	vst v63  }
0x11b: {  	_ =	swait.ge [sflag:s31], $0x10  }
0x11c: {  	[sflag:s31] =	ssyncset.done $0x0  }
0x11d: {  	s30 =	simm.s32 $0x1D890;
	s28 =	rddreg [dreg:$0x10];
	[sflag:s31] =	ssyncadd.s32 $0xFFFFFFF0  }
0x11e: {  	[tilespmem:s30], [sflag:$0xA] =	stream.linear.gather [hbm4b:s28+s5], $0x10, $0x38;
	[tilespmem:$0x1E1C0] =	vst v63  }
0x11f: {  	_ =	swait.ge [sflag:s31], $0x10  }
0x120: {  	[sflag:s31] =	ssyncset.done $0x0  }
0x121: {  	s10 =	simm.s32 $0x1D8A0;
	s9 =	rddreg [dreg:$0xf];
	[sflag:s31] =	ssyncadd.s32 $0xFFFFFFF0  }
0x122: {  	[tilespmem:s10], [sflag:$0xA] =	stream.linear.gather [hbm4b:s9+s5], $0x10, $0x38;
	[tilespmem:$0x1E1C0] =	vst v63  }
0x123: {  	_ =	swait.ge [sflag:s31], $0x10  }
0x124: {  	[sflag:s31] =	ssyncset.done $0x0  }
0x125: {  	s14 =	simm.s32 $0x1D8B0;
	s13 =	rddreg [dreg:$0x1a];
	[sflag:s31] =	ssyncadd.s32 $0xFFFFFFF0  }
0x126: {  	[tilespmem:s14], [sflag:$0xA] =	stream.linear.gather [hbm4b:s13+s5], $0x10, $0x38;
	[tilespmem:$0x1E1C0] =	vst v63  }
0x127: {  	_ =	swait.ge [sflag:s31], $0x10  }
0x128: {  	s15 =	simm.s32 $0x10;
	[sflag:s31] =	ssyncset.done $0x0  }
0x129: {  	s17 =	simm.s32 $0x9;
	s12 =	simm.s32 $0x1D8C0;
	[sflag:s31] =	ssyncadd.s32 $0xFFFFFFF0  }
0x12a: {  	[tilespmem:s12], [sflag:$0x9] =	stream.indirect.gather [hbm4b:s0+s15], $0x80, s26, s15, $0xb8;
	[tilespmem:$0x1E1C0] =	vst v63  }
0x12b: {  	_ =	swait.ge [sflag:s17], $0x800  }
0x12c: {  	[sflag:s17] =	ssyncset.done $0x0  }
0x12d: {  	[sflag:s17] =	ssyncadd.s32 $0xFFFFF800  }
0x12e: {  	[spmem:s1] =	stream.indirect.scatter.add.f32 [tilespmem:s12], [sflag:$0xA], $0x80, s30, s15, $0xb8;
	[tilespmem:$0x1E1C0] =	vst v63  }
0x12f: {  	_ =	swait.ge [sflag:s31], $0x800  }
0x130: {  	[sflag:s31] =	ssyncset.done $0x0  }
0x131: {  	s18 =	simm.s32 $0x1E0C0;
	[sflag:s31] =	ssyncadd.s32 $0xFFFFF800  }
0x132: {  	[tilespmem:s18], [sflag:$0x9] =	stream.indirect.gather [hbm4b:s6+s15], $0x10, s10, s15, $0xb8;
	[tilespmem:$0x1E1C0] =	vst v63  }
0x133: {  	_ =	swait.ge [sflag:s17], $0x100  }
0x134: {  	[sflag:s17] =	ssyncset.done $0x0  }
0x135: {  	[sflag:s17] =	ssyncadd.s32 $0xFFFFFF00  }
0x136: {  	[spmem:s23] =	stream.indirect.scatter.add.f32 [tilespmem:s18], [sflag:$0xA], $0x10, s14, s15, $0xb8;
	[tilespmem:$0x1E1C0] =	vst v63  }
0x137: {  	_ =	swait.ge [sflag:s31], $0x100  }
0x138: {  	[sflag:s31] =	ssyncset.done $0x0  }
0x139: {  	[sflag:s31] =	ssyncadd.s32 $0xFFFFFF00  }
0x13a: {  	[bflag:$0x0] =	sbarrier.arrive $0xFFFF  }
0x13b: {  	s24 =	sld [smem:$0x7FC]  }
0x13c: {  	s7 =	rddreg [dreg:$0x13]  }
0x13d: {  	s23 =	rddreg [dreg:$0x1b]  }
0x13e: {  	[hbm:s23], [sflag:s7] =	dma.local [spmem:s24], $0x2800  }
0x13f: {  	_ =	swait.ge [sflag:s31], $0x2800  }
0x140: {  	s26 =	sld [smem:$0x7FD]  }
0x141: {  	[sflag:s31] =	ssyncset.done $0x0  }
0x142: {  	s25 =	rddreg [dreg:$0x1c];
	[sflag:s31] =	ssyncadd.s32 $0xFFFFD800  }
0x143: {  	[hbm:s25], [sflag:s7] =	dma.local [spmem:s26], $0x9D0  }
0x144: {  	_ =	swait.ge [sflag:s31], $0x9D0  }
0x145: {  	s28 =	rddreg [dreg:$0x1f]  }
0x146: {  	s30 =	rddreg [dreg:$0x1d];
	s1 =	sadd.s32 $0x1, s28  }
0x147: {  	p0 =	sne.s32 s1, s30  }
.Ltmp1:
0x148: {  	_ = 	snop;
	(pc) =	sbr.rel @p0 .LBB2_1-.Ltmp1, $3  }
0x149: {  	_ =	sdelay $0x1  }
0x14a: {  	[sflag:s31] =	ssyncset.done $0x0  }
0x14b: {  	s12 =	simm.s32 $0x18E80;
	s9 =	rddreg [dreg:$0x9];
	[sflag:s31] =	ssyncadd.s32 $0xFFFFF630  }
0x14c: {  	_ =	sfence.sel $0x180000  }
0x14d: {  	[bflag:$0x0] =	sbarrier.arrive $0xFFFF  }
0x14e: {  	_ =	strace $0x90000047  }
0x14f: {  	s0 =	stileid.u32;
	[bflag:$0x2] =	sbarrier.arrive $0xFFFF  }
0x150: {  	p0 =	sne.s32 s0, $0x0;
	s0 =	rddreg [dreg:$0x4]  }
0x151: {  	s0 =	sadd.s32 @!p0 $0x100000, s0  }
0x152: {  	[sflag:s0] =	ssyncadd.tile.s32 @!p0 $0x1;
	_ =	shalt  }
.Lfunc_end2:
_tile_overlayer_lowered:
.L_overlay_start_2:
0x153: {  	(tag) =	ssettag $0x2  }
0x154: {  	s0 =	rddreg [dreg:$0x0];
	s2 =	stileid.u32  }
0x155: {  	s1 =	rddreg [dreg:$0x1];
	p0 =	sne.s32 s2, $0x0  }
0x156: {  	s3 =	rddreg [dreg:$0x2];
	[bflag:$0x3] =	sbarrier.arrive $0xFFFF;
	s2 =	simm.s32 @!p0 $0x1C0A  }
0x157: {  	[timem:s3], [sflag:s2] =	dma.local @!p0 [hbm:s0], s1  }
0x158: {  	s0 =	simm.s32 @!p0 $0xA  }
0x159: {  	_ =	swait.ge @!p0 [sflag:s0], s1  }
0x15a: {  	s1 =	ssub.s32 @!p0 $0x0, s1;
	[sflag:s0] =	ssyncset.done @!p0 $0x0  }
0x15b: {  	[sflag:s0] =	ssyncadd.s32 @!p0 s1  }
0x15c: {  	[bflag:$0x3] =	sbarrier.arrive $0xFFFF  }
0x15d: {  	_ =	shalt  }

// kernel: kernel.16.cloned.1.call-start
scs
__scs_entry_jumppad:
0x0: {  	(pc) =	sbr.rel $0x88, $3  }
0x1: {  	(tag) =	ssettag $0x0;
	lr =	simm.s32 $0x1  }
0x2: {  	[smem:$0x3F93] =	sst lr;
	_ =	strace $0xD0000000  }
0x3: {  	_ = 	snop  }
0x4: {  	_ = 	snop  }
0x5: {  	_ = 	snop  }
0x6: {  	_ = 	snop  }
0x7: {  	_ = 	snop  }
__scs_overlays_trampoline_lowered:
0x8: {  	[smem:$0x3FA2] =	sst s0  }
0x9: {  	[smem:$0x3FA3] =	sst s1  }
0xa: {  	[smem:$0x3FA4] =	sst s2  }
0xb: {  	[smem:$0x3FA5] =	sst s3  }
0xc: {  	[smem:$0x3FA6] =	sst s4  }
0xd: {  	[smem:$0x3FA7] =	sst s5  }
0xe: {  	[smem:$0x3FA8] =	sst s6  }
0xf: {  	[smem:$0x3FA9] =	sst s7  }
0x10: {  	[smem:$0x3FAA] =	sst s8  }
0x11: {  	[smem:$0x3FAB] =	sst s9;
	s0 =	simm.s32 @!p0 $0x0  }
0x12: {  	s1 =	sld [smem:$0x3F91];
	s0 =	simm.s32 @p0 $0x1  }
0x13: {  	[smem:$0x3FAC] =	sst s0;
	s0 =	simm.s32 @!p1 $0x0  }
0x14: {  	s2 =	sld [smem:$0x3F90];
	s0 =	simm.s32 @p1 $0x1  }
0x15: {  	[smem:$0x3FAD] =	sst s0;
	s0 =	simm.s32 @!p2 $0x0  }
0x16: {  	s3 =	sld [smem:$0x3FDB];
	s0 =	simm.s32 @p2 $0x1  }
0x17: {  	s4 =	simm.s32 $0x1BF5;
	[smem:$0x3FAF] =	sst s0  }
0x18: {  	s0 =	sld [smem:$0x3F92];
	_ =	swait.ge [sflag:s4], $0x0  }
0x19: {  	s7 =	sld [smem:$0x3F93]  }
0x1a: {  	s8 =	sadd.s32 $0xFFFFE003, lr  }
0x1b: {  	s9 =	sadd.s32 $0xFFFFFEF7, lr;
	s5 =	simm.s32 $0xFFFFFFFF;
	p2 =	slt.u32 s8, $0xFFFFF086  }
0x1c: {  	p1 =	slt.u32 s9, $0xF7A;
	s5 =	simm.s32 @!p2 $0x0  }
0x1d: {  	s5 =	simm.s32 @p1 $0x1;
	p0 =	seq.s32 s7, s2  }
0x1e: {  	s7 =	smul.u32 @!p0 $0xF7A, s2;
	p2 =	seq.s32 @!p0 s5, $0x0  }
0x1f: {  	s9 =	smul.u32 $0xF7A, s1;
	s8 =	simm.s32 @!p0 $0x1BF5;
	p2 =	por !p2, p0  }
0x20: {  	[sflag:s8] =	ssyncset.s32 @!p0 $0xFFFFF086;
	s6 =	sadd.s32 @!p0 s3, s7;
	s7 =	simm.s32 @!p0 $0x108  }
0x21: {  	s3 =	sadd.s32 s3, s9;
	s6 =	sadd.s32 @!p0 $0x88, s6;
	s7 =	simm.s32 @p2 $0x1082  }
0x22: {  	[simem:s7], [sflag:s8] =	dma.local @!p0 [hbm:s6], $0xF7A  }
0x23: {  	s9 =	sor.u32 $0xD0000000, s2;
	s6 =	simm.s32 $0x108;
	_ =	swait.ge @!p0 [sflag:s8], $0x0  }
0x24: {  	s3 =	sadd.s32 $0x88, s3;
	s6 =	simm.s32 @!p1 $0x1082;
	[sflag:s4] =	ssyncset.s32 $0xFFFFF086  }
0x25: {  	[simem:s6], [sflag:s4] =	dma.local [hbm:s3], $0xF7A  }
0x26: {  	[smem:$0x3F93] =	sst s1;
	(tag) =	ssettag s2;
	_ =	strace s9  }
0x27: {  	s1 =	sld [smem:$0x3FA3]  }
0x28: {  	s2 =	sld [smem:$0x3FA4]  }
0x29: {  	s4 =	sld [smem:$0x3FA6]  }
0x2a: {  	p0 =	seq.s32 s5, $0x0;
	s5 =	sld [smem:$0x3FA7]  }
0x2b: {  	s6 =	sld [smem:$0x3FA8]  }
0x2c: {  	s7 =	sld [smem:$0x3FA9]  }
0x2d: {  	s3 =	simm.s32 $0x108;
	s8 =	sld [smem:$0x3FAA]  }
0x2e: {  	s3 =	simm.s32 @!p0 $0x1082;
	s9 =	sld [smem:$0x3FAB]  }
0x2f: {  	lr =	sadd.s32 s0, s3;
	s0 =	sld [smem:$0x3FA2]  }
0x30: {  	s3 =	sld [smem:$0x3FA5]  }
0x31: {  	[smem:$0x3FAE] =	sst s10  }
0x32: {  	s10 =	sld [smem:$0x3FAC];
	_ =	sdelay $0x3  }
0x33: {  	p0 =	seq.s32 s10, $0x1;
	s10 =	sld [smem:$0x3FAE];
	_ =	sdelay $0x3  }
0x34: {  	[smem:$0x3FAE] =	sst s10  }
0x35: {  	s10 =	sld [smem:$0x3FAD];
	_ =	sdelay $0x3  }
0x36: {  	p1 =	seq.s32 s10, $0x1;
	s10 =	sld [smem:$0x3FAE];
	_ =	sdelay $0x3  }
0x37: {  	[smem:$0x3FAE] =	sst s10  }
0x38: {  	s10 =	sld [smem:$0x3FAF]  }
0x39: {  	_ = 	snop;
	(pc) =	sbr.ind lr, $3  }
0x3a: {  	_ = 	snop  }
0x3b: {  	_ = 	snop  }
0x3c: {  	p2 =	seq.s32 s10, $0x1;
	s10 =	sld [smem:$0x3FAE]  }
0x3d: {  	_ =	shalt  }
0x3e: {  	_ =	shalt  }
0x3f: {  	_ =	shalt  }
0x40: {  	_ =	shalt  }
0x41: {  	_ =	shalt  }
0x42: {  	_ =	shalt  }
0x43: {  	_ =	shalt  }
0x44: {  	_ =	shalt  }
0x45: {  	_ =	shalt  }
0x46: {  	_ =	shalt  }
0x47: {  	_ =	shalt  }
0x48: {  	_ =	shalt  }
0x49: {  	_ =	shalt  }
0x4a: {  	_ =	shalt  }
0x4b: {  	_ =	shalt  }
0x4c: {  	_ =	shalt  }
0x4d: {  	_ =	shalt  }
0x4e: {  	_ =	shalt  }
0x4f: {  	_ =	shalt  }
0x50: {  	_ =	shalt  }
0x51: {  	_ =	shalt  }
0x52: {  	_ =	shalt  }
0x53: {  	_ =	shalt  }
0x54: {  	_ =	shalt  }
0x55: {  	_ =	shalt  }
0x56: {  	_ =	shalt  }
0x57: {  	_ =	shalt  }
0x58: {  	_ =	shalt  }
0x59: {  	_ =	shalt  }
0x5a: {  	_ =	shalt  }
0x5b: {  	_ =	shalt  }
0x5c: {  	_ =	shalt  }
0x5d: {  	_ =	shalt  }
0x5e: {  	_ =	shalt  }
0x5f: {  	_ =	shalt  }
0x60: {  	_ =	shalt  }
0x61: {  	_ =	shalt  }
0x62: {  	_ =	shalt  }
0x63: {  	_ =	shalt  }
0x64: {  	_ =	shalt  }
0x65: {  	_ =	shalt  }
0x66: {  	_ =	shalt  }
0x67: {  	_ =	shalt  }
0x68: {  	_ =	shalt  }
0x69: {  	_ =	shalt  }
0x6a: {  	_ =	shalt  }
0x6b: {  	_ =	shalt  }
0x6c: {  	_ =	shalt  }
0x6d: {  	_ =	shalt  }
0x6e: {  	_ =	shalt  }
0x6f: {  	_ =	shalt  }
0x70: {  	_ =	shalt  }
0x71: {  	_ =	shalt  }
0x72: {  	_ =	shalt  }
0x73: {  	_ =	shalt  }
0x74: {  	_ =	shalt  }
0x75: {  	_ =	shalt  }
0x76: {  	_ =	shalt  }
0x77: {  	_ =	shalt  }
0x78: {  	_ =	shalt  }
0x79: {  	_ =	shalt  }
0x7a: {  	_ =	shalt  }
0x7b: {  	_ =	shalt  }
0x7c: {  	_ =	shalt  }
0x7d: {  	_ =	shalt  }
0x7e: {  	_ =	shalt  }
0x7f: {  	_ =	shalt  }
0x80: {  	_ =	shalt  }
0x81: {  	_ =	shalt  }
0x82: {  	_ =	shalt  }
0x83: {  	_ =	shalt  }
0x84: {  	_ =	shalt  }
0x85: {  	_ =	shalt  }
0x86: {  	_ =	shalt  }
0x87: {  	_ =	shalt  }
.Lfunc_end0:
.L_simem_size_0:
called_computation.2_lowered:
.L_overlay_start_0:
0x88: {  	s2 =	sld [smem:$0x3FD9]  }
0x89: {  	s3 =	sld [smem:$0x3FFE];
	_ =	sdelay $0x1  }
0x8a: {  	s1 =	srdreg.scid  }
0x8b: {  	s0 =	sand.u32 $0x1, s1  }
0x8c: {  	s17 =	sshll.u32 s0, $0xA;
	s2 =	sadd.s32 s3, s2  }
0x8d: {  	s2 =	sadd.s32 s2, s17  }
0x8e: {  	[smem:$0x3FBA] =	sst s2  }
0x8f: {  	_ = 	snop  }
0x90: {  	s2 =	sld [smem:$0x3FD0];
	(tm) =	ssettm $0x1  }
0x91: {  	s18 =	sld [smem:$0x3FFB];
	_ =	sdelay $0x3  }
0x92: {  	_ =	strace s18  }
0x93: {  	s3 =	sld [smem:$0x3FFC];
	_ =	sdelay $0x3  }
0x94: {  	_ =	strace s3  }
0x95: {  	s3 =	sld [smem:$0x3FFD];
	_ =	sdelay $0x3  }
0x96: {  	_ =	strace s3  }
0x97: {  	_ =	strace $0x8FFFFFFF  }
0x98: {  	s19 =	sld [smem:$0x3FDB];
	_ =	sdelay $0x1  }
0x99: {  	s4 =	simm.s32 $_scs_section_size  }
0x9a: {  	s5 =	simm.s32 $_size__tile_overlayer_lowered;
	s6 =	simm.s32 $_tile_overlayer_lowered  }
0x9b: {  	s22 =	simm.s32 $0x1BFF;
	s21 =	sshll.u32 s6, $0x1;
	s3 =	sadd.s32 s4, s19  }
0x9c: {  	s7 =	simm.s32 $0x0;
	s20 =	sshll.u32 s5, $0x1;
	s5 =	sadd.s32 s21, s3  }
0x9d: {  	[timem:s7], [sflag:s22] =	dma.local [hbm:s5], s20  }
0x9e: {  	_ =	swait.ge [sflag:s22], s20  }
0x9f: {  	s4 =	ssub.s32 $0x0, s20;
	[sflag:s22] =	ssyncset.done $0x0  }
0xa0: {  	[sflag:s22] =	ssyncadd.s32 s4;
	_ =	sdelay $0x1  }
0xa1: {  	s23 =	simm.s32 $0x1B8B  }
0xa2: {  	_ =	swait.ge [sflag:s23], $0x1  }
0xa3: {  	[sflag:s23] =	ssyncset.done $0x0  }
0xa4: {  	s25 =	simm.s32 $0x1B8E;
	s24 =	sld [smem:$0x3FFE];
	[sflag:s23] =	ssyncadd.s32 $0xFFFFFFFF  }
0xa5: {  	s26 =	simm.s32 $execute0_lowered;
	[smem:$0x3FD2] =	sst s25  }
0xa6: {  	s5 =	sshll.u32 s26, $0x1;
	_ =	strace $0x8000004C;
	[dreg:$0x1] =	wrdreg $0xFFFFFFFF  }
0xa7: {  	s28 =	simm.s32 $_size_execute0_lowered;
	s3 =	sadd.s32 s3, s5;
	[dreg:$0x0] =	wrdreg $0x0  }
0xa8: {  	s5 =	sshll.u32 s28, $0x1;
	[dreg:$0x2] =	wrdreg s3  }
0xa9: {  	[dreg:$0x3] =	wrdreg s5  }
0xaa: {  	[dreg:$0x4] =	wrdreg $0xC0  }
0xab: {  	_ =	task [dreg:s7], $0x5FFFF  }
0xac: {  	[dreg:$0x1] =	wrdreg $0xFFFFFFFF  }
0xad: {  	[dreg:$0x0] =	wrdreg $0x60  }
0xae: {  	[dreg:$0x2] =	wrdreg s2  }
0xaf: {  	[dreg:$0x3] =	wrdreg s24  }
0xb0: {  	[dreg:$0x4] =	wrdreg $0x0  }
0xb1: {  	[dreg:$0x5] =	wrdreg $0x140000  }
0xb2: {  	[dreg:$0x6] =	wrdreg $0x9  }
0xb3: {  	_ =	task.clear_ibuf [dreg:s7], $0x7FFFF;
	_ =	strace $0x9000004C  }
0xb4: {  	s29 =	simm.s32 $0x9;
	_ =	strace $0x8000004E  }
0xb5: {  	_ =	swait.ge [sflag:s29], $0x1  }
0xb6: {  	[sflag:s29] =	ssyncadd.s32 $0xFFFFFFFF  }
0xb7: {  	_ =	strace $0x9000004E  }
0xb8: {  	_ =	sfence  }
0xb9: {  	s30 =	sld [smem:$0x0];
	_ =	sdelay $0x2  }
0xba: {  	s31 =	sshll.u32 s1, $0xD;
	s1 =	sshrl.u32 s1, $0x2  }
0xbb: {  	s3 =	sand.u32 $0x4000, s31;
	s1 =	sadd.s32 s1, s30  }
0xbc: {  	s0 =	sor.u32 s3, s0;
	s1 =	sshll.u32 s1, $0x11  }
0xbd: {  	s0 =	sor.u32 s1, s0  }
0xbe: {  	s0 =	sadd.s32 $0x8F2B, s0  }
0xbf: {  	[sflag:s0] =	ssyncadd.remote.s32 $0x1  }
0xc0: {  	_ =	sfence.sel $0xFFFF  }
0xc1: {  	[dreg:$0x0] =	wrdreg $0xFFFFFFFF;
	(pc) =	sbr.abs _section_cstart, $3  }
0xc2: {  	[dreg:$0x1] =	wrdreg $0xFFFFFFFF  }
0xc3: {  	_ =	task.clear_ibuf [dreg:s7], $0x2FFFF;
	_ =	strace $0x9FFFFFFF  }
0xc4: {  	(tm) =	ssettm $0x7FFFFFFF  }
0xc5: {  	_ =	shalt  }
tec
execute0_lowered:
.L_overlay_start_1:
0x0: {  	(tag) =	ssettag $0x1  }
0x1: {  	s0 =	rddreg [dreg:$0x1]  }
0x2: {  	s8 =	rddreg [dreg:$0x2]  }
0x3: {  	s18 =	rddreg [dreg:$0x3];
	s7 =	stileid.u32  }
0x4: {  	s1 =	srdreg.scid;
	s5 =	simm.s32 $0x0;
	s2 =	smul.u32 $0x2800, s7  }
0x5: {  	s1 =	sand.u32 $0x1, s1;
	[smem:$0x7FF] =	sst s5;
	s4 =	smul.u32 $0x9D0, s7  }
0x6: {  	s6 =	sadd.s32 $0x54E00, s0;
	s19 =	sadd.s32 $0x72800, s0;
	s12 =	smul.u32 $0x2710, s7  }
0x7: {  	s9 =	sadd.s32 $0x68800, s0;
	s11 =	sadd.s32 $0x6D800, s0;
	s16 =	smul.u32 $0x4E2, s7  }
0x8: {  	s20 =	sadd.s32 $0x7C600, s0;
	s13 =	sadd.s32 $0x86400, s0;
	s3 =	smul.u32 $0x28000, s1  }
0x9: {  	_ =	strace $0x8000004D;
	s10 =	smul.u32 $0x9D00, s1;
	s30 =	ssub.s32 $0x2, s1  }
0xa: {  	[dreg:$0xa] =	wrdreg s13;
	s1 =	smul.u32 $0x27100, s1;
	s17 =	sshrl.u32 s30, $0x1  }
0xb: {  	s14 =	sshrl.u32 s12, $0x3;
	s15 =	sadd.s32 $0x40, s12;
	s23 =	sadd.s32 s16, s11  }
0xc: {  	s2 =	sadd.s32 s2, s3;
	s10 =	sadd.s32 s4, s10;
	s4 =	ssub.s32 s30, s17  }
0xd: {  	s13 =	sadd.s32 s12, s1;
	s17 =	sadd.s32 s9, s14;
	[dreg:$0x5] =	wrdreg s23  }
0xe: {  	s14 =	sadd.s32 s11, s14;
	s22 =	sadd.s32 s1, s15;
	[dreg:$0xb] =	wrdreg s17  }
0xf: {  	s15 =	sshrl.u32 s15, $0x3;
	s12 =	sadd.s32 $0x2700, s12;
	[dreg:$0xc] =	wrdreg s14  }
0x10: {  	s1 =	sadd.s32 s1, s12;
	s12 =	sshrl.u32 s12, $0x3;
	s24 =	sadd.s32 s9, s15  }
0x11: {  	s15 =	sadd.s32 s11, s15;
	s2 =	sadd.s32 s2, s0;
	[dreg:$0xd] =	wrdreg s24  }
0x12: {  	s3 =	sadd.s32 s10, s0;
	s0 =	sadd.s32 $0x88C00, s0;
	[dreg:$0xe] =	wrdreg s15  }
0x13: {  	s21 =	smul.u32 $0x50000, s7;
	s11 =	sadd.s32 s11, s12;
	[dreg:$0x11] =	wrdreg s0  }
0x14: {  	s31 =	simm.s32 $0xA;
	s25 =	sadd.s32 s9, s12;
	[dreg:$0xf] =	wrdreg s11  }
0x15: {  	s10 =	sshrl.u32 s21, $0x2;
	s9 =	sadd.s32 s16, s9;
	[dreg:$0x10] =	wrdreg s25  }
0x16: {  	s21 =	sshrl.u32 s22, $0x3;
	s10 =	sadd.s32 s10, s8;
	[dreg:$0x6] =	wrdreg s9  }
0x17: {  	s29 =	simm.s32 $0x1D480;
	s22 =	sadd.s32 s19, s21;
	[dreg:$0x12] =	wrdreg s10  }
0x18: {  	s15 =	sshrl.u32 s13, $0x3;
	s0 =	sadd.s32 s20, s21;
	[dreg:$0x17] =	wrdreg s22  }
0x19: {  	s1 =	sshrl.u32 s1, $0x3;
	s17 =	sadd.s32 s19, s15;
	[dreg:$0x18] =	wrdreg s0  }
0x1a: {  	s30 =	smul.u32 $0x13A00, s7;
	s23 =	sadd.s32 s19, s1;
	[dreg:$0x15] =	wrdreg s17  }
0x1b: {  	s26 =	sadd.s32 $0xC0, s13;
	s24 =	sadd.s32 s20, s1;
	[dreg:$0x19] =	wrdreg s23  }
0x1c: {  	s12 =	sshll.u32 s7, $0x6;
	s25 =	sadd.s32 $0x89600, s2;
	[dreg:$0x1a] =	wrdreg s24  }
0x1d: {  	s11 =	sshrl.u32 s26, $0x3;
	s26 =	sadd.s32 $0xD9600, s3;
	[dreg:$0x1b] =	wrdreg s25  }
0x1e: {  	s9 =	sshrl.u32 s30, $0x2;
	s30 =	sadd.s32 $0x80, s13;
	[dreg:$0x1c] =	wrdreg s26  }
0x1f: {  	s8 =	smov.u32 s19;
	s7 =	sor.u32 $0x1C0A, s12;
	[dreg:$0x1e] =	wrdreg s30  }
0x20: {  	s21 =	simm.s32 $0x7;
	s28 =	sadd.s32 s11, s20;
	[dreg:$0x13] =	wrdreg s7  }
0x21: {  	s12 =	simm.s32 $0x18E80;
	s11 =	sadd.s32 s11, s19;
	[dreg:$0x7] =	wrdreg s28  }
0x22: {  	s22 =	simm.s32 $0x8;
	s16 =	sadd.s32 s9, s18;
	[dreg:$0x8] =	wrdreg s11  }
0x23: {  	s1 =	simm.s32 $0x0;
	s18 =	sadd.s32 s20, s15;
	[dreg:$0x14] =	wrdreg s16  }
0x24: {  	s9 =	smov.u32 s20;
	s19 =	simm.s32 $0x5;
	[dreg:$0x16] =	wrdreg s18  }
0x25: {  	s20 =	simm.s32 $0x6;
	s28 =	smax.u32 s4, $0x1;
	[dreg:$0x9] =	wrdreg s9  }
0x26: {  	s16 =	simm.s32 $0x18F00;
	s11 =	simm.s32 $0x40;
	[dreg:$0x1d] =	wrdreg s28  }
.LBB2_1:
0x27: {  	[dreg:$0x1f] =	wrdreg s1  }
0x28: {  	s0 =	rddreg [dreg:$0x12]  }
0x29: {  	s14 =	rddreg [dreg:$0xa];
	s13 =	sshrl.u32 s0, $0x3  }
0x2a: {  	[smem:$0x7FC] =	sst s13  }
0x2b: {  	[spmem:s13], [sflag:s7] =	dma.local [hbm:s14], $0x2800  }
0x2c: {  	_ =	swait.ge [sflag:s31], $0x2800  }
0x2d: {  	s15 =	rddreg [dreg:$0x14]  }
0x2e: {  	[sflag:s31] =	ssyncset.done $0x0;
	s18 =	rddreg [dreg:$0x11];
	s17 =	sshrl.u32 s15, $0x3  }
0x2f: {  	[sflag:s31] =	ssyncadd.s32 $0xFFFFD800;
	[smem:$0x7FD] =	sst s17  }
0x30: {  	[spmem:s17], [sflag:s7] =	dma.local [hbm:s18], $0x9D0  }
0x31: {  	_ =	swait.ge [sflag:s31], $0x9D0  }
0x32: {  	[sflag:s31] =	ssyncset.done $0x0  }
0x33: {  	[sflag:s31] =	ssyncadd.s32 $0xFFFFF630  }
0x34: {  	[bflag:$0x0] =	sbarrier.arrive $0xFFFF  }
0x35: {  	s23 =	rddreg [dreg:$0x15]  }
0x36: {  	[tilespmem:s12], [sflag:$0xA] =	stream.linear.gather [hbm4b:s23+s5], $0x40, $0x38;
	[tilespmem:$0x1E1C0] =	vst v63  }
0x37: {  	_ =	swait.ge [sflag:s31], $0x40  }
0x38: {  	[sflag:s31] =	ssyncset.done $0x0  }
0x39: {  	s13 =	simm.s32 $0x18EC0;
	s24 =	rddreg [dreg:$0xb];
	[sflag:s31] =	ssyncadd.s32 $0xFFFFFFC0  }
0x3a: {  	[tilespmem:s13], [sflag:$0xA] =	stream.linear.gather [hbm4b:s24+s5], $0x40, $0x38;
	[tilespmem:$0x1E1C0] =	vst v63  }
0x3b: {  	_ =	swait.ge [sflag:s31], $0x40  }
0x3c: {  	[sflag:s31] =	ssyncset.done $0x0  }
0x3d: {  	s25 =	rddreg [dreg:$0xc];
	[sflag:s31] =	ssyncadd.s32 $0xFFFFFFC0  }
0x3e: {  	[tilespmem:s16], [sflag:$0xA] =	stream.linear.gather [hbm4b:s25+s5], $0x40, $0x38;
	[tilespmem:$0x1E1C0] =	vst v63  }
0x3f: {  	_ =	swait.ge [sflag:s31], $0x40  }
0x40: {  	[sflag:s31] =	ssyncset.done $0x0  }
0x41: {  	s14 =	simm.s32 $0x18F40;
	s26 =	rddreg [dreg:$0x16];
	[sflag:s31] =	ssyncadd.s32 $0xFFFFFFC0  }
0x42: {  	[tilespmem:s14], [sflag:$0xA] =	stream.linear.gather [hbm4b:s26+s5], $0x40, $0x38;
	[tilespmem:$0x1E1C0] =	vst v63  }
0x43: {  	_ =	swait.ge [sflag:s31], $0x40  }
0x44: {  	[sflag:s31] =	ssyncset.done $0x0  }
0x45: {  	[sflag:s31] =	ssyncadd.s32 $0xFFFFFFC0  }
0x46: {  	s15 =	simm.s32 $0x18F80;
	s0 =	rddreg [dreg:$0x0]  }
0x47: {  	[tilespmem:s15], [sflag:$0x1] =	stream.indirect.gather [hbm4b:s0+s11], $0x80, s12, s11, $0xb8;
	[tilespmem:$0x1E1C0] =	vst v63  }
0x48: {  	s17 =	simm.s32 $0x1AF80  }
0x49: {  	[tilespmem:s17], [sflag:$0x2] =	stream.indirect.gather [hbm4b:s6+s11], $0x10, s16, s11, $0xb8;
	[tilespmem:$0x1E1C0] =	vst v63  }
0x4a: {  	s23 =	simm.s32 $0x1B380;
	s28 =	rddreg [dreg:$0x17]  }
0x4b: {  	[tilespmem:s23], [sflag:$0x5] =	stream.linear.gather [hbm4b:s28+s5], $0x40, $0x38;
	[tilespmem:$0x1E1C0] =	vst v63  }
0x4c: {  	s24 =	simm.s32 $0x1B3C0;
	s2 =	rddreg [dreg:$0xd]  }
0x4d: {  	[tilespmem:s24], [sflag:$0x6] =	stream.linear.gather [hbm4b:s2+s5], $0x40, $0x38;
	[tilespmem:$0x1E1C0] =	vst v63  }
0x4e: {  	s3 =	rddreg [dreg:$0xe];
	s2 =	simm.s32 $0x1B400  }
0x4f: {  	[tilespmem:s2], [sflag:$0x7] =	stream.linear.gather [hbm4b:s3+s5], $0x40, $0x38;
	[tilespmem:$0x1E1C0] =	vst v63  }
0x50: {  	s25 =	simm.s32 $0x1B440;
	s4 =	rddreg [dreg:$0x18]  }
0x51: {  	[tilespmem:s25], [sflag:$0x8] =	stream.linear.gather [hbm4b:s4+s5], $0x40, $0x38;
	[tilespmem:$0x1E1C0] =	vst v63  }
0x52: {  	_ =	swait.ge [sflag:s19], $0x40  }
0x53: {  	[sflag:s19] =	ssyncset.done $0x0  }
0x54: {  	[sflag:s19] =	ssyncadd.s32 $0xFFFFFFC0  }
0x55: {  	_ =	swait.ge [sflag:s20], $0x40  }
0x56: {  	[sflag:s20] =	ssyncset.done $0x0  }
0x57: {  	[sflag:s20] =	ssyncadd.s32 $0xFFFFFFC0  }
0x58: {  	_ =	swait.ge [sflag:s21], $0x40  }
0x59: {  	[sflag:s21] =	ssyncset.done $0x0  }
0x5a: {  	[sflag:s21] =	ssyncadd.s32 $0xFFFFFFC0  }
0x5b: {  	_ =	swait.ge [sflag:s22], $0x40  }
0x5c: {  	[sflag:s22] =	ssyncset.done $0x0  }
0x5d: {  	s26 =	simm.s32 $0x1B480;
	[sflag:s22] =	ssyncadd.s32 $0xFFFFFFC0  }
0x5e: {  	[tilespmem:s26], [sflag:$0x3] =	stream.indirect.gather [hbm4b:s0+s11], $0x80, s23, s11, $0xb8;
	[tilespmem:$0x1E1C0] =	vst v63  }
0x5f: {  	s7 =	simm.s32 $0x1;
	s28 =	simm.s32 $0x1D480  }
0x60: {  	[tilespmem:s28], [sflag:$0x4] =	stream.indirect.gather [hbm4b:s6+s11], $0x10, s2, s11, $0xb8;
	[tilespmem:$0x1E1C0] =	vst v63  }
0x61: {  	_ =	swait.ge [sflag:s7], $0x2000  }
0x62: {  	[sflag:s7] =	ssyncset.done $0x0  }
0x63: {  	s10 =	simm.s32 $0x2;
	[sflag:s7] =	ssyncadd.s32 $0xFFFFE000  }
0x64: {  	_ =	swait.ge [sflag:s10], $0x400  }
0x65: {  	[sflag:s10] =	ssyncset.done $0x0  }
0x66: {  	[sflag:s10] =	ssyncadd.s32 $0xFFFFFC00  }
0x67: {  	s2 =	rddreg [dreg:$0x2]  }
0x68: {  	[spmem:s2] =	stream.indirect.scatter.add.f32 [tilespmem:s15], [sflag:$0xA], $0x80, s13, s11, $0xb8;
	[tilespmem:$0x1E1C0] =	vst v63  }
0x69: {  	_ =	swait.ge [sflag:s31], $0x2000  }
0x6a: {  	[sflag:s31] =	ssyncset.done $0x0  }
0x6b: {  	[sflag:s31] =	ssyncadd.s32 $0xFFFFE000  }
0x6c: {  	s7 =	rddreg [dreg:$0x3]  }
0x6d: {  	[spmem:s7] =	stream.indirect.scatter.add.f32 [tilespmem:s17], [sflag:$0xA], $0x10, s14, s11, $0xb8;
	[tilespmem:$0x1E1C0] =	vst v63  }
0x6e: {  	_ =	swait.ge [sflag:s31], $0x400  }
0x6f: {  	s10 =	rddreg [dreg:$0x1e]  }
0x70: {  	s3 =	rddreg [dreg:$0x6]  }
0x71: {  	[sflag:s31] =	ssyncset.done $0x0;
	s18 =	rddreg [dreg:$0x5];
	s1 =	sshrl.u32 s10, $0x3  }
0x72: {  	[sflag:s31] =	ssyncadd.s32 $0xFFFFFC00;
	s3 =	sadd.s32 $0x0, s3;
	s4 =	sadd.s32 s8, s1  }
0x73: {  	[tilespmem:s12], [sflag:$0x5] =	stream.linear.gather [hbm4b:s4+s5], $0x40, $0x38;
	[tilespmem:$0x1E1C0] =	vst v63  }
0x74: {  	s30 =	sadd.s32 $0x0, s18;
	s4 =	sadd.s32 $0x10, s3  }
0x75: {  	[tilespmem:s13], [sflag:$0x6] =	stream.linear.gather [hbm4b:s4+s5], $0x40, $0x38;
	[tilespmem:$0x1E1C0] =	vst v63  }
0x76: {  	s13 =	sadd.s32 $0x10, s30  }
0x77: {  	[tilespmem:s16], [sflag:$0x7] =	stream.linear.gather [hbm4b:s13+s5], $0x40, $0x38;
	[tilespmem:$0x1E1C0] =	vst v63  }
0x78: {  	s1 =	sadd.s32 s9, s1  }
0x79: {  	[tilespmem:s14], [sflag:$0x8] =	stream.linear.gather [hbm4b:s1+s5], $0x40, $0x38;
	[tilespmem:$0x1E1C0] =	vst v63  }
0x7a: {  	_ =	swait.ge [sflag:s19], $0x40  }
0x7b: {  	[sflag:s19] =	ssyncset.done $0x0  }
0x7c: {  	[sflag:s19] =	ssyncadd.s32 $0xFFFFFFC0  }
0x7d: {  	_ =	swait.ge [sflag:s20], $0x40  }
0x7e: {  	[sflag:s20] =	ssyncset.done $0x0  }
0x7f: {  	[sflag:s20] =	ssyncadd.s32 $0xFFFFFFC0  }
0x80: {  	_ =	swait.ge [sflag:s21], $0x40  }
0x81: {  	[sflag:s21] =	ssyncset.done $0x0  }
0x82: {  	[sflag:s21] =	ssyncadd.s32 $0xFFFFFFC0  }
0x83: {  	_ =	swait.ge [sflag:s22], $0x40  }
0x84: {  	[sflag:s22] =	ssyncset.done $0x0  }
0x85: {  	[sflag:s22] =	ssyncadd.s32 $0xFFFFFFC0  }
0x86: {  	[tilespmem:s15], [sflag:$0x1] =	stream.indirect.gather [hbm4b:s0+s11], $0x80, s12, s11, $0xb8;
	[tilespmem:$0x1E1C0] =	vst v63  }
0x87: {  	_ = 	snop  }
0x88: {  	[tilespmem:s17], [sflag:$0x2] =	stream.indirect.gather [hbm4b:s6+s11], $0x10, s16, s11, $0xb8;
	[tilespmem:$0x1E1C0] =	vst v63  }
0x89: {  	s17 =	simm.s32 $0x3  }
0x8a: {  	_ =	swait.ge [sflag:s17], $0x2000  }
0x8b: {  	[sflag:s17] =	ssyncset.done $0x0  }
0x8c: {  	s18 =	simm.s32 $0x4;
	[sflag:s17] =	ssyncadd.s32 $0xFFFFE000  }
0x8d: {  	_ =	swait.ge [sflag:s18], $0x400  }
0x8e: {  	[sflag:s18] =	ssyncset.done $0x0  }
0x8f: {  	[sflag:s18] =	ssyncadd.s32 $0xFFFFFC00  }
0x90: {  	[spmem:s2] =	stream.indirect.scatter.add.f32 [tilespmem:s26], [sflag:$0xA], $0x80, s24, s11, $0xb8;
	[tilespmem:$0x1E1C0] =	vst v63  }
0x91: {  	_ =	swait.ge [sflag:s31], $0x2000  }
0x92: {  	[sflag:s31] =	ssyncset.done $0x0  }
0x93: {  	[sflag:s31] =	ssyncadd.s32 $0xFFFFE000  }
0x94: {  	[spmem:s7] =	stream.indirect.scatter.add.f32 [tilespmem:s28], [sflag:$0xA], $0x10, s25, s11, $0xb8;
	[tilespmem:$0x1E1C0] =	vst v63  }
0x95: {  	_ =	swait.ge [sflag:s31], $0x400  }
0x96: {  	s26 =	rddreg [dreg:$0x8];
	[sflag:s31] =	ssyncset.done $0x0  }
0x97: {  	s3 =	sadd.s32 $0x18, s3;
	[sflag:s31] =	ssyncadd.s32 $0xFFFFFC00;
	s1 =	sadd.s32 $0x0, s26  }
0x98: {  	[tilespmem:s23], [sflag:$0x5] =	stream.linear.gather [hbm4b:s1+s5], $0x40, $0x38;
	[tilespmem:$0x1E1C0] =	vst v63  }
0x99: {  	s4 =	sadd.s32 $0x18, s30;
	s30 =	sadd.s32 $0x80, s10;
	s28 =	rddreg [dreg:$0x7]  }
0x9a: {  	[tilespmem:s24], [sflag:$0x6] =	stream.linear.gather [hbm4b:s3+s5], $0x40, $0x38;
	[tilespmem:$0x1E1C0] =	vst v63  }
0x9b: {  	s14 =	simm.s32 $0x18E80;
	s18 =	simm.s32 $0x10;
	s3 =	sadd.s32 $0x0, s28  }
.LBB2_2:
0x9c: {  	s0 =	simm.s32 $0x1B400  }
0x9d: {  	[tilespmem:s0], [sflag:$0x7] =	stream.linear.gather [hbm4b:s4+s5], $0x40, $0x38;
	[tilespmem:$0x1E1C0] =	vst v63  }
0x9e: {  	s26 =	simm.s32 $0x1B440  }
0x9f: {  	[tilespmem:s26], [sflag:$0x8] =	stream.linear.gather [hbm4b:s3+s5], $0x40, $0x38;
	[tilespmem:$0x1E1C0] =	vst v63  }
0xa0: {  	_ =	swait.ge [sflag:s19], $0x40  }
0xa1: {  	[sflag:s19] =	ssyncset.done $0x0  }
0xa2: {  	[sflag:s19] =	ssyncadd.s32 $0xFFFFFFC0  }
0xa3: {  	_ =	swait.ge [sflag:s20], $0x40  }
0xa4: {  	[sflag:s20] =	ssyncset.done $0x0  }
0xa5: {  	[sflag:s20] =	ssyncadd.s32 $0xFFFFFFC0  }
0xa6: {  	_ =	swait.ge [sflag:s21], $0x40  }
0xa7: {  	[sflag:s21] =	ssyncset.done $0x0  }
0xa8: {  	[sflag:s21] =	ssyncadd.s32 $0xFFFFFFC0  }
0xa9: {  	_ =	swait.ge [sflag:s22], $0x40  }
0xaa: {  	[sflag:s22] =	ssyncset.done $0x0  }
0xab: {  	[sflag:s22] =	ssyncadd.s32 $0xFFFFFFC0  }
0xac: {  	s25 =	simm.s32 $0x1B380;
	s28 =	simm.s32 $0x1B480;
	s2 =	rddreg [dreg:$0x0]  }
0xad: {  	[tilespmem:s28], [sflag:$0x3] =	stream.indirect.gather [hbm4b:s2+s11], $0x80, s25, s11, $0xb8;
	[tilespmem:$0x1E1C0] =	vst v63  }
0xae: {  	s15 =	simm.s32 $0x1  }
0xaf: {  	[tilespmem:s29], [sflag:$0x4] =	stream.indirect.gather [hbm4b:s6+s11], $0x10, s0, s11, $0xb8;
	[tilespmem:$0x1E1C0] =	vst v63  }
0xb0: {  	_ =	swait.ge [sflag:s15], $0x2000  }
0xb1: {  	[sflag:s15] =	ssyncset.done $0x0  }
0xb2: {  	s16 =	simm.s32 $0x2;
	[sflag:s15] =	ssyncadd.s32 $0xFFFFE000  }
0xb3: {  	_ =	swait.ge [sflag:s16], $0x400  }
0xb4: {  	[sflag:s16] =	ssyncset.done $0x0  }
0xb5: {  	[sflag:s16] =	ssyncadd.s32 $0xFFFFFC00  }
0xb6: {  	s24 =	simm.s32 $0x18F80;
	s16 =	simm.s32 $0x18EC0;
	s9 =	rddreg [dreg:$0x2]  }
0xb7: {  	[spmem:s9] =	stream.indirect.scatter.add.f32 [tilespmem:s24], [sflag:$0xA], $0x80, s16, s11, $0xb8;
	[tilespmem:$0x1E1C0] =	vst v63  }
0xb8: {  	_ =	swait.ge [sflag:s31], $0x2000  }
0xb9: {  	[sflag:s31] =	ssyncset.done $0x0  }
0xba: {  	[sflag:s31] =	ssyncadd.s32 $0xFFFFE000  }
0xbb: {  	s23 =	simm.s32 $0x18F40;
	s13 =	simm.s32 $0x1AF80;
	s10 =	rddreg [dreg:$0x3]  }
0xbc: {  	[spmem:s10] =	stream.indirect.scatter.add.f32 [tilespmem:s13], [sflag:$0xA], $0x10, s23, s11, $0xb8;
	[tilespmem:$0x1E1C0] =	vst v63  }
0xbd: {  	s1 =	smov.u32 s18;
	s7 =	sshrl.u32 s30, $0x3;
	_ =	swait.ge [sflag:s31], $0x400  }
0xbe: {  	s0 =	sadd.s32 s8, s7;
	[sflag:s31] =	ssyncset.done $0x0;
	s17 =	rddreg [dreg:$0x6]  }
0xbf: {  	s15 =	rddreg [dreg:$0x5];
	[sflag:s31] =	ssyncadd.s32 $0xFFFFFC00;
	s4 =	sadd.s32 s1, s17  }
0xc0: {  	[tilespmem:s14], [sflag:$0x5] =	stream.linear.gather [hbm4b:s0+s5], $0x40, $0x38;
	[tilespmem:$0x1E1C0] =	vst v63  }
0xc1: {  	s12 =	smov.u32 s8;
	s3 =	sadd.s32 s1, s15;
	s17 =	sadd.s32 $0x10, s4  }
0xc2: {  	[tilespmem:s16], [sflag:$0x6] =	stream.linear.gather [hbm4b:s17+s5], $0x40, $0x38;
	[tilespmem:$0x1E1C0] =	vst v63  }
0xc3: {  	s8 =	sadd.s32 $0x10, s3;
	s16 =	simm.s32 $0x18F00;
	s17 =	rddreg [dreg:$0x9]  }
0xc4: {  	[tilespmem:s16], [sflag:$0x7] =	stream.linear.gather [hbm4b:s8+s5], $0x40, $0x38;
	[tilespmem:$0x1E1C0] =	vst v63  }
0xc5: {  	s0 =	sadd.s32 s17, s7  }
0xc6: {  	[tilespmem:s23], [sflag:$0x8] =	stream.linear.gather [hbm4b:s0+s5], $0x40, $0x38;
	[tilespmem:$0x1E1C0] =	vst v63  }
0xc7: {  	_ =	swait.ge [sflag:s19], $0x40  }
0xc8: {  	[sflag:s19] =	ssyncset.done $0x0  }
0xc9: {  	[sflag:s19] =	ssyncadd.s32 $0xFFFFFFC0  }
0xca: {  	_ =	swait.ge [sflag:s20], $0x40  }
0xcb: {  	[sflag:s20] =	ssyncset.done $0x0  }
0xcc: {  	[sflag:s20] =	ssyncadd.s32 $0xFFFFFFC0  }
0xcd: {  	_ =	swait.ge [sflag:s21], $0x40  }
0xce: {  	[sflag:s21] =	ssyncset.done $0x0  }
0xcf: {  	[sflag:s21] =	ssyncadd.s32 $0xFFFFFFC0  }
0xd0: {  	_ =	swait.ge [sflag:s22], $0x40  }
0xd1: {  	[sflag:s22] =	ssyncset.done $0x0  }
0xd2: {  	[sflag:s22] =	ssyncadd.s32 $0xFFFFFFC0  }
0xd3: {  	[tilespmem:s24], [sflag:$0x1] =	stream.indirect.gather [hbm4b:s2+s11], $0x80, s14, s11, $0xb8;
	[tilespmem:$0x1E1C0] =	vst v63  }
0xd4: {  	s2 =	simm.s32 $0x3  }
0xd5: {  	[tilespmem:s13], [sflag:$0x2] =	stream.indirect.gather [hbm4b:s6+s11], $0x10, s16, s11, $0xb8;
	[tilespmem:$0x1E1C0] =	vst v63  }
0xd6: {  	_ =	swait.ge [sflag:s2], $0x2000  }
0xd7: {  	[sflag:s2] =	ssyncset.done $0x0  }
0xd8: {  	s7 =	simm.s32 $0x4;
	[sflag:s2] =	ssyncadd.s32 $0xFFFFE000  }
0xd9: {  	_ =	swait.ge [sflag:s7], $0x400  }
0xda: {  	[sflag:s7] =	ssyncset.done $0x0  }
0xdb: {  	s8 =	simm.s32 $0x1B3C0;
	[sflag:s7] =	ssyncadd.s32 $0xFFFFFC00  }
0xdc: {  	[spmem:s9] =	stream.indirect.scatter.add.f32 [tilespmem:s28], [sflag:$0xA], $0x80, s8, s11, $0xb8;
	[tilespmem:$0x1E1C0] =	vst v63  }
0xdd: {  	p0 =	sne.s32 s18, $0x4C0;
	_ =	swait.ge [sflag:s31], $0x2000  }
0xde: {  	s18 =	sadd.s32 $0x10, s18;
	s30 =	sadd.s32 $0x80, s30;
	[sflag:s31] =	ssyncset.done $0x0  }
0xdf: {  	s15 =	simm.s32 $0x18EC0;
	s17 =	simm.s32 $0x18F40;
	[sflag:s31] =	ssyncadd.s32 $0xFFFFE000  }
0xe0: {  	[spmem:s10] =	stream.indirect.scatter.add.f32 [tilespmem:s29], [sflag:$0xA], $0x10, s26, s11, $0xb8;
	[tilespmem:$0x1E1C0] =	vst v63  }
0xe1: {  	s23 =	simm.s32 $0x18F80;
	s24 =	simm.s32 $0x1AF80;
	_ =	swait.ge [sflag:s31], $0x400  }
0xe2: {  	s2 =	simm.s32 $0x1B380;
	[sflag:s31] =	ssyncset.done $0x0;
	s10 =	rddreg [dreg:$0x8]  }
.Ltmp0:
0xe3: {  	[sflag:s31] =	ssyncadd.s32 $0xFFFFFC00;
	s0 =	sadd.s32 s1, s10;
	(pc) =	sbr.rel @p0 .LBB2_2-.Ltmp0, $4  }
0xe4: {  	[tilespmem:s25], [sflag:$0x5] =	stream.linear.gather [hbm4b:s0+s5], $0x40, $0x38;
	[tilespmem:$0x1E1C0] =	vst v63  }
0xe5: {  	s28 =	sadd.s32 $0x18, s4;
	s4 =	sadd.s32 $0x18, s3;
	s26 =	rddreg [dreg:$0x7]  }
0xe6: {  	[tilespmem:s8], [sflag:$0x6] =	stream.linear.gather [hbm4b:s28+s5], $0x40, $0x38;
	[tilespmem:$0x1E1C0] =	vst v63  }
0xe7: {  	s9 =	simm.s32 $0x1B3C0;
	s3 =	sadd.s32 s1, s26;
	s8 =	smov.u32 s12  }
0xe8: {  	s1 =	simm.s32 $0x1B400  }
0xe9: {  	[tilespmem:s1], [sflag:$0x7] =	stream.linear.gather [hbm4b:s4+s5], $0x40, $0x38;
	[tilespmem:$0x1E1C0] =	vst v63  }
0xea: {  	s12 =	simm.s32 $0x1B440  }
0xeb: {  	[tilespmem:s12], [sflag:$0x8] =	stream.linear.gather [hbm4b:s3+s5], $0x40, $0x38;
	[tilespmem:$0x1E1C0] =	vst v63  }
0xec: {  	_ =	swait.ge [sflag:s19], $0x40  }
0xed: {  	[sflag:s19] =	ssyncset.done $0x0  }
0xee: {  	[sflag:s19] =	ssyncadd.s32 $0xFFFFFFC0  }
0xef: {  	_ =	swait.ge [sflag:s20], $0x40  }
0xf0: {  	[sflag:s20] =	ssyncset.done $0x0  }
0xf1: {  	[sflag:s20] =	ssyncadd.s32 $0xFFFFFFC0  }
0xf2: {  	_ =	swait.ge [sflag:s21], $0x40  }
0xf3: {  	[sflag:s21] =	ssyncset.done $0x0  }
0xf4: {  	[sflag:s21] =	ssyncadd.s32 $0xFFFFFFC0  }
0xf5: {  	_ =	swait.ge [sflag:s22], $0x40  }
0xf6: {  	[sflag:s22] =	ssyncset.done $0x0  }
0xf7: {  	[sflag:s22] =	ssyncadd.s32 $0xFFFFFFC0  }
0xf8: {  	s13 =	simm.s32 $0x1B480;
	s0 =	rddreg [dreg:$0x0]  }
0xf9: {  	[tilespmem:s13], [sflag:$0x3] =	stream.indirect.gather [hbm4b:s0+s11], $0x80, s2, s11, $0xb8;
	[tilespmem:$0x1E1C0] =	vst v63  }
0xfa: {  	s7 =	simm.s32 $0x1D480;
	s14 =	simm.s32 $0x1  }
0xfb: {  	[tilespmem:s7], [sflag:$0x4] =	stream.indirect.gather [hbm4b:s6+s11], $0x10, s1, s11, $0xb8;
	[tilespmem:$0x1E1C0] =	vst v63  }
0xfc: {  	_ =	swait.ge [sflag:s14], $0x2000  }
0xfd: {  	[sflag:s14] =	ssyncset.done $0x0  }
0xfe: {  	s18 =	simm.s32 $0x2;
	[sflag:s14] =	ssyncadd.s32 $0xFFFFE000  }
0xff: {  	_ =	swait.ge [sflag:s18], $0x400  }
0x100: {  	[sflag:s18] =	ssyncset.done $0x0  }
0x101: {  	[sflag:s18] =	ssyncadd.s32 $0xFFFFFC00  }
0x102: {  	s1 =	rddreg [dreg:$0x2]  }
0x103: {  	[spmem:s1] =	stream.indirect.scatter.add.f32 [tilespmem:s23], [sflag:$0xA], $0x80, s15, s11, $0xb8;
	[tilespmem:$0x1E1C0] =	vst v63  }
0x104: {  	_ =	swait.ge [sflag:s31], $0x2000  }
0x105: {  	[sflag:s31] =	ssyncset.done $0x0  }
0x106: {  	[sflag:s31] =	ssyncadd.s32 $0xFFFFE000  }
0x107: {  	s23 =	rddreg [dreg:$0x3]  }
0x108: {  	[spmem:s23] =	stream.indirect.scatter.add.f32 [tilespmem:s24], [sflag:$0xA], $0x10, s17, s11, $0xb8;
	[tilespmem:$0x1E1C0] =	vst v63  }
0x109: {  	_ =	swait.ge [sflag:s31], $0x400  }
0x10a: {  	[sflag:s31] =	ssyncset.done $0x0  }
0x10b: {  	s10 =	simm.s32 $0x3;
	[sflag:s31] =	ssyncadd.s32 $0xFFFFFC00  }
0x10c: {  	_ =	swait.ge [sflag:s10], $0x2000  }
0x10d: {  	[sflag:s10] =	ssyncset.done $0x0  }
0x10e: {  	s24 =	simm.s32 $0x4;
	[sflag:s10] =	ssyncadd.s32 $0xFFFFE000  }
0x10f: {  	_ =	swait.ge [sflag:s24], $0x400  }
0x110: {  	[sflag:s24] =	ssyncset.done $0x0  }
0x111: {  	[sflag:s24] =	ssyncadd.s32 $0xFFFFFC00  }
0x112: {  	[spmem:s1] =	stream.indirect.scatter.add.f32 [tilespmem:s13], [sflag:$0xA], $0x80, s9, s11, $0xb8;
	[tilespmem:$0x1E1C0] =	vst v63  }
0x113: {  	_ =	swait.ge [sflag:s31], $0x2000  }
0x114: {  	[sflag:s31] =	ssyncset.done $0x0  }
0x115: {  	[sflag:s31] =	ssyncadd.s32 $0xFFFFE000  }
0x116: {  	[spmem:s23] =	stream.indirect.scatter.add.f32 [tilespmem:s7], [sflag:$0xA], $0x10, s12, s11, $0xb8;
	[tilespmem:$0x1E1C0] =	vst v63  }
0x117: {  	_ =	swait.ge [sflag:s31], $0x400  }
0x118: {  	[sflag:s31] =	ssyncset.done $0x0  }
0x119: {  	s26 =	simm.s32 $0x1D880;
	s25 =	rddreg [dreg:$0x19];
	[sflag:s31] =	ssyncadd.s32 $0xFFFFFC00  }
0x11a: {  	[tilespmem:s26], [sflag:$0xA] =	stream.linear.gather [hbm4b:s25+s5], $0x10, $0x38;
	[tilespmem:$0x1E1C0] =	vst v63  }
0x11b: {  	_ =	swait.ge [sflag:s31], $0x10  }
0x11c: {  	[sflag:s31] =	ssyncset.done $0x0  }
0x11d: {  	s30 =	simm.s32 $0x1D890;
	s28 =	rddreg [dreg:$0x10];
	[sflag:s31] =	ssyncadd.s32 $0xFFFFFFF0  }
0x11e: {  	[tilespmem:s30], [sflag:$0xA] =	stream.linear.gather [hbm4b:s28+s5], $0x10, $0x38;
	[tilespmem:$0x1E1C0] =	vst v63  }
0x11f: {  	_ =	swait.ge [sflag:s31], $0x10  }
0x120: {  	[sflag:s31] =	ssyncset.done $0x0  }
0x121: {  	s10 =	simm.s32 $0x1D8A0;
	s9 =	rddreg [dreg:$0xf];
	[sflag:s31] =	ssyncadd.s32 $0xFFFFFFF0  }
0x122: {  	[tilespmem:s10], [sflag:$0xA] =	stream.linear.gather [hbm4b:s9+s5], $0x10, $0x38;
	[tilespmem:$0x1E1C0] =	vst v63  }
0x123: {  	_ =	swait.ge [sflag:s31], $0x10  }
0x124: {  	[sflag:s31] =	ssyncset.done $0x0  }
0x125: {  	s14 =	simm.s32 $0x1D8B0;
	s13 =	rddreg [dreg:$0x1a];
	[sflag:s31] =	ssyncadd.s32 $0xFFFFFFF0  }
0x126: {  	[tilespmem:s14], [sflag:$0xA] =	stream.linear.gather [hbm4b:s13+s5], $0x10, $0x38;
	[tilespmem:$0x1E1C0] =	vst v63  }
0x127: {  	_ =	swait.ge [sflag:s31], $0x10  }
0x128: {  	s15 =	simm.s32 $0x10;
	[sflag:s31] =	ssyncset.done $0x0  }
0x129: {  	s17 =	simm.s32 $0x9;
	s12 =	simm.s32 $0x1D8C0;
	[sflag:s31] =	ssyncadd.s32 $0xFFFFFFF0  }
0x12a: {  	[tilespmem:s12], [sflag:$0x9] =	stream.indirect.gather [hbm4b:s0+s15], $0x80, s26, s15, $0xb8;
	[tilespmem:$0x1E1C0] =	vst v63  }
0x12b: {  	_ =	swait.ge [sflag:s17], $0x800  }
0x12c: {  	[sflag:s17] =	ssyncset.done $0x0  }
0x12d: {  	[sflag:s17] =	ssyncadd.s32 $0xFFFFF800  }
0x12e: {  	[spmem:s1] =	stream.indirect.scatter.add.f32 [tilespmem:s12], [sflag:$0xA], $0x80, s30, s15, $0xb8;
	[tilespmem:$0x1E1C0] =	vst v63  }
0x12f: {  	_ =	swait.ge [sflag:s31], $0x800  }
0x130: {  	[sflag:s31] =	ssyncset.done $0x0  }
0x131: {  	s18 =	simm.s32 $0x1E0C0;
	[sflag:s31] =	ssyncadd.s32 $0xFFFFF800  }
0x132: {  	[tilespmem:s18], [sflag:$0x9] =	stream.indirect.gather [hbm4b:s6+s15], $0x10, s10, s15, $0xb8;
	[tilespmem:$0x1E1C0] =	vst v63  }
0x133: {  	_ =	swait.ge [sflag:s17], $0x100  }
0x134: {  	[sflag:s17] =	ssyncset.done $0x0  }
0x135: {  	[sflag:s17] =	ssyncadd.s32 $0xFFFFFF00  }
0x136: {  	[spmem:s23] =	stream.indirect.scatter.add.f32 [tilespmem:s18], [sflag:$0xA], $0x10, s14, s15, $0xb8;
	[tilespmem:$0x1E1C0] =	vst v63  }
0x137: {  	_ =	swait.ge [sflag:s31], $0x100  }
0x138: {  	[sflag:s31] =	ssyncset.done $0x0  }
0x139: {  	[sflag:s31] =	ssyncadd.s32 $0xFFFFFF00  }
0x13a: {  	[bflag:$0x0] =	sbarrier.arrive $0xFFFF  }
0x13b: {  	s24 =	sld [smem:$0x7FC]  }
0x13c: {  	s7 =	rddreg [dreg:$0x13]  }
0x13d: {  	s23 =	rddreg [dreg:$0x1b]  }
0x13e: {  	[hbm:s23], [sflag:s7] =	dma.local [spmem:s24], $0x2800  }
0x13f: {  	_ =	swait.ge [sflag:s31], $0x2800  }
0x140: {  	s26 =	sld [smem:$0x7FD]  }
0x141: {  	[sflag:s31] =	ssyncset.done $0x0  }
0x142: {  	s25 =	rddreg [dreg:$0x1c];
	[sflag:s31] =	ssyncadd.s32 $0xFFFFD800  }
0x143: {  	[hbm:s25], [sflag:s7] =	dma.local [spmem:s26], $0x9D0  }
0x144: {  	_ =	swait.ge [sflag:s31], $0x9D0  }
0x145: {  	s28 =	rddreg [dreg:$0x1f]  }
0x146: {  	s30 =	rddreg [dreg:$0x1d];
	s1 =	sadd.s32 $0x1, s28  }
0x147: {  	p0 =	sne.s32 s1, s30  }
.Ltmp1:
0x148: {  	_ = 	snop;
	(pc) =	sbr.rel @p0 .LBB2_1-.Ltmp1, $3  }
0x149: {  	_ =	sdelay $0x1  }
0x14a: {  	[sflag:s31] =	ssyncset.done $0x0  }
0x14b: {  	s12 =	simm.s32 $0x18E80;
	s9 =	rddreg [dreg:$0x9];
	[sflag:s31] =	ssyncadd.s32 $0xFFFFF630  }
0x14c: {  	_ =	sfence.sel $0x180000  }
0x14d: {  	[bflag:$0x0] =	sbarrier.arrive $0xFFFF  }
0x14e: {  	_ =	strace $0x9000004D  }
0x14f: {  	s0 =	stileid.u32;
	[bflag:$0x2] =	sbarrier.arrive $0xFFFF  }
0x150: {  	p0 =	sne.s32 s0, $0x0;
	s0 =	rddreg [dreg:$0x4]  }
0x151: {  	s0 =	sadd.s32 @!p0 $0x100000, s0  }
0x152: {  	[sflag:s0] =	ssyncadd.tile.s32 @!p0 $0x1;
	_ =	shalt  }
.Lfunc_end2:
_tile_overlayer_lowered:
.L_overlay_start_2:
0x153: {  	(tag) =	ssettag $0x2  }
0x154: {  	s0 =	rddreg [dreg:$0x0];
	s2 =	stileid.u32  }
0x155: {  	s1 =	rddreg [dreg:$0x1];
	p0 =	sne.s32 s2, $0x0  }
0x156: {  	s3 =	rddreg [dreg:$0x2];
	[bflag:$0x3] =	sbarrier.arrive $0xFFFF;
	s2 =	simm.s32 @!p0 $0x1C0A  }
0x157: {  	[timem:s3], [sflag:s2] =	dma.local @!p0 [hbm:s0], s1  }
0x158: {  	s0 =	simm.s32 @!p0 $0xA  }
0x159: {  	_ =	swait.ge @!p0 [sflag:s0], s1  }
0x15a: {  	s1 =	ssub.s32 @!p0 $0x0, s1;
	[sflag:s0] =	ssyncset.done @!p0 $0x0  }
0x15b: {  	[sflag:s0] =	ssyncadd.s32 @!p0 s1  }
0x15c: {  	[bflag:$0x3] =	sbarrier.arrive $0xFFFF  }
0x15d: {  	_ =	shalt  }

</sc_bundles>
